<compile_context>
chip_gen: v7x
topology: tpu7x:2x2x1
jax: 0.10.2.dev20260603
libtpu: 0.0.44.dev20260713+nightly
codegen_flags: <defaults>
</compile_context>

<pallas_src>
import functools

import jax
import jax.numpy as jnp
from jax import lax
from jax.experimental import pallas as pl
from jax.experimental.pallas import tpu as pltpu
from jax.experimental.pallas import tpu_sc as plsc

_VOCAB = 100000
_DIM = 64
_CTX = 50
_HID = 128
_BLK = 16384

_NC = 2
_NW = 32
_SC_ROWS = 24576
_TC_ROWS = _VOCAB - _SC_ROWS
_RPW = _SC_ROWS // _NW
_CH = 256
_NCH = _RPW // _CH
_GRP = _CH // 16


def _h_body(idx_ref, emb_ref, w1_ref, b1_ref, h_ref, e_ref, sem):
    for c in range(_CTX):
        pltpu.make_async_copy(
            emb_ref.at[pl.ds(idx_ref[c], 1), :],
            e_ref.at[pl.ds(c, 1), :],
            sem,
        ).start()
    for c in range(_CTX):
        pltpu.make_async_copy(
            emb_ref.at[pl.ds(idx_ref[c], 1), :],
            e_ref.at[pl.ds(c, 1), :],
            sem,
        ).wait()
    h = b1_ref[...]
    for c in range(_CTX):
        h = h + lax.dot_general(
            e_ref[pl.ds(c, 1), :], w1_ref[:, c * _DIM:(c + 1) * _DIM],
            dimension_numbers=(((1,), (1,)), ((), ())),
            preferred_element_type=jnp.float32,
        )
    h_ref[...] = jnp.maximum(h, 0.0)


def _stage1(inputs, emb_table, W1, b1):
    return pl.pallas_call(
        _h_body,
        grid_spec=pltpu.PrefetchScalarGridSpec(
            num_scalar_prefetch=1,
            grid=(1,),
            in_specs=[
                pl.BlockSpec(memory_space=pltpu.MemorySpace.HBM),
                pl.BlockSpec((_HID, _CTX * _DIM), lambda i, idx: (0, 0)),
                pl.BlockSpec((1, _HID), lambda i, idx: (0, 0)),
            ],
            out_specs=pl.BlockSpec((1, _HID), lambda i, idx: (0, 0)),
            scratch_shapes=[
                pltpu.VMEM((_CTX, _DIM), jnp.float32),
                pltpu.SemaphoreType.DMA,
            ],
        ),
        out_shape=jax.ShapeDtypeStruct((1, _HID), jnp.float32),
    )(inputs, emb_table, W1, b1.reshape(1, _HID))


def _head_body(h_ref, w2_ref, b2_ref, out_ref):
    out_ref[...] = lax.dot_general(
        h_ref[...], w2_ref[...],
        dimension_numbers=(((1,), (1,)), ((), ())),
        preferred_element_type=jnp.float32,
    ) + b2_ref[...]


def _stage2_tc(h, W2, b2):
    return pl.pallas_call(
        _head_body,
        grid=(pl.cdiv(_TC_ROWS, _BLK),),
        in_specs=[
            pl.BlockSpec((1, _HID), lambda i: (0, 0)),
            pl.BlockSpec((_BLK, _HID), lambda i: (i, 0)),
            pl.BlockSpec((1, _BLK), lambda i: (0, i)),
        ],
        out_specs=pl.BlockSpec((1, _BLK), lambda i: (0, i)),
        out_shape=jax.ShapeDtypeStruct((1, _TC_ROWS), jnp.float32),
    )(h, W2, b2.reshape(1, _VOCAB))


def _sc_tail_body(w2_hbm, b2_hbm, h_hbm, out_hbm,
                  h_v, b2_v, w2_a, w2_b, out_v, sem_a, sem_b):
    wid = lax.axis_index("s") * _NC + lax.axis_index("c")
    base = _TC_ROWS + wid * _RPW
    pltpu.sync_copy(h_hbm, h_v)
    pltpu.sync_copy(b2_hbm.at[pl.ds(base, _RPW)], b2_v)

    lane = lax.iota(jnp.int32, 16)

    def w2_copy(ic, buf, sem):
        return pltpu.make_async_copy(
            w2_hbm.at[pl.ds(base + ic * _CH, _CH), :], buf, sem)

    w2_copy(0, w2_a, sem_a).start()
    for ic in range(_NCH):
        cur = w2_a if ic % 2 == 0 else w2_b
        csem = sem_a if ic % 2 == 0 else sem_b
        if ic + 1 < _NCH:
            nxt = w2_b if ic % 2 == 0 else w2_a
            nsem = sem_b if ic % 2 == 0 else sem_a
            w2_copy(ic + 1, nxt, nsem).start()
        w2_copy(ic, cur, csem).wait()

        h_chunks = [h_v[pl.ds(16 * j, 16)] for j in range(_HID // 16)]

        def group(g, carry):
            r0 = g * 16
            sums = b2_v[pl.ds(ic * _CH + r0, 16)]
            for i in range(16):
                ps = [cur[r0 + i, pl.ds(16 * j, 16)] * h_chunks[j]
                      for j in range(_HID // 16)]
                acc = ((ps[0] + ps[1]) + (ps[2] + ps[3])) + (
                    (ps[4] + ps[5]) + (ps[6] + ps[7]))
                sums = jnp.where(lane == i, sums + jnp.sum(acc), sums)
            out_v[pl.ds(ic * _CH + r0, 16)] = sums
            return carry

        lax.fori_loop(0, _GRP, group, 0)
    pltpu.sync_copy(out_v, out_hbm.at[pl.ds(wid * _RPW, _RPW)])


@functools.cache
def _make_sc_tail():
    mesh = plsc.VectorSubcoreMesh(core_axis_name="c", subcore_axis_name="s")
    return functools.partial(
        pl.kernel,
        mesh=mesh,
        compiler_params=pltpu.CompilerParams(needs_layout_passes=False),
        out_type=jax.ShapeDtypeStruct((_SC_ROWS,), jnp.float32),
        scratch_types=[
            pltpu.VMEM((_HID,), jnp.float32),
            pltpu.VMEM((_RPW,), jnp.float32),
            pltpu.VMEM((_CH, _HID), jnp.float32),
            pltpu.VMEM((_CH, _HID), jnp.float32),
            pltpu.VMEM((_RPW,), jnp.float32),
            pltpu.SemaphoreType.DMA,
            pltpu.SemaphoreType.DMA,
        ],
    )(_sc_tail_body)


def kernel(inputs, emb_table, W1, b1, W2, b2):
    h = _stage1(inputs, emb_table, W1, b1)
    out_sc = _make_sc_tail()(W2, b2, h.reshape(_HID))
    out_tc = _stage2_tc(h, W2, b2)
    return jnp.concatenate([out_tc, out_sc.reshape(1, _SC_ROWS)], axis=1)

# --- scband reference (transcript-rebuilt; emitter-appended) ---
"""Pipeline reference for scband-cbow-2594160247622 (READ-ONLY COPY).

The authoritative reference and input builder live on the scoring server;
editing this copy changes nothing except your own understanding.
"""

import jax, jax.numpy as jnp
import numpy as np

VOCAB = 100000
EMBED_DIM = 64
CONTEXT = 50
HIDDEN = 128

def setup_inputs(seed: int = 0) -> dict:
    key = jax.random.key(seed)
    k_idx, k_emb, k_w1, k_b1, k_w2, k_b2 = jax.random.split(key, 6)
    inputs = jax.random.randint(k_idx, (CONTEXT,), 0, VOCAB, dtype=jnp.int64 if jax.config.jax_enable_x64 else jnp.int32).astype(jnp.int32)
    emb_table = jax.random.normal(k_emb, (VOCAB, EMBED_DIM), dtype=jnp.float32)
    # torch Linear init scale ~ 1/sqrt(fan_in); use normal for reference
    W1 = jax.random.normal(k_w1, (HIDDEN, CONTEXT * EMBED_DIM), dtype=jnp.float32) * (1.0 / np.sqrt(CONTEXT * EMBED_DIM))
    b1 = jax.random.normal(k_b1, (HIDDEN,), dtype=jnp.float32) * 0.01
    W2 = jax.random.normal(k_w2, (VOCAB, HIDDEN), dtype=jnp.float32) * (1.0 / np.sqrt(HIDDEN))
    b2 = jax.random.normal(k_b2, (VOCAB,), dtype=jnp.float32) * 0.01
    return {"inputs": inputs, "emb_table": emb_table, "W1": W1, "b1": b1, "W2": W2, "b2": b2}

def reference(inputs, emb_table, W1, b1, W2, b2):
    # embedding lookup (SparseCore gather)
    embeds = jnp.take(emb_table, inputs, axis=0).reshape((1, -1))  # [1, CONTEXT*EMBED_DIM]
    out = jax.nn.relu(embeds @ W1.T + b1)  # [1, HIDDEN]
    out = out @ W2.T + b2  # [1, VOCAB]
    return out

if __name__ == "__main__":
    import jax
    _d = setup_inputs()
    print(jax.jit(kernel)(*tuple(_d.values())))

</pallas_src>

<mosaic_0001>
#map = affine_map<(d0, d1) -> (0, 0)>
#map1 = affine_map<(d0, d1) -> (0)>
module attributes {stable_mosaic.version = 14 : i64} {
  func.func @_sc_tail_body(%arg0: i32, %arg1: i32, %arg2: memref<100000x128xf32, #tpu.memory_space<hbm>>, %arg3: memref<100000xf32, #tpu.memory_space<hbm>>, %arg4: memref<128xf32, #tpu.memory_space<hbm>>, %arg5: memref<24576xf32, #tpu.memory_space<hbm>>, %arg6: memref<128xf32, #tpu.memory_space<vmem>>, %arg7: memref<768xf32, #tpu.memory_space<vmem>>, %arg8: memref<256x128xf32, #tpu.memory_space<vmem>>, %arg9: memref<256x128xf32, #tpu.memory_space<vmem>>, %arg10: memref<768xf32, #tpu.memory_space<vmem>>, %arg11: memref<!tpu.dma_semaphore, #tpu.memory_space<semaphore_mem>>, %arg12: memref<!tpu.dma_semaphore, #tpu.memory_space<semaphore_mem>>) attributes {dimension_semantics = [#tpu.dimension_semantics<core_parallel>, #tpu.dimension_semantics<subcore_parallel>], iteration_bounds = array<i64: 2, 16>, scalar_prefetch = 0 : i64, scratch_operands = 7 : i64, tpu.core_type = #tpu.core_type<sc_vector_subcore>, window_params = [{transform_indices = #map}, {transform_indices = #map1}, {transform_indices = #map1}, {transform_indices = #map1}]} {
    %mul3A = arith.constant 2 : i32
    %mul3A_0 = arith.muli %arg1, %mul3A : i32
    %add3A = arith.addi %mul3A_0, %arg0 : i32
    %mul3A_1 = arith.constant 768 : i32
    %mul3A_2 = arith.muli %add3A, %mul3A_1 : i32
    %add3A_3 = arith.constant 75424 : i32
    %add3A_4 = arith.addi %add3A_3, %mul3A_2 : i32
    "tpu.region"() ({
      %run_scoped3A = tpu.sem_alloc : memref<!tpu.dma_semaphore, #tpu.memory_space<semaphore_mem>>
      tpu.enqueue_dma source(%arg4 : memref<128xf32, #tpu.memory_space<hbm>>) target(%arg6 : memref<128xf32, #tpu.memory_space<vmem>>) target_semaphore(%run_scoped3A : memref<!tpu.dma_semaphore, #tpu.memory_space<semaphore_mem>>)
      tpu.wait_dma2 semaphore(%run_scoped3A : memref<!tpu.dma_semaphore, #tpu.memory_space<semaphore_mem>>) src(%arg4 : memref<128xf32, #tpu.memory_space<hbm>>) dst(%arg6 : memref<128xf32, #tpu.memory_space<vmem>>)
      tpu.yield
    }) : () -> ()
    "tpu.region"() ({
      %run_scoped3A = tpu.sem_alloc : memref<!tpu.dma_semaphore, #tpu.memory_space<semaphore_mem>>
      %dma_start3A_105 = tpu.memref_slice %arg3[%add3A_4] : memref<100000xf32, #tpu.memory_space<hbm>> -> memref<768xf32, #tpu.memory_space<hbm>>
      %dma_start3A_106 = tpu.memref_slice %arg3[%add3A_4] : memref<100000xf32, #tpu.memory_space<hbm>> -> memref<768xf32, #tpu.memory_space<hbm>>
      tpu.enqueue_dma source(%dma_start3A_106 : memref<768xf32, #tpu.memory_space<hbm>>) target(%arg7 : memref<768xf32, #tpu.memory_space<vmem>>) target_semaphore(%run_scoped3A : memref<!tpu.dma_semaphore, #tpu.memory_space<semaphore_mem>>)
      %dma_wait3A_107 = tpu.memref_slice %arg3[%add3A_4] : memref<100000xf32, #tpu.memory_space<hbm>> -> memref<768xf32, #tpu.memory_space<hbm>>
      %dma_wait3A_108 = tpu.memref_slice %arg3[%add3A_4] : memref<100000xf32, #tpu.memory_space<hbm>> -> memref<768xf32, #tpu.memory_space<hbm>>
      tpu.wait_dma2 semaphore(%run_scoped3A : memref<!tpu.dma_semaphore, #tpu.memory_space<semaphore_mem>>) src(%dma_wait3A_108 : memref<768xf32, #tpu.memory_space<hbm>>) dst(%arg7 : memref<768xf32, #tpu.memory_space<vmem>>)
      tpu.yield
    }) : () -> ()
    %iota3A = tpu.iota {dimensions = array<i32: 0>} : vector<16xi32>
    %add3A_5 = arith.constant 0 : i32
    %add3A_6 = arith.addi %add3A_4, %add3A_5 : i32
    %dma_start3A = arith.constant 0 : i32
    %dma_start3A_7 = tpu.memref_slice %arg2[%add3A_6, %dma_start3A] : memref<100000x128xf32, #tpu.memory_space<hbm>> -> memref<256x128xf32, #tpu.memory_space<hbm>>
    %dma_start3A_8 = arith.constant 0 : i32
    %dma_start3A_9 = tpu.memref_slice %arg2[%add3A_6, %dma_start3A_8] : memref<100000x128xf32, #tpu.memory_space<hbm>> -> memref<256x128xf32, #tpu.memory_space<hbm>>
    tpu.enqueue_dma source(%dma_start3A_9 : memref<256x128xf32, #tpu.memory_space<hbm>>) target(%arg8 : memref<256x128xf32, #tpu.memory_space<vmem>>) target_semaphore(%arg11 : memref<!tpu.dma_semaphore, #tpu.memory_space<semaphore_mem>>)
    %add3A_10 = arith.constant 256 : i32
    %add3A_11 = arith.addi %add3A_4, %add3A_10 : i32
    %dma_start3A_12 = arith.constant 0 : i32
    %dma_start3A_13 = tpu.memref_slice %arg2[%add3A_11, %dma_start3A_12] : memref<100000x128xf32, #tpu.memory_space<hbm>> -> memref<256x128xf32, #tpu.memory_space<hbm>>
    %dma_start3A_14 = arith.constant 0 : i32
    %dma_start3A_15 = tpu.memref_slice %arg2[%add3A_11, %dma_start3A_14] : memref<100000x128xf32, #tpu.memory_space<hbm>> -> memref<256x128xf32, #tpu.memory_space<hbm>>
    tpu.enqueue_dma source(%dma_start3A_15 : memref<256x128xf32, #tpu.memory_space<hbm>>) target(%arg9 : memref<256x128xf32, #tpu.memory_space<vmem>>) target_semaphore(%arg12 : memref<!tpu.dma_semaphore, #tpu.memory_space<semaphore_mem>>)
    %add3A_16 = arith.constant 0 : i32
    %add3A_17 = arith.addi %add3A_4, %add3A_16 : i32
    %dma_wait3A = arith.constant 0 : i32
    %dma_wait3A_18 = tpu.memref_slice %arg2[%add3A_17, %dma_wait3A] : memref<100000x128xf32, #tpu.memory_space<hbm>> -> memref<256x128xf32, #tpu.memory_space<hbm>>
    %dma_wait3A_19 = arith.constant 0 : i32
    %dma_wait3A_20 = tpu.memref_slice %arg2[%add3A_17, %dma_wait3A_19] : memref<100000x128xf32, #tpu.memory_space<hbm>> -> memref<256x128xf32, #tpu.memory_space<hbm>>
    tpu.wait_dma2 semaphore(%arg11 : memref<!tpu.dma_semaphore, #tpu.memory_space<semaphore_mem>>) src(%dma_wait3A_20 : memref<256x128xf32, #tpu.memory_space<hbm>>) dst(%arg8 : memref<256x128xf32, #tpu.memory_space<vmem>>)
    %get3A = arith.constant 0 : index
    %get3A_21 = tpu.vector_load %arg6[%get3A] {strides = array<i32>} : memref<128xf32, #tpu.memory_space<vmem>>, vector<16xf32>,
    %get3A_22 = arith.constant 16 : index
    %get3A_23 = tpu.vector_load %arg6[%get3A_22] {strides = array<i32>} : memref<128xf32, #tpu.memory_space<vmem>>, vector<16xf32>,
    %get3A_24 = arith.constant 32 : index
    %get3A_25 = tpu.vector_load %arg6[%get3A_24] {strides = array<i32>} : memref<128xf32, #tpu.memory_space<vmem>>, vector<16xf32>,
    %get3A_26 = arith.constant 48 : index
    %get3A_27 = tpu.vector_load %arg6[%get3A_26] {strides = array<i32>} : memref<128xf32, #tpu.memory_space<vmem>>, vector<16xf32>,
    %get3A_28 = arith.constant 64 : index
    %get3A_29 = tpu.vector_load %arg6[%get3A_28] {strides = array<i32>} : memref<128xf32, #tpu.memory_space<vmem>>, vector<16xf32>,
    %get3A_30 = arith.constant 80 : index
    %get3A_31 = tpu.vector_load %arg6[%get3A_30] {strides = array<i32>} : memref<128xf32, #tpu.memory_space<vmem>>, vector<16xf32>,
    %get3A_32 = arith.constant 96 : index
    %get3A_33 = tpu.vector_load %arg6[%get3A_32] {strides = array<i32>} : memref<128xf32, #tpu.memory_space<vmem>>, vector<16xf32>,
    %get3A_34 = arith.constant 112 : index
    %get3A_35 = tpu.vector_load %arg6[%get3A_34] {strides = array<i32>} : memref<128xf32, #tpu.memory_space<vmem>>, vector<16xf32>,
    %scan3A = arith.constant 0 : i32
    %scan3A_36 = arith.constant 0 : i32
    %scan3A_37 = arith.constant 16 : i32
    %scan3A_38 = arith.addi %scan3A_36, %scan3A_37 : i32
    %scan3A_39 = arith.constant 1 : i32
    scf.for %scan3A_105 = %scan3A_36 to %scan3A_38 step %scan3A_39  : i32 {
      %mul3A_106 = arith.constant 16 : i32
      %mul3A_107 = arith.muli %scan3A_105, %mul3A_106 : i32
      %add3A_108 = arith.constant 0 : i32
      %add3A_109 = arith.addi %add3A_108, %mul3A_107 : i32
      %get3A_110 = arith.index_cast %add3A_109 : i32 to index
      %get3A_111 = tpu.vector_load %arg7[%get3A_110] {strides = array<i32>} : memref<768xf32, #tpu.memory_space<vmem>>, vector<16xf32>,
      %add3A_112 = arith.constant 0 : i32
      %add3A_113 = arith.addi %mul3A_107, %add3A_112 : i32
      %get3A_114 = arith.index_cast %add3A_113 : i32 to index
      %get3A_115 = arith.constant 0 : index
      %get3A_116 = tpu.vector_load %arg8[%get3A_114, %get3A_115] {strides = array<i32>} : memref<256x128xf32, #tpu.memory_space<vmem>>, vector<16xf32>,
      %mul3A_117 = arith.mulf %get3A_116, %get3A_21 : vector<16xf32>
      %add3A_118 = arith.constant 0 : i32
      %add3A_119 = arith.addi %mul3A_107, %add3A_118 : i32
      %get3A_120 = arith.index_cast %add3A_119 : i32 to index
      %get3A_121 = arith.constant 16 : index
      %get3A_122 = tpu.vector_load %arg8[%get3A_120, %get3A_121] {strides = array<i32>} : memref<256x128xf32, #tpu.memory_space<vmem>>, vector<16xf32>,
      %mul3A_123 = arith.mulf %get3A_122, %get3A_23 : vector<16xf32>
      %add3A_124 = arith.constant 0 : i32
      %add3A_125 = arith.addi %mul3A_107, %add3A_124 : i32
      %get3A_126 = arith.index_cast %add3A_125 : i32 to index
      %get3A_127 = arith.constant 32 : index
      %get3A_128 = tpu.vector_load %arg8[%get3A_126, %get3A_127] {strides = array<i32>} : memref<256x128xf32, #tpu.memory_space<vmem>>, vector<16xf32>,
      %mul3A_129 = arith.mulf %get3A_128, %get3A_25 : vector<16xf32>
      %add3A_130 = arith.constant 0 : i32
      %add3A_131 = arith.addi %mul3A_107, %add3A_130 : i32
      %get3A_132 = arith.index_cast %add3A_131 : i32 to index
      %get3A_133 = arith.constant 48 : index
      %get3A_134 = tpu.vector_load %arg8[%get3A_132, %get3A_133] {strides = array<i32>} : memref<256x128xf32, #tpu.memory_space<vmem>>, vector<16xf32>,
      %mul3A_135 = arith.mulf %get3A_134, %get3A_27 : vector<16xf32>
      %add3A_136 = arith.constant 0 : i32
      %add3A_137 = arith.addi %mul3A_107, %add3A_136 : i32
      %get3A_138 = arith.index_cast %add3A_137 : i32 to index
      %get3A_139 = arith.constant 64 : index
      %get3A_140 = tpu.vector_load %arg8[%get3A_138, %get3A_139] {strides = array<i32>} : memref<256x128xf32, #tpu.memory_space<vmem>>, vector<16xf32>,
      %mul3A_141 = arith.mulf %get3A_140, %get3A_29 : vector<16xf32>
      %add3A_142 = arith.constant 0 : i32
      %add3A_143 = arith.addi %mul3A_107, %add3A_142 : i32
      %get3A_144 = arith.index_cast %add3A_143 : i32 to index
      %get3A_145 = arith.constant 80 : index
      %get3A_146 = tpu.vector_load %arg8[%get3A_144, %get3A_145] {strides = array<i32>} : memref<256x128xf32, #tpu.memory_space<vmem>>, vector<16xf32>,
      %mul3A_147 = arith.mulf %get3A_146, %get3A_31 : vector<16xf32>
      %add3A_148 = arith.constant 0 : i32
      %add3A_149 = arith.addi %mul3A_107, %add3A_148 : i32
      %get3A_150 = arith.index_cast %add3A_149 : i32 to index
      %get3A_151 = arith.constant 96 : index
      %get3A_152 = tpu.vector_load %arg8[%get3A_150, %get3A_151] {strides = array<i32>} : memref<256x128xf32, #tpu.memory_space<vmem>>, vector<16xf32>,
      %mul3A_153 = arith.mulf %get3A_152, %get3A_33 : vector<16xf32>
      %add3A_154 = arith.constant 0 : i32
      %add3A_155 = arith.addi %mul3A_107, %add3A_154 : i32
      %get3A_156 = arith.index_cast %add3A_155 : i32 to index
      %get3A_157 = arith.constant 112 : index
      %get3A_158 = tpu.vector_load %arg8[%get3A_156, %get3A_157] {strides = array<i32>} : memref<256x128xf32, #tpu.memory_space<vmem>>, vector<16xf32>,
      %mul3A_159 = arith.mulf %get3A_158, %get3A_35 : vector<16xf32>
      %add3A_160 = arith.addf %mul3A_117, %mul3A_123 : vector<16xf32>
      %add3A_161 = arith.addf %mul3A_129, %mul3A_135 : vector<16xf32>
      %add3A_162 = arith.addf %add3A_160, %add3A_161 : vector<16xf32>
      %add3A_163 = arith.addf %mul3A_141, %mul3A_147 : vector<16xf32>
      %add3A_164 = arith.addf %mul3A_153, %mul3A_159 : vector<16xf32>
      %add3A_165 = arith.addf %add3A_163, %add3A_164 : vector<16xf32>
      %add3A_166 = arith.addf %add3A_162, %add3A_165 : vector<16xf32>
      %eq3A = arith.constant 0 : i32
      %eq3A_167 = vector.broadcast %eq3A : i32 to vector<16xi32>
      %eq3A_168 = arith.cmpi eq, %iota3A, %eq3A_167 : vector<16xi32>
      %reduce_sum3A = arith.constant true
      %reduce_sum3A_169 = vector.broadcast %reduce_sum3A : i1 to vector<16xi1>
      %reduce_sum3A_170 = tpu.scan <sum>, %add3A_166 masked %reduce_sum3A_169 : vector<16xf32>, vector<16xi1> -> vector<16xf32>
      %reduce_sum3A_171 = vector.extract %reduce_sum3A_170[15] : f32 from vector<16xf32>
      %add3A_172 = vector.broadcast %reduce_sum3A_171 : f32 to vector<16xf32>
      %add3A_173 = arith.addf %get3A_111, %add3A_172 : vector<16xf32>
      %select_n3A = arith.select %eq3A_168, %add3A_173, %get3A_111 : vector<16xi1>, vector<16xf32>
      %add3A_174 = arith.constant 1 : i32
      %add3A_175 = arith.addi %mul3A_107, %add3A_174 : i32
      %get3A_176 = arith.index_cast %add3A_175 : i32 to index
      %get3A_177 = arith.constant 0 : index
      %get3A_178 = tpu.vector_load %arg8[%get3A_176, %get3A_177] {strides = array<i32>} : memref<256x128xf32, #tpu.memory_space<vmem>>, vector<16xf32>,
      %mul3A_179 = arith.mulf %get3A_178, %get3A_21 : vector<16xf32>
      %add3A_180 = arith.constant 1 : i32
      %add3A_181 = arith.addi %mul3A_107, %add3A_180 : i32
      %get3A_182 = arith.index_cast %add3A_181 : i32 to index
      %get3A_183 = arith.constant 16 : index
      %get3A_184 = tpu.vector_load %arg8[%get3A_182, %get3A_183] {strides = array<i32>} : memref<256x128xf32, #tpu.memory_space<vmem>>, vector<16xf32>,
      %mul3A_185 = arith.mulf %get3A_184, %get3A_23 : vector<16xf32>
      %add3A_186 = arith.constant 1 : i32
      %add3A_187 = arith.addi %mul3A_107, %add3A_186 : i32
      %get3A_188 = arith.index_cast %add3A_187 : i32 to index
      %get3A_189 = arith.constant 32 : index
      %get3A_190 = tpu.vector_load %arg8[%get3A_188, %get3A_189] {strides = array<i32>} : memref<256x128xf32, #tpu.memory_space<vmem>>, vector<16xf32>,
      %mul3A_191 = arith.mulf %get3A_190, %get3A_25 : vector<16xf32>
      %add3A_192 = arith.constant 1 : i32
      %add3A_193 = arith.addi %mul3A_107, %add3A_192 : i32
      %get3A_194 = arith.index_cast %add3A_193 : i32 to index
      %get3A_195 = arith.constant 48 : index
      %get3A_196 = tpu.vector_load %arg8[%get3A_194, %get3A_195] {strides = array<i32>} : memref<256x128xf32, #tpu.memory_space<vmem>>, vector<16xf32>,
      %mul3A_197 = arith.mulf %get3A_196, %get3A_27 : vector<16xf32>
      %add3A_198 = arith.constant 1 : i32
      %add3A_199 = arith.addi %mul3A_107, %add3A_198 : i32
      %get3A_200 = arith.index_cast %add3A_199 : i32 to index
      %get3A_201 = arith.constant 64 : index
      %get3A_202 = tpu.vector_load %arg8[%get3A_200, %get3A_201] {strides = array<i32>} : memref<256x128xf32, #tpu.memory_space<vmem>>, vector<16xf32>,
      %mul3A_203 = arith.mulf %get3A_202, %get3A_29 : vector<16xf32>
      %add3A_204 = arith.constant 1 : i32
      %add3A_205 = arith.addi %mul3A_107, %add3A_204 : i32
      %get3A_206 = arith.index_cast %add3A_205 : i32 to index
      %get3A_207 = arith.constant 80 : index
      %get3A_208 = tpu.vector_load %arg8[%get3A_206, %get3A_207] {strides = array<i32>} : memref<256x128xf32, #tpu.memory_space<vmem>>, vector<16xf32>,
      %mul3A_209 = arith.mulf %get3A_208, %get3A_31 : vector<16xf32>
      %add3A_210 = arith.constant 1 : i32
      %add3A_211 = arith.addi %mul3A_107, %add3A_210 : i32
      %get3A_212 = arith.index_cast %add3A_211 : i32 to index
      %get3A_213 = arith.constant 96 : index
      %get3A_214 = tpu.vector_load %arg8[%get3A_212, %get3A_213] {strides = array<i32>} : memref<256x128xf32, #tpu.memory_space<vmem>>, vector<16xf32>,
      %mul3A_215 = arith.mulf %get3A_214, %get3A_33 : vector<16xf32>
      %add3A_216 = arith.constant 1 : i32
      %add3A_217 = arith.addi %mul3A_107, %add3A_216 : i32
      %get3A_218 = arith.index_cast %add3A_217 : i32 to index
      %get3A_219 = arith.constant 112 : index
      %get3A_220 = tpu.vector_load %arg8[%get3A_218, %get3A_219] {strides = array<i32>} : memref<256x128xf32, #tpu.memory_space<vmem>>, vector<16xf32>,
      %mul3A_221 = arith.mulf %get3A_220, %get3A_35 : vector<16xf32>
      %add3A_222 = arith.addf %mul3A_179, %mul3A_185 : vector<16xf32>
      %add3A_223 = arith.addf %mul3A_191, %mul3A_197 : vector<16xf32>
      %add3A_224 = arith.addf %add3A_222, %add3A_223 : vector<16xf32>
      %add3A_225 = arith.addf %mul3A_203, %mul3A_209 : vector<16xf32>
      %add3A_226 = arith.addf %mul3A_215, %mul3A_221 : vector<16xf32>
      %add3A_227 = arith.addf %add3A_225, %add3A_226 : vector<16xf32>
      %add3A_228 = arith.addf %add3A_224, %add3A_227 : vector<16xf32>
      %eq3A_229 = arith.constant 1 : i32
      %eq3A_230 = vector.broadcast %eq3A_229 : i32 to vector<16xi32>
      %eq3A_231 = arith.cmpi eq, %iota3A, %eq3A_230 : vector<16xi32>
      %reduce_sum3A_232 = arith.constant true
      %reduce_sum3A_233 = vector.broadcast %reduce_sum3A_232 : i1 to vector<16xi1>
      %reduce_sum3A_234 = tpu.scan <sum>, %add3A_228 masked %reduce_sum3A_233 : vector<16xf32>, vector<16xi1> -> vector<16xf32>
      %reduce_sum3A_235 = vector.extract %reduce_sum3A_234[15] : f32 from vector<16xf32>
      %add3A_236 = vector.broadcast %reduce_sum3A_235 : f32 to vector<16xf32>
      %add3A_237 = arith.addf %select_n3A, %add3A_236 : vector<16xf32>
      %select_n3A_238 = arith.select %eq3A_231, %add3A_237, %select_n3A : vector<16xi1>, vector<16xf32>
      %add3A_239 = arith.constant 2 : i32
      %add3A_240 = arith.addi %mul3A_107, %add3A_239 : i32
      %get3A_241 = arith.index_cast %add3A_240 : i32 to index
      %get3A_242 = arith.constant 0 : index
      %get3A_243 = tpu.vector_load %arg8[%get3A_241, %get3A_242] {strides = array<i32>} : memref<256x128xf32, #tpu.memory_space<vmem>>, vector<16xf32>,
      %mul3A_244 = arith.mulf %get3A_243, %get3A_21 : vector<16xf32>
      %add3A_245 = arith.constant 2 : i32
      %add3A_246 = arith.addi %mul3A_107, %add3A_245 : i32
      %get3A_247 = arith.index_cast %add3A_246 : i32 to index
      %get3A_248 = arith.constant 16 : index
      %get3A_249 = tpu.vector_load %arg8[%get3A_247, %get3A_248] {strides = array<i32>} : memref<256x128xf32, #tpu.memory_space<vmem>>, vector<16xf32>,
      %mul3A_250 = arith.mulf %get3A_249, %get3A_23 : vector<16xf32>
      %add3A_251 = arith.constant 2 : i32
      %add3A_252 = arith.addi %mul3A_107, %add3A_251 : i32
      %get3A_253 = arith.index_cast %add3A_252 : i32 to index
      %get3A_254 = arith.constant 32 : index
      %get3A_255 = tpu.vector_load %arg8[%get3A_253, %get3A_254] {strides = array<i32>} : memref<256x128xf32, #tpu.memory_space<vmem>>, vector<16xf32>,
      %mul3A_256 = arith.mulf %get3A_255, %get3A_25 : vector<16xf32>
      %add3A_257 = arith.constant 2 : i32
      %add3A_258 = arith.addi %mul3A_107, %add3A_257 : i32
      %get3A_259 = arith.index_cast %add3A_258 : i32 to index
      %get3A_260 = arith.constant 48 : index
      %get3A_261 = tpu.vector_load %arg8[%get3A_259, %get3A_260] {strides = array<i32>} : memref<256x128xf32, #tpu.memory_space<vmem>>, vector<16xf32>,
      %mul3A_262 = arith.mulf %get3A_261, %get3A_27 : vector<16xf32>
      %add3A_263 = arith.constant 2 : i32
      %add3A_264 = arith.addi %mul3A_107, %add3A_263 : i32
      %get3A_265 = arith.index_cast %add3A_264 : i32 to index
      %get3A_266 = arith.constant 64 : index
      %get3A_267 = tpu.vector_load %arg8[%get3A_265, %get3A_266] {strides = array<i32>} : memref<256x128xf32, #tpu.memory_space<vmem>>, vector<16xf32>,
      %mul3A_268 = arith.mulf %get3A_267, %get3A_29 : vector<16xf32>
      %add3A_269 = arith.constant 2 : i32
      %add3A_270 = arith.addi %mul3A_107, %add3A_269 : i32
      %get3A_271 = arith.index_cast %add3A_270 : i32 to index
      %get3A_272 = arith.constant 80 : index
      %get3A_273 = tpu.vector_load %arg8[%get3A_271, %get3A_272] {strides = array<i32>} : memref<256x128xf32, #tpu.memory_space<vmem>>, vector<16xf32>,
      %mul3A_274 = arith.mulf %get3A_273, %get3A_31 : vector<16xf32>
      %add3A_275 = arith.constant 2 : i32
      %add3A_276 = arith.addi %mul3A_107, %add3A_275 : i32
      %get3A_277 = arith.index_cast %add3A_276 : i32 to index
      %get3A_278 = arith.constant 96 : index
      %get3A_279 = tpu.vector_load %arg8[%get3A_277, %get3A_278] {strides = array<i32>} : memref<256x128xf32, #tpu.memory_space<vmem>>, vector<16xf32>,
      %mul3A_280 = arith.mulf %get3A_279, %get3A_33 : vector<16xf32>
      %add3A_281 = arith.constant 2 : i32
      %add3A_282 = arith.addi %mul3A_107, %add3A_281 : i32
      %get3A_283 = arith.index_cast %add3A_282 : i32 to index
      %get3A_284 = arith.constant 112 : index
      %get3A_285 = tpu.vector_load %arg8[%get3A_283, %get3A_284] {strides = array<i32>} : memref<256x128xf32, #tpu.memory_space<vmem>>, vector<16xf32>,
      %mul3A_286 = arith.mulf %get3A_285, %get3A_35 : vector<16xf32>
      %add3A_287 = arith.addf %mul3A_244, %mul3A_250 : vector<16xf32>
      %add3A_288 = arith.addf %mul3A_256, %mul3A_262 : vector<16xf32>
      %add3A_289 = arith.addf %add3A_287, %add3A_288 : vector<16xf32>
      %add3A_290 = arith.addf %mul3A_268, %mul3A_274 : vector<16xf32>
      %add3A_291 = arith.addf %mul3A_280, %mul3A_286 : vector<16xf32>
      %add3A_292 = arith.addf %add3A_290, %add3A_291 : vector<16xf32>
      %add3A_293 = arith.addf %add3A_289, %add3A_292 : vector<16xf32>
      %eq3A_294 = arith.constant 2 : i32
      %eq3A_295 = vector.broadcast %eq3A_294 : i32 to vector<16xi32>
      %eq3A_296 = arith.cmpi eq, %iota3A, %eq3A_295 : vector<16xi32>
      %reduce_sum3A_297 = arith.constant true
      %reduce_sum3A_298 = vector.broadcast %reduce_sum3A_297 : i1 to vector<16xi1>
      %reduce_sum3A_299 = tpu.scan <sum>, %add3A_293 masked %reduce_sum3A_298 : vector<16xf32>, vector<16xi1> -> vector<16xf32>
      %reduce_sum3A_300 = vector.extract %reduce_sum3A_299[15] : f32 from vector<16xf32>
      %add3A_301 = vector.broadcast %reduce_sum3A_300 : f32 to vector<16xf32>
      %add3A_302 = arith.addf %select_n3A_238, %add3A_301 : vector<16xf32>
      %select_n3A_303 = arith.select %eq3A_296, %add3A_302, %select_n3A_238 : vector<16xi1>, vector<16xf32>
      %add3A_304 = arith.constant 3 : i32
      %add3A_305 = arith.addi %mul3A_107, %add3A_304 : i32
      %get3A_306 = arith.index_cast %add3A_305 : i32 to index
      %get3A_307 = arith.constant 0 : index
      %get3A_308 = tpu.vector_load %arg8[%get3A_306, %get3A_307] {strides = array<i32>} : memref<256x128xf32, #tpu.memory_space<vmem>>, vector<16xf32>,
      %mul3A_309 = arith.mulf %get3A_308, %get3A_21 : vector<16xf32>
      %add3A_310 = arith.constant 3 : i32
      %add3A_311 = arith.addi %mul3A_107, %add3A_310 : i32
      %get3A_312 = arith.index_cast %add3A_311 : i32 to index
      %get3A_313 = arith.constant 16 : index
      %get3A_314 = tpu.vector_load %arg8[%get3A_312, %get3A_313] {strides = array<i32>} : memref<256x128xf32, #tpu.memory_space<vmem>>, vector<16xf32>,
      %mul3A_315 = arith.mulf %get3A_314, %get3A_23 : vector<16xf32>
      %add3A_316 = arith.constant 3 : i32
      %add3A_317 = arith.addi %mul3A_107, %add3A_316 : i32
      %get3A_318 = arith.index_cast %add3A_317 : i32 to index
      %get3A_319 = arith.constant 32 : index
      %get3A_320 = tpu.vector_load %arg8[%get3A_318, %get3A_319] {strides = array<i32>} : memref<256x128xf32, #tpu.memory_space<vmem>>, vector<16xf32>,
      %mul3A_321 = arith.mulf %get3A_320, %get3A_25 : vector<16xf32>
      %add3A_322 = arith.constant 3 : i32
      %add3A_323 = arith.addi %mul3A_107, %add3A_322 : i32
      %get3A_324 = arith.index_cast %add3A_323 : i32 to index
      %get3A_325 = arith.constant 48 : index
      %get3A_326 = tpu.vector_load %arg8[%get3A_324, %get3A_325] {strides = array<i32>} : memref<256x128xf32, #tpu.memory_space<vmem>>, vector<16xf32>,
      %mul3A_327 = arith.mulf %get3A_326, %get3A_27 : vector<16xf32>
      %add3A_328 = arith.constant 3 : i32
      %add3A_329 = arith.addi %mul3A_107, %add3A_328 : i32
      %get3A_330 = arith.index_cast %add3A_329 : i32 to index
      %get3A_331 = arith.constant 64 : index
      %get3A_332 = tpu.vector_load %arg8[%get3A_330, %get3A_331] {strides = array<i32>} : memref<256x128xf32, #tpu.memory_space<vmem>>, vector<16xf32>,
      %mul3A_333 = arith.mulf %get3A_332, %get3A_29 : vector<16xf32>
      %add3A_334 = arith.constant 3 : i32
      %add3A_335 = arith.addi %mul3A_107, %add3A_334 : i32
      %get3A_336 = arith.index_cast %add3A_335 : i32 to index
      %get3A_337 = arith.constant 80 : index
      %get3A_338 = tpu.vector_load %arg8[%get3A_336, %get3A_337] {strides = array<i32>} : memref<256x128xf32, #tpu.memory_space<vmem>>, vector<16xf32>,
      %mul3A_339 = arith.mulf %get3A_338, %get3A_31 : vector<16xf32>
      %add3A_340 = arith.constant 3 : i32
      %add3A_341 = arith.addi %mul3A_107, %add3A_340 : i32
      %get3A_342 = arith.index_cast %add3A_341 : i32 to index
      %get3A_343 = arith.constant 96 : index
      %get3A_344 = tpu.vector_load %arg8[%get3A_342, %get3A_343] {strides = array<i32>} : memref<256x128xf32, #tpu.memory_space<vmem>>, vector<16xf32>,
      %mul3A_345 = arith.mulf %get3A_344, %get3A_33 : vector<16xf32>
      %add3A_346 = arith.constant 3 : i32
      %add3A_347 = arith.addi %mul3A_107, %add3A_346 : i32
      %get3A_348 = arith.index_cast %add3A_347 : i32 to index
      %get3A_349 = arith.constant 112 : index
      %get3A_350 = tpu.vector_load %arg8[%get3A_348, %get3A_349] {strides = array<i32>} : memref<256x128xf32, #tpu.memory_space<vmem>>, vector<16xf32>,
      %mul3A_351 = arith.mulf %get3A_350, %get3A_35 : vector<16xf32>
      %add3A_352 = arith.addf %mul3A_309, %mul3A_315 : vector<16xf32>
      %add3A_353 = arith.addf %mul3A_321, %mul3A_327 : vector<16xf32>
      %add3A_354 = arith.addf %add3A_352, %add3A_353 : vector<16xf32>
      %add3A_355 = arith.addf %mul3A_333, %mul3A_339 : vector<16xf32>
      %add3A_356 = arith.addf %mul3A_345, %mul3A_351 : vector<16xf32>
      %add3A_357 = arith.addf %add3A_355, %add3A_356 : vector<16xf32>
      %add3A_358 = arith.addf %add3A_354, %add3A_357 : vector<16xf32>
      %eq3A_359 = arith.constant 3 : i32
      %eq3A_360 = vector.broadcast %eq3A_359 : i32 to vector<16xi32>
      %eq3A_361 = arith.cmpi eq, %iota3A, %eq3A_360 : vector<16xi32>
      %reduce_sum3A_362 = arith.constant true
      %reduce_sum3A_363 = vector.broadcast %reduce_sum3A_362 : i1 to vector<16xi1>
      %reduce_sum3A_364 = tpu.scan <sum>, %add3A_358 masked %reduce_sum3A_363 : vector<16xf32>, vector<16xi1> -> vector<16xf32>
      %reduce_sum3A_365 = vector.extract %reduce_sum3A_364[15] : f32 from vector<16xf32>
      %add3A_366 = vector.broadcast %reduce_sum3A_365 : f32 to vector<16xf32>
      %add3A_367 = arith.addf %select_n3A_303, %add3A_366 : vector<16xf32>
      %select_n3A_368 = arith.select %eq3A_361, %add3A_367, %select_n3A_303 : vector<16xi1>, vector<16xf32>
      %add3A_369 = arith.constant 4 : i32
      %add3A_370 = arith.addi %mul3A_107, %add3A_369 : i32
      %get3A_371 = arith.index_cast %add3A_370 : i32 to index
      %get3A_372 = arith.constant 0 : index
      %get3A_373 = tpu.vector_load %arg8[%get3A_371, %get3A_372] {strides = array<i32>} : memref<256x128xf32, #tpu.memory_space<vmem>>, vector<16xf32>,
      %mul3A_374 = arith.mulf %get3A_373, %get3A_21 : vector<16xf32>
      %add3A_375 = arith.constant 4 : i32
      %add3A_376 = arith.addi %mul3A_107, %add3A_375 : i32
      %get3A_377 = arith.index_cast %add3A_376 : i32 to index
      %get3A_378 = arith.constant 16 : index
      %get3A_379 = tpu.vector_load %arg8[%get3A_377, %get3A_378] {strides = array<i32>} : memref<256x128xf32, #tpu.memory_space<vmem>>, vector<16xf32>,
      %mul3A_380 = arith.mulf %get3A_379, %get3A_23 : vector<16xf32>
      %add3A_381 = arith.constant 4 : i32
      %add3A_382 = arith.addi %mul3A_107, %add3A_381 : i32
      %get3A_383 = arith.index_cast %add3A_382 : i32 to index
      %get3A_384 = arith.constant 32 : index
      %get3A_385 = tpu.vector_load %arg8[%get3A_383, %get3A_384] {strides = array<i32>} : memref<256x128xf32, #tpu.memory_space<vmem>>, vector<16xf32>,
      %mul3A_386 = arith.mulf %get3A_385, %get3A_25 : vector<16xf32>
      %add3A_387 = arith.constant 4 : i32
      %add3A_388 = arith.addi %mul3A_107, %add3A_387 : i32
      %get3A_389 = arith.index_cast %add3A_388 : i32 to index
      %get3A_390 = arith.constant 48 : index
      %get3A_391 = tpu.vector_load %arg8[%get3A_389, %get3A_390] {strides = array<i32>} : memref<256x128xf32, #tpu.memory_space<vmem>>, vector<16xf32>,
      %mul3A_392 = arith.mulf %get3A_391, %get3A_27 : vector<16xf32>
      %add3A_393 = arith.constant 4 : i32
      %add3A_394 = arith.addi %mul3A_107, %add3A_393 : i32
      %get3A_395 = arith.index_cast %add3A_394 : i32 to index
      %get3A_396 = arith.constant 64 : index
      %get3A_397 = tpu.vector_load %arg8[%get3A_395, %get3A_396] {strides = array<i32>} : memref<256x128xf32, #tpu.memory_space<vmem>>, vector<16xf32>,
      %mul3A_398 = arith.mulf %get3A_397, %get3A_29 : vector<16xf32>
      %add3A_399 = arith.constant 4 : i32
      %add3A_400 = arith.addi %mul3A_107, %add3A_399 : i32
      %get3A_401 = arith.index_cast %add3A_400 : i32 to index
      %get3A_402 = arith.constant 80 : index
      %get3A_403 = tpu.vector_load %arg8[%get3A_401, %get3A_402] {strides = array<i32>} : memref<256x128xf32, #tpu.memory_space<vmem>>, vector<16xf32>,
      %mul3A_404 = arith.mulf %get3A_403, %get3A_31 : vector<16xf32>
      %add3A_405 = arith.constant 4 : i32
      %add3A_406 = arith.addi %mul3A_107, %add3A_405 : i32
      %get3A_407 = arith.index_cast %add3A_406 : i32 to index
      %get3A_408 = arith.constant 96 : index
      %get3A_409 = tpu.vector_load %arg8[%get3A_407, %get3A_408] {strides = array<i32>} : memref<256x128xf32, #tpu.memory_space<vmem>>, vector<16xf32>,
      %mul3A_410 = arith.mulf %get3A_409, %get3A_33 : vector<16xf32>
      %add3A_411 = arith.constant 4 : i32
      %add3A_412 = arith.addi %mul3A_107, %add3A_411 : i32
      %get3A_413 = arith.index_cast %add3A_412 : i32 to index
      %get3A_414 = arith.constant 112 : index
      %get3A_415 = tpu.vector_load %arg8[%get3A_413, %get3A_414] {strides = array<i32>} : memref<256x128xf32, #tpu.memory_space<vmem>>, vector<16xf32>,
      %mul3A_416 = arith.mulf %get3A_415, %get3A_35 : vector<16xf32>
      %add3A_417 = arith.addf %mul3A_374, %mul3A_380 : vector<16xf32>
      %add3A_418 = arith.addf %mul3A_386, %mul3A_392 : vector<16xf32>
      %add3A_419 = arith.addf %add3A_417, %add3A_418 : vector<16xf32>
      %add3A_420 = arith.addf %mul3A_398, %mul3A_404 : vector<16xf32>
      %add3A_421 = arith.addf %mul3A_410, %mul3A_416 : vector<16xf32>
      %add3A_422 = arith.addf %add3A_420, %add3A_421 : vector<16xf32>
      %add3A_423 = arith.addf %add3A_419, %add3A_422 : vector<16xf32>
      %eq3A_424 = arith.constant 4 : i32
      %eq3A_425 = vector.broadcast %eq3A_424 : i32 to vector<16xi32>
      %eq3A_426 = arith.cmpi eq, %iota3A, %eq3A_425 : vector<16xi32>
      %reduce_sum3A_427 = arith.constant true
      %reduce_sum3A_428 = vector.broadcast %reduce_sum3A_427 : i1 to vector<16xi1>
      %reduce_sum3A_429 = tpu.scan <sum>, %add3A_423 masked %reduce_sum3A_428 : vector<16xf32>, vector<16xi1> -> vector<16xf32>
      %reduce_sum3A_430 = vector.extract %reduce_sum3A_429[15] : f32 from vector<16xf32>
      %add3A_431 = vector.broadcast %reduce_sum3A_430 : f32 to vector<16xf32>
      %add3A_432 = arith.addf %select_n3A_368, %add3A_431 : vector<16xf32>
      %select_n3A_433 = arith.select %eq3A_426, %add3A_432, %select_n3A_368 : vector<16xi1>, vector<16xf32>
      %add3A_434 = arith.constant 5 : i32
      %add3A_435 = arith.addi %mul3A_107, %add3A_434 : i32
      %get3A_436 = arith.index_cast %add3A_435 : i32 to index
      %get3A_437 = arith.constant 0 : index
      %get3A_438 = tpu.vector_load %arg8[%get3A_436, %get3A_437] {strides = array<i32>} : memref<256x128xf32, #tpu.memory_space<vmem>>, vector<16xf32>,
      %mul3A_439 = arith.mulf %get3A_438, %get3A_21 : vector<16xf32>
      %add3A_440 = arith.constant 5 : i32
      %add3A_441 = arith.addi %mul3A_107, %add3A_440 : i32
      %get3A_442 = arith.index_cast %add3A_441 : i32 to index
      %get3A_443 = arith.constant 16 : index
      %get3A_444 = tpu.vector_load %arg8[%get3A_442, %get3A_443] {strides = array<i32>} : memref<256x128xf32, #tpu.memory_space<vmem>>, vector<16xf32>,
      %mul3A_445 = arith.mulf %get3A_444, %get3A_23 : vector<16xf32>
      %add3A_446 = arith.constant 5 : i32
      %add3A_447 = arith.addi %mul3A_107, %add3A_446 : i32
      %get3A_448 = arith.index_cast %add3A_447 : i32 to index
      %get3A_449 = arith.constant 32 : index
      %get3A_450 = tpu.vector_load %arg8[%get3A_448, %get3A_449] {strides = array<i32>} : memref<256x128xf32, #tpu.memory_space<vmem>>, vector<16xf32>,
      %mul3A_451 = arith.mulf %get3A_450, %get3A_25 : vector<16xf32>
      %add3A_452 = arith.constant 5 : i32
      %add3A_453 = arith.addi %mul3A_107, %add3A_452 : i32
      %get3A_454 = arith.index_cast %add3A_453 : i32 to index
      %get3A_455 = arith.constant 48 : index
      %get3A_456 = tpu.vector_load %arg8[%get3A_454, %get3A_455] {strides = array<i32>} : memref<256x128xf32, #tpu.memory_space<vmem>>, vector<16xf32>,
      %mul3A_457 = arith.mulf %get3A_456, %get3A_27 : vector<16xf32>
      %add3A_458 = arith.constant 5 : i32
      %add3A_459 = arith.addi %mul3A_107, %add3A_458 : i32
      %get3A_460 = arith.index_cast %add3A_459 : i32 to index
      %get3A_461 = arith.constant 64 : index
      %get3A_462 = tpu.vector_load %arg8[%get3A_460, %get3A_461] {strides = array<i32>} : memref<256x128xf32, #tpu.memory_space<vmem>>, vector<16xf32>,
      %mul3A_463 = arith.mulf %get3A_462, %get3A_29 : vector<16xf32>
      %add3A_464 = arith.constant 5 : i32
      %add3A_465 = arith.addi %mul3A_107, %add3A_464 : i32
      %get3A_466 = arith.index_cast %add3A_465 : i32 to index
      %get3A_467 = arith.constant 80 : index
      %get3A_468 = tpu.vector_load %arg8[%get3A_466, %get3A_467] {strides = array<i32>} : memref<256x128xf32, #tpu.memory_space<vmem>>, vector<16xf32>,
      %mul3A_469 = arith.mulf %get3A_468, %get3A_31 : vector<16xf32>
      %add3A_470 = arith.constant 5 : i32
      %add3A_471 = arith.addi %mul3A_107, %add3A_470 : i32
      %get3A_472 = arith.index_cast %add3A_471 : i32 to index
      %get3A_473 = arith.constant 96 : index
      %get3A_474 = tpu.vector_load %arg8[%get3A_472, %get3A_473] {strides = array<i32>} : memref<256x128xf32, #tpu.memory_space<vmem>>, vector<16xf32>,
      %mul3A_475 = arith.mulf %get3A_474, %get3A_33 : vector<16xf32>
      %add3A_476 = arith.constant 5 : i32
      %add3A_477 = arith.addi %mul3A_107, %add3A_476 : i32
      %get3A_478 = arith.index_cast %add3A_477 : i32 to index
      %get3A_479 = arith.constant 112 : index
      %get3A_480 = tpu.vector_load %arg8[%get3A_478, %get3A_479] {strides = array<i32>} : memref<256x128xf32, #tpu.memory_space<vmem>>, vector<16xf32>,
      %mul3A_481 = arith.mulf %get3A_480, %get3A_35 : vector<16xf32>
      %add3A_482 = arith.addf %mul3A_439, %mul3A_445 : vector<16xf32>
      %add3A_483 = arith.addf %mul3A_451, %mul3A_457 : vector<16xf32>
      %add3A_484 = arith.addf %add3A_482, %add3A_483 : vector<16xf32>
      %add3A_485 = arith.addf %mul3A_463, %mul3A_469 : vector<16xf32>
      %add3A_486 = arith.addf %mul3A_475, %mul3A_481 : vector<16xf32>
      %add3A_487 = arith.addf %add3A_485, %add3A_486 : vector<16xf32>
      %add3A_488 = arith.addf %add3A_484, %add3A_487 : vector<16xf32>
      %eq3A_489 = arith.constant 5 : i32
      %eq3A_490 = vector.broadcast %eq3A_489 : i32 to vector<16xi32>
      %eq3A_491 = arith.cmpi eq, %iota3A, %eq3A_490 : vector<16xi32>
      %reduce_sum3A_492 = arith.constant true
      %reduce_sum3A_493 = vector.broadcast %reduce_sum3A_492 : i1 to vector<16xi1>
      %reduce_sum3A_494 = tpu.scan <sum>, %add3A_488 masked %reduce_sum3A_493 : vector<16xf32>, vector<16xi1> -> vector<16xf32>
      %reduce_sum3A_495 = vector.extract %reduce_sum3A_494[15] : f32 from vector<16xf32>
      %add3A_496 = vector.broadcast %reduce_sum3A_495 : f32 to vector<16xf32>
      %add3A_497 = arith.addf %select_n3A_433, %add3A_496 : vector<16xf32>
      %select_n3A_498 = arith.select %eq3A_491, %add3A_497, %select_n3A_433 : vector<16xi1>, vector<16xf32>
      %add3A_499 = arith.constant 6 : i32
      %add3A_500 = arith.addi %mul3A_107, %add3A_499 : i32
      %get3A_501 = arith.index_cast %add3A_500 : i32 to index
      %get3A_502 = arith.constant 0 : index
      %get3A_503 = tpu.vector_load %arg8[%get3A_501, %get3A_502] {strides = array<i32>} : memref<256x128xf32, #tpu.memory_space<vmem>>, vector<16xf32>,
      %mul3A_504 = arith.mulf %get3A_503, %get3A_21 : vector<16xf32>
      %add3A_505 = arith.constant 6 : i32
      %add3A_506 = arith.addi %mul3A_107, %add3A_505 : i32
      %get3A_507 = arith.index_cast %add3A_506 : i32 to index
      %get3A_508 = arith.constant 16 : index
      %get3A_509 = tpu.vector_load %arg8[%get3A_507, %get3A_508] {strides = array<i32>} : memref<256x128xf32, #tpu.memory_space<vmem>>, vector<16xf32>,
      %mul3A_510 = arith.mulf %get3A_509, %get3A_23 : vector<16xf32>
      %add3A_511 = arith.constant 6 : i32
      %add3A_512 = arith.addi %mul3A_107, %add3A_511 : i32
      %get3A_513 = arith.index_cast %add3A_512 : i32 to index
      %get3A_514 = arith.constant 32 : index
      %get3A_515 = tpu.vector_load %arg8[%get3A_513, %get3A_514] {strides = array<i32>} : memref<256x128xf32, #tpu.memory_space<vmem>>, vector<16xf32>,
      %mul3A_516 = arith.mulf %get3A_515, %get3A_25 : vector<16xf32>
      %add3A_517 = arith.constant 6 : i32
      %add3A_518 = arith.addi %mul3A_107, %add3A_517 : i32
      %get3A_519 = arith.index_cast %add3A_518 : i32 to index
      %get3A_520 = arith.constant 48 : index
      %get3A_521 = tpu.vector_load %arg8[%get3A_519, %get3A_520] {strides = array<i32>} : memref<256x128xf32, #tpu.memory_space<vmem>>, vector<16xf32>,
      %mul3A_522 = arith.mulf %get3A_521, %get3A_27 : vector<16xf32>
      %add3A_523 = arith.constant 6 : i32
      %add3A_524 = arith.addi %mul3A_107, %add3A_523 : i32
      %get3A_525 = arith.index_cast %add3A_524 : i32 to index
      %get3A_526 = arith.constant 64 : index
      %get3A_527 = tpu.vector_load %arg8[%get3A_525, %get3A_526] {strides = array<i32>} : memref<256x128xf32, #tpu.memory_space<vmem>>, vector<16xf32>,
      %mul3A_528 = arith.mulf %get3A_527, %get3A_29 : vector<16xf32>
      %add3A_529 = arith.constant 6 : i32
      %add3A_530 = arith.addi %mul3A_107, %add3A_529 : i32
      %get3A_531 = arith.index_cast %add3A_530 : i32 to index
      %get3A_532 = arith.constant 80 : index
      %get3A_533 = tpu.vector_load %arg8[%get3A_531, %get3A_532] {strides = array<i32>} : memref<256x128xf32, #tpu.memory_space<vmem>>, vector<16xf32>,
      %mul3A_534 = arith.mulf %get3A_533, %get3A_31 : vector<16xf32>
      %add3A_535 = arith.constant 6 : i32
      %add3A_536 = arith.addi %mul3A_107, %add3A_535 : i32
      %get3A_537 = arith.index_cast %add3A_536 : i32 to index
      %get3A_538 = arith.constant 96 : index
      %get3A_539 = tpu.vector_load %arg8[%get3A_537, %get3A_538] {strides = array<i32>} : memref<256x128xf32, #tpu.memory_space<vmem>>, vector<16xf32>,
      %mul3A_540 = arith.mulf %get3A_539, %get3A_33 : vector<16xf32>
      %add3A_541 = arith.constant 6 : i32
      %add3A_542 = arith.addi %mul3A_107, %add3A_541 : i32
      %get3A_543 = arith.index_cast %add3A_542 : i32 to index
      %get3A_544 = arith.constant 112 : index
      %get3A_545 = tpu.vector_load %arg8[%get3A_543, %get3A_544] {strides = array<i32>} : memref<256x128xf32, #tpu.memory_space<vmem>>, vector<16xf32>,
      %mul3A_546 = arith.mulf %get3A_545, %get3A_35 : vector<16xf32>
      %add3A_547 = arith.addf %mul3A_504, %mul3A_510 : vector<16xf32>
      %add3A_548 = arith.addf %mul3A_516, %mul3A_522 : vector<16xf32>
      %add3A_549 = arith.addf %add3A_547, %add3A_548 : vector<16xf32>
      %add3A_550 = arith.addf %mul3A_528, %mul3A_534 : vector<16xf32>
      %add3A_551 = arith.addf %mul3A_540, %mul3A_546 : vector<16xf32>
      %add3A_552 = arith.addf %add3A_550, %add3A_551 : vector<16xf32>
      %add3A_553 = arith.addf %add3A_549, %add3A_552 : vector<16xf32>
      %eq3A_554 = arith.constant 6 : i32
      %eq3A_555 = vector.broadcast %eq3A_554 : i32 to vector<16xi32>
      %eq3A_556 = arith.cmpi eq, %iota3A, %eq3A_555 : vector<16xi32>
      %reduce_sum3A_557 = arith.constant true
      %reduce_sum3A_558 = vector.broadcast %reduce_sum3A_557 : i1 to vector<16xi1>
      %reduce_sum3A_559 = tpu.scan <sum>, %add3A_553 masked %reduce_sum3A_558 : vector<16xf32>, vector<16xi1> -> vector<16xf32>
      %reduce_sum3A_560 = vector.extract %reduce_sum3A_559[15] : f32 from vector<16xf32>
      %add3A_561 = vector.broadcast %reduce_sum3A_560 : f32 to vector<16xf32>
      %add3A_562 = arith.addf %select_n3A_498, %add3A_561 : vector<16xf32>
      %select_n3A_563 = arith.select %eq3A_556, %add3A_562, %select_n3A_498 : vector<16xi1>, vector<16xf32>
      %add3A_564 = arith.constant 7 : i32
      %add3A_565 = arith.addi %mul3A_107, %add3A_564 : i32
      %get3A_566 = arith.index_cast %add3A_565 : i32 to index
      %get3A_567 = arith.constant 0 : index
      %get3A_568 = tpu.vector_load %arg8[%get3A_566, %get3A_567] {strides = array<i32>} : memref<256x128xf32, #tpu.memory_space<vmem>>, vector<16xf32>,
      %mul3A_569 = arith.mulf %get3A_568, %get3A_21 : vector<16xf32>
      %add3A_570 = arith.constant 7 : i32
      %add3A_571 = arith.addi %mul3A_107, %add3A_570 : i32
      %get3A_572 = arith.index_cast %add3A_571 : i32 to index
      %get3A_573 = arith.constant 16 : index
      %get3A_574 = tpu.vector_load %arg8[%get3A_572, %get3A_573] {strides = array<i32>} : memref<256x128xf32, #tpu.memory_space<vmem>>, vector<16xf32>,
      %mul3A_575 = arith.mulf %get3A_574, %get3A_23 : vector<16xf32>
      %add3A_576 = arith.constant 7 : i32
      %add3A_577 = arith.addi %mul3A_107, %add3A_576 : i32
      %get3A_578 = arith.index_cast %add3A_577 : i32 to index
      %get3A_579 = arith.constant 32 : index
      %get3A_580 = tpu.vector_load %arg8[%get3A_578, %get3A_579] {strides = array<i32>} : memref<256x128xf32, #tpu.memory_space<vmem>>, vector<16xf32>,
      %mul3A_581 = arith.mulf %get3A_580, %get3A_25 : vector<16xf32>
      %add3A_582 = arith.constant 7 : i32
      %add3A_583 = arith.addi %mul3A_107, %add3A_582 : i32
      %get3A_584 = arith.index_cast %add3A_583 : i32 to index
      %get3A_585 = arith.constant 48 : index
      %get3A_586 = tpu.vector_load %arg8[%get3A_584, %get3A_585] {strides = array<i32>} : memref<256x128xf32, #tpu.memory_space<vmem>>, vector<16xf32>,
      %mul3A_587 = arith.mulf %get3A_586, %get3A_27 : vector<16xf32>
      %add3A_588 = arith.constant 7 : i32
      %add3A_589 = arith.addi %mul3A_107, %add3A_588 : i32
      %get3A_590 = arith.index_cast %add3A_589 : i32 to index
      %get3A_591 = arith.constant 64 : index
      %get3A_592 = tpu.vector_load %arg8[%get3A_590, %get3A_591] {strides = array<i32>} : memref<256x128xf32, #tpu.memory_space<vmem>>, vector<16xf32>,
      %mul3A_593 = arith.mulf %get3A_592, %get3A_29 : vector<16xf32>
      %add3A_594 = arith.constant 7 : i32
      %add3A_595 = arith.addi %mul3A_107, %add3A_594 : i32
      %get3A_596 = arith.index_cast %add3A_595 : i32 to index
      %get3A_597 = arith.constant 80 : index
      %get3A_598 = tpu.vector_load %arg8[%get3A_596, %get3A_597] {strides = array<i32>} : memref<256x128xf32, #tpu.memory_space<vmem>>, vector<16xf32>,
      %mul3A_599 = arith.mulf %get3A_598, %get3A_31 : vector<16xf32>
      %add3A_600 = arith.constant 7 : i32
      %add3A_601 = arith.addi %mul3A_107, %add3A_600 : i32
      %get3A_602 = arith.index_cast %add3A_601 : i32 to index
      %get3A_603 = arith.constant 96 : index
      %get3A_604 = tpu.vector_load %arg8[%get3A_602, %get3A_603] {strides = array<i32>} : memref<256x128xf32, #tpu.memory_space<vmem>>, vector<16xf32>,
      %mul3A_605 = arith.mulf %get3A_604, %get3A_33 : vector<16xf32>
      %add3A_606 = arith.constant 7 : i32
      %add3A_607 = arith.addi %mul3A_107, %add3A_606 : i32
      %get3A_608 = arith.index_cast %add3A_607 : i32 to index
      %get3A_609 = arith.constant 112 : index
      %get3A_610 = tpu.vector_load %arg8[%get3A_608, %get3A_609] {strides = array<i32>} : memref<256x128xf32, #tpu.memory_space<vmem>>, vector<16xf32>,
      %mul3A_611 = arith.mulf %get3A_610, %get3A_35 : vector<16xf32>
      %add3A_612 = arith.addf %mul3A_569, %mul3A_575 : vector<16xf32>
      %add3A_613 = arith.addf %mul3A_581, %mul3A_587 : vector<16xf32>
      %add3A_614 = arith.addf %add3A_612, %add3A_613 : vector<16xf32>
      %add3A_615 = arith.addf %mul3A_593, %mul3A_599 : vector<16xf32>
      %add3A_616 = arith.addf %mul3A_605, %mul3A_611 : vector<16xf32>
      %add3A_617 = arith.addf %add3A_615, %add3A_616 : vector<16xf32>
      %add3A_618 = arith.addf %add3A_614, %add3A_617 : vector<16xf32>
      %eq3A_619 = arith.constant 7 : i32
      %eq3A_620 = vector.broadcast %eq3A_619 : i32 to vector<16xi32>
      %eq3A_621 = arith.cmpi eq, %iota3A, %eq3A_620 : vector<16xi32>
      %reduce_sum3A_622 = arith.constant true
      %reduce_sum3A_623 = vector.broadcast %reduce_sum3A_622 : i1 to vector<16xi1>
      %reduce_sum3A_624 = tpu.scan <sum>, %add3A_618 masked %reduce_sum3A_623 : vector<16xf32>, vector<16xi1> -> vector<16xf32>
      %reduce_sum3A_625 = vector.extract %reduce_sum3A_624[15] : f32 from vector<16xf32>
      %add3A_626 = vector.broadcast %reduce_sum3A_625 : f32 to vector<16xf32>
      %add3A_627 = arith.addf %select_n3A_563, %add3A_626 : vector<16xf32>
      %select_n3A_628 = arith.select %eq3A_621, %add3A_627, %select_n3A_563 : vector<16xi1>, vector<16xf32>
      %add3A_629 = arith.constant 8 : i32
      %add3A_630 = arith.addi %mul3A_107, %add3A_629 : i32
      %get3A_631 = arith.index_cast %add3A_630 : i32 to index
      %get3A_632 = arith.constant 0 : index
      %get3A_633 = tpu.vector_load %arg8[%get3A_631, %get3A_632] {strides = array<i32>} : memref<256x128xf32, #tpu.memory_space<vmem>>, vector<16xf32>,
      %mul3A_634 = arith.mulf %get3A_633, %get3A_21 : vector<16xf32>
      %add3A_635 = arith.constant 8 : i32
      %add3A_636 = arith.addi %mul3A_107, %add3A_635 : i32
      %get3A_637 = arith.index_cast %add3A_636 : i32 to index
      %get3A_638 = arith.constant 16 : index
      %get3A_639 = tpu.vector_load %arg8[%get3A_637, %get3A_638] {strides = array<i32>} : memref<256x128xf32, #tpu.memory_space<vmem>>, vector<16xf32>,
      %mul3A_640 = arith.mulf %get3A_639, %get3A_23 : vector<16xf32>
      %add3A_641 = arith.constant 8 : i32
      %add3A_642 = arith.addi %mul3A_107, %add3A_641 : i32
      %get3A_643 = arith.index_cast %add3A_642 : i32 to index
      %get3A_644 = arith.constant 32 : index
      %get3A_645 = tpu.vector_load %arg8[%get3A_643, %get3A_644] {strides = array<i32>} : memref<256x128xf32, #tpu.memory_space<vmem>>, vector<16xf32>,
      %mul3A_646 = arith.mulf %get3A_645, %get3A_25 : vector<16xf32>
      %add3A_647 = arith.constant 8 : i32
      %add3A_648 = arith.addi %mul3A_107, %add3A_647 : i32
      %get3A_649 = arith.index_cast %add3A_648 : i32 to index
      %get3A_650 = arith.constant 48 : index
      %get3A_651 = tpu.vector_load %arg8[%get3A_649, %get3A_650] {strides = array<i32>} : memref<256x128xf32, #tpu.memory_space<vmem>>, vector<16xf32>,
      %mul3A_652 = arith.mulf %get3A_651, %get3A_27 : vector<16xf32>
      %add3A_653 = arith.constant 8 : i32
      %add3A_654 = arith.addi %mul3A_107, %add3A_653 : i32
      %get3A_655 = arith.index_cast %add3A_654 : i32 to index
      %get3A_656 = arith.constant 64 : index
      %get3A_657 = tpu.vector_load %arg8[%get3A_655, %get3A_656] {strides = array<i32>} : memref<256x128xf32, #tpu.memory_space<vmem>>, vector<16xf32>,
      %mul3A_658 = arith.mulf %get3A_657, %get3A_29 : vector<16xf32>
      %add3A_659 = arith.constant 8 : i32
      %add3A_660 = arith.addi %mul3A_107, %add3A_659 : i32
      %get3A_661 = arith.index_cast %add3A_660 : i32 to index
      %get3A_662 = arith.constant 80 : index
      %get3A_663 = tpu.vector_load %arg8[%get3A_661, %get3A_662] {strides = array<i32>} : memref<256x128xf32, #tpu.memory_space<vmem>>, vector<16xf32>,
      %mul3A_664 = arith.mulf %get3A_663, %get3A_31 : vector<16xf32>
      %add3A_665 = arith.constant 8 : i32
      %add3A_666 = arith.addi %mul3A_107, %add3A_665 : i32
      %get3A_667 = arith.index_cast %add3A_666 : i32 to index
      %get3A_668 = arith.constant 96 : index
      %get3A_669 = tpu.vector_load %arg8[%get3A_667, %get3A_668] {strides = array<i32>} : memref<256x128xf32, #tpu.memory_space<vmem>>, vector<16xf32>,
      %mul3A_670 = arith.mulf %get3A_669, %get3A_33 : vector<16xf32>
      %add3A_671 = arith.constant 8 : i32
      %add3A_672 = arith.addi %mul3A_107, %add3A_671 : i32
      %get3A_673 = arith.index_cast %add3A_672 : i32 to index
      %get3A_674 = arith.constant 112 : index
      %get3A_675 = tpu.vector_load %arg8[%get3A_673, %get3A_674] {strides = array<i32>} : memref<256x128xf32, #tpu.memory_space<vmem>>, vector<16xf32>,
      %mul3A_676 = arith.mulf %get3A_675, %get3A_35 : vector<16xf32>
      %add3A_677 = arith.addf %mul3A_634, %mul3A_640 : vector<16xf32>
      %add3A_678 = arith.addf %mul3A_646, %mul3A_652 : vector<16xf32>
      %add3A_679 = arith.addf %add3A_677, %add3A_678 : vector<16xf32>
      %add3A_680 = arith.addf %mul3A_658, %mul3A_664 : vector<16xf32>
      %add3A_681 = arith.addf %mul3A_670, %mul3A_676 : vector<16xf32>
      %add3A_682 = arith.addf %add3A_680, %add3A_681 : vector<16xf32>
      %add3A_683 = arith.addf %add3A_679, %add3A_682 : vector<16xf32>
      %eq3A_684 = arith.constant 8 : i32
      %eq3A_685 = vector.broadcast %eq3A_684 : i32 to vector<16xi32>
      %eq3A_686 = arith.cmpi eq, %iota3A, %eq3A_685 : vector<16xi32>
      %reduce_sum3A_687 = arith.constant true
      %reduce_sum3A_688 = vector.broadcast %reduce_sum3A_687 : i1 to vector<16xi1>
      %reduce_sum3A_689 = tpu.scan <sum>, %add3A_683 masked %reduce_sum3A_688 : vector<16xf32>, vector<16xi1> -> vector<16xf32>
      %reduce_sum3A_690 = vector.extract %reduce_sum3A_689[15] : f32 from vector<16xf32>
      %add3A_691 = vector.broadcast %reduce_sum3A_690 : f32 to vector<16xf32>
      %add3A_692 = arith.addf %select_n3A_628, %add3A_691 : vector<16xf32>
      %select_n3A_693 = arith.select %eq3A_686, %add3A_692, %select_n3A_628 : vector<16xi1>, vector<16xf32>
      %add3A_694 = arith.constant 9 : i32
      %add3A_695 = arith.addi %mul3A_107, %add3A_694 : i32
      %get3A_696 = arith.index_cast %add3A_695 : i32 to index
      %get3A_697 = arith.constant 0 : index
      %get3A_698 = tpu.vector_load %arg8[%get3A_696, %get3A_697] {strides = array<i32>} : memref<256x128xf32, #tpu.memory_space<vmem>>, vector<16xf32>,
      %mul3A_699 = arith.mulf %get3A_698, %get3A_21 : vector<16xf32>
      %add3A_700 = arith.constant 9 : i32
      %add3A_701 = arith.addi %mul3A_107, %add3A_700 : i32
      %get3A_702 = arith.index_cast %add3A_701 : i32 to index
      %get3A_703 = arith.constant 16 : index
      %get3A_704 = tpu.vector_load %arg8[%get3A_702, %get3A_703] {strides = array<i32>} : memref<256x128xf32, #tpu.memory_space<vmem>>, vector<16xf32>,
      %mul3A_705 = arith.mulf %get3A_704, %get3A_23 : vector<16xf32>
      %add3A_706 = arith.constant 9 : i32
      %add3A_707 = arith.addi %mul3A_107, %add3A_706 : i32
      %get3A_708 = arith.index_cast %add3A_707 : i32 to index
      %get3A_709 = arith.constant 32 : index
      %get3A_710 = tpu.vector_load %arg8[%get3A_708, %get3A_709] {strides = array<i32>} : memref<256x128xf32, #tpu.memory_space<vmem>>, vector<16xf32>,
      %mul3A_711 = arith.mulf %get3A_710, %get3A_25 : vector<16xf32>
      %add3A_712 = arith.constant 9 : i32
      %add3A_713 = arith.addi %mul3A_107, %add3A_712 : i32
      %get3A_714 = arith.index_cast %add3A_713 : i32 to index
      %get3A_715 = arith.constant 48 : index
      %get3A_716 = tpu.vector_load %arg8[%get3A_714, %get3A_715] {strides = array<i32>} : memref<256x128xf32, #tpu.memory_space<vmem>>, vector<16xf32>,
      %mul3A_717 = arith.mulf %get3A_716, %get3A_27 : vector<16xf32>
      %add3A_718 = arith.constant 9 : i32
      %add3A_719 = arith.addi %mul3A_107, %add3A_718 : i32
      %get3A_720 = arith.index_cast %add3A_719 : i32 to index
      %get3A_721 = arith.constant 64 : index
      %get3A_722 = tpu.vector_load %arg8[%get3A_720, %get3A_721] {strides = array<i32>} : memref<256x128xf32, #tpu.memory_space<vmem>>, vector<16xf32>,
      %mul3A_723 = arith.mulf %get3A_722, %get3A_29 : vector<16xf32>
      %add3A_724 = arith.constant 9 : i32
      %add3A_725 = arith.addi %mul3A_107, %add3A_724 : i32
      %get3A_726 = arith.index_cast %add3A_725 : i32 to index
      %get3A_727 = arith.constant 80 : index
      %get3A_728 = tpu.vector_load %arg8[%get3A_726, %get3A_727] {strides = array<i32>} : memref<256x128xf32, #tpu.memory_space<vmem>>, vector<16xf32>,
      %mul3A_729 = arith.mulf %get3A_728, %get3A_31 : vector<16xf32>
      %add3A_730 = arith.constant 9 : i32
      %add3A_731 = arith.addi %mul3A_107, %add3A_730 : i32
      %get3A_732 = arith.index_cast %add3A_731 : i32 to index
      %get3A_733 = arith.constant 96 : index
      %get3A_734 = tpu.vector_load %arg8[%get3A_732, %get3A_733] {strides = array<i32>} : memref<256x128xf32, #tpu.memory_space<vmem>>, vector<16xf32>,
      %mul3A_735 = arith.mulf %get3A_734, %get3A_33 : vector<16xf32>
      %add3A_736 = arith.constant 9 : i32
      %add3A_737 = arith.addi %mul3A_107, %add3A_736 : i32
      %get3A_738 = arith.index_cast %add3A_737 : i32 to index
      %get3A_739 = arith.constant 112 : index
      %get3A_740 = tpu.vector_load %arg8[%get3A_738, %get3A_739] {strides = array<i32>} : memref<256x128xf32, #tpu.memory_space<vmem>>, vector<16xf32>,
      %mul3A_741 = arith.mulf %get3A_740, %get3A_35 : vector<16xf32>
      %add3A_742 = arith.addf %mul3A_699, %mul3A_705 : vector<16xf32>
      %add3A_743 = arith.addf %mul3A_711, %mul3A_717 : vector<16xf32>
      %add3A_744 = arith.addf %add3A_742, %add3A_743 : vector<16xf32>
      %add3A_745 = arith.addf %mul3A_723, %mul3A_729 : vector<16xf32>
      %add3A_746 = arith.addf %mul3A_735, %mul3A_741 : vector<16xf32>
      %add3A_747 = arith.addf %add3A_745, %add3A_746 : vector<16xf32>
      %add3A_748 = arith.addf %add3A_744, %add3A_747 : vector<16xf32>
      %eq3A_749 = arith.constant 9 : i32
      %eq3A_750 = vector.broadcast %eq3A_749 : i32 to vector<16xi32>
      %eq3A_751 = arith.cmpi eq, %iota3A, %eq3A_750 : vector<16xi32>
      %reduce_sum3A_752 = arith.constant true
      %reduce_sum3A_753 = vector.broadcast %reduce_sum3A_752 : i1 to vector<16xi1>
      %reduce_sum3A_754 = tpu.scan <sum>, %add3A_748 masked %reduce_sum3A_753 : vector<16xf32>, vector<16xi1> -> vector<16xf32>
      %reduce_sum3A_755 = vector.extract %reduce_sum3A_754[15] : f32 from vector<16xf32>
      %add3A_756 = vector.broadcast %reduce_sum3A_755 : f32 to vector<16xf32>
      %add3A_757 = arith.addf %select_n3A_693, %add3A_756 : vector<16xf32>
      %select_n3A_758 = arith.select %eq3A_751, %add3A_757, %select_n3A_693 : vector<16xi1>, vector<16xf32>
      %add3A_759 = arith.constant 10 : i32
      %add3A_760 = arith.addi %mul3A_107, %add3A_759 : i32
      %get3A_761 = arith.index_cast %add3A_760 : i32 to index
      %get3A_762 = arith.constant 0 : index
      %get3A_763 = tpu.vector_load %arg8[%get3A_761, %get3A_762] {strides = array<i32>} : memref<256x128xf32, #tpu.memory_space<vmem>>, vector<16xf32>,
      %mul3A_764 = arith.mulf %get3A_763, %get3A_21 : vector<16xf32>
      %add3A_765 = arith.constant 10 : i32
      %add3A_766 = arith.addi %mul3A_107, %add3A_765 : i32
      %get3A_767 = arith.index_cast %add3A_766 : i32 to index
      %get3A_768 = arith.constant 16 : index
      %get3A_769 = tpu.vector_load %arg8[%get3A_767, %get3A_768] {strides = array<i32>} : memref<256x128xf32, #tpu.memory_space<vmem>>, vector<16xf32>,
      %mul3A_770 = arith.mulf %get3A_769, %get3A_23 : vector<16xf32>
      %add3A_771 = arith.constant 10 : i32
      %add3A_772 = arith.addi %mul3A_107, %add3A_771 : i32
      %get3A_773 = arith.index_cast %add3A_772 : i32 to index
      %get3A_774 = arith.constant 32 : index
      %get3A_775 = tpu.vector_load %arg8[%get3A_773, %get3A_774] {strides = array<i32>} : memref<256x128xf32, #tpu.memory_space<vmem>>, vector<16xf32>,
      %mul3A_776 = arith.mulf %get3A_775, %get3A_25 : vector<16xf32>
      %add3A_777 = arith.constant 10 : i32
      %add3A_778 = arith.addi %mul3A_107, %add3A_777 : i32
      %get3A_779 = arith.index_cast %add3A_778 : i32 to index
      %get3A_780 = arith.constant 48 : index
      %get3A_781 = tpu.vector_load %arg8[%get3A_779, %get3A_780] {strides = array<i32>} : memref<256x128xf32, #tpu.memory_space<vmem>>, vector<16xf32>,
      %mul3A_782 = arith.mulf %get3A_781, %get3A_27 : vector<16xf32>
      %add3A_783 = arith.constant 10 : i32
      %add3A_784 = arith.addi %mul3A_107, %add3A_783 : i32
      %get3A_785 = arith.index_cast %add3A_784 : i32 to index
      %get3A_786 = arith.constant 64 : index
      %get3A_787 = tpu.vector_load %arg8[%get3A_785, %get3A_786] {strides = array<i32>} : memref<256x128xf32, #tpu.memory_space<vmem>>, vector<16xf32>,
      %mul3A_788 = arith.mulf %get3A_787, %get3A_29 : vector<16xf32>
      %add3A_789 = arith.constant 10 : i32
      %add3A_790 = arith.addi %mul3A_107, %add3A_789 : i32
      %get3A_791 = arith.index_cast %add3A_790 : i32 to index
      %get3A_792 = arith.constant 80 : index
      %get3A_793 = tpu.vector_load %arg8[%get3A_791, %get3A_792] {strides = array<i32>} : memref<256x128xf32, #tpu.memory_space<vmem>>, vector<16xf32>,
      %mul3A_794 = arith.mulf %get3A_793, %get3A_31 : vector<16xf32>
      %add3A_795 = arith.constant 10 : i32
      %add3A_796 = arith.addi %mul3A_107, %add3A_795 : i32
      %get3A_797 = arith.index_cast %add3A_796 : i32 to index
      %get3A_798 = arith.constant 96 : index
      %get3A_799 = tpu.vector_load %arg8[%get3A_797, %get3A_798] {strides = array<i32>} : memref<256x128xf32, #tpu.memory_space<vmem>>, vector<16xf32>,
      %mul3A_800 = arith.mulf %get3A_799, %get3A_33 : vector<16xf32>
      %add3A_801 = arith.constant 10 : i32
      %add3A_802 = arith.addi %mul3A_107, %add3A_801 : i32
      %get3A_803 = arith.index_cast %add3A_802 : i32 to index
      %get3A_804 = arith.constant 112 : index
      %get3A_805 = tpu.vector_load %arg8[%get3A_803, %get3A_804] {strides = array<i32>} : memref<256x128xf32, #tpu.memory_space<vmem>>, vector<16xf32>,
      %mul3A_806 = arith.mulf %get3A_805, %get3A_35 : vector<16xf32>
      %add3A_807 = arith.addf %mul3A_764, %mul3A_770 : vector<16xf32>
      %add3A_808 = arith.addf %mul3A_776, %mul3A_782 : vector<16xf32>
      %add3A_809 = arith.addf %add3A_807, %add3A_808 : vector<16xf32>
      %add3A_810 = arith.addf %mul3A_788, %mul3A_794 : vector<16xf32>
      %add3A_811 = arith.addf %mul3A_800, %mul3A_806 : vector<16xf32>
      %add3A_812 = arith.addf %add3A_810, %add3A_811 : vector<16xf32>
      %add3A_813 = arith.addf %add3A_809, %add3A_812 : vector<16xf32>
      %eq3A_814 = arith.constant 10 : i32
      %eq3A_815 = vector.broadcast %eq3A_814 : i32 to vector<16xi32>
      %eq3A_816 = arith.cmpi eq, %iota3A, %eq3A_815 : vector<16xi32>
      %reduce_sum3A_817 = arith.constant true
      %reduce_sum3A_818 = vector.broadcast %reduce_sum3A_817 : i1 to vector<16xi1>
      %reduce_sum3A_819 = tpu.scan <sum>, %add3A_813 masked %reduce_sum3A_818 : vector<16xf32>, vector<16xi1> -> vector<16xf32>
      %reduce_sum3A_820 = vector.extract %reduce_sum3A_819[15] : f32 from vector<16xf32>
      %add3A_821 = vector.broadcast %reduce_sum3A_820 : f32 to vector<16xf32>
      %add3A_822 = arith.addf %select_n3A_758, %add3A_821 : vector<16xf32>
      %select_n3A_823 = arith.select %eq3A_816, %add3A_822, %select_n3A_758 : vector<16xi1>, vector<16xf32>
      %add3A_824 = arith.constant 11 : i32
      %add3A_825 = arith.addi %mul3A_107, %add3A_824 : i32
      %get3A_826 = arith.index_cast %add3A_825 : i32 to index
      %get3A_827 = arith.constant 0 : index
      %get3A_828 = tpu.vector_load %arg8[%get3A_826, %get3A_827] {strides = array<i32>} : memref<256x128xf32, #tpu.memory_space<vmem>>, vector<16xf32>,
      %mul3A_829 = arith.mulf %get3A_828, %get3A_21 : vector<16xf32>
      %add3A_830 = arith.constant 11 : i32
      %add3A_831 = arith.addi %mul3A_107, %add3A_830 : i32
      %get3A_832 = arith.index_cast %add3A_831 : i32 to index
      %get3A_833 = arith.constant 16 : index
      %get3A_834 = tpu.vector_load %arg8[%get3A_832, %get3A_833] {strides = array<i32>} : memref<256x128xf32, #tpu.memory_space<vmem>>, vector<16xf32>,
      %mul3A_835 = arith.mulf %get3A_834, %get3A_23 : vector<16xf32>
      %add3A_836 = arith.constant 11 : i32
      %add3A_837 = arith.addi %mul3A_107, %add3A_836 : i32
      %get3A_838 = arith.index_cast %add3A_837 : i32 to index
      %get3A_839 = arith.constant 32 : index
      %get3A_840 = tpu.vector_load %arg8[%get3A_838, %get3A_839] {strides = array<i32>} : memref<256x128xf32, #tpu.memory_space<vmem>>, vector<16xf32>,
      %mul3A_841 = arith.mulf %get3A_840, %get3A_25 : vector<16xf32>
      %add3A_842 = arith.constant 11 : i32
      %add3A_843 = arith.addi %mul3A_107, %add3A_842 : i32
      %get3A_844 = arith.index_cast %add3A_843 : i32 to index
      %get3A_845 = arith.constant 48 : index
      %get3A_846 = tpu.vector_load %arg8[%get3A_844, %get3A_845] {strides = array<i32>} : memref<256x128xf32, #tpu.memory_space<vmem>>, vector<16xf32>,
      %mul3A_847 = arith.mulf %get3A_846, %get3A_27 : vector<16xf32>
      %add3A_848 = arith.constant 11 : i32
      %add3A_849 = arith.addi %mul3A_107, %add3A_848 : i32
      %get3A_850 = arith.index_cast %add3A_849 : i32 to index
      %get3A_851 = arith.constant 64 : index
      %get3A_852 = tpu.vector_load %arg8[%get3A_850, %get3A_851] {strides = array<i32>} : memref<256x128xf32, #tpu.memory_space<vmem>>, vector<16xf32>,
      %mul3A_853 = arith.mulf %get3A_852, %get3A_29 : vector<16xf32>
      %add3A_854 = arith.constant 11 : i32
      %add3A_855 = arith.addi %mul3A_107, %add3A_854 : i32
      %get3A_856 = arith.index_cast %add3A_855 : i32 to index
      %get3A_857 = arith.constant 80 : index
      %get3A_858 = tpu.vector_load %arg8[%get3A_856, %get3A_857] {strides = array<i32>} : memref<256x128xf32, #tpu.memory_space<vmem>>, vector<16xf32>,
      %mul3A_859 = arith.mulf %get3A_858, %get3A_31 : vector<16xf32>
      %add3A_860 = arith.constant 11 : i32
      %add3A_861 = arith.addi %mul3A_107, %add3A_860 : i32
      %get3A_862 = arith.index_cast %add3A_861 : i32 to index
      %get3A_863 = arith.constant 96 : index
      %get3A_864 = tpu.vector_load %arg8[%get3A_862, %get3A_863] {strides = array<i32>} : memref<256x128xf32, #tpu.memory_space<vmem>>, vector<16xf32>,
      %mul3A_865 = arith.mulf %get3A_864, %get3A_33 : vector<16xf32>
      %add3A_866 = arith.constant 11 : i32
      %add3A_867 = arith.addi %mul3A_107, %add3A_866 : i32
      %get3A_868 = arith.index_cast %add3A_867 : i32 to index
      %get3A_869 = arith.constant 112 : index
      %get3A_870 = tpu.vector_load %arg8[%get3A_868, %get3A_869] {strides = array<i32>} : memref<256x128xf32, #tpu.memory_space<vmem>>, vector<16xf32>,
      %mul3A_871 = arith.mulf %get3A_870, %get3A_35 : vector<16xf32>
      %add3A_872 = arith.addf %mul3A_829, %mul3A_835 : vector<16xf32>
      %add3A_873 = arith.addf %mul3A_841, %mul3A_847 : vector<16xf32>
      %add3A_874 = arith.addf %add3A_872, %add3A_873 : vector<16xf32>
      %add3A_875 = arith.addf %mul3A_853, %mul3A_859 : vector<16xf32>
      %add3A_876 = arith.addf %mul3A_865, %mul3A_871 : vector<16xf32>
      %add3A_877 = arith.addf %add3A_875, %add3A_876 : vector<16xf32>
      %add3A_878 = arith.addf %add3A_874, %add3A_877 : vector<16xf32>
      %eq3A_879 = arith.constant 11 : i32
      %eq3A_880 = vector.broadcast %eq3A_879 : i32 to vector<16xi32>
      %eq3A_881 = arith.cmpi eq, %iota3A, %eq3A_880 : vector<16xi32>
      %reduce_sum3A_882 = arith.constant true
      %reduce_sum3A_883 = vector.broadcast %reduce_sum3A_882 : i1 to vector<16xi1>
      %reduce_sum3A_884 = tpu.scan <sum>, %add3A_878 masked %reduce_sum3A_883 : vector<16xf32>, vector<16xi1> -> vector<16xf32>
      %reduce_sum3A_885 = vector.extract %reduce_sum3A_884[15] : f32 from vector<16xf32>
      %add3A_886 = vector.broadcast %reduce_sum3A_885 : f32 to vector<16xf32>
      %add3A_887 = arith.addf %select_n3A_823, %add3A_886 : vector<16xf32>
      %select_n3A_888 = arith.select %eq3A_881, %add3A_887, %select_n3A_823 : vector<16xi1>, vector<16xf32>
      %add3A_889 = arith.constant 12 : i32
      %add3A_890 = arith.addi %mul3A_107, %add3A_889 : i32
      %get3A_891 = arith.index_cast %add3A_890 : i32 to index
      %get3A_892 = arith.constant 0 : index
      %get3A_893 = tpu.vector_load %arg8[%get3A_891, %get3A_892] {strides = array<i32>} : memref<256x128xf32, #tpu.memory_space<vmem>>, vector<16xf32>,
      %mul3A_894 = arith.mulf %get3A_893, %get3A_21 : vector<16xf32>
      %add3A_895 = arith.constant 12 : i32
      %add3A_896 = arith.addi %mul3A_107, %add3A_895 : i32
      %get3A_897 = arith.index_cast %add3A_896 : i32 to index
      %get3A_898 = arith.constant 16 : index
      %get3A_899 = tpu.vector_load %arg8[%get3A_897, %get3A_898] {strides = array<i32>} : memref<256x128xf32, #tpu.memory_space<vmem>>, vector<16xf32>,
      %mul3A_900 = arith.mulf %get3A_899, %get3A_23 : vector<16xf32>
      %add3A_901 = arith.constant 12 : i32
      %add3A_902 = arith.addi %mul3A_107, %add3A_901 : i32
      %get3A_903 = arith.index_cast %add3A_902 : i32 to index
      %get3A_904 = arith.constant 32 : index
      %get3A_905 = tpu.vector_load %arg8[%get3A_903, %get3A_904] {strides = array<i32>} : memref<256x128xf32, #tpu.memory_space<vmem>>, vector<16xf32>,
      %mul3A_906 = arith.mulf %get3A_905, %get3A_25 : vector<16xf32>
      %add3A_907 = arith.constant 12 : i32
      %add3A_908 = arith.addi %mul3A_107, %add3A_907 : i32
      %get3A_909 = arith.index_cast %add3A_908 : i32 to index
      %get3A_910 = arith.constant 48 : index
      %get3A_911 = tpu.vector_load %arg8[%get3A_909, %get3A_910] {strides = array<i32>} : memref<256x128xf32, #tpu.memory_space<vmem>>, vector<16xf32>,
      %mul3A_912 = arith.mulf %get3A_911, %get3A_27 : vector<16xf32>
      %add3A_913 = arith.constant 12 : i32
      %add3A_914 = arith.addi %mul3A_107, %add3A_913 : i32
      %get3A_915 = arith.index_cast %add3A_914 : i32 to index
      %get3A_916 = arith.constant 64 : index
      %get3A_917 = tpu.vector_load %arg8[%get3A_915, %get3A_916] {strides = array<i32>} : memref<256x128xf32, #tpu.memory_space<vmem>>, vector<16xf32>,
      %mul3A_918 = arith.mulf %get3A_917, %get3A_29 : vector<16xf32>
      %add3A_919 = arith.constant 12 : i32
      %add3A_920 = arith.addi %mul3A_107, %add3A_919 : i32
      %get3A_921 = arith.index_cast %add3A_920 : i32 to index
      %get3A_922 = arith.constant 80 : index
      %get3A_923 = tpu.vector_load %arg8[%get3A_921, %get3A_922] {strides = array<i32>} : memref<256x128xf32, #tpu.memory_space<vmem>>, vector<16xf32>,
      %mul3A_924 = arith.mulf %get3A_923, %get3A_31 : vector<16xf32>
      %add3A_925 = arith.constant 12 : i32
      %add3A_926 = arith.addi %mul3A_107, %add3A_925 : i32
      %get3A_927 = arith.index_cast %add3A_926 : i32 to index
      %get3A_928 = arith.constant 96 : index
      %get3A_929 = tpu.vector_load %arg8[%get3A_927, %get3A_928] {strides = array<i32>} : memref<256x128xf32, #tpu.memory_space<vmem>>, vector<16xf32>,
      %mul3A_930 = arith.mulf %get3A_929, %get3A_33 : vector<16xf32>
      %add3A_931 = arith.constant 12 : i32
      %add3A_932 = arith.addi %mul3A_107, %add3A_931 : i32
      %get3A_933 = arith.index_cast %add3A_932 : i32 to index
      %get3A_934 = arith.constant 112 : index
      %get3A_935 = tpu.vector_load %arg8[%get3A_933, %get3A_934] {strides = array<i32>} : memref<256x128xf32, #tpu.memory_space<vmem>>, vector<16xf32>,
      %mul3A_936 = arith.mulf %get3A_935, %get3A_35 : vector<16xf32>
      %add3A_937 = arith.addf %mul3A_894, %mul3A_900 : vector<16xf32>
      %add3A_938 = arith.addf %mul3A_906, %mul3A_912 : vector<16xf32>
      %add3A_939 = arith.addf %add3A_937, %add3A_938 : vector<16xf32>
      %add3A_940 = arith.addf %mul3A_918, %mul3A_924 : vector<16xf32>
      %add3A_941 = arith.addf %mul3A_930, %mul3A_936 : vector<16xf32>
      %add3A_942 = arith.addf %add3A_940, %add3A_941 : vector<16xf32>
      %add3A_943 = arith.addf %add3A_939, %add3A_942 : vector<16xf32>
      %eq3A_944 = arith.constant 12 : i32
      %eq3A_945 = vector.broadcast %eq3A_944 : i32 to vector<16xi32>
      %eq3A_946 = arith.cmpi eq, %iota3A, %eq3A_945 : vector<16xi32>
      %reduce_sum3A_947 = arith.constant true
      %reduce_sum3A_948 = vector.broadcast %reduce_sum3A_947 : i1 to vector<16xi1>
      %reduce_sum3A_949 = tpu.scan <sum>, %add3A_943 masked %reduce_sum3A_948 : vector<16xf32>, vector<16xi1> -> vector<16xf32>
      %reduce_sum3A_950 = vector.extract %reduce_sum3A_949[15] : f32 from vector<16xf32>
      %add3A_951 = vector.broadcast %reduce_sum3A_950 : f32 to vector<16xf32>
      %add3A_952 = arith.addf %select_n3A_888, %add3A_951 : vector<16xf32>
      %select_n3A_953 = arith.select %eq3A_946, %add3A_952, %select_n3A_888 : vector<16xi1>, vector<16xf32>
      %add3A_954 = arith.constant 13 : i32
      %add3A_955 = arith.addi %mul3A_107, %add3A_954 : i32
      %get3A_956 = arith.index_cast %add3A_955 : i32 to index
      %get3A_957 = arith.constant 0 : index
      %get3A_958 = tpu.vector_load %arg8[%get3A_956, %get3A_957] {strides = array<i32>} : memref<256x128xf32, #tpu.memory_space<vmem>>, vector<16xf32>,
      %mul3A_959 = arith.mulf %get3A_958, %get3A_21 : vector<16xf32>
      %add3A_960 = arith.constant 13 : i32
      %add3A_961 = arith.addi %mul3A_107, %add3A_960 : i32
      %get3A_962 = arith.index_cast %add3A_961 : i32 to index
      %get3A_963 = arith.constant 16 : index
      %get3A_964 = tpu.vector_load %arg8[%get3A_962, %get3A_963] {strides = array<i32>} : memref<256x128xf32, #tpu.memory_space<vmem>>, vector<16xf32>,
      %mul3A_965 = arith.mulf %get3A_964, %get3A_23 : vector<16xf32>
      %add3A_966 = arith.constant 13 : i32
      %add3A_967 = arith.addi %mul3A_107, %add3A_966 : i32
      %get3A_968 = arith.index_cast %add3A_967 : i32 to index
      %get3A_969 = arith.constant 32 : index
      %get3A_970 = tpu.vector_load %arg8[%get3A_968, %get3A_969] {strides = array<i32>} : memref<256x128xf32, #tpu.memory_space<vmem>>, vector<16xf32>,
      %mul3A_971 = arith.mulf %get3A_970, %get3A_25 : vector<16xf32>
      %add3A_972 = arith.constant 13 : i32
      %add3A_973 = arith.addi %mul3A_107, %add3A_972 : i32
      %get3A_974 = arith.index_cast %add3A_973 : i32 to index
      %get3A_975 = arith.constant 48 : index
      %get3A_976 = tpu.vector_load %arg8[%get3A_974, %get3A_975] {strides = array<i32>} : memref<256x128xf32, #tpu.memory_space<vmem>>, vector<16xf32>,
      %mul3A_977 = arith.mulf %get3A_976, %get3A_27 : vector<16xf32>
      %add3A_978 = arith.constant 13 : i32
      %add3A_979 = arith.addi %mul3A_107, %add3A_978 : i32
      %get3A_980 = arith.index_cast %add3A_979 : i32 to index
      %get3A_981 = arith.constant 64 : index
      %get3A_982 = tpu.vector_load %arg8[%get3A_980, %get3A_981] {strides = array<i32>} : memref<256x128xf32, #tpu.memory_space<vmem>>, vector<16xf32>,
      %mul3A_983 = arith.mulf %get3A_982, %get3A_29 : vector<16xf32>
      %add3A_984 = arith.constant 13 : i32
      %add3A_985 = arith.addi %mul3A_107, %add3A_984 : i32
      %get3A_986 = arith.index_cast %add3A_985 : i32 to index
      %get3A_987 = arith.constant 80 : index
      %get3A_988 = tpu.vector_load %arg8[%get3A_986, %get3A_987] {strides = array<i32>} : memref<256x128xf32, #tpu.memory_space<vmem>>, vector<16xf32>,
      %mul3A_989 = arith.mulf %get3A_988, %get3A_31 : vector<16xf32>
      %add3A_990 = arith.constant 13 : i32
      %add3A_991 = arith.addi %mul3A_107, %add3A_990 : i32
      %get3A_992 = arith.index_cast %add3A_991 : i32 to index
      %get3A_993 = arith.constant 96 : index
      %get3A_994 = tpu.vector_load %arg8[%get3A_992, %get3A_993] {strides = array<i32>} : memref<256x128xf32, #tpu.memory_space<vmem>>, vector<16xf32>,
      %mul3A_995 = arith.mulf %get3A_994, %get3A_33 : vector<16xf32>
      %add3A_996 = arith.constant 13 : i32
      %add3A_997 = arith.addi %mul3A_107, %add3A_996 : i32
      %get3A_998 = arith.index_cast %add3A_997 : i32 to index
      %get3A_999 = arith.constant 112 : index
      %get3A_1000 = tpu.vector_load %arg8[%get3A_998, %get3A_999] {strides = array<i32>} : memref<256x128xf32, #tpu.memory_space<vmem>>, vector<16xf32>,
      %mul3A_1001 = arith.mulf %get3A_1000, %get3A_35 : vector<16xf32>
      %add3A_1002 = arith.addf %mul3A_959, %mul3A_965 : vector<16xf32>
      %add3A_1003 = arith.addf %mul3A_971, %mul3A_977 : vector<16xf32>
      %add3A_1004 = arith.addf %add3A_1002, %add3A_1003 : vector<16xf32>
      %add3A_1005 = arith.addf %mul3A_983, %mul3A_989 : vector<16xf32>
      %add3A_1006 = arith.addf %mul3A_995, %mul3A_1001 : vector<16xf32>
      %add3A_1007 = arith.addf %add3A_1005, %add3A_1006 : vector<16xf32>
      %add3A_1008 = arith.addf %add3A_1004, %add3A_1007 : vector<16xf32>
      %eq3A_1009 = arith.constant 13 : i32
      %eq3A_1010 = vector.broadcast %eq3A_1009 : i32 to vector<16xi32>
      %eq3A_1011 = arith.cmpi eq, %iota3A, %eq3A_1010 : vector<16xi32>
      %reduce_sum3A_1012 = arith.constant true
      %reduce_sum3A_1013 = vector.broadcast %reduce_sum3A_1012 : i1 to vector<16xi1>
      %reduce_sum3A_1014 = tpu.scan <sum>, %add3A_1008 masked %reduce_sum3A_1013 : vector<16xf32>, vector<16xi1> -> vector<16xf32>
      %reduce_sum3A_1015 = vector.extract %reduce_sum3A_1014[15] : f32 from vector<16xf32>
      %add3A_1016 = vector.broadcast %reduce_sum3A_1015 : f32 to vector<16xf32>
      %add3A_1017 = arith.addf %select_n3A_953, %add3A_1016 : vector<16xf32>
      %select_n3A_1018 = arith.select %eq3A_1011, %add3A_1017, %select_n3A_953 : vector<16xi1>, vector<16xf32>
      %add3A_1019 = arith.constant 14 : i32
      %add3A_1020 = arith.addi %mul3A_107, %add3A_1019 : i32
      %get3A_1021 = arith.index_cast %add3A_1020 : i32 to index
      %get3A_1022 = arith.constant 0 : index
      %get3A_1023 = tpu.vector_load %arg8[%get3A_1021, %get3A_1022] {strides = array<i32>} : memref<256x128xf32, #tpu.memory_space<vmem>>, vector<16xf32>,
      %mul3A_1024 = arith.mulf %get3A_1023, %get3A_21 : vector<16xf32>
      %add3A_1025 = arith.constant 14 : i32
      %add3A_1026 = arith.addi %mul3A_107, %add3A_1025 : i32
      %get3A_1027 = arith.index_cast %add3A_1026 : i32 to index
      %get3A_1028 = arith.constant 16 : index
      %get3A_1029 = tpu.vector_load %arg8[%get3A_1027, %get3A_1028] {strides = array<i32>} : memref<256x128xf32, #tpu.memory_space<vmem>>, vector<16xf32>,
      %mul3A_1030 = arith.mulf %get3A_1029, %get3A_23 : vector<16xf32>
      %add3A_1031 = arith.constant 14 : i32
      %add3A_1032 = arith.addi %mul3A_107, %add3A_1031 : i32
      %get3A_1033 = arith.index_cast %add3A_1032 : i32 to index
      %get3A_1034 = arith.constant 32 : index
      %get3A_1035 = tpu.vector_load %arg8[%get3A_1033, %get3A_1034] {strides = array<i32>} : memref<256x128xf32, #tpu.memory_space<vmem>>, vector<16xf32>,
      %mul3A_1036 = arith.mulf %get3A_1035, %get3A_25 : vector<16xf32>
      %add3A_1037 = arith.constant 14 : i32
      %add3A_1038 = arith.addi %mul3A_107, %add3A_1037 : i32
      %get3A_1039 = arith.index_cast %add3A_1038 : i32 to index
      %get3A_1040 = arith.constant 48 : index
      %get3A_1041 = tpu.vector_load %arg8[%get3A_1039, %get3A_1040] {strides = array<i32>} : memref<256x128xf32, #tpu.memory_space<vmem>>, vector<16xf32>,
      %mul3A_1042 = arith.mulf %get3A_1041, %get3A_27 : vector<16xf32>
      %add3A_1043 = arith.constant 14 : i32
      %add3A_1044 = arith.addi %mul3A_107, %add3A_1043 : i32
      %get3A_1045 = arith.index_cast %add3A_1044 : i32 to index
      %get3A_1046 = arith.constant 64 : index
      %get3A_1047 = tpu.vector_load %arg8[%get3A_1045, %get3A_1046] {strides = array<i32>} : memref<256x128xf32, #tpu.memory_space<vmem>>, vector<16xf32>,
      %mul3A_1048 = arith.mulf %get3A_1047, %get3A_29 : vector<16xf32>
      %add3A_1049 = arith.constant 14 : i32
      %add3A_1050 = arith.addi %mul3A_107, %add3A_1049 : i32
      %get3A_1051 = arith.index_cast %add3A_1050 : i32 to index
      %get3A_1052 = arith.constant 80 : index
      %get3A_1053 = tpu.vector_load %arg8[%get3A_1051, %get3A_1052] {strides = array<i32>} : memref<256x128xf32, #tpu.memory_space<vmem>>, vector<16xf32>,
      %mul3A_1054 = arith.mulf %get3A_1053, %get3A_31 : vector<16xf32>
      %add3A_1055 = arith.constant 14 : i32
      %add3A_1056 = arith.addi %mul3A_107, %add3A_1055 : i32
      %get3A_1057 = arith.index_cast %add3A_1056 : i32 to index
      %get3A_1058 = arith.constant 96 : index
      %get3A_1059 = tpu.vector_load %arg8[%get3A_1057, %get3A_1058] {strides = array<i32>} : memref<256x128xf32, #tpu.memory_space<vmem>>, vector<16xf32>,
      %mul3A_1060 = arith.mulf %get3A_1059, %get3A_33 : vector<16xf32>
      %add3A_1061 = arith.constant 14 : i32
      %add3A_1062 = arith.addi %mul3A_107, %add3A_1061 : i32
      %get3A_1063 = arith.index_cast %add3A_1062 : i32 to index
      %get3A_1064 = arith.constant 112 : index
      %get3A_1065 = tpu.vector_load %arg8[%get3A_1063, %get3A_1064] {strides = array<i32>} : memref<256x128xf32, #tpu.memory_space<vmem>>, vector<16xf32>,
      %mul3A_1066 = arith.mulf %get3A_1065, %get3A_35 : vector<16xf32>
      %add3A_1067 = arith.addf %mul3A_1024, %mul3A_1030 : vector<16xf32>
      %add3A_1068 = arith.addf %mul3A_1036, %mul3A_1042 : vector<16xf32>
      %add3A_1069 = arith.addf %add3A_1067, %add3A_1068 : vector<16xf32>
      %add3A_1070 = arith.addf %mul3A_1048, %mul3A_1054 : vector<16xf32>
      %add3A_1071 = arith.addf %mul3A_1060, %mul3A_1066 : vector<16xf32>
      %add3A_1072 = arith.addf %add3A_1070, %add3A_1071 : vector<16xf32>
      %add3A_1073 = arith.addf %add3A_1069, %add3A_1072 : vector<16xf32>
      %eq3A_1074 = arith.constant 14 : i32
      %eq3A_1075 = vector.broadcast %eq3A_1074 : i32 to vector<16xi32>
      %eq3A_1076 = arith.cmpi eq, %iota3A, %eq3A_1075 : vector<16xi32>
      %reduce_sum3A_1077 = arith.constant true
      %reduce_sum3A_1078 = vector.broadcast %reduce_sum3A_1077 : i1 to vector<16xi1>
      %reduce_sum3A_1079 = tpu.scan <sum>, %add3A_1073 masked %reduce_sum3A_1078 : vector<16xf32>, vector<16xi1> -> vector<16xf32>
      %reduce_sum3A_1080 = vector.extract %reduce_sum3A_1079[15] : f32 from vector<16xf32>
      %add3A_1081 = vector.broadcast %reduce_sum3A_1080 : f32 to vector<16xf32>
      %add3A_1082 = arith.addf %select_n3A_1018, %add3A_1081 : vector<16xf32>
      %select_n3A_1083 = arith.select %eq3A_1076, %add3A_1082, %select_n3A_1018 : vector<16xi1>, vector<16xf32>
      %add3A_1084 = arith.constant 15 : i32
      %add3A_1085 = arith.addi %mul3A_107, %add3A_1084 : i32
      %get3A_1086 = arith.index_cast %add3A_1085 : i32 to index
      %get3A_1087 = arith.constant 0 : index
      %get3A_1088 = tpu.vector_load %arg8[%get3A_1086, %get3A_1087] {strides = array<i32>} : memref<256x128xf32, #tpu.memory_space<vmem>>, vector<16xf32>,
      %mul3A_1089 = arith.mulf %get3A_1088, %get3A_21 : vector<16xf32>
      %add3A_1090 = arith.constant 15 : i32
      %add3A_1091 = arith.addi %mul3A_107, %add3A_1090 : i32
      %get3A_1092 = arith.index_cast %add3A_1091 : i32 to index
      %get3A_1093 = arith.constant 16 : index
      %get3A_1094 = tpu.vector_load %arg8[%get3A_1092, %get3A_1093] {strides = array<i32>} : memref<256x128xf32, #tpu.memory_space<vmem>>, vector<16xf32>,
      %mul3A_1095 = arith.mulf %get3A_1094, %get3A_23 : vector<16xf32>
      %add3A_1096 = arith.constant 15 : i32
      %add3A_1097 = arith.addi %mul3A_107, %add3A_1096 : i32
      %get3A_1098 = arith.index_cast %add3A_1097 : i32 to index
      %get3A_1099 = arith.constant 32 : index
      %get3A_1100 = tpu.vector_load %arg8[%get3A_1098, %get3A_1099] {strides = array<i32>} : memref<256x128xf32, #tpu.memory_space<vmem>>, vector<16xf32>,
      %mul3A_1101 = arith.mulf %get3A_1100, %get3A_25 : vector<16xf32>
      %add3A_1102 = arith.constant 15 : i32
      %add3A_1103 = arith.addi %mul3A_107, %add3A_1102 : i32
      %get3A_1104 = arith.index_cast %add3A_1103 : i32 to index
      %get3A_1105 = arith.constant 48 : index
      %get3A_1106 = tpu.vector_load %arg8[%get3A_1104, %get3A_1105] {strides = array<i32>} : memref<256x128xf32, #tpu.memory_space<vmem>>, vector<16xf32>,
      %mul3A_1107 = arith.mulf %get3A_1106, %get3A_27 : vector<16xf32>
      %add3A_1108 = arith.constant 15 : i32
      %add3A_1109 = arith.addi %mul3A_107, %add3A_1108 : i32
      %get3A_1110 = arith.index_cast %add3A_1109 : i32 to index
      %get3A_1111 = arith.constant 64 : index
      %get3A_1112 = tpu.vector_load %arg8[%get3A_1110, %get3A_1111] {strides = array<i32>} : memref<256x128xf32, #tpu.memory_space<vmem>>, vector<16xf32>,
      %mul3A_1113 = arith.mulf %get3A_1112, %get3A_29 : vector<16xf32>
      %add3A_1114 = arith.constant 15 : i32
      %add3A_1115 = arith.addi %mul3A_107, %add3A_1114 : i32
      %get3A_1116 = arith.index_cast %add3A_1115 : i32 to index
      %get3A_1117 = arith.constant 80 : index
      %get3A_1118 = tpu.vector_load %arg8[%get3A_1116, %get3A_1117] {strides = array<i32>} : memref<256x128xf32, #tpu.memory_space<vmem>>, vector<16xf32>,
      %mul3A_1119 = arith.mulf %get3A_1118, %get3A_31 : vector<16xf32>
      %add3A_1120 = arith.constant 15 : i32
      %add3A_1121 = arith.addi %mul3A_107, %add3A_1120 : i32
      %get3A_1122 = arith.index_cast %add3A_1121 : i32 to index
      %get3A_1123 = arith.constant 96 : index
      %get3A_1124 = tpu.vector_load %arg8[%get3A_1122, %get3A_1123] {strides = array<i32>} : memref<256x128xf32, #tpu.memory_space<vmem>>, vector<16xf32>,
      %mul3A_1125 = arith.mulf %get3A_1124, %get3A_33 : vector<16xf32>
      %add3A_1126 = arith.constant 15 : i32
      %add3A_1127 = arith.addi %mul3A_107, %add3A_1126 : i32
      %get3A_1128 = arith.index_cast %add3A_1127 : i32 to index
      %get3A_1129 = arith.constant 112 : index
      %get3A_1130 = tpu.vector_load %arg8[%get3A_1128, %get3A_1129] {strides = array<i32>} : memref<256x128xf32, #tpu.memory_space<vmem>>, vector<16xf32>,
      %mul3A_1131 = arith.mulf %get3A_1130, %get3A_35 : vector<16xf32>
      %add3A_1132 = arith.addf %mul3A_1089, %mul3A_1095 : vector<16xf32>
      %add3A_1133 = arith.addf %mul3A_1101, %mul3A_1107 : vector<16xf32>
      %add3A_1134 = arith.addf %add3A_1132, %add3A_1133 : vector<16xf32>
      %add3A_1135 = arith.addf %mul3A_1113, %mul3A_1119 : vector<16xf32>
      %add3A_1136 = arith.addf %mul3A_1125, %mul3A_1131 : vector<16xf32>
      %add3A_1137 = arith.addf %add3A_1135, %add3A_1136 : vector<16xf32>
      %add3A_1138 = arith.addf %add3A_1134, %add3A_1137 : vector<16xf32>
      %eq3A_1139 = arith.constant 15 : i32
      %eq3A_1140 = vector.broadcast %eq3A_1139 : i32 to vector<16xi32>
      %eq3A_1141 = arith.cmpi eq, %iota3A, %eq3A_1140 : vector<16xi32>
      %reduce_sum3A_1142 = arith.constant true
      %reduce_sum3A_1143 = vector.broadcast %reduce_sum3A_1142 : i1 to vector<16xi1>
      %reduce_sum3A_1144 = tpu.scan <sum>, %add3A_1138 masked %reduce_sum3A_1143 : vector<16xf32>, vector<16xi1> -> vector<16xf32>
      %reduce_sum3A_1145 = vector.extract %reduce_sum3A_1144[15] : f32 from vector<16xf32>
      %add3A_1146 = vector.broadcast %reduce_sum3A_1145 : f32 to vector<16xf32>
      %add3A_1147 = arith.addf %select_n3A_1083, %add3A_1146 : vector<16xf32>
      %select_n3A_1148 = arith.select %eq3A_1141, %add3A_1147, %select_n3A_1083 : vector<16xi1>, vector<16xf32>
      %add3A_1149 = arith.constant 0 : i32
      %add3A_1150 = arith.addi %add3A_1149, %mul3A_107 : i32
      %swap3A = arith.index_cast %add3A_1150 : i32 to index
      %swap3A_1151 = tpu.vector_load %arg10[%swap3A] {strides = array<i32>} : memref<768xf32, #tpu.memory_space<vmem>>, vector<16xf32>,
      tpu.vector_store %arg10[%swap3A], %select_n3A_1148 {strides = array<i32>} : memref<768xf32, #tpu.memory_space<vmem>>, vector<16xf32>,
    }
    %scan3A_40 = arith.constant 16 : i32
    %add3A_41 = arith.constant 512 : i32
    %add3A_42 = arith.addi %add3A_4, %add3A_41 : i32
    %dma_start3A_43 = arith.constant 0 : i32
    %dma_start3A_44 = tpu.memref_slice %arg2[%add3A_42, %dma_start3A_43] : memref<100000x128xf32, #tpu.memory_space<hbm>> -> memref<256x128xf32, #tpu.memory_space<hbm>>
    %dma_start3A_45 = arith.constant 0 : i32
    %dma_start3A_46 = tpu.memref_slice %arg2[%add3A_42, %dma_start3A_45] : memref<100000x128xf32, #tpu.memory_space<hbm>> -> memref<256x128xf32, #tpu.memory_space<hbm>>
    tpu.enqueue_dma source(%dma_start3A_46 : memref<256x128xf32, #tpu.memory_space<hbm>>) target(%arg8 : memref<256x128xf32, #tpu.memory_space<vmem>>) target_semaphore(%arg11 : memref<!tpu.dma_semaphore, #tpu.memory_space<semaphore_mem>>)
    %add3A_47 = arith.constant 256 : i32
    %add3A_48 = arith.addi %add3A_4, %add3A_47 : i32
    %dma_wait3A_49 = arith.constant 0 : i32
    %dma_wait3A_50 = tpu.memref_slice %arg2[%add3A_48, %dma_wait3A_49] : memref<100000x128xf32, #tpu.memory_space<hbm>> -> memref<256x128xf32, #tpu.memory_space<hbm>>
    %dma_wait3A_51 = arith.constant 0 : i32
    %dma_wait3A_52 = tpu.memref_slice %arg2[%add3A_48, %dma_wait3A_51] : memref<100000x128xf32, #tpu.memory_space<hbm>> -> memref<256x128xf32, #tpu.memory_space<hbm>>
    tpu.wait_dma2 semaphore(%arg12 : memref<!tpu.dma_semaphore, #tpu.memory_space<semaphore_mem>>) src(%dma_wait3A_52 : memref<256x128xf32, #tpu.memory_space<hbm>>) dst(%arg9 : memref<256x128xf32, #tpu.memory_space<vmem>>)
    %get3A_53 = arith.constant 0 : index
    %get3A_54 = tpu.vector_load %arg6[%get3A_53] {strides = array<i32>} : memref<128xf32, #tpu.memory_space<vmem>>, vector<16xf32>,
    %get3A_55 = arith.constant 16 : index
    %get3A_56 = tpu.vector_load %arg6[%get3A_55] {strides = array<i32>} : memref<128xf32, #tpu.memory_space<vmem>>, vector<16xf32>,
    %get3A_57 = arith.constant 32 : index
    %get3A_58 = tpu.vector_load %arg6[%get3A_57] {strides = array<i32>} : memref<128xf32, #tpu.memory_space<vmem>>, vector<16xf32>,
    %get3A_59 = arith.constant 48 : index
    %get3A_60 = tpu.vector_load %arg6[%get3A_59] {strides = array<i32>} : memref<128xf32, #tpu.memory_space<vmem>>, vector<16xf32>,
    %get3A_61 = arith.constant 64 : index
    %get3A_62 = tpu.vector_load %arg6[%get3A_61] {strides = array<i32>} : memref<128xf32, #tpu.memory_space<vmem>>, vector<16xf32>,
    %get3A_63 = arith.constant 80 : index
    %get3A_64 = tpu.vector_load %arg6[%get3A_63] {strides = array<i32>} : memref<128xf32, #tpu.memory_space<vmem>>, vector<16xf32>,
    %get3A_65 = arith.constant 96 : index
    %get3A_66 = tpu.vector_load %arg6[%get3A_65] {strides = array<i32>} : memref<128xf32, #tpu.memory_space<vmem>>, vector<16xf32>,
    %get3A_67 = arith.constant 112 : index
    %get3A_68 = tpu.vector_load %arg6[%get3A_67] {strides = array<i32>} : memref<128xf32, #tpu.memory_space<vmem>>, vector<16xf32>,
    %scan3A_69 = arith.constant 0 : i32
    %scan3A_70 = arith.constant 0 : i32
    %scan3A_71 = arith.constant 16 : i32
    %scan3A_72 = arith.addi %scan3A_70, %scan3A_71 : i32
    %scan3A_73 = arith.constant 1 : i32
    scf.for %scan3A_105 = %scan3A_70 to %scan3A_72 step %scan3A_73  : i32 {
      %mul3A_106 = arith.constant 16 : i32
      %mul3A_107 = arith.muli %scan3A_105, %mul3A_106 : i32
      %add3A_108 = arith.constant 256 : i32
      %add3A_109 = arith.addi %add3A_108, %mul3A_107 : i32
      %get3A_110 = arith.index_cast %add3A_109 : i32 to index
      %get3A_111 = tpu.vector_load %arg7[%get3A_110] {strides = array<i32>} : memref<768xf32, #tpu.memory_space<vmem>>, vector<16xf32>,
      %add3A_112 = arith.constant 0 : i32
      %add3A_113 = arith.addi %mul3A_107, %add3A_112 : i32
      %get3A_114 = arith.index_cast %add3A_113 : i32 to index
      %get3A_115 = arith.constant 0 : index
      %get3A_116 = tpu.vector_load %arg9[%get3A_114, %get3A_115] {strides = array<i32>} : memref<256x128xf32, #tpu.memory_space<vmem>>, vector<16xf32>,
      %mul3A_117 = arith.mulf %get3A_116, %get3A_54 : vector<16xf32>
      %add3A_118 = arith.constant 0 : i32
      %add3A_119 = arith.addi %mul3A_107, %add3A_118 : i32
      %get3A_120 = arith.index_cast %add3A_119 : i32 to index
      %get3A_121 = arith.constant 16 : index
      %get3A_122 = tpu.vector_load %arg9[%get3A_120, %get3A_121] {strides = array<i32>} : memref<256x128xf32, #tpu.memory_space<vmem>>, vector<16xf32>,
      %mul3A_123 = arith.mulf %get3A_122, %get3A_56 : vector<16xf32>
      %add3A_124 = arith.constant 0 : i32
      %add3A_125 = arith.addi %mul3A_107, %add3A_124 : i32
      %get3A_126 = arith.index_cast %add3A_125 : i32 to index
      %get3A_127 = arith.constant 32 : index
      %get3A_128 = tpu.vector_load %arg9[%get3A_126, %get3A_127] {strides = array<i32>} : memref<256x128xf32, #tpu.memory_space<vmem>>, vector<16xf32>,
      %mul3A_129 = arith.mulf %get3A_128, %get3A_58 : vector<16xf32>
      %add3A_130 = arith.constant 0 : i32
      %add3A_131 = arith.addi %mul3A_107, %add3A_130 : i32
      %get3A_132 = arith.index_cast %add3A_131 : i32 to index
      %get3A_133 = arith.constant 48 : index
      %get3A_134 = tpu.vector_load %arg9[%get3A_132, %get3A_133] {strides = array<i32>} : memref<256x128xf32, #tpu.memory_space<vmem>>, vector<16xf32>,
      %mul3A_135 = arith.mulf %get3A_134, %get3A_60 : vector<16xf32>
      %add3A_136 = arith.constant 0 : i32
      %add3A_137 = arith.addi %mul3A_107, %add3A_136 : i32
      %get3A_138 = arith.index_cast %add3A_137 : i32 to index
      %get3A_139 = arith.constant 64 : index
      %get3A_140 = tpu.vector_load %arg9[%get3A_138, %get3A_139] {strides = array<i32>} : memref<256x128xf32, #tpu.memory_space<vmem>>, vector<16xf32>,
      %mul3A_141 = arith.mulf %get3A_140, %get3A_62 : vector<16xf32>
      %add3A_142 = arith.constant 0 : i32
      %add3A_143 = arith.addi %mul3A_107, %add3A_142 : i32
      %get3A_144 = arith.index_cast %add3A_143 : i32 to index
      %get3A_145 = arith.constant 80 : index
      %get3A_146 = tpu.vector_load %arg9[%get3A_144, %get3A_145] {strides = array<i32>} : memref<256x128xf32, #tpu.memory_space<vmem>>, vector<16xf32>,
      %mul3A_147 = arith.mulf %get3A_146, %get3A_64 : vector<16xf32>
      %add3A_148 = arith.constant 0 : i32
      %add3A_149 = arith.addi %mul3A_107, %add3A_148 : i32
      %get3A_150 = arith.index_cast %add3A_149 : i32 to index
      %get3A_151 = arith.constant 96 : index
      %get3A_152 = tpu.vector_load %arg9[%get3A_150, %get3A_151] {strides = array<i32>} : memref<256x128xf32, #tpu.memory_space<vmem>>, vector<16xf32>,
      %mul3A_153 = arith.mulf %get3A_152, %get3A_66 : vector<16xf32>
      %add3A_154 = arith.constant 0 : i32
      %add3A_155 = arith.addi %mul3A_107, %add3A_154 : i32
      %get3A_156 = arith.index_cast %add3A_155 : i32 to index
      %get3A_157 = arith.constant 112 : index
      %get3A_158 = tpu.vector_load %arg9[%get3A_156, %get3A_157] {strides = array<i32>} : memref<256x128xf32, #tpu.memory_space<vmem>>, vector<16xf32>,
      %mul3A_159 = arith.mulf %get3A_158, %get3A_68 : vector<16xf32>
      %add3A_160 = arith.addf %mul3A_117, %mul3A_123 : vector<16xf32>
      %add3A_161 = arith.addf %mul3A_129, %mul3A_135 : vector<16xf32>
      %add3A_162 = arith.addf %add3A_160, %add3A_161 : vector<16xf32>
      %add3A_163 = arith.addf %mul3A_141, %mul3A_147 : vector<16xf32>
      %add3A_164 = arith.addf %mul3A_153, %mul3A_159 : vector<16xf32>
      %add3A_165 = arith.addf %add3A_163, %add3A_164 : vector<16xf32>
      %add3A_166 = arith.addf %add3A_162, %add3A_165 : vector<16xf32>
      %eq3A = arith.constant 0 : i32
      %eq3A_167 = vector.broadcast %eq3A : i32 to vector<16xi32>
      %eq3A_168 = arith.cmpi eq, %iota3A, %eq3A_167 : vector<16xi32>
      %reduce_sum3A = arith.constant true
      %reduce_sum3A_169 = vector.broadcast %reduce_sum3A : i1 to vector<16xi1>
      %reduce_sum3A_170 = tpu.scan <sum>, %add3A_166 masked %reduce_sum3A_169 : vector<16xf32>, vector<16xi1> -> vector<16xf32>
      %reduce_sum3A_171 = vector.extract %reduce_sum3A_170[15] : f32 from vector<16xf32>
      %add3A_172 = vector.broadcast %reduce_sum3A_171 : f32 to vector<16xf32>
      %add3A_173 = arith.addf %get3A_111, %add3A_172 : vector<16xf32>
      %select_n3A = arith.select %eq3A_168, %add3A_173, %get3A_111 : vector<16xi1>, vector<16xf32>
      %add3A_174 = arith.constant 1 : i32
      %add3A_175 = arith.addi %mul3A_107, %add3A_174 : i32
      %get3A_176 = arith.index_cast %add3A_175 : i32 to index
      %get3A_177 = arith.constant 0 : index
      %get3A_178 = tpu.vector_load %arg9[%get3A_176, %get3A_177] {strides = array<i32>} : memref<256x128xf32, #tpu.memory_space<vmem>>, vector<16xf32>,
      %mul3A_179 = arith.mulf %get3A_178, %get3A_54 : vector<16xf32>
      %add3A_180 = arith.constant 1 : i32
      %add3A_181 = arith.addi %mul3A_107, %add3A_180 : i32
      %get3A_182 = arith.index_cast %add3A_181 : i32 to index
      %get3A_183 = arith.constant 16 : index
      %get3A_184 = tpu.vector_load %arg9[%get3A_182, %get3A_183] {strides = array<i32>} : memref<256x128xf32, #tpu.memory_space<vmem>>, vector<16xf32>,
      %mul3A_185 = arith.mulf %get3A_184, %get3A_56 : vector<16xf32>
      %add3A_186 = arith.constant 1 : i32
      %add3A_187 = arith.addi %mul3A_107, %add3A_186 : i32
      %get3A_188 = arith.index_cast %add3A_187 : i32 to index
      %get3A_189 = arith.constant 32 : index
      %get3A_190 = tpu.vector_load %arg9[%get3A_188, %get3A_189] {strides = array<i32>} : memref<256x128xf32, #tpu.memory_space<vmem>>, vector<16xf32>,
      %mul3A_191 = arith.mulf %get3A_190, %get3A_58 : vector<16xf32>
      %add3A_192 = arith.constant 1 : i32
      %add3A_193 = arith.addi %mul3A_107, %add3A_192 : i32
      %get3A_194 = arith.index_cast %add3A_193 : i32 to index
      %get3A_195 = arith.constant 48 : index
      %get3A_196 = tpu.vector_load %arg9[%get3A_194, %get3A_195] {strides = array<i32>} : memref<256x128xf32, #tpu.memory_space<vmem>>, vector<16xf32>,
      %mul3A_197 = arith.mulf %get3A_196, %get3A_60 : vector<16xf32>
      %add3A_198 = arith.constant 1 : i32
      %add3A_199 = arith.addi %mul3A_107, %add3A_198 : i32
      %get3A_200 = arith.index_cast %add3A_199 : i32 to index
      %get3A_201 = arith.constant 64 : index
      %get3A_202 = tpu.vector_load %arg9[%get3A_200, %get3A_201] {strides = array<i32>} : memref<256x128xf32, #tpu.memory_space<vmem>>, vector<16xf32>,
      %mul3A_203 = arith.mulf %get3A_202, %get3A_62 : vector<16xf32>
      %add3A_204 = arith.constant 1 : i32
      %add3A_205 = arith.addi %mul3A_107, %add3A_204 : i32
      %get3A_206 = arith.index_cast %add3A_205 : i32 to index
      %get3A_207 = arith.constant 80 : index
      %get3A_208 = tpu.vector_load %arg9[%get3A_206, %get3A_207] {strides = array<i32>} : memref<256x128xf32, #tpu.memory_space<vmem>>, vector<16xf32>,
      %mul3A_209 = arith.mulf %get3A_208, %get3A_64 : vector<16xf32>
      %add3A_210 = arith.constant 1 : i32
      %add3A_211 = arith.addi %mul3A_107, %add3A_210 : i32
      %get3A_212 = arith.index_cast %add3A_211 : i32 to index
      %get3A_213 = arith.constant 96 : index
      %get3A_214 = tpu.vector_load %arg9[%get3A_212, %get3A_213] {strides = array<i32>} : memref<256x128xf32, #tpu.memory_space<vmem>>, vector<16xf32>,
      %mul3A_215 = arith.mulf %get3A_214, %get3A_66 : vector<16xf32>
      %add3A_216 = arith.constant 1 : i32
      %add3A_217 = arith.addi %mul3A_107, %add3A_216 : i32
      %get3A_218 = arith.index_cast %add3A_217 : i32 to index
      %get3A_219 = arith.constant 112 : index
      %get3A_220 = tpu.vector_load %arg9[%get3A_218, %get3A_219] {strides = array<i32>} : memref<256x128xf32, #tpu.memory_space<vmem>>, vector<16xf32>,
      %mul3A_221 = arith.mulf %get3A_220, %get3A_68 : vector<16xf32>
      %add3A_222 = arith.addf %mul3A_179, %mul3A_185 : vector<16xf32>
      %add3A_223 = arith.addf %mul3A_191, %mul3A_197 : vector<16xf32>
      %add3A_224 = arith.addf %add3A_222, %add3A_223 : vector<16xf32>
      %add3A_225 = arith.addf %mul3A_203, %mul3A_209 : vector<16xf32>
      %add3A_226 = arith.addf %mul3A_215, %mul3A_221 : vector<16xf32>
      %add3A_227 = arith.addf %add3A_225, %add3A_226 : vector<16xf32>
      %add3A_228 = arith.addf %add3A_224, %add3A_227 : vector<16xf32>
      %eq3A_229 = arith.constant 1 : i32
      %eq3A_230 = vector.broadcast %eq3A_229 : i32 to vector<16xi32>
      %eq3A_231 = arith.cmpi eq, %iota3A, %eq3A_230 : vector<16xi32>
      %reduce_sum3A_232 = arith.constant true
      %reduce_sum3A_233 = vector.broadcast %reduce_sum3A_232 : i1 to vector<16xi1>
      %reduce_sum3A_234 = tpu.scan <sum>, %add3A_228 masked %reduce_sum3A_233 : vector<16xf32>, vector<16xi1> -> vector<16xf32>
      %reduce_sum3A_235 = vector.extract %reduce_sum3A_234[15] : f32 from vector<16xf32>
      %add3A_236 = vector.broadcast %reduce_sum3A_235 : f32 to vector<16xf32>
      %add3A_237 = arith.addf %select_n3A, %add3A_236 : vector<16xf32>
      %select_n3A_238 = arith.select %eq3A_231, %add3A_237, %select_n3A : vector<16xi1>, vector<16xf32>
      %add3A_239 = arith.constant 2 : i32
      %add3A_240 = arith.addi %mul3A_107, %add3A_239 : i32
      %get3A_241 = arith.index_cast %add3A_240 : i32 to index
      %get3A_242 = arith.constant 0 : index
      %get3A_243 = tpu.vector_load %arg9[%get3A_241, %get3A_242] {strides = array<i32>} : memref<256x128xf32, #tpu.memory_space<vmem>>, vector<16xf32>,
      %mul3A_244 = arith.mulf %get3A_243, %get3A_54 : vector<16xf32>
      %add3A_245 = arith.constant 2 : i32
      %add3A_246 = arith.addi %mul3A_107, %add3A_245 : i32
      %get3A_247 = arith.index_cast %add3A_246 : i32 to index
      %get3A_248 = arith.constant 16 : index
      %get3A_249 = tpu.vector_load %arg9[%get3A_247, %get3A_248] {strides = array<i32>} : memref<256x128xf32, #tpu.memory_space<vmem>>, vector<16xf32>,
      %mul3A_250 = arith.mulf %get3A_249, %get3A_56 : vector<16xf32>
      %add3A_251 = arith.constant 2 : i32
      %add3A_252 = arith.addi %mul3A_107, %add3A_251 : i32
      %get3A_253 = arith.index_cast %add3A_252 : i32 to index
      %get3A_254 = arith.constant 32 : index
      %get3A_255 = tpu.vector_load %arg9[%get3A_253, %get3A_254] {strides = array<i32>} : memref<256x128xf32, #tpu.memory_space<vmem>>, vector<16xf32>,
      %mul3A_256 = arith.mulf %get3A_255, %get3A_58 : vector<16xf32>
      %add3A_257 = arith.constant 2 : i32
      %add3A_258 = arith.addi %mul3A_107, %add3A_257 : i32
      %get3A_259 = arith.index_cast %add3A_258 : i32 to index
      %get3A_260 = arith.constant 48 : index
      %get3A_261 = tpu.vector_load %arg9[%get3A_259, %get3A_260] {strides = array<i32>} : memref<256x128xf32, #tpu.memory_space<vmem>>, vector<16xf32>,
      %mul3A_262 = arith.mulf %get3A_261, %get3A_60 : vector<16xf32>
      %add3A_263 = arith.constant 2 : i32
      %add3A_264 = arith.addi %mul3A_107, %add3A_263 : i32
      %get3A_265 = arith.index_cast %add3A_264 : i32 to index
      %get3A_266 = arith.constant 64 : index
      %get3A_267 = tpu.vector_load %arg9[%get3A_265, %get3A_266] {strides = array<i32>} : memref<256x128xf32, #tpu.memory_space<vmem>>, vector<16xf32>,
      %mul3A_268 = arith.mulf %get3A_267, %get3A_62 : vector<16xf32>
      %add3A_269 = arith.constant 2 : i32
      %add3A_270 = arith.addi %mul3A_107, %add3A_269 : i32
      %get3A_271 = arith.index_cast %add3A_270 : i32 to index
      %get3A_272 = arith.constant 80 : index
      %get3A_273 = tpu.vector_load %arg9[%get3A_271, %get3A_272] {strides = array<i32>} : memref<256x128xf32, #tpu.memory_space<vmem>>, vector<16xf32>,
      %mul3A_274 = arith.mulf %get3A_273, %get3A_64 : vector<16xf32>
      %add3A_275 = arith.constant 2 : i32
      %add3A_276 = arith.addi %mul3A_107, %add3A_275 : i32
      %get3A_277 = arith.index_cast %add3A_276 : i32 to index
      %get3A_278 = arith.constant 96 : index
      %get3A_279 = tpu.vector_load %arg9[%get3A_277, %get3A_278] {strides = array<i32>} : memref<256x128xf32, #tpu.memory_space<vmem>>, vector<16xf32>,
      %mul3A_280 = arith.mulf %get3A_279, %get3A_66 : vector<16xf32>
      %add3A_281 = arith.constant 2 : i32
      %add3A_282 = arith.addi %mul3A_107, %add3A_281 : i32
      %get3A_283 = arith.index_cast %add3A_282 : i32 to index
      %get3A_284 = arith.constant 112 : index
      %get3A_285 = tpu.vector_load %arg9[%get3A_283, %get3A_284] {strides = array<i32>} : memref<256x128xf32, #tpu.memory_space<vmem>>, vector<16xf32>,
      %mul3A_286 = arith.mulf %get3A_285, %get3A_68 : vector<16xf32>
      %add3A_287 = arith.addf %mul3A_244, %mul3A_250 : vector<16xf32>
      %add3A_288 = arith.addf %mul3A_256, %mul3A_262 : vector<16xf32>
      %add3A_289 = arith.addf %add3A_287, %add3A_288 : vector<16xf32>
      %add3A_290 = arith.addf %mul3A_268, %mul3A_274 : vector<16xf32>
      %add3A_291 = arith.addf %mul3A_280, %mul3A_286 : vector<16xf32>
      %add3A_292 = arith.addf %add3A_290, %add3A_291 : vector<16xf32>
      %add3A_293 = arith.addf %add3A_289, %add3A_292 : vector<16xf32>
      %eq3A_294 = arith.constant 2 : i32
      %eq3A_295 = vector.broadcast %eq3A_294 : i32 to vector<16xi32>
      %eq3A_296 = arith.cmpi eq, %iota3A, %eq3A_295 : vector<16xi32>
      %reduce_sum3A_297 = arith.constant true
      %reduce_sum3A_298 = vector.broadcast %reduce_sum3A_297 : i1 to vector<16xi1>
      %reduce_sum3A_299 = tpu.scan <sum>, %add3A_293 masked %reduce_sum3A_298 : vector<16xf32>, vector<16xi1> -> vector<16xf32>
      %reduce_sum3A_300 = vector.extract %reduce_sum3A_299[15] : f32 from vector<16xf32>
      %add3A_301 = vector.broadcast %reduce_sum3A_300 : f32 to vector<16xf32>
      %add3A_302 = arith.addf %select_n3A_238, %add3A_301 : vector<16xf32>
      %select_n3A_303 = arith.select %eq3A_296, %add3A_302, %select_n3A_238 : vector<16xi1>, vector<16xf32>
      %add3A_304 = arith.constant 3 : i32
      %add3A_305 = arith.addi %mul3A_107, %add3A_304 : i32
      %get3A_306 = arith.index_cast %add3A_305 : i32 to index
      %get3A_307 = arith.constant 0 : index
      %get3A_308 = tpu.vector_load %arg9[%get3A_306, %get3A_307] {strides = array<i32>} : memref<256x128xf32, #tpu.memory_space<vmem>>, vector<16xf32>,
      %mul3A_309 = arith.mulf %get3A_308, %get3A_54 : vector<16xf32>
      %add3A_310 = arith.constant 3 : i32
      %add3A_311 = arith.addi %mul3A_107, %add3A_310 : i32
      %get3A_312 = arith.index_cast %add3A_311 : i32 to index
      %get3A_313 = arith.constant 16 : index
      %get3A_314 = tpu.vector_load %arg9[%get3A_312, %get3A_313] {strides = array<i32>} : memref<256x128xf32, #tpu.memory_space<vmem>>, vector<16xf32>,
      %mul3A_315 = arith.mulf %get3A_314, %get3A_56 : vector<16xf32>
      %add3A_316 = arith.constant 3 : i32
      %add3A_317 = arith.addi %mul3A_107, %add3A_316 : i32
      %get3A_318 = arith.index_cast %add3A_317 : i32 to index
      %get3A_319 = arith.constant 32 : index
      %get3A_320 = tpu.vector_load %arg9[%get3A_318, %get3A_319] {strides = array<i32>} : memref<256x128xf32, #tpu.memory_space<vmem>>, vector<16xf32>,
      %mul3A_321 = arith.mulf %get3A_320, %get3A_58 : vector<16xf32>
      %add3A_322 = arith.constant 3 : i32
      %add3A_323 = arith.addi %mul3A_107, %add3A_322 : i32
      %get3A_324 = arith.index_cast %add3A_323 : i32 to index
      %get3A_325 = arith.constant 48 : index
      %get3A_326 = tpu.vector_load %arg9[%get3A_324, %get3A_325] {strides = array<i32>} : memref<256x128xf32, #tpu.memory_space<vmem>>, vector<16xf32>,
      %mul3A_327 = arith.mulf %get3A_326, %get3A_60 : vector<16xf32>
      %add3A_328 = arith.constant 3 : i32
      %add3A_329 = arith.addi %mul3A_107, %add3A_328 : i32
      %get3A_330 = arith.index_cast %add3A_329 : i32 to index
      %get3A_331 = arith.constant 64 : index
      %get3A_332 = tpu.vector_load %arg9[%get3A_330, %get3A_331] {strides = array<i32>} : memref<256x128xf32, #tpu.memory_space<vmem>>, vector<16xf32>,
      %mul3A_333 = arith.mulf %get3A_332, %get3A_62 : vector<16xf32>
      %add3A_334 = arith.constant 3 : i32
      %add3A_335 = arith.addi %mul3A_107, %add3A_334 : i32
      %get3A_336 = arith.index_cast %add3A_335 : i32 to index
      %get3A_337 = arith.constant 80 : index
      %get3A_338 = tpu.vector_load %arg9[%get3A_336, %get3A_337] {strides = array<i32>} : memref<256x128xf32, #tpu.memory_space<vmem>>, vector<16xf32>,
      %mul3A_339 = arith.mulf %get3A_338, %get3A_64 : vector<16xf32>
      %add3A_340 = arith.constant 3 : i32
      %add3A_341 = arith.addi %mul3A_107, %add3A_340 : i32
      %get3A_342 = arith.index_cast %add3A_341 : i32 to index
      %get3A_343 = arith.constant 96 : index
      %get3A_344 = tpu.vector_load %arg9[%get3A_342, %get3A_343] {strides = array<i32>} : memref<256x128xf32, #tpu.memory_space<vmem>>, vector<16xf32>,
      %mul3A_345 = arith.mulf %get3A_344, %get3A_66 : vector<16xf32>
      %add3A_346 = arith.constant 3 : i32
      %add3A_347 = arith.addi %mul3A_107, %add3A_346 : i32
      %get3A_348 = arith.index_cast %add3A_347 : i32 to index
      %get3A_349 = arith.constant 112 : index
      %get3A_350 = tpu.vector_load %arg9[%get3A_348, %get3A_349] {strides = array<i32>} : memref<256x128xf32, #tpu.memory_space<vmem>>, vector<16xf32>,
      %mul3A_351 = arith.mulf %get3A_350, %get3A_68 : vector<16xf32>
      %add3A_352 = arith.addf %mul3A_309, %mul3A_315 : vector<16xf32>
      %add3A_353 = arith.addf %mul3A_321, %mul3A_327 : vector<16xf32>
      %add3A_354 = arith.addf %add3A_352, %add3A_353 : vector<16xf32>
      %add3A_355 = arith.addf %mul3A_333, %mul3A_339 : vector<16xf32>
      %add3A_356 = arith.addf %mul3A_345, %mul3A_351 : vector<16xf32>
      %add3A_357 = arith.addf %add3A_355, %add3A_356 : vector<16xf32>
      %add3A_358 = arith.addf %add3A_354, %add3A_357 : vector<16xf32>
      %eq3A_359 = arith.constant 3 : i32
      %eq3A_360 = vector.broadcast %eq3A_359 : i32 to vector<16xi32>
      %eq3A_361 = arith.cmpi eq, %iota3A, %eq3A_360 : vector<16xi32>
      %reduce_sum3A_362 = arith.constant true
      %reduce_sum3A_363 = vector.broadcast %reduce_sum3A_362 : i1 to vector<16xi1>
      %reduce_sum3A_364 = tpu.scan <sum>, %add3A_358 masked %reduce_sum3A_363 : vector<16xf32>, vector<16xi1> -> vector<16xf32>
      %reduce_sum3A_365 = vector.extract %reduce_sum3A_364[15] : f32 from vector<16xf32>
      %add3A_366 = vector.broadcast %reduce_sum3A_365 : f32 to vector<16xf32>
      %add3A_367 = arith.addf %select_n3A_303, %add3A_366 : vector<16xf32>
      %select_n3A_368 = arith.select %eq3A_361, %add3A_367, %select_n3A_303 : vector<16xi1>, vector<16xf32>
      %add3A_369 = arith.constant 4 : i32
      %add3A_370 = arith.addi %mul3A_107, %add3A_369 : i32
      %get3A_371 = arith.index_cast %add3A_370 : i32 to index
      %get3A_372 = arith.constant 0 : index
      %get3A_373 = tpu.vector_load %arg9[%get3A_371, %get3A_372] {strides = array<i32>} : memref<256x128xf32, #tpu.memory_space<vmem>>, vector<16xf32>,
      %mul3A_374 = arith.mulf %get3A_373, %get3A_54 : vector<16xf32>
      %add3A_375 = arith.constant 4 : i32
      %add3A_376 = arith.addi %mul3A_107, %add3A_375 : i32
      %get3A_377 = arith.index_cast %add3A_376 : i32 to index
      %get3A_378 = arith.constant 16 : index
      %get3A_379 = tpu.vector_load %arg9[%get3A_377, %get3A_378] {strides = array<i32>} : memref<256x128xf32, #tpu.memory_space<vmem>>, vector<16xf32>,
      %mul3A_380 = arith.mulf %get3A_379, %get3A_56 : vector<16xf32>
      %add3A_381 = arith.constant 4 : i32
      %add3A_382 = arith.addi %mul3A_107, %add3A_381 : i32
      %get3A_383 = arith.index_cast %add3A_382 : i32 to index
      %get3A_384 = arith.constant 32 : index
      %get3A_385 = tpu.vector_load %arg9[%get3A_383, %get3A_384] {strides = array<i32>} : memref<256x128xf32, #tpu.memory_space<vmem>>, vector<16xf32>,
      %mul3A_386 = arith.mulf %get3A_385, %get3A_58 : vector<16xf32>
      %add3A_387 = arith.constant 4 : i32
      %add3A_388 = arith.addi %mul3A_107, %add3A_387 : i32
      %get3A_389 = arith.index_cast %add3A_388 : i32 to index
      %get3A_390 = arith.constant 48 : index
      %get3A_391 = tpu.vector_load %arg9[%get3A_389, %get3A_390] {strides = array<i32>} : memref<256x128xf32, #tpu.memory_space<vmem>>, vector<16xf32>,
      %mul3A_392 = arith.mulf %get3A_391, %get3A_60 : vector<16xf32>
      %add3A_393 = arith.constant 4 : i32
      %add3A_394 = arith.addi %mul3A_107, %add3A_393 : i32
      %get3A_395 = arith.index_cast %add3A_394 : i32 to index
      %get3A_396 = arith.constant 64 : index
      %get3A_397 = tpu.vector_load %arg9[%get3A_395, %get3A_396] {strides = array<i32>} : memref<256x128xf32, #tpu.memory_space<vmem>>, vector<16xf32>,
      %mul3A_398 = arith.mulf %get3A_397, %get3A_62 : vector<16xf32>
      %add3A_399 = arith.constant 4 : i32
      %add3A_400 = arith.addi %mul3A_107, %add3A_399 : i32
      %get3A_401 = arith.index_cast %add3A_400 : i32 to index
      %get3A_402 = arith.constant 80 : index
      %get3A_403 = tpu.vector_load %arg9[%get3A_401, %get3A_402] {strides = array<i32>} : memref<256x128xf32, #tpu.memory_space<vmem>>, vector<16xf32>,
      %mul3A_404 = arith.mulf %get3A_403, %get3A_64 : vector<16xf32>
      %add3A_405 = arith.constant 4 : i32
      %add3A_406 = arith.addi %mul3A_107, %add3A_405 : i32
      %get3A_407 = arith.index_cast %add3A_406 : i32 to index
      %get3A_408 = arith.constant 96 : index
      %get3A_409 = tpu.vector_load %arg9[%get3A_407, %get3A_408] {strides = array<i32>} : memref<256x128xf32, #tpu.memory_space<vmem>>, vector<16xf32>,
      %mul3A_410 = arith.mulf %get3A_409, %get3A_66 : vector<16xf32>
      %add3A_411 = arith.constant 4 : i32
      %add3A_412 = arith.addi %mul3A_107, %add3A_411 : i32
      %get3A_413 = arith.index_cast %add3A_412 : i32 to index
      %get3A_414 = arith.constant 112 : index
      %get3A_415 = tpu.vector_load %arg9[%get3A_413, %get3A_414] {strides = array<i32>} : memref<256x128xf32, #tpu.memory_space<vmem>>, vector<16xf32>,
      %mul3A_416 = arith.mulf %get3A_415, %get3A_68 : vector<16xf32>
      %add3A_417 = arith.addf %mul3A_374, %mul3A_380 : vector<16xf32>
      %add3A_418 = arith.addf %mul3A_386, %mul3A_392 : vector<16xf32>
      %add3A_419 = arith.addf %add3A_417, %add3A_418 : vector<16xf32>
      %add3A_420 = arith.addf %mul3A_398, %mul3A_404 : vector<16xf32>
      %add3A_421 = arith.addf %mul3A_410, %mul3A_416 : vector<16xf32>
      %add3A_422 = arith.addf %add3A_420, %add3A_421 : vector<16xf32>
      %add3A_423 = arith.addf %add3A_419, %add3A_422 : vector<16xf32>
      %eq3A_424 = arith.constant 4 : i32
      %eq3A_425 = vector.broadcast %eq3A_424 : i32 to vector<16xi32>
      %eq3A_426 = arith.cmpi eq, %iota3A, %eq3A_425 : vector<16xi32>
      %reduce_sum3A_427 = arith.constant true
      %reduce_sum3A_428 = vector.broadcast %reduce_sum3A_427 : i1 to vector<16xi1>
      %reduce_sum3A_429 = tpu.scan <sum>, %add3A_423 masked %reduce_sum3A_428 : vector<16xf32>, vector<16xi1> -> vector<16xf32>
      %reduce_sum3A_430 = vector.extract %reduce_sum3A_429[15] : f32 from vector<16xf32>
      %add3A_431 = vector.broadcast %reduce_sum3A_430 : f32 to vector<16xf32>
      %add3A_432 = arith.addf %select_n3A_368, %add3A_431 : vector<16xf32>
      %select_n3A_433 = arith.select %eq3A_426, %add3A_432, %select_n3A_368 : vector<16xi1>, vector<16xf32>
      %add3A_434 = arith.constant 5 : i32
      %add3A_435 = arith.addi %mul3A_107, %add3A_434 : i32
      %get3A_436 = arith.index_cast %add3A_435 : i32 to index
      %get3A_437 = arith.constant 0 : index
      %get3A_438 = tpu.vector_load %arg9[%get3A_436, %get3A_437] {strides = array<i32>} : memref<256x128xf32, #tpu.memory_space<vmem>>, vector<16xf32>,
      %mul3A_439 = arith.mulf %get3A_438, %get3A_54 : vector<16xf32>
      %add3A_440 = arith.constant 5 : i32
      %add3A_441 = arith.addi %mul3A_107, %add3A_440 : i32
      %get3A_442 = arith.index_cast %add3A_441 : i32 to index
      %get3A_443 = arith.constant 16 : index
      %get3A_444 = tpu.vector_load %arg9[%get3A_442, %get3A_443] {strides = array<i32>} : memref<256x128xf32, #tpu.memory_space<vmem>>, vector<16xf32>,
      %mul3A_445 = arith.mulf %get3A_444, %get3A_56 : vector<16xf32>
      %add3A_446 = arith.constant 5 : i32
      %add3A_447 = arith.addi %mul3A_107, %add3A_446 : i32
      %get3A_448 = arith.index_cast %add3A_447 : i32 to index
      %get3A_449 = arith.constant 32 : index
      %get3A_450 = tpu.vector_load %arg9[%get3A_448, %get3A_449] {strides = array<i32>} : memref<256x128xf32, #tpu.memory_space<vmem>>, vector<16xf32>,
      %mul3A_451 = arith.mulf %get3A_450, %get3A_58 : vector<16xf32>
      %add3A_452 = arith.constant 5 : i32
      %add3A_453 = arith.addi %mul3A_107, %add3A_452 : i32
      %get3A_454 = arith.index_cast %add3A_453 : i32 to index
      %get3A_455 = arith.constant 48 : index
      %get3A_456 = tpu.vector_load %arg9[%get3A_454, %get3A_455] {strides = array<i32>} : memref<256x128xf32, #tpu.memory_space<vmem>>, vector<16xf32>,
      %mul3A_457 = arith.mulf %get3A_456, %get3A_60 : vector<16xf32>
      %add3A_458 = arith.constant 5 : i32
      %add3A_459 = arith.addi %mul3A_107, %add3A_458 : i32
      %get3A_460 = arith.index_cast %add3A_459 : i32 to index
      %get3A_461 = arith.constant 64 : index
      %get3A_462 = tpu.vector_load %arg9[%get3A_460, %get3A_461] {strides = array<i32>} : memref<256x128xf32, #tpu.memory_space<vmem>>, vector<16xf32>,
      %mul3A_463 = arith.mulf %get3A_462, %get3A_62 : vector<16xf32>
      %add3A_464 = arith.constant 5 : i32
      %add3A_465 = arith.addi %mul3A_107, %add3A_464 : i32
      %get3A_466 = arith.index_cast %add3A_465 : i32 to index
      %get3A_467 = arith.constant 80 : index
      %get3A_468 = tpu.vector_load %arg9[%get3A_466, %get3A_467] {strides = array<i32>} : memref<256x128xf32, #tpu.memory_space<vmem>>, vector<16xf32>,
      %mul3A_469 = arith.mulf %get3A_468, %get3A_64 : vector<16xf32>
      %add3A_470 = arith.constant 5 : i32
      %add3A_471 = arith.addi %mul3A_107, %add3A_470 : i32
      %get3A_472 = arith.index_cast %add3A_471 : i32 to index
      %get3A_473 = arith.constant 96 : index
      %get3A_474 = tpu.vector_load %arg9[%get3A_472, %get3A_473] {strides = array<i32>} : memref<256x128xf32, #tpu.memory_space<vmem>>, vector<16xf32>,
      %mul3A_475 = arith.mulf %get3A_474, %get3A_66 : vector<16xf32>
      %add3A_476 = arith.constant 5 : i32
      %add3A_477 = arith.addi %mul3A_107, %add3A_476 : i32
      %get3A_478 = arith.index_cast %add3A_477 : i32 to index
      %get3A_479 = arith.constant 112 : index
      %get3A_480 = tpu.vector_load %arg9[%get3A_478, %get3A_479] {strides = array<i32>} : memref<256x128xf32, #tpu.memory_space<vmem>>, vector<16xf32>,
      %mul3A_481 = arith.mulf %get3A_480, %get3A_68 : vector<16xf32>
      %add3A_482 = arith.addf %mul3A_439, %mul3A_445 : vector<16xf32>
      %add3A_483 = arith.addf %mul3A_451, %mul3A_457 : vector<16xf32>
      %add3A_484 = arith.addf %add3A_482, %add3A_483 : vector<16xf32>
      %add3A_485 = arith.addf %mul3A_463, %mul3A_469 : vector<16xf32>
      %add3A_486 = arith.addf %mul3A_475, %mul3A_481 : vector<16xf32>
      %add3A_487 = arith.addf %add3A_485, %add3A_486 : vector<16xf32>
      %add3A_488 = arith.addf %add3A_484, %add3A_487 : vector<16xf32>
      %eq3A_489 = arith.constant 5 : i32
      %eq3A_490 = vector.broadcast %eq3A_489 : i32 to vector<16xi32>
      %eq3A_491 = arith.cmpi eq, %iota3A, %eq3A_490 : vector<16xi32>
      %reduce_sum3A_492 = arith.constant true
      %reduce_sum3A_493 = vector.broadcast %reduce_sum3A_492 : i1 to vector<16xi1>
      %reduce_sum3A_494 = tpu.scan <sum>, %add3A_488 masked %reduce_sum3A_493 : vector<16xf32>, vector<16xi1> -> vector<16xf32>
      %reduce_sum3A_495 = vector.extract %reduce_sum3A_494[15] : f32 from vector<16xf32>
      %add3A_496 = vector.broadcast %reduce_sum3A_495 : f32 to vector<16xf32>
      %add3A_497 = arith.addf %select_n3A_433, %add3A_496 : vector<16xf32>
      %select_n3A_498 = arith.select %eq3A_491, %add3A_497, %select_n3A_433 : vector<16xi1>, vector<16xf32>
      %add3A_499 = arith.constant 6 : i32
      %add3A_500 = arith.addi %mul3A_107, %add3A_499 : i32
      %get3A_501 = arith.index_cast %add3A_500 : i32 to index
      %get3A_502 = arith.constant 0 : index
      %get3A_503 = tpu.vector_load %arg9[%get3A_501, %get3A_502] {strides = array<i32>} : memref<256x128xf32, #tpu.memory_space<vmem>>, vector<16xf32>,
      %mul3A_504 = arith.mulf %get3A_503, %get3A_54 : vector<16xf32>
      %add3A_505 = arith.constant 6 : i32
      %add3A_506 = arith.addi %mul3A_107, %add3A_505 : i32
      %get3A_507 = arith.index_cast %add3A_506 : i32 to index
      %get3A_508 = arith.constant 16 : index
      %get3A_509 = tpu.vector_load %arg9[%get3A_507, %get3A_508] {strides = array<i32>} : memref<256x128xf32, #tpu.memory_space<vmem>>, vector<16xf32>,
      %mul3A_510 = arith.mulf %get3A_509, %get3A_56 : vector<16xf32>
      %add3A_511 = arith.constant 6 : i32
      %add3A_512 = arith.addi %mul3A_107, %add3A_511 : i32
      %get3A_513 = arith.index_cast %add3A_512 : i32 to index
      %get3A_514 = arith.constant 32 : index
      %get3A_515 = tpu.vector_load %arg9[%get3A_513, %get3A_514] {strides = array<i32>} : memref<256x128xf32, #tpu.memory_space<vmem>>, vector<16xf32>,
      %mul3A_516 = arith.mulf %get3A_515, %get3A_58 : vector<16xf32>
      %add3A_517 = arith.constant 6 : i32
      %add3A_518 = arith.addi %mul3A_107, %add3A_517 : i32
      %get3A_519 = arith.index_cast %add3A_518 : i32 to index
      %get3A_520 = arith.constant 48 : index
      %get3A_521 = tpu.vector_load %arg9[%get3A_519, %get3A_520] {strides = array<i32>} : memref<256x128xf32, #tpu.memory_space<vmem>>, vector<16xf32>,
      %mul3A_522 = arith.mulf %get3A_521, %get3A_60 : vector<16xf32>
      %add3A_523 = arith.constant 6 : i32
      %add3A_524 = arith.addi %mul3A_107, %add3A_523 : i32
      %get3A_525 = arith.index_cast %add3A_524 : i32 to index
      %get3A_526 = arith.constant 64 : index
      %get3A_527 = tpu.vector_load %arg9[%get3A_525, %get3A_526] {strides = array<i32>} : memref<256x128xf32, #tpu.memory_space<vmem>>, vector<16xf32>,
      %mul3A_528 = arith.mulf %get3A_527, %get3A_62 : vector<16xf32>
      %add3A_529 = arith.constant 6 : i32
      %add3A_530 = arith.addi %mul3A_107, %add3A_529 : i32
      %get3A_531 = arith.index_cast %add3A_530 : i32 to index
      %get3A_532 = arith.constant 80 : index
      %get3A_533 = tpu.vector_load %arg9[%get3A_531, %get3A_532] {strides = array<i32>} : memref<256x128xf32, #tpu.memory_space<vmem>>, vector<16xf32>,
      %mul3A_534 = arith.mulf %get3A_533, %get3A_64 : vector<16xf32>
      %add3A_535 = arith.constant 6 : i32
      %add3A_536 = arith.addi %mul3A_107, %add3A_535 : i32
      %get3A_537 = arith.index_cast %add3A_536 : i32 to index
      %get3A_538 = arith.constant 96 : index
      %get3A_539 = tpu.vector_load %arg9[%get3A_537, %get3A_538] {strides = array<i32>} : memref<256x128xf32, #tpu.memory_space<vmem>>, vector<16xf32>,
      %mul3A_540 = arith.mulf %get3A_539, %get3A_66 : vector<16xf32>
      %add3A_541 = arith.constant 6 : i32
      %add3A_542 = arith.addi %mul3A_107, %add3A_541 : i32
      %get3A_543 = arith.index_cast %add3A_542 : i32 to index
      %get3A_544 = arith.constant 112 : index
      %get3A_545 = tpu.vector_load %arg9[%get3A_543, %get3A_544] {strides = array<i32>} : memref<256x128xf32, #tpu.memory_space<vmem>>, vector<16xf32>,
      %mul3A_546 = arith.mulf %get3A_545, %get3A_68 : vector<16xf32>
      %add3A_547 = arith.addf %mul3A_504, %mul3A_510 : vector<16xf32>
      %add3A_548 = arith.addf %mul3A_516, %mul3A_522 : vector<16xf32>
      %add3A_549 = arith.addf %add3A_547, %add3A_548 : vector<16xf32>
      %add3A_550 = arith.addf %mul3A_528, %mul3A_534 : vector<16xf32>
      %add3A_551 = arith.addf %mul3A_540, %mul3A_546 : vector<16xf32>
      %add3A_552 = arith.addf %add3A_550, %add3A_551 : vector<16xf32>
      %add3A_553 = arith.addf %add3A_549, %add3A_552 : vector<16xf32>
      %eq3A_554 = arith.constant 6 : i32
      %eq3A_555 = vector.broadcast %eq3A_554 : i32 to vector<16xi32>
      %eq3A_556 = arith.cmpi eq, %iota3A, %eq3A_555 : vector<16xi32>
      %reduce_sum3A_557 = arith.constant true
      %reduce_sum3A_558 = vector.broadcast %reduce_sum3A_557 : i1 to vector<16xi1>
      %reduce_sum3A_559 = tpu.scan <sum>, %add3A_553 masked %reduce_sum3A_558 : vector<16xf32>, vector<16xi1> -> vector<16xf32>
      %reduce_sum3A_560 = vector.extract %reduce_sum3A_559[15] : f32 from vector<16xf32>
      %add3A_561 = vector.broadcast %reduce_sum3A_560 : f32 to vector<16xf32>
      %add3A_562 = arith.addf %select_n3A_498, %add3A_561 : vector<16xf32>
      %select_n3A_563 = arith.select %eq3A_556, %add3A_562, %select_n3A_498 : vector<16xi1>, vector<16xf32>
      %add3A_564 = arith.constant 7 : i32
      %add3A_565 = arith.addi %mul3A_107, %add3A_564 : i32
      %get3A_566 = arith.index_cast %add3A_565 : i32 to index
      %get3A_567 = arith.constant 0 : index
      %get3A_568 = tpu.vector_load %arg9[%get3A_566, %get3A_567] {strides = array<i32>} : memref<256x128xf32, #tpu.memory_space<vmem>>, vector<16xf32>,
      %mul3A_569 = arith.mulf %get3A_568, %get3A_54 : vector<16xf32>
      %add3A_570 = arith.constant 7 : i32
      %add3A_571 = arith.addi %mul3A_107, %add3A_570 : i32
      %get3A_572 = arith.index_cast %add3A_571 : i32 to index
      %get3A_573 = arith.constant 16 : index
      %get3A_574 = tpu.vector_load %arg9[%get3A_572, %get3A_573] {strides = array<i32>} : memref<256x128xf32, #tpu.memory_space<vmem>>, vector<16xf32>,
      %mul3A_575 = arith.mulf %get3A_574, %get3A_56 : vector<16xf32>
      %add3A_576 = arith.constant 7 : i32
      %add3A_577 = arith.addi %mul3A_107, %add3A_576 : i32
      %get3A_578 = arith.index_cast %add3A_577 : i32 to index
      %get3A_579 = arith.constant 32 : index
      %get3A_580 = tpu.vector_load %arg9[%get3A_578, %get3A_579] {strides = array<i32>} : memref<256x128xf32, #tpu.memory_space<vmem>>, vector<16xf32>,
      %mul3A_581 = arith.mulf %get3A_580, %get3A_58 : vector<16xf32>
      %add3A_582 = arith.constant 7 : i32
      %add3A_583 = arith.addi %mul3A_107, %add3A_582 : i32
      %get3A_584 = arith.index_cast %add3A_583 : i32 to index
      %get3A_585 = arith.constant 48 : index
      %get3A_586 = tpu.vector_load %arg9[%get3A_584, %get3A_585] {strides = array<i32>} : memref<256x128xf32, #tpu.memory_space<vmem>>, vector<16xf32>,
      %mul3A_587 = arith.mulf %get3A_586, %get3A_60 : vector<16xf32>
      %add3A_588 = arith.constant 7 : i32
      %add3A_589 = arith.addi %mul3A_107, %add3A_588 : i32
      %get3A_590 = arith.index_cast %add3A_589 : i32 to index
      %get3A_591 = arith.constant 64 : index
      %get3A_592 = tpu.vector_load %arg9[%get3A_590, %get3A_591] {strides = array<i32>} : memref<256x128xf32, #tpu.memory_space<vmem>>, vector<16xf32>,
      %mul3A_593 = arith.mulf %get3A_592, %get3A_62 : vector<16xf32>
      %add3A_594 = arith.constant 7 : i32
      %add3A_595 = arith.addi %mul3A_107, %add3A_594 : i32
      %get3A_596 = arith.index_cast %add3A_595 : i32 to index
      %get3A_597 = arith.constant 80 : index
      %get3A_598 = tpu.vector_load %arg9[%get3A_596, %get3A_597] {strides = array<i32>} : memref<256x128xf32, #tpu.memory_space<vmem>>, vector<16xf32>,
      %mul3A_599 = arith.mulf %get3A_598, %get3A_64 : vector<16xf32>
      %add3A_600 = arith.constant 7 : i32
      %add3A_601 = arith.addi %mul3A_107, %add3A_600 : i32
      %get3A_602 = arith.index_cast %add3A_601 : i32 to index
      %get3A_603 = arith.constant 96 : index
      %get3A_604 = tpu.vector_load %arg9[%get3A_602, %get3A_603] {strides = array<i32>} : memref<256x128xf32, #tpu.memory_space<vmem>>, vector<16xf32>,
      %mul3A_605 = arith.mulf %get3A_604, %get3A_66 : vector<16xf32>
      %add3A_606 = arith.constant 7 : i32
      %add3A_607 = arith.addi %mul3A_107, %add3A_606 : i32
      %get3A_608 = arith.index_cast %add3A_607 : i32 to index
      %get3A_609 = arith.constant 112 : index
      %get3A_610 = tpu.vector_load %arg9[%get3A_608, %get3A_609] {strides = array<i32>} : memref<256x128xf32, #tpu.memory_space<vmem>>, vector<16xf32>,
      %mul3A_611 = arith.mulf %get3A_610, %get3A_68 : vector<16xf32>
      %add3A_612 = arith.addf %mul3A_569, %mul3A_575 : vector<16xf32>
      %add3A_613 = arith.addf %mul3A_581, %mul3A_587 : vector<16xf32>
      %add3A_614 = arith.addf %add3A_612, %add3A_613 : vector<16xf32>
      %add3A_615 = arith.addf %mul3A_593, %mul3A_599 : vector<16xf32>
      %add3A_616 = arith.addf %mul3A_605, %mul3A_611 : vector<16xf32>
      %add3A_617 = arith.addf %add3A_615, %add3A_616 : vector<16xf32>
      %add3A_618 = arith.addf %add3A_614, %add3A_617 : vector<16xf32>
      %eq3A_619 = arith.constant 7 : i32
      %eq3A_620 = vector.broadcast %eq3A_619 : i32 to vector<16xi32>
      %eq3A_621 = arith.cmpi eq, %iota3A, %eq3A_620 : vector<16xi32>
      %reduce_sum3A_622 = arith.constant true
      %reduce_sum3A_623 = vector.broadcast %reduce_sum3A_622 : i1 to vector<16xi1>
      %reduce_sum3A_624 = tpu.scan <sum>, %add3A_618 masked %reduce_sum3A_623 : vector<16xf32>, vector<16xi1> -> vector<16xf32>
      %reduce_sum3A_625 = vector.extract %reduce_sum3A_624[15] : f32 from vector<16xf32>
      %add3A_626 = vector.broadcast %reduce_sum3A_625 : f32 to vector<16xf32>
      %add3A_627 = arith.addf %select_n3A_563, %add3A_626 : vector<16xf32>
      %select_n3A_628 = arith.select %eq3A_621, %add3A_627, %select_n3A_563 : vector<16xi1>, vector<16xf32>
      %add3A_629 = arith.constant 8 : i32
      %add3A_630 = arith.addi %mul3A_107, %add3A_629 : i32
      %get3A_631 = arith.index_cast %add3A_630 : i32 to index
      %get3A_632 = arith.constant 0 : index
      %get3A_633 = tpu.vector_load %arg9[%get3A_631, %get3A_632] {strides = array<i32>} : memref<256x128xf32, #tpu.memory_space<vmem>>, vector<16xf32>,
      %mul3A_634 = arith.mulf %get3A_633, %get3A_54 : vector<16xf32>
      %add3A_635 = arith.constant 8 : i32
      %add3A_636 = arith.addi %mul3A_107, %add3A_635 : i32
      %get3A_637 = arith.index_cast %add3A_636 : i32 to index
      %get3A_638 = arith.constant 16 : index
      %get3A_639 = tpu.vector_load %arg9[%get3A_637, %get3A_638] {strides = array<i32>} : memref<256x128xf32, #tpu.memory_space<vmem>>, vector<16xf32>,
      %mul3A_640 = arith.mulf %get3A_639, %get3A_56 : vector<16xf32>
      %add3A_641 = arith.constant 8 : i32
      %add3A_642 = arith.addi %mul3A_107, %add3A_641 : i32
      %get3A_643 = arith.index_cast %add3A_642 : i32 to index
      %get3A_644 = arith.constant 32 : index
      %get3A_645 = tpu.vector_load %arg9[%get3A_643, %get3A_644] {strides = array<i32>} : memref<256x128xf32, #tpu.memory_space<vmem>>, vector<16xf32>,
      %mul3A_646 = arith.mulf %get3A_645, %get3A_58 : vector<16xf32>
      %add3A_647 = arith.constant 8 : i32
      %add3A_648 = arith.addi %mul3A_107, %add3A_647 : i32
      %get3A_649 = arith.index_cast %add3A_648 : i32 to index
      %get3A_650 = arith.constant 48 : index
      %get3A_651 = tpu.vector_load %arg9[%get3A_649, %get3A_650] {strides = array<i32>} : memref<256x128xf32, #tpu.memory_space<vmem>>, vector<16xf32>,
      %mul3A_652 = arith.mulf %get3A_651, %get3A_60 : vector<16xf32>
      %add3A_653 = arith.constant 8 : i32
      %add3A_654 = arith.addi %mul3A_107, %add3A_653 : i32
      %get3A_655 = arith.index_cast %add3A_654 : i32 to index
      %get3A_656 = arith.constant 64 : index
      %get3A_657 = tpu.vector_load %arg9[%get3A_655, %get3A_656] {strides = array<i32>} : memref<256x128xf32, #tpu.memory_space<vmem>>, vector<16xf32>,
      %mul3A_658 = arith.mulf %get3A_657, %get3A_62 : vector<16xf32>
      %add3A_659 = arith.constant 8 : i32
      %add3A_660 = arith.addi %mul3A_107, %add3A_659 : i32
      %get3A_661 = arith.index_cast %add3A_660 : i32 to index
      %get3A_662 = arith.constant 80 : index
      %get3A_663 = tpu.vector_load %arg9[%get3A_661, %get3A_662] {strides = array<i32>} : memref<256x128xf32, #tpu.memory_space<vmem>>, vector<16xf32>,
      %mul3A_664 = arith.mulf %get3A_663, %get3A_64 : vector<16xf32>
      %add3A_665 = arith.constant 8 : i32
      %add3A_666 = arith.addi %mul3A_107, %add3A_665 : i32
      %get3A_667 = arith.index_cast %add3A_666 : i32 to index
      %get3A_668 = arith.constant 96 : index
      %get3A_669 = tpu.vector_load %arg9[%get3A_667, %get3A_668] {strides = array<i32>} : memref<256x128xf32, #tpu.memory_space<vmem>>, vector<16xf32>,
      %mul3A_670 = arith.mulf %get3A_669, %get3A_66 : vector<16xf32>
      %add3A_671 = arith.constant 8 : i32
      %add3A_672 = arith.addi %mul3A_107, %add3A_671 : i32
      %get3A_673 = arith.index_cast %add3A_672 : i32 to index
      %get3A_674 = arith.constant 112 : index
      %get3A_675 = tpu.vector_load %arg9[%get3A_673, %get3A_674] {strides = array<i32>} : memref<256x128xf32, #tpu.memory_space<vmem>>, vector<16xf32>,
      %mul3A_676 = arith.mulf %get3A_675, %get3A_68 : vector<16xf32>
      %add3A_677 = arith.addf %mul3A_634, %mul3A_640 : vector<16xf32>
      %add3A_678 = arith.addf %mul3A_646, %mul3A_652 : vector<16xf32>
      %add3A_679 = arith.addf %add3A_677, %add3A_678 : vector<16xf32>
      %add3A_680 = arith.addf %mul3A_658, %mul3A_664 : vector<16xf32>
      %add3A_681 = arith.addf %mul3A_670, %mul3A_676 : vector<16xf32>
      %add3A_682 = arith.addf %add3A_680, %add3A_681 : vector<16xf32>
      %add3A_683 = arith.addf %add3A_679, %add3A_682 : vector<16xf32>
      %eq3A_684 = arith.constant 8 : i32
      %eq3A_685 = vector.broadcast %eq3A_684 : i32 to vector<16xi32>
      %eq3A_686 = arith.cmpi eq, %iota3A, %eq3A_685 : vector<16xi32>
      %reduce_sum3A_687 = arith.constant true
      %reduce_sum3A_688 = vector.broadcast %reduce_sum3A_687 : i1 to vector<16xi1>
      %reduce_sum3A_689 = tpu.scan <sum>, %add3A_683 masked %reduce_sum3A_688 : vector<16xf32>, vector<16xi1> -> vector<16xf32>
      %reduce_sum3A_690 = vector.extract %reduce_sum3A_689[15] : f32 from vector<16xf32>
      %add3A_691 = vector.broadcast %reduce_sum3A_690 : f32 to vector<16xf32>
      %add3A_692 = arith.addf %select_n3A_628, %add3A_691 : vector<16xf32>
      %select_n3A_693 = arith.select %eq3A_686, %add3A_692, %select_n3A_628 : vector<16xi1>, vector<16xf32>
      %add3A_694 = arith.constant 9 : i32
      %add3A_695 = arith.addi %mul3A_107, %add3A_694 : i32
      %get3A_696 = arith.index_cast %add3A_695 : i32 to index
      %get3A_697 = arith.constant 0 : index
      %get3A_698 = tpu.vector_load %arg9[%get3A_696, %get3A_697] {strides = array<i32>} : memref<256x128xf32, #tpu.memory_space<vmem>>, vector<16xf32>,
      %mul3A_699 = arith.mulf %get3A_698, %get3A_54 : vector<16xf32>
      %add3A_700 = arith.constant 9 : i32
      %add3A_701 = arith.addi %mul3A_107, %add3A_700 : i32
      %get3A_702 = arith.index_cast %add3A_701 : i32 to index
      %get3A_703 = arith.constant 16 : index
      %get3A_704 = tpu.vector_load %arg9[%get3A_702, %get3A_703] {strides = array<i32>} : memref<256x128xf32, #tpu.memory_space<vmem>>, vector<16xf32>,
      %mul3A_705 = arith.mulf %get3A_704, %get3A_56 : vector<16xf32>
      %add3A_706 = arith.constant 9 : i32
      %add3A_707 = arith.addi %mul3A_107, %add3A_706 : i32
      %get3A_708 = arith.index_cast %add3A_707 : i32 to index
      %get3A_709 = arith.constant 32 : index
      %get3A_710 = tpu.vector_load %arg9[%get3A_708, %get3A_709] {strides = array<i32>} : memref<256x128xf32, #tpu.memory_space<vmem>>, vector<16xf32>,
      %mul3A_711 = arith.mulf %get3A_710, %get3A_58 : vector<16xf32>
      %add3A_712 = arith.constant 9 : i32
      %add3A_713 = arith.addi %mul3A_107, %add3A_712 : i32
      %get3A_714 = arith.index_cast %add3A_713 : i32 to index
      %get3A_715 = arith.constant 48 : index
      %get3A_716 = tpu.vector_load %arg9[%get3A_714, %get3A_715] {strides = array<i32>} : memref<256x128xf32, #tpu.memory_space<vmem>>, vector<16xf32>,
      %mul3A_717 = arith.mulf %get3A_716, %get3A_60 : vector<16xf32>
      %add3A_718 = arith.constant 9 : i32
      %add3A_719 = arith.addi %mul3A_107, %add3A_718 : i32
      %get3A_720 = arith.index_cast %add3A_719 : i32 to index
      %get3A_721 = arith.constant 64 : index
      %get3A_722 = tpu.vector_load %arg9[%get3A_720, %get3A_721] {strides = array<i32>} : memref<256x128xf32, #tpu.memory_space<vmem>>, vector<16xf32>,
      %mul3A_723 = arith.mulf %get3A_722, %get3A_62 : vector<16xf32>
      %add3A_724 = arith.constant 9 : i32
      %add3A_725 = arith.addi %mul3A_107, %add3A_724 : i32
      %get3A_726 = arith.index_cast %add3A_725 : i32 to index
      %get3A_727 = arith.constant 80 : index
      %get3A_728 = tpu.vector_load %arg9[%get3A_726, %get3A_727] {strides = array<i32>} : memref<256x128xf32, #tpu.memory_space<vmem>>, vector<16xf32>,
      %mul3A_729 = arith.mulf %get3A_728, %get3A_64 : vector<16xf32>
      %add3A_730 = arith.constant 9 : i32
      %add3A_731 = arith.addi %mul3A_107, %add3A_730 : i32
      %get3A_732 = arith.index_cast %add3A_731 : i32 to index
      %get3A_733 = arith.constant 96 : index
      %get3A_734 = tpu.vector_load %arg9[%get3A_732, %get3A_733] {strides = array<i32>} : memref<256x128xf32, #tpu.memory_space<vmem>>, vector<16xf32>,
      %mul3A_735 = arith.mulf %get3A_734, %get3A_66 : vector<16xf32>
      %add3A_736 = arith.constant 9 : i32
      %add3A_737 = arith.addi %mul3A_107, %add3A_736 : i32
      %get3A_738 = arith.index_cast %add3A_737 : i32 to index
      %get3A_739 = arith.constant 112 : index
      %get3A_740 = tpu.vector_load %arg9[%get3A_738, %get3A_739] {strides = array<i32>} : memref<256x128xf32, #tpu.memory_space<vmem>>, vector<16xf32>,
      %mul3A_741 = arith.mulf %get3A_740, %get3A_68 : vector<16xf32>
      %add3A_742 = arith.addf %mul3A_699, %mul3A_705 : vector<16xf32>
      %add3A_743 = arith.addf %mul3A_711, %mul3A_717 : vector<16xf32>
      %add3A_744 = arith.addf %add3A_742, %add3A_743 : vector<16xf32>
      %add3A_745 = arith.addf %mul3A_723, %mul3A_729 : vector<16xf32>
      %add3A_746 = arith.addf %mul3A_735, %mul3A_741 : vector<16xf32>
      %add3A_747 = arith.addf %add3A_745, %add3A_746 : vector<16xf32>
      %add3A_748 = arith.addf %add3A_744, %add3A_747 : vector<16xf32>
      %eq3A_749 = arith.constant 9 : i32
      %eq3A_750 = vector.broadcast %eq3A_749 : i32 to vector<16xi32>
      %eq3A_751 = arith.cmpi eq, %iota3A, %eq3A_750 : vector<16xi32>
      %reduce_sum3A_752 = arith.constant true
      %reduce_sum3A_753 = vector.broadcast %reduce_sum3A_752 : i1 to vector<16xi1>
      %reduce_sum3A_754 = tpu.scan <sum>, %add3A_748 masked %reduce_sum3A_753 : vector<16xf32>, vector<16xi1> -> vector<16xf32>
      %reduce_sum3A_755 = vector.extract %reduce_sum3A_754[15] : f32 from vector<16xf32>
      %add3A_756 = vector.broadcast %reduce_sum3A_755 : f32 to vector<16xf32>
      %add3A_757 = arith.addf %select_n3A_693, %add3A_756 : vector<16xf32>
      %select_n3A_758 = arith.select %eq3A_751, %add3A_757, %select_n3A_693 : vector<16xi1>, vector<16xf32>
      %add3A_759 = arith.constant 10 : i32
      %add3A_760 = arith.addi %mul3A_107, %add3A_759 : i32
      %get3A_761 = arith.index_cast %add3A_760 : i32 to index
      %get3A_762 = arith.constant 0 : index
      %get3A_763 = tpu.vector_load %arg9[%get3A_761, %get3A_762] {strides = array<i32>} : memref<256x128xf32, #tpu.memory_space<vmem>>, vector<16xf32>,
      %mul3A_764 = arith.mulf %get3A_763, %get3A_54 : vector<16xf32>
      %add3A_765 = arith.constant 10 : i32
      %add3A_766 = arith.addi %mul3A_107, %add3A_765 : i32
      %get3A_767 = arith.index_cast %add3A_766 : i32 to index
      %get3A_768 = arith.constant 16 : index
      %get3A_769 = tpu.vector_load %arg9[%get3A_767, %get3A_768] {strides = array<i32>} : memref<256x128xf32, #tpu.memory_space<vmem>>, vector<16xf32>,
      %mul3A_770 = arith.mulf %get3A_769, %get3A_56 : vector<16xf32>
      %add3A_771 = arith.constant 10 : i32
      %add3A_772 = arith.addi %mul3A_107, %add3A_771 : i32
      %get3A_773 = arith.index_cast %add3A_772 : i32 to index
      %get3A_774 = arith.constant 32 : index
      %get3A_775 = tpu.vector_load %arg9[%get3A_773, %get3A_774] {strides = array<i32>} : memref<256x128xf32, #tpu.memory_space<vmem>>, vector<16xf32>,
      %mul3A_776 = arith.mulf %get3A_775, %get3A_58 : vector<16xf32>
      %add3A_777 = arith.constant 10 : i32
      %add3A_778 = arith.addi %mul3A_107, %add3A_777 : i32
      %get3A_779 = arith.index_cast %add3A_778 : i32 to index
      %get3A_780 = arith.constant 48 : index
      %get3A_781 = tpu.vector_load %arg9[%get3A_779, %get3A_780] {strides = array<i32>} : memref<256x128xf32, #tpu.memory_space<vmem>>, vector<16xf32>,
      %mul3A_782 = arith.mulf %get3A_781, %get3A_60 : vector<16xf32>
      %add3A_783 = arith.constant 10 : i32
      %add3A_784 = arith.addi %mul3A_107, %add3A_783 : i32
      %get3A_785 = arith.index_cast %add3A_784 : i32 to index
      %get3A_786 = arith.constant 64 : index
      %get3A_787 = tpu.vector_load %arg9[%get3A_785, %get3A_786] {strides = array<i32>} : memref<256x128xf32, #tpu.memory_space<vmem>>, vector<16xf32>,
      %mul3A_788 = arith.mulf %get3A_787, %get3A_62 : vector<16xf32>
      %add3A_789 = arith.constant 10 : i32
      %add3A_790 = arith.addi %mul3A_107, %add3A_789 : i32
      %get3A_791 = arith.index_cast %add3A_790 : i32 to index
      %get3A_792 = arith.constant 80 : index
      %get3A_793 = tpu.vector_load %arg9[%get3A_791, %get3A_792] {strides = array<i32>} : memref<256x128xf32, #tpu.memory_space<vmem>>, vector<16xf32>,
      %mul3A_794 = arith.mulf %get3A_793, %get3A_64 : vector<16xf32>
      %add3A_795 = arith.constant 10 : i32
      %add3A_796 = arith.addi %mul3A_107, %add3A_795 : i32
      %get3A_797 = arith.index_cast %add3A_796 : i32 to index
      %get3A_798 = arith.constant 96 : index
      %get3A_799 = tpu.vector_load %arg9[%get3A_797, %get3A_798] {strides = array<i32>} : memref<256x128xf32, #tpu.memory_space<vmem>>, vector<16xf32>,
      %mul3A_800 = arith.mulf %get3A_799, %get3A_66 : vector<16xf32>
      %add3A_801 = arith.constant 10 : i32
      %add3A_802 = arith.addi %mul3A_107, %add3A_801 : i32
      %get3A_803 = arith.index_cast %add3A_802 : i32 to index
      %get3A_804 = arith.constant 112 : index
      %get3A_805 = tpu.vector_load %arg9[%get3A_803, %get3A_804] {strides = array<i32>} : memref<256x128xf32, #tpu.memory_space<vmem>>, vector<16xf32>,
      %mul3A_806 = arith.mulf %get3A_805, %get3A_68 : vector<16xf32>
      %add3A_807 = arith.addf %mul3A_764, %mul3A_770 : vector<16xf32>
      %add3A_808 = arith.addf %mul3A_776, %mul3A_782 : vector<16xf32>
      %add3A_809 = arith.addf %add3A_807, %add3A_808 : vector<16xf32>
      %add3A_810 = arith.addf %mul3A_788, %mul3A_794 : vector<16xf32>
      %add3A_811 = arith.addf %mul3A_800, %mul3A_806 : vector<16xf32>
      %add3A_812 = arith.addf %add3A_810, %add3A_811 : vector<16xf32>
      %add3A_813 = arith.addf %add3A_809, %add3A_812 : vector<16xf32>
      %eq3A_814 = arith.constant 10 : i32
      %eq3A_815 = vector.broadcast %eq3A_814 : i32 to vector<16xi32>
      %eq3A_816 = arith.cmpi eq, %iota3A, %eq3A_815 : vector<16xi32>
      %reduce_sum3A_817 = arith.constant true
      %reduce_sum3A_818 = vector.broadcast %reduce_sum3A_817 : i1 to vector<16xi1>
      %reduce_sum3A_819 = tpu.scan <sum>, %add3A_813 masked %reduce_sum3A_818 : vector<16xf32>, vector<16xi1> -> vector<16xf32>
      %reduce_sum3A_820 = vector.extract %reduce_sum3A_819[15] : f32 from vector<16xf32>
      %add3A_821 = vector.broadcast %reduce_sum3A_820 : f32 to vector<16xf32>
      %add3A_822 = arith.addf %select_n3A_758, %add3A_821 : vector<16xf32>
      %select_n3A_823 = arith.select %eq3A_816, %add3A_822, %select_n3A_758 : vector<16xi1>, vector<16xf32>
      %add3A_824 = arith.constant 11 : i32
      %add3A_825 = arith.addi %mul3A_107, %add3A_824 : i32
      %get3A_826 = arith.index_cast %add3A_825 : i32 to index
      %get3A_827 = arith.constant 0 : index
      %get3A_828 = tpu.vector_load %arg9[%get3A_826, %get3A_827] {strides = array<i32>} : memref<256x128xf32, #tpu.memory_space<vmem>>, vector<16xf32>,
      %mul3A_829 = arith.mulf %get3A_828, %get3A_54 : vector<16xf32>
      %add3A_830 = arith.constant 11 : i32
      %add3A_831 = arith.addi %mul3A_107, %add3A_830 : i32
      %get3A_832 = arith.index_cast %add3A_831 : i32 to index
      %get3A_833 = arith.constant 16 : index
      %get3A_834 = tpu.vector_load %arg9[%get3A_832, %get3A_833] {strides = array<i32>} : memref<256x128xf32, #tpu.memory_space<vmem>>, vector<16xf32>,
      %mul3A_835 = arith.mulf %get3A_834, %get3A_56 : vector<16xf32>
      %add3A_836 = arith.constant 11 : i32
      %add3A_837 = arith.addi %mul3A_107, %add3A_836 : i32
      %get3A_838 = arith.index_cast %add3A_837 : i32 to index
      %get3A_839 = arith.constant 32 : index
      %get3A_840 = tpu.vector_load %arg9[%get3A_838, %get3A_839] {strides = array<i32>} : memref<256x128xf32, #tpu.memory_space<vmem>>, vector<16xf32>,
      %mul3A_841 = arith.mulf %get3A_840, %get3A_58 : vector<16xf32>
      %add3A_842 = arith.constant 11 : i32
      %add3A_843 = arith.addi %mul3A_107, %add3A_842 : i32
      %get3A_844 = arith.index_cast %add3A_843 : i32 to index
      %get3A_845 = arith.constant 48 : index
      %get3A_846 = tpu.vector_load %arg9[%get3A_844, %get3A_845] {strides = array<i32>} : memref<256x128xf32, #tpu.memory_space<vmem>>, vector<16xf32>,
      %mul3A_847 = arith.mulf %get3A_846, %get3A_60 : vector<16xf32>
      %add3A_848 = arith.constant 11 : i32
      %add3A_849 = arith.addi %mul3A_107, %add3A_848 : i32
      %get3A_850 = arith.index_cast %add3A_849 : i32 to index
      %get3A_851 = arith.constant 64 : index
      %get3A_852 = tpu.vector_load %arg9[%get3A_850, %get3A_851] {strides = array<i32>} : memref<256x128xf32, #tpu.memory_space<vmem>>, vector<16xf32>,
      %mul3A_853 = arith.mulf %get3A_852, %get3A_62 : vector<16xf32>
      %add3A_854 = arith.constant 11 : i32
      %add3A_855 = arith.addi %mul3A_107, %add3A_854 : i32
      %get3A_856 = arith.index_cast %add3A_855 : i32 to index
      %get3A_857 = arith.constant 80 : index
      %get3A_858 = tpu.vector_load %arg9[%get3A_856, %get3A_857] {strides = array<i32>} : memref<256x128xf32, #tpu.memory_space<vmem>>, vector<16xf32>,
      %mul3A_859 = arith.mulf %get3A_858, %get3A_64 : vector<16xf32>
      %add3A_860 = arith.constant 11 : i32
      %add3A_861 = arith.addi %mul3A_107, %add3A_860 : i32
      %get3A_862 = arith.index_cast %add3A_861 : i32 to index
      %get3A_863 = arith.constant 96 : index
      %get3A_864 = tpu.vector_load %arg9[%get3A_862, %get3A_863] {strides = array<i32>} : memref<256x128xf32, #tpu.memory_space<vmem>>, vector<16xf32>,
      %mul3A_865 = arith.mulf %get3A_864, %get3A_66 : vector<16xf32>
      %add3A_866 = arith.constant 11 : i32
      %add3A_867 = arith.addi %mul3A_107, %add3A_866 : i32
      %get3A_868 = arith.index_cast %add3A_867 : i32 to index
      %get3A_869 = arith.constant 112 : index
      %get3A_870 = tpu.vector_load %arg9[%get3A_868, %get3A_869] {strides = array<i32>} : memref<256x128xf32, #tpu.memory_space<vmem>>, vector<16xf32>,
      %mul3A_871 = arith.mulf %get3A_870, %get3A_68 : vector<16xf32>
      %add3A_872 = arith.addf %mul3A_829, %mul3A_835 : vector<16xf32>
      %add3A_873 = arith.addf %mul3A_841, %mul3A_847 : vector<16xf32>
      %add3A_874 = arith.addf %add3A_872, %add3A_873 : vector<16xf32>
      %add3A_875 = arith.addf %mul3A_853, %mul3A_859 : vector<16xf32>
      %add3A_876 = arith.addf %mul3A_865, %mul3A_871 : vector<16xf32>
      %add3A_877 = arith.addf %add3A_875, %add3A_876 : vector<16xf32>
      %add3A_878 = arith.addf %add3A_874, %add3A_877 : vector<16xf32>
      %eq3A_879 = arith.constant 11 : i32
      %eq3A_880 = vector.broadcast %eq3A_879 : i32 to vector<16xi32>
      %eq3A_881 = arith.cmpi eq, %iota3A, %eq3A_880 : vector<16xi32>
      %reduce_sum3A_882 = arith.constant true
      %reduce_sum3A_883 = vector.broadcast %reduce_sum3A_882 : i1 to vector<16xi1>
      %reduce_sum3A_884 = tpu.scan <sum>, %add3A_878 masked %reduce_sum3A_883 : vector<16xf32>, vector<16xi1> -> vector<16xf32>
      %reduce_sum3A_885 = vector.extract %reduce_sum3A_884[15] : f32 from vector<16xf32>
      %add3A_886 = vector.broadcast %reduce_sum3A_885 : f32 to vector<16xf32>
      %add3A_887 = arith.addf %select_n3A_823, %add3A_886 : vector<16xf32>
      %select_n3A_888 = arith.select %eq3A_881, %add3A_887, %select_n3A_823 : vector<16xi1>, vector<16xf32>
      %add3A_889 = arith.constant 12 : i32
      %add3A_890 = arith.addi %mul3A_107, %add3A_889 : i32
      %get3A_891 = arith.index_cast %add3A_890 : i32 to index
      %get3A_892 = arith.constant 0 : index
      %get3A_893 = tpu.vector_load %arg9[%get3A_891, %get3A_892] {strides = array<i32>} : memref<256x128xf32, #tpu.memory_space<vmem>>, vector<16xf32>,
      %mul3A_894 = arith.mulf %get3A_893, %get3A_54 : vector<16xf32>
      %add3A_895 = arith.constant 12 : i32
      %add3A_896 = arith.addi %mul3A_107, %add3A_895 : i32
      %get3A_897 = arith.index_cast %add3A_896 : i32 to index
      %get3A_898 = arith.constant 16 : index
      %get3A_899 = tpu.vector_load %arg9[%get3A_897, %get3A_898] {strides = array<i32>} : memref<256x128xf32, #tpu.memory_space<vmem>>, vector<16xf32>,
      %mul3A_900 = arith.mulf %get3A_899, %get3A_56 : vector<16xf32>
      %add3A_901 = arith.constant 12 : i32
      %add3A_902 = arith.addi %mul3A_107, %add3A_901 : i32
      %get3A_903 = arith.index_cast %add3A_902 : i32 to index
      %get3A_904 = arith.constant 32 : index
      %get3A_905 = tpu.vector_load %arg9[%get3A_903, %get3A_904] {strides = array<i32>} : memref<256x128xf32, #tpu.memory_space<vmem>>, vector<16xf32>,
      %mul3A_906 = arith.mulf %get3A_905, %get3A_58 : vector<16xf32>
      %add3A_907 = arith.constant 12 : i32
      %add3A_908 = arith.addi %mul3A_107, %add3A_907 : i32
      %get3A_909 = arith.index_cast %add3A_908 : i32 to index
      %get3A_910 = arith.constant 48 : index
      %get3A_911 = tpu.vector_load %arg9[%get3A_909, %get3A_910] {strides = array<i32>} : memref<256x128xf32, #tpu.memory_space<vmem>>, vector<16xf32>,
      %mul3A_912 = arith.mulf %get3A_911, %get3A_60 : vector<16xf32>
      %add3A_913 = arith.constant 12 : i32
      %add3A_914 = arith.addi %mul3A_107, %add3A_913 : i32
      %get3A_915 = arith.index_cast %add3A_914 : i32 to index
      %get3A_916 = arith.constant 64 : index
      %get3A_917 = tpu.vector_load %arg9[%get3A_915, %get3A_916] {strides = array<i32>} : memref<256x128xf32, #tpu.memory_space<vmem>>, vector<16xf32>,
      %mul3A_918 = arith.mulf %get3A_917, %get3A_62 : vector<16xf32>
      %add3A_919 = arith.constant 12 : i32
      %add3A_920 = arith.addi %mul3A_107, %add3A_919 : i32
      %get3A_921 = arith.index_cast %add3A_920 : i32 to index
      %get3A_922 = arith.constant 80 : index
      %get3A_923 = tpu.vector_load %arg9[%get3A_921, %get3A_922] {strides = array<i32>} : memref<256x128xf32, #tpu.memory_space<vmem>>, vector<16xf32>,
      %mul3A_924 = arith.mulf %get3A_923, %get3A_64 : vector<16xf32>
      %add3A_925 = arith.constant 12 : i32
      %add3A_926 = arith.addi %mul3A_107, %add3A_925 : i32
      %get3A_927 = arith.index_cast %add3A_926 : i32 to index
      %get3A_928 = arith.constant 96 : index
      %get3A_929 = tpu.vector_load %arg9[%get3A_927, %get3A_928] {strides = array<i32>} : memref<256x128xf32, #tpu.memory_space<vmem>>, vector<16xf32>,
      %mul3A_930 = arith.mulf %get3A_929, %get3A_66 : vector<16xf32>
      %add3A_931 = arith.constant 12 : i32
      %add3A_932 = arith.addi %mul3A_107, %add3A_931 : i32
      %get3A_933 = arith.index_cast %add3A_932 : i32 to index
      %get3A_934 = arith.constant 112 : index
      %get3A_935 = tpu.vector_load %arg9[%get3A_933, %get3A_934] {strides = array<i32>} : memref<256x128xf32, #tpu.memory_space<vmem>>, vector<16xf32>,
      %mul3A_936 = arith.mulf %get3A_935, %get3A_68 : vector<16xf32>
      %add3A_937 = arith.addf %mul3A_894, %mul3A_900 : vector<16xf32>
      %add3A_938 = arith.addf %mul3A_906, %mul3A_912 : vector<16xf32>
      %add3A_939 = arith.addf %add3A_937, %add3A_938 : vector<16xf32>
      %add3A_940 = arith.addf %mul3A_918, %mul3A_924 : vector<16xf32>
      %add3A_941 = arith.addf %mul3A_930, %mul3A_936 : vector<16xf32>
      %add3A_942 = arith.addf %add3A_940, %add3A_941 : vector<16xf32>
      %add3A_943 = arith.addf %add3A_939, %add3A_942 : vector<16xf32>
      %eq3A_944 = arith.constant 12 : i32
      %eq3A_945 = vector.broadcast %eq3A_944 : i32 to vector<16xi32>
      %eq3A_946 = arith.cmpi eq, %iota3A, %eq3A_945 : vector<16xi32>
      %reduce_sum3A_947 = arith.constant true
      %reduce_sum3A_948 = vector.broadcast %reduce_sum3A_947 : i1 to vector<16xi1>
      %reduce_sum3A_949 = tpu.scan <sum>, %add3A_943 masked %reduce_sum3A_948 : vector<16xf32>, vector<16xi1> -> vector<16xf32>
      %reduce_sum3A_950 = vector.extract %reduce_sum3A_949[15] : f32 from vector<16xf32>
      %add3A_951 = vector.broadcast %reduce_sum3A_950 : f32 to vector<16xf32>
      %add3A_952 = arith.addf %select_n3A_888, %add3A_951 : vector<16xf32>
      %select_n3A_953 = arith.select %eq3A_946, %add3A_952, %select_n3A_888 : vector<16xi1>, vector<16xf32>
      %add3A_954 = arith.constant 13 : i32
      %add3A_955 = arith.addi %mul3A_107, %add3A_954 : i32
      %get3A_956 = arith.index_cast %add3A_955 : i32 to index
      %get3A_957 = arith.constant 0 : index
      %get3A_958 = tpu.vector_load %arg9[%get3A_956, %get3A_957] {strides = array<i32>} : memref<256x128xf32, #tpu.memory_space<vmem>>, vector<16xf32>,
      %mul3A_959 = arith.mulf %get3A_958, %get3A_54 : vector<16xf32>
      %add3A_960 = arith.constant 13 : i32
      %add3A_961 = arith.addi %mul3A_107, %add3A_960 : i32
      %get3A_962 = arith.index_cast %add3A_961 : i32 to index
      %get3A_963 = arith.constant 16 : index
      %get3A_964 = tpu.vector_load %arg9[%get3A_962, %get3A_963] {strides = array<i32>} : memref<256x128xf32, #tpu.memory_space<vmem>>, vector<16xf32>,
      %mul3A_965 = arith.mulf %get3A_964, %get3A_56 : vector<16xf32>
      %add3A_966 = arith.constant 13 : i32
      %add3A_967 = arith.addi %mul3A_107, %add3A_966 : i32
      %get3A_968 = arith.index_cast %add3A_967 : i32 to index
      %get3A_969 = arith.constant 32 : index
      %get3A_970 = tpu.vector_load %arg9[%get3A_968, %get3A_969] {strides = array<i32>} : memref<256x128xf32, #tpu.memory_space<vmem>>, vector<16xf32>,
      %mul3A_971 = arith.mulf %get3A_970, %get3A_58 : vector<16xf32>
      %add3A_972 = arith.constant 13 : i32
      %add3A_973 = arith.addi %mul3A_107, %add3A_972 : i32
      %get3A_974 = arith.index_cast %add3A_973 : i32 to index
      %get3A_975 = arith.constant 48 : index
      %get3A_976 = tpu.vector_load %arg9[%get3A_974, %get3A_975] {strides = array<i32>} : memref<256x128xf32, #tpu.memory_space<vmem>>, vector<16xf32>,
      %mul3A_977 = arith.mulf %get3A_976, %get3A_60 : vector<16xf32>
      %add3A_978 = arith.constant 13 : i32
      %add3A_979 = arith.addi %mul3A_107, %add3A_978 : i32
      %get3A_980 = arith.index_cast %add3A_979 : i32 to index
      %get3A_981 = arith.constant 64 : index
      %get3A_982 = tpu.vector_load %arg9[%get3A_980, %get3A_981] {strides = array<i32>} : memref<256x128xf32, #tpu.memory_space<vmem>>, vector<16xf32>,
      %mul3A_983 = arith.mulf %get3A_982, %get3A_62 : vector<16xf32>
      %add3A_984 = arith.constant 13 : i32
      %add3A_985 = arith.addi %mul3A_107, %add3A_984 : i32
      %get3A_986 = arith.index_cast %add3A_985 : i32 to index
      %get3A_987 = arith.constant 80 : index
      %get3A_988 = tpu.vector_load %arg9[%get3A_986, %get3A_987] {strides = array<i32>} : memref<256x128xf32, #tpu.memory_space<vmem>>, vector<16xf32>,
      %mul3A_989 = arith.mulf %get3A_988, %get3A_64 : vector<16xf32>
      %add3A_990 = arith.constant 13 : i32
      %add3A_991 = arith.addi %mul3A_107, %add3A_990 : i32
      %get3A_992 = arith.index_cast %add3A_991 : i32 to index
      %get3A_993 = arith.constant 96 : index
      %get3A_994 = tpu.vector_load %arg9[%get3A_992, %get3A_993] {strides = array<i32>} : memref<256x128xf32, #tpu.memory_space<vmem>>, vector<16xf32>,
      %mul3A_995 = arith.mulf %get3A_994, %get3A_66 : vector<16xf32>
      %add3A_996 = arith.constant 13 : i32
      %add3A_997 = arith.addi %mul3A_107, %add3A_996 : i32
      %get3A_998 = arith.index_cast %add3A_997 : i32 to index
      %get3A_999 = arith.constant 112 : index
      %get3A_1000 = tpu.vector_load %arg9[%get3A_998, %get3A_999] {strides = array<i32>} : memref<256x128xf32, #tpu.memory_space<vmem>>, vector<16xf32>,
      %mul3A_1001 = arith.mulf %get3A_1000, %get3A_68 : vector<16xf32>
      %add3A_1002 = arith.addf %mul3A_959, %mul3A_965 : vector<16xf32>
      %add3A_1003 = arith.addf %mul3A_971, %mul3A_977 : vector<16xf32>
      %add3A_1004 = arith.addf %add3A_1002, %add3A_1003 : vector<16xf32>
      %add3A_1005 = arith.addf %mul3A_983, %mul3A_989 : vector<16xf32>
      %add3A_1006 = arith.addf %mul3A_995, %mul3A_1001 : vector<16xf32>
      %add3A_1007 = arith.addf %add3A_1005, %add3A_1006 : vector<16xf32>
      %add3A_1008 = arith.addf %add3A_1004, %add3A_1007 : vector<16xf32>
      %eq3A_1009 = arith.constant 13 : i32
      %eq3A_1010 = vector.broadcast %eq3A_1009 : i32 to vector<16xi32>
      %eq3A_1011 = arith.cmpi eq, %iota3A, %eq3A_1010 : vector<16xi32>
      %reduce_sum3A_1012 = arith.constant true
      %reduce_sum3A_1013 = vector.broadcast %reduce_sum3A_1012 : i1 to vector<16xi1>
      %reduce_sum3A_1014 = tpu.scan <sum>, %add3A_1008 masked %reduce_sum3A_1013 : vector<16xf32>, vector<16xi1> -> vector<16xf32>
      %reduce_sum3A_1015 = vector.extract %reduce_sum3A_1014[15] : f32 from vector<16xf32>
      %add3A_1016 = vector.broadcast %reduce_sum3A_1015 : f32 to vector<16xf32>
      %add3A_1017 = arith.addf %select_n3A_953, %add3A_1016 : vector<16xf32>
      %select_n3A_1018 = arith.select %eq3A_1011, %add3A_1017, %select_n3A_953 : vector<16xi1>, vector<16xf32>
      %add3A_1019 = arith.constant 14 : i32
      %add3A_1020 = arith.addi %mul3A_107, %add3A_1019 : i32
      %get3A_1021 = arith.index_cast %add3A_1020 : i32 to index
      %get3A_1022 = arith.constant 0 : index
      %get3A_1023 = tpu.vector_load %arg9[%get3A_1021, %get3A_1022] {strides = array<i32>} : memref<256x128xf32, #tpu.memory_space<vmem>>, vector<16xf32>,
      %mul3A_1024 = arith.mulf %get3A_1023, %get3A_54 : vector<16xf32>
      %add3A_1025 = arith.constant 14 : i32
      %add3A_1026 = arith.addi %mul3A_107, %add3A_1025 : i32
      %get3A_1027 = arith.index_cast %add3A_1026 : i32 to index
      %get3A_1028 = arith.constant 16 : index
      %get3A_1029 = tpu.vector_load %arg9[%get3A_1027, %get3A_1028] {strides = array<i32>} : memref<256x128xf32, #tpu.memory_space<vmem>>, vector<16xf32>,
      %mul3A_1030 = arith.mulf %get3A_1029, %get3A_56 : vector<16xf32>
      %add3A_1031 = arith.constant 14 : i32
      %add3A_1032 = arith.addi %mul3A_107, %add3A_1031 : i32
      %get3A_1033 = arith.index_cast %add3A_1032 : i32 to index
      %get3A_1034 = arith.constant 32 : index
      %get3A_1035 = tpu.vector_load %arg9[%get3A_1033, %get3A_1034] {strides = array<i32>} : memref<256x128xf32, #tpu.memory_space<vmem>>, vector<16xf32>,
      %mul3A_1036 = arith.mulf %get3A_1035, %get3A_58 : vector<16xf32>
      %add3A_1037 = arith.constant 14 : i32
      %add3A_1038 = arith.addi %mul3A_107, %add3A_1037 : i32
      %get3A_1039 = arith.index_cast %add3A_1038 : i32 to index
      %get3A_1040 = arith.constant 48 : index
      %get3A_1041 = tpu.vector_load %arg9[%get3A_1039, %get3A_1040] {strides = array<i32>} : memref<256x128xf32, #tpu.memory_space<vmem>>, vector<16xf32>,
      %mul3A_1042 = arith.mulf %get3A_1041, %get3A_60 : vector<16xf32>
      %add3A_1043 = arith.constant 14 : i32
      %add3A_1044 = arith.addi %mul3A_107, %add3A_1043 : i32
      %get3A_1045 = arith.index_cast %add3A_1044 : i32 to index
      %get3A_1046 = arith.constant 64 : index
      %get3A_1047 = tpu.vector_load %arg9[%get3A_1045, %get3A_1046] {strides = array<i32>} : memref<256x128xf32, #tpu.memory_space<vmem>>, vector<16xf32>,
      %mul3A_1048 = arith.mulf %get3A_1047, %get3A_62 : vector<16xf32>
      %add3A_1049 = arith.constant 14 : i32
      %add3A_1050 = arith.addi %mul3A_107, %add3A_1049 : i32
      %get3A_1051 = arith.index_cast %add3A_1050 : i32 to index
      %get3A_1052 = arith.constant 80 : index
      %get3A_1053 = tpu.vector_load %arg9[%get3A_1051, %get3A_1052] {strides = array<i32>} : memref<256x128xf32, #tpu.memory_space<vmem>>, vector<16xf32>,
      %mul3A_1054 = arith.mulf %get3A_1053, %get3A_64 : vector<16xf32>
      %add3A_1055 = arith.constant 14 : i32
      %add3A_1056 = arith.addi %mul3A_107, %add3A_1055 : i32
      %get3A_1057 = arith.index_cast %add3A_1056 : i32 to index
      %get3A_1058 = arith.constant 96 : index
      %get3A_1059 = tpu.vector_load %arg9[%get3A_1057, %get3A_1058] {strides = array<i32>} : memref<256x128xf32, #tpu.memory_space<vmem>>, vector<16xf32>,
      %mul3A_1060 = arith.mulf %get3A_1059, %get3A_66 : vector<16xf32>
      %add3A_1061 = arith.constant 14 : i32
      %add3A_1062 = arith.addi %mul3A_107, %add3A_1061 : i32
      %get3A_1063 = arith.index_cast %add3A_1062 : i32 to index
      %get3A_1064 = arith.constant 112 : index
      %get3A_1065 = tpu.vector_load %arg9[%get3A_1063, %get3A_1064] {strides = array<i32>} : memref<256x128xf32, #tpu.memory_space<vmem>>, vector<16xf32>,
      %mul3A_1066 = arith.mulf %get3A_1065, %get3A_68 : vector<16xf32>
      %add3A_1067 = arith.addf %mul3A_1024, %mul3A_1030 : vector<16xf32>
      %add3A_1068 = arith.addf %mul3A_1036, %mul3A_1042 : vector<16xf32>
      %add3A_1069 = arith.addf %add3A_1067, %add3A_1068 : vector<16xf32>
      %add3A_1070 = arith.addf %mul3A_1048, %mul3A_1054 : vector<16xf32>
      %add3A_1071 = arith.addf %mul3A_1060, %mul3A_1066 : vector<16xf32>
      %add3A_1072 = arith.addf %add3A_1070, %add3A_1071 : vector<16xf32>
      %add3A_1073 = arith.addf %add3A_1069, %add3A_1072 : vector<16xf32>
      %eq3A_1074 = arith.constant 14 : i32
      %eq3A_1075 = vector.broadcast %eq3A_1074 : i32 to vector<16xi32>
      %eq3A_1076 = arith.cmpi eq, %iota3A, %eq3A_1075 : vector<16xi32>
      %reduce_sum3A_1077 = arith.constant true
      %reduce_sum3A_1078 = vector.broadcast %reduce_sum3A_1077 : i1 to vector<16xi1>
      %reduce_sum3A_1079 = tpu.scan <sum>, %add3A_1073 masked %reduce_sum3A_1078 : vector<16xf32>, vector<16xi1> -> vector<16xf32>
      %reduce_sum3A_1080 = vector.extract %reduce_sum3A_1079[15] : f32 from vector<16xf32>
      %add3A_1081 = vector.broadcast %reduce_sum3A_1080 : f32 to vector<16xf32>
      %add3A_1082 = arith.addf %select_n3A_1018, %add3A_1081 : vector<16xf32>
      %select_n3A_1083 = arith.select %eq3A_1076, %add3A_1082, %select_n3A_1018 : vector<16xi1>, vector<16xf32>
      %add3A_1084 = arith.constant 15 : i32
      %add3A_1085 = arith.addi %mul3A_107, %add3A_1084 : i32
      %get3A_1086 = arith.index_cast %add3A_1085 : i32 to index
      %get3A_1087 = arith.constant 0 : index
      %get3A_1088 = tpu.vector_load %arg9[%get3A_1086, %get3A_1087] {strides = array<i32>} : memref<256x128xf32, #tpu.memory_space<vmem>>, vector<16xf32>,
      %mul3A_1089 = arith.mulf %get3A_1088, %get3A_54 : vector<16xf32>
      %add3A_1090 = arith.constant 15 : i32
      %add3A_1091 = arith.addi %mul3A_107, %add3A_1090 : i32
      %get3A_1092 = arith.index_cast %add3A_1091 : i32 to index
      %get3A_1093 = arith.constant 16 : index
      %get3A_1094 = tpu.vector_load %arg9[%get3A_1092, %get3A_1093] {strides = array<i32>} : memref<256x128xf32, #tpu.memory_space<vmem>>, vector<16xf32>,
      %mul3A_1095 = arith.mulf %get3A_1094, %get3A_56 : vector<16xf32>
      %add3A_1096 = arith.constant 15 : i32
      %add3A_1097 = arith.addi %mul3A_107, %add3A_1096 : i32
      %get3A_1098 = arith.index_cast %add3A_1097 : i32 to index
      %get3A_1099 = arith.constant 32 : index
      %get3A_1100 = tpu.vector_load %arg9[%get3A_1098, %get3A_1099] {strides = array<i32>} : memref<256x128xf32, #tpu.memory_space<vmem>>, vector<16xf32>,
      %mul3A_1101 = arith.mulf %get3A_1100, %get3A_58 : vector<16xf32>
      %add3A_1102 = arith.constant 15 : i32
      %add3A_1103 = arith.addi %mul3A_107, %add3A_1102 : i32
      %get3A_1104 = arith.index_cast %add3A_1103 : i32 to index
      %get3A_1105 = arith.constant 48 : index
      %get3A_1106 = tpu.vector_load %arg9[%get3A_1104, %get3A_1105] {strides = array<i32>} : memref<256x128xf32, #tpu.memory_space<vmem>>, vector<16xf32>,
      %mul3A_1107 = arith.mulf %get3A_1106, %get3A_60 : vector<16xf32>
      %add3A_1108 = arith.constant 15 : i32
      %add3A_1109 = arith.addi %mul3A_107, %add3A_1108 : i32
      %get3A_1110 = arith.index_cast %add3A_1109 : i32 to index
      %get3A_1111 = arith.constant 64 : index
      %get3A_1112 = tpu.vector_load %arg9[%get3A_1110, %get3A_1111] {strides = array<i32>} : memref<256x128xf32, #tpu.memory_space<vmem>>, vector<16xf32>,
      %mul3A_1113 = arith.mulf %get3A_1112, %get3A_62 : vector<16xf32>
      %add3A_1114 = arith.constant 15 : i32
      %add3A_1115 = arith.addi %mul3A_107, %add3A_1114 : i32
      %get3A_1116 = arith.index_cast %add3A_1115 : i32 to index
      %get3A_1117 = arith.constant 80 : index
      %get3A_1118 = tpu.vector_load %arg9[%get3A_1116, %get3A_1117] {strides = array<i32>} : memref<256x128xf32, #tpu.memory_space<vmem>>, vector<16xf32>,
      %mul3A_1119 = arith.mulf %get3A_1118, %get3A_64 : vector<16xf32>
      %add3A_1120 = arith.constant 15 : i32
      %add3A_1121 = arith.addi %mul3A_107, %add3A_1120 : i32
      %get3A_1122 = arith.index_cast %add3A_1121 : i32 to index
      %get3A_1123 = arith.constant 96 : index
      %get3A_1124 = tpu.vector_load %arg9[%get3A_1122, %get3A_1123] {strides = array<i32>} : memref<256x128xf32, #tpu.memory_space<vmem>>, vector<16xf32>,
      %mul3A_1125 = arith.mulf %get3A_1124, %get3A_66 : vector<16xf32>
      %add3A_1126 = arith.constant 15 : i32
      %add3A_1127 = arith.addi %mul3A_107, %add3A_1126 : i32
      %get3A_1128 = arith.index_cast %add3A_1127 : i32 to index
      %get3A_1129 = arith.constant 112 : index
      %get3A_1130 = tpu.vector_load %arg9[%get3A_1128, %get3A_1129] {strides = array<i32>} : memref<256x128xf32, #tpu.memory_space<vmem>>, vector<16xf32>,
      %mul3A_1131 = arith.mulf %get3A_1130, %get3A_68 : vector<16xf32>
      %add3A_1132 = arith.addf %mul3A_1089, %mul3A_1095 : vector<16xf32>
      %add3A_1133 = arith.addf %mul3A_1101, %mul3A_1107 : vector<16xf32>
      %add3A_1134 = arith.addf %add3A_1132, %add3A_1133 : vector<16xf32>
      %add3A_1135 = arith.addf %mul3A_1113, %mul3A_1119 : vector<16xf32>
      %add3A_1136 = arith.addf %mul3A_1125, %mul3A_1131 : vector<16xf32>
      %add3A_1137 = arith.addf %add3A_1135, %add3A_1136 : vector<16xf32>
      %add3A_1138 = arith.addf %add3A_1134, %add3A_1137 : vector<16xf32>
      %eq3A_1139 = arith.constant 15 : i32
      %eq3A_1140 = vector.broadcast %eq3A_1139 : i32 to vector<16xi32>
      %eq3A_1141 = arith.cmpi eq, %iota3A, %eq3A_1140 : vector<16xi32>
      %reduce_sum3A_1142 = arith.constant true
      %reduce_sum3A_1143 = vector.broadcast %reduce_sum3A_1142 : i1 to vector<16xi1>
      %reduce_sum3A_1144 = tpu.scan <sum>, %add3A_1138 masked %reduce_sum3A_1143 : vector<16xf32>, vector<16xi1> -> vector<16xf32>
      %reduce_sum3A_1145 = vector.extract %reduce_sum3A_1144[15] : f32 from vector<16xf32>
      %add3A_1146 = vector.broadcast %reduce_sum3A_1145 : f32 to vector<16xf32>
      %add3A_1147 = arith.addf %select_n3A_1083, %add3A_1146 : vector<16xf32>
      %select_n3A_1148 = arith.select %eq3A_1141, %add3A_1147, %select_n3A_1083 : vector<16xi1>, vector<16xf32>
      %add3A_1149 = arith.constant 256 : i32
      %add3A_1150 = arith.addi %add3A_1149, %mul3A_107 : i32
      %swap3A = arith.index_cast %add3A_1150 : i32 to index
      %swap3A_1151 = tpu.vector_load %arg10[%swap3A] {strides = array<i32>} : memref<768xf32, #tpu.memory_space<vmem>>, vector<16xf32>,
      tpu.vector_store %arg10[%swap3A], %select_n3A_1148 {strides = array<i32>} : memref<768xf32, #tpu.memory_space<vmem>>, vector<16xf32>,
    }
    %scan3A_74 = arith.constant 16 : i32
    %add3A_75 = arith.constant 512 : i32
    %add3A_76 = arith.addi %add3A_4, %add3A_75 : i32
    %dma_wait3A_77 = arith.constant 0 : i32
    %dma_wait3A_78 = tpu.memref_slice %arg2[%add3A_76, %dma_wait3A_77] : memref<100000x128xf32, #tpu.memory_space<hbm>> -> memref<256x128xf32, #tpu.memory_space<hbm>>
    %dma_wait3A_79 = arith.constant 0 : i32
    %dma_wait3A_80 = tpu.memref_slice %arg2[%add3A_76, %dma_wait3A_79] : memref<100000x128xf32, #tpu.memory_space<hbm>> -> memref<256x128xf32, #tpu.memory_space<hbm>>
    tpu.wait_dma2 semaphore(%arg11 : memref<!tpu.dma_semaphore, #tpu.memory_space<semaphore_mem>>) src(%dma_wait3A_80 : memref<256x128xf32, #tpu.memory_space<hbm>>) dst(%arg8 : memref<256x128xf32, #tpu.memory_space<vmem>>)
    %get3A_81 = arith.constant 0 : index
    %get3A_82 = tpu.vector_load %arg6[%get3A_81] {strides = array<i32>} : memref<128xf32, #tpu.memory_space<vmem>>, vector<16xf32>,
    %get3A_83 = arith.constant 16 : index
    %get3A_84 = tpu.vector_load %arg6[%get3A_83] {strides = array<i32>} : memref<128xf32, #tpu.memory_space<vmem>>, vector<16xf32>,
    %get3A_85 = arith.constant 32 : index
    %get3A_86 = tpu.vector_load %arg6[%get3A_85] {strides = array<i32>} : memref<128xf32, #tpu.memory_space<vmem>>, vector<16xf32>,
    %get3A_87 = arith.constant 48 : index
    %get3A_88 = tpu.vector_load %arg6[%get3A_87] {strides = array<i32>} : memref<128xf32, #tpu.memory_space<vmem>>, vector<16xf32>,
    %get3A_89 = arith.constant 64 : index
    %get3A_90 = tpu.vector_load %arg6[%get3A_89] {strides = array<i32>} : memref<128xf32, #tpu.memory_space<vmem>>, vector<16xf32>,
    %get3A_91 = arith.constant 80 : index
    %get3A_92 = tpu.vector_load %arg6[%get3A_91] {strides = array<i32>} : memref<128xf32, #tpu.memory_space<vmem>>, vector<16xf32>,
    %get3A_93 = arith.constant 96 : index
    %get3A_94 = tpu.vector_load %arg6[%get3A_93] {strides = array<i32>} : memref<128xf32, #tpu.memory_space<vmem>>, vector<16xf32>,
    %get3A_95 = arith.constant 112 : index
    %get3A_96 = tpu.vector_load %arg6[%get3A_95] {strides = array<i32>} : memref<128xf32, #tpu.memory_space<vmem>>, vector<16xf32>,
    %scan3A_97 = arith.constant 0 : i32
    %scan3A_98 = arith.constant 0 : i32
    %scan3A_99 = arith.constant 16 : i32
    %scan3A_100 = arith.addi %scan3A_98, %scan3A_99 : i32
    %scan3A_101 = arith.constant 1 : i32
    scf.for %scan3A_105 = %scan3A_98 to %scan3A_100 step %scan3A_101  : i32 {
      %mul3A_106 = arith.constant 16 : i32
      %mul3A_107 = arith.muli %scan3A_105, %mul3A_106 : i32
      %add3A_108 = arith.constant 512 : i32
      %add3A_109 = arith.addi %add3A_108, %mul3A_107 : i32
      %get3A_110 = arith.index_cast %add3A_109 : i32 to index
      %get3A_111 = tpu.vector_load %arg7[%get3A_110] {strides = array<i32>} : memref<768xf32, #tpu.memory_space<vmem>>, vector<16xf32>,
      %add3A_112 = arith.constant 0 : i32
      %add3A_113 = arith.addi %mul3A_107, %add3A_112 : i32
      %get3A_114 = arith.index_cast %add3A_113 : i32 to index
      %get3A_115 = arith.constant 0 : index
      %get3A_116 = tpu.vector_load %arg8[%get3A_114, %get3A_115] {strides = array<i32>} : memref<256x128xf32, #tpu.memory_space<vmem>>, vector<16xf32>,
      %mul3A_117 = arith.mulf %get3A_116, %get3A_82 : vector<16xf32>
      %add3A_118 = arith.constant 0 : i32
      %add3A_119 = arith.addi %mul3A_107, %add3A_118 : i32
      %get3A_120 = arith.index_cast %add3A_119 : i32 to index
      %get3A_121 = arith.constant 16 : index
      %get3A_122 = tpu.vector_load %arg8[%get3A_120, %get3A_121] {strides = array<i32>} : memref<256x128xf32, #tpu.memory_space<vmem>>, vector<16xf32>,
      %mul3A_123 = arith.mulf %get3A_122, %get3A_84 : vector<16xf32>
      %add3A_124 = arith.constant 0 : i32
      %add3A_125 = arith.addi %mul3A_107, %add3A_124 : i32
      %get3A_126 = arith.index_cast %add3A_125 : i32 to index
      %get3A_127 = arith.constant 32 : index
      %get3A_128 = tpu.vector_load %arg8[%get3A_126, %get3A_127] {strides = array<i32>} : memref<256x128xf32, #tpu.memory_space<vmem>>, vector<16xf32>,
      %mul3A_129 = arith.mulf %get3A_128, %get3A_86 : vector<16xf32>
      %add3A_130 = arith.constant 0 : i32
      %add3A_131 = arith.addi %mul3A_107, %add3A_130 : i32
      %get3A_132 = arith.index_cast %add3A_131 : i32 to index
      %get3A_133 = arith.constant 48 : index
      %get3A_134 = tpu.vector_load %arg8[%get3A_132, %get3A_133] {strides = array<i32>} : memref<256x128xf32, #tpu.memory_space<vmem>>, vector<16xf32>,
      %mul3A_135 = arith.mulf %get3A_134, %get3A_88 : vector<16xf32>
      %add3A_136 = arith.constant 0 : i32
      %add3A_137 = arith.addi %mul3A_107, %add3A_136 : i32
      %get3A_138 = arith.index_cast %add3A_137 : i32 to index
      %get3A_139 = arith.constant 64 : index
      %get3A_140 = tpu.vector_load %arg8[%get3A_138, %get3A_139] {strides = array<i32>} : memref<256x128xf32, #tpu.memory_space<vmem>>, vector<16xf32>,
      %mul3A_141 = arith.mulf %get3A_140, %get3A_90 : vector<16xf32>
      %add3A_142 = arith.constant 0 : i32
      %add3A_143 = arith.addi %mul3A_107, %add3A_142 : i32
      %get3A_144 = arith.index_cast %add3A_143 : i32 to index
      %get3A_145 = arith.constant 80 : index
      %get3A_146 = tpu.vector_load %arg8[%get3A_144, %get3A_145] {strides = array<i32>} : memref<256x128xf32, #tpu.memory_space<vmem>>, vector<16xf32>,
      %mul3A_147 = arith.mulf %get3A_146, %get3A_92 : vector<16xf32>
      %add3A_148 = arith.constant 0 : i32
      %add3A_149 = arith.addi %mul3A_107, %add3A_148 : i32
      %get3A_150 = arith.index_cast %add3A_149 : i32 to index
      %get3A_151 = arith.constant 96 : index
      %get3A_152 = tpu.vector_load %arg8[%get3A_150, %get3A_151] {strides = array<i32>} : memref<256x128xf32, #tpu.memory_space<vmem>>, vector<16xf32>,
      %mul3A_153 = arith.mulf %get3A_152, %get3A_94 : vector<16xf32>
      %add3A_154 = arith.constant 0 : i32
      %add3A_155 = arith.addi %mul3A_107, %add3A_154 : i32
      %get3A_156 = arith.index_cast %add3A_155 : i32 to index
      %get3A_157 = arith.constant 112 : index
      %get3A_158 = tpu.vector_load %arg8[%get3A_156, %get3A_157] {strides = array<i32>} : memref<256x128xf32, #tpu.memory_space<vmem>>, vector<16xf32>,
      %mul3A_159 = arith.mulf %get3A_158, %get3A_96 : vector<16xf32>
      %add3A_160 = arith.addf %mul3A_117, %mul3A_123 : vector<16xf32>
      %add3A_161 = arith.addf %mul3A_129, %mul3A_135 : vector<16xf32>
      %add3A_162 = arith.addf %add3A_160, %add3A_161 : vector<16xf32>
      %add3A_163 = arith.addf %mul3A_141, %mul3A_147 : vector<16xf32>
      %add3A_164 = arith.addf %mul3A_153, %mul3A_159 : vector<16xf32>
      %add3A_165 = arith.addf %add3A_163, %add3A_164 : vector<16xf32>
      %add3A_166 = arith.addf %add3A_162, %add3A_165 : vector<16xf32>
      %eq3A = arith.constant 0 : i32
      %eq3A_167 = vector.broadcast %eq3A : i32 to vector<16xi32>
      %eq3A_168 = arith.cmpi eq, %iota3A, %eq3A_167 : vector<16xi32>
      %reduce_sum3A = arith.constant true
      %reduce_sum3A_169 = vector.broadcast %reduce_sum3A : i1 to vector<16xi1>
      %reduce_sum3A_170 = tpu.scan <sum>, %add3A_166 masked %reduce_sum3A_169 : vector<16xf32>, vector<16xi1> -> vector<16xf32>
      %reduce_sum3A_171 = vector.extract %reduce_sum3A_170[15] : f32 from vector<16xf32>
      %add3A_172 = vector.broadcast %reduce_sum3A_171 : f32 to vector<16xf32>
      %add3A_173 = arith.addf %get3A_111, %add3A_172 : vector<16xf32>
      %select_n3A = arith.select %eq3A_168, %add3A_173, %get3A_111 : vector<16xi1>, vector<16xf32>
      %add3A_174 = arith.constant 1 : i32
      %add3A_175 = arith.addi %mul3A_107, %add3A_174 : i32
      %get3A_176 = arith.index_cast %add3A_175 : i32 to index
      %get3A_177 = arith.constant 0 : index
      %get3A_178 = tpu.vector_load %arg8[%get3A_176, %get3A_177] {strides = array<i32>} : memref<256x128xf32, #tpu.memory_space<vmem>>, vector<16xf32>,
      %mul3A_179 = arith.mulf %get3A_178, %get3A_82 : vector<16xf32>
      %add3A_180 = arith.constant 1 : i32
      %add3A_181 = arith.addi %mul3A_107, %add3A_180 : i32
      %get3A_182 = arith.index_cast %add3A_181 : i32 to index
      %get3A_183 = arith.constant 16 : index
      %get3A_184 = tpu.vector_load %arg8[%get3A_182, %get3A_183] {strides = array<i32>} : memref<256x128xf32, #tpu.memory_space<vmem>>, vector<16xf32>,
      %mul3A_185 = arith.mulf %get3A_184, %get3A_84 : vector<16xf32>
      %add3A_186 = arith.constant 1 : i32
      %add3A_187 = arith.addi %mul3A_107, %add3A_186 : i32
      %get3A_188 = arith.index_cast %add3A_187 : i32 to index
      %get3A_189 = arith.constant 32 : index
      %get3A_190 = tpu.vector_load %arg8[%get3A_188, %get3A_189] {strides = array<i32>} : memref<256x128xf32, #tpu.memory_space<vmem>>, vector<16xf32>,
      %mul3A_191 = arith.mulf %get3A_190, %get3A_86 : vector<16xf32>
      %add3A_192 = arith.constant 1 : i32
      %add3A_193 = arith.addi %mul3A_107, %add3A_192 : i32
      %get3A_194 = arith.index_cast %add3A_193 : i32 to index
      %get3A_195 = arith.constant 48 : index
      %get3A_196 = tpu.vector_load %arg8[%get3A_194, %get3A_195] {strides = array<i32>} : memref<256x128xf32, #tpu.memory_space<vmem>>, vector<16xf32>,
      %mul3A_197 = arith.mulf %get3A_196, %get3A_88 : vector<16xf32>
      %add3A_198 = arith.constant 1 : i32
      %add3A_199 = arith.addi %mul3A_107, %add3A_198 : i32
      %get3A_200 = arith.index_cast %add3A_199 : i32 to index
      %get3A_201 = arith.constant 64 : index
      %get3A_202 = tpu.vector_load %arg8[%get3A_200, %get3A_201] {strides = array<i32>} : memref<256x128xf32, #tpu.memory_space<vmem>>, vector<16xf32>,
      %mul3A_203 = arith.mulf %get3A_202, %get3A_90 : vector<16xf32>
      %add3A_204 = arith.constant 1 : i32
      %add3A_205 = arith.addi %mul3A_107, %add3A_204 : i32
      %get3A_206 = arith.index_cast %add3A_205 : i32 to index
      %get3A_207 = arith.constant 80 : index
      %get3A_208 = tpu.vector_load %arg8[%get3A_206, %get3A_207] {strides = array<i32>} : memref<256x128xf32, #tpu.memory_space<vmem>>, vector<16xf32>,
      %mul3A_209 = arith.mulf %get3A_208, %get3A_92 : vector<16xf32>
      %add3A_210 = arith.constant 1 : i32
      %add3A_211 = arith.addi %mul3A_107, %add3A_210 : i32
      %get3A_212 = arith.index_cast %add3A_211 : i32 to index
      %get3A_213 = arith.constant 96 : index
      %get3A_214 = tpu.vector_load %arg8[%get3A_212, %get3A_213] {strides = array<i32>} : memref<256x128xf32, #tpu.memory_space<vmem>>, vector<16xf32>,
      %mul3A_215 = arith.mulf %get3A_214, %get3A_94 : vector<16xf32>
      %add3A_216 = arith.constant 1 : i32
      %add3A_217 = arith.addi %mul3A_107, %add3A_216 : i32
      %get3A_218 = arith.index_cast %add3A_217 : i32 to index
      %get3A_219 = arith.constant 112 : index
      %get3A_220 = tpu.vector_load %arg8[%get3A_218, %get3A_219] {strides = array<i32>} : memref<256x128xf32, #tpu.memory_space<vmem>>, vector<16xf32>,
      %mul3A_221 = arith.mulf %get3A_220, %get3A_96 : vector<16xf32>
      %add3A_222 = arith.addf %mul3A_179, %mul3A_185 : vector<16xf32>
      %add3A_223 = arith.addf %mul3A_191, %mul3A_197 : vector<16xf32>
      %add3A_224 = arith.addf %add3A_222, %add3A_223 : vector<16xf32>
      %add3A_225 = arith.addf %mul3A_203, %mul3A_209 : vector<16xf32>
      %add3A_226 = arith.addf %mul3A_215, %mul3A_221 : vector<16xf32>
      %add3A_227 = arith.addf %add3A_225, %add3A_226 : vector<16xf32>
      %add3A_228 = arith.addf %add3A_224, %add3A_227 : vector<16xf32>
      %eq3A_229 = arith.constant 1 : i32
      %eq3A_230 = vector.broadcast %eq3A_229 : i32 to vector<16xi32>
      %eq3A_231 = arith.cmpi eq, %iota3A, %eq3A_230 : vector<16xi32>
      %reduce_sum3A_232 = arith.constant true
      %reduce_sum3A_233 = vector.broadcast %reduce_sum3A_232 : i1 to vector<16xi1>
      %reduce_sum3A_234 = tpu.scan <sum>, %add3A_228 masked %reduce_sum3A_233 : vector<16xf32>, vector<16xi1> -> vector<16xf32>
      %reduce_sum3A_235 = vector.extract %reduce_sum3A_234[15] : f32 from vector<16xf32>
      %add3A_236 = vector.broadcast %reduce_sum3A_235 : f32 to vector<16xf32>
      %add3A_237 = arith.addf %select_n3A, %add3A_236 : vector<16xf32>
      %select_n3A_238 = arith.select %eq3A_231, %add3A_237, %select_n3A : vector<16xi1>, vector<16xf32>
      %add3A_239 = arith.constant 2 : i32
      %add3A_240 = arith.addi %mul3A_107, %add3A_239 : i32
      %get3A_241 = arith.index_cast %add3A_240 : i32 to index
      %get3A_242 = arith.constant 0 : index
      %get3A_243 = tpu.vector_load %arg8[%get3A_241, %get3A_242] {strides = array<i32>} : memref<256x128xf32, #tpu.memory_space<vmem>>, vector<16xf32>,
      %mul3A_244 = arith.mulf %get3A_243, %get3A_82 : vector<16xf32>
      %add3A_245 = arith.constant 2 : i32
      %add3A_246 = arith.addi %mul3A_107, %add3A_245 : i32
      %get3A_247 = arith.index_cast %add3A_246 : i32 to index
      %get3A_248 = arith.constant 16 : index
      %get3A_249 = tpu.vector_load %arg8[%get3A_247, %get3A_248] {strides = array<i32>} : memref<256x128xf32, #tpu.memory_space<vmem>>, vector<16xf32>,
      %mul3A_250 = arith.mulf %get3A_249, %get3A_84 : vector<16xf32>
      %add3A_251 = arith.constant 2 : i32
      %add3A_252 = arith.addi %mul3A_107, %add3A_251 : i32
      %get3A_253 = arith.index_cast %add3A_252 : i32 to index
      %get3A_254 = arith.constant 32 : index
      %get3A_255 = tpu.vector_load %arg8[%get3A_253, %get3A_254] {strides = array<i32>} : memref<256x128xf32, #tpu.memory_space<vmem>>, vector<16xf32>,
      %mul3A_256 = arith.mulf %get3A_255, %get3A_86 : vector<16xf32>
      %add3A_257 = arith.constant 2 : i32
      %add3A_258 = arith.addi %mul3A_107, %add3A_257 : i32
      %get3A_259 = arith.index_cast %add3A_258 : i32 to index
      %get3A_260 = arith.constant 48 : index
      %get3A_261 = tpu.vector_load %arg8[%get3A_259, %get3A_260] {strides = array<i32>} : memref<256x128xf32, #tpu.memory_space<vmem>>, vector<16xf32>,
      %mul3A_262 = arith.mulf %get3A_261, %get3A_88 : vector<16xf32>
      %add3A_263 = arith.constant 2 : i32
      %add3A_264 = arith.addi %mul3A_107, %add3A_263 : i32
      %get3A_265 = arith.index_cast %add3A_264 : i32 to index
      %get3A_266 = arith.constant 64 : index
      %get3A_267 = tpu.vector_load %arg8[%get3A_265, %get3A_266] {strides = array<i32>} : memref<256x128xf32, #tpu.memory_space<vmem>>, vector<16xf32>,
      %mul3A_268 = arith.mulf %get3A_267, %get3A_90 : vector<16xf32>
      %add3A_269 = arith.constant 2 : i32
      %add3A_270 = arith.addi %mul3A_107, %add3A_269 : i32
      %get3A_271 = arith.index_cast %add3A_270 : i32 to index
      %get3A_272 = arith.constant 80 : index
      %get3A_273 = tpu.vector_load %arg8[%get3A_271, %get3A_272] {strides = array<i32>} : memref<256x128xf32, #tpu.memory_space<vmem>>, vector<16xf32>,
      %mul3A_274 = arith.mulf %get3A_273, %get3A_92 : vector<16xf32>
      %add3A_275 = arith.constant 2 : i32
      %add3A_276 = arith.addi %mul3A_107, %add3A_275 : i32
      %get3A_277 = arith.index_cast %add3A_276 : i32 to index
      %get3A_278 = arith.constant 96 : index
      %get3A_279 = tpu.vector_load %arg8[%get3A_277, %get3A_278] {strides = array<i32>} : memref<256x128xf32, #tpu.memory_space<vmem>>, vector<16xf32>,
      %mul3A_280 = arith.mulf %get3A_279, %get3A_94 : vector<16xf32>
      %add3A_281 = arith.constant 2 : i32
      %add3A_282 = arith.addi %mul3A_107, %add3A_281 : i32
      %get3A_283 = arith.index_cast %add3A_282 : i32 to index
      %get3A_284 = arith.constant 112 : index
      %get3A_285 = tpu.vector_load %arg8[%get3A_283, %get3A_284] {strides = array<i32>} : memref<256x128xf32, #tpu.memory_space<vmem>>, vector<16xf32>,
      %mul3A_286 = arith.mulf %get3A_285, %get3A_96 : vector<16xf32>
      %add3A_287 = arith.addf %mul3A_244, %mul3A_250 : vector<16xf32>
      %add3A_288 = arith.addf %mul3A_256, %mul3A_262 : vector<16xf32>
      %add3A_289 = arith.addf %add3A_287, %add3A_288 : vector<16xf32>
      %add3A_290 = arith.addf %mul3A_268, %mul3A_274 : vector<16xf32>
      %add3A_291 = arith.addf %mul3A_280, %mul3A_286 : vector<16xf32>
      %add3A_292 = arith.addf %add3A_290, %add3A_291 : vector<16xf32>
      %add3A_293 = arith.addf %add3A_289, %add3A_292 : vector<16xf32>
      %eq3A_294 = arith.constant 2 : i32
      %eq3A_295 = vector.broadcast %eq3A_294 : i32 to vector<16xi32>
      %eq3A_296 = arith.cmpi eq, %iota3A, %eq3A_295 : vector<16xi32>
      %reduce_sum3A_297 = arith.constant true
      %reduce_sum3A_298 = vector.broadcast %reduce_sum3A_297 : i1 to vector<16xi1>
      %reduce_sum3A_299 = tpu.scan <sum>, %add3A_293 masked %reduce_sum3A_298 : vector<16xf32>, vector<16xi1> -> vector<16xf32>
      %reduce_sum3A_300 = vector.extract %reduce_sum3A_299[15] : f32 from vector<16xf32>
      %add3A_301 = vector.broadcast %reduce_sum3A_300 : f32 to vector<16xf32>
      %add3A_302 = arith.addf %select_n3A_238, %add3A_301 : vector<16xf32>
      %select_n3A_303 = arith.select %eq3A_296, %add3A_302, %select_n3A_238 : vector<16xi1>, vector<16xf32>
      %add3A_304 = arith.constant 3 : i32
      %add3A_305 = arith.addi %mul3A_107, %add3A_304 : i32
      %get3A_306 = arith.index_cast %add3A_305 : i32 to index
      %get3A_307 = arith.constant 0 : index
      %get3A_308 = tpu.vector_load %arg8[%get3A_306, %get3A_307] {strides = array<i32>} : memref<256x128xf32, #tpu.memory_space<vmem>>, vector<16xf32>,
      %mul3A_309 = arith.mulf %get3A_308, %get3A_82 : vector<16xf32>
      %add3A_310 = arith.constant 3 : i32
      %add3A_311 = arith.addi %mul3A_107, %add3A_310 : i32
      %get3A_312 = arith.index_cast %add3A_311 : i32 to index
      %get3A_313 = arith.constant 16 : index
      %get3A_314 = tpu.vector_load %arg8[%get3A_312, %get3A_313] {strides = array<i32>} : memref<256x128xf32, #tpu.memory_space<vmem>>, vector<16xf32>,
      %mul3A_315 = arith.mulf %get3A_314, %get3A_84 : vector<16xf32>
      %add3A_316 = arith.constant 3 : i32
      %add3A_317 = arith.addi %mul3A_107, %add3A_316 : i32
      %get3A_318 = arith.index_cast %add3A_317 : i32 to index
      %get3A_319 = arith.constant 32 : index
      %get3A_320 = tpu.vector_load %arg8[%get3A_318, %get3A_319] {strides = array<i32>} : memref<256x128xf32, #tpu.memory_space<vmem>>, vector<16xf32>,
      %mul3A_321 = arith.mulf %get3A_320, %get3A_86 : vector<16xf32>
      %add3A_322 = arith.constant 3 : i32
      %add3A_323 = arith.addi %mul3A_107, %add3A_322 : i32
      %get3A_324 = arith.index_cast %add3A_323 : i32 to index
      %get3A_325 = arith.constant 48 : index
      %get3A_326 = tpu.vector_load %arg8[%get3A_324, %get3A_325] {strides = array<i32>} : memref<256x128xf32, #tpu.memory_space<vmem>>, vector<16xf32>,
      %mul3A_327 = arith.mulf %get3A_326, %get3A_88 : vector<16xf32>
      %add3A_328 = arith.constant 3 : i32
      %add3A_329 = arith.addi %mul3A_107, %add3A_328 : i32
      %get3A_330 = arith.index_cast %add3A_329 : i32 to index
      %get3A_331 = arith.constant 64 : index
      %get3A_332 = tpu.vector_load %arg8[%get3A_330, %get3A_331] {strides = array<i32>} : memref<256x128xf32, #tpu.memory_space<vmem>>, vector<16xf32>,
      %mul3A_333 = arith.mulf %get3A_332, %get3A_90 : vector<16xf32>
      %add3A_334 = arith.constant 3 : i32
      %add3A_335 = arith.addi %mul3A_107, %add3A_334 : i32
      %get3A_336 = arith.index_cast %add3A_335 : i32 to index
      %get3A_337 = arith.constant 80 : index
      %get3A_338 = tpu.vector_load %arg8[%get3A_336, %get3A_337] {strides = array<i32>} : memref<256x128xf32, #tpu.memory_space<vmem>>, vector<16xf32>,
      %mul3A_339 = arith.mulf %get3A_338, %get3A_92 : vector<16xf32>
      %add3A_340 = arith.constant 3 : i32
      %add3A_341 = arith.addi %mul3A_107, %add3A_340 : i32
      %get3A_342 = arith.index_cast %add3A_341 : i32 to index
      %get3A_343 = arith.constant 96 : index
      %get3A_344 = tpu.vector_load %arg8[%get3A_342, %get3A_343] {strides = array<i32>} : memref<256x128xf32, #tpu.memory_space<vmem>>, vector<16xf32>,
      %mul3A_345 = arith.mulf %get3A_344, %get3A_94 : vector<16xf32>
      %add3A_346 = arith.constant 3 : i32
      %add3A_347 = arith.addi %mul3A_107, %add3A_346 : i32
      %get3A_348 = arith.index_cast %add3A_347 : i32 to index
      %get3A_349 = arith.constant 112 : index
      %get3A_350 = tpu.vector_load %arg8[%get3A_348, %get3A_349] {strides = array<i32>} : memref<256x128xf32, #tpu.memory_space<vmem>>, vector<16xf32>,
      %mul3A_351 = arith.mulf %get3A_350, %get3A_96 : vector<16xf32>
      %add3A_352 = arith.addf %mul3A_309, %mul3A_315 : vector<16xf32>
      %add3A_353 = arith.addf %mul3A_321, %mul3A_327 : vector<16xf32>
      %add3A_354 = arith.addf %add3A_352, %add3A_353 : vector<16xf32>
      %add3A_355 = arith.addf %mul3A_333, %mul3A_339 : vector<16xf32>
      %add3A_356 = arith.addf %mul3A_345, %mul3A_351 : vector<16xf32>
      %add3A_357 = arith.addf %add3A_355, %add3A_356 : vector<16xf32>
      %add3A_358 = arith.addf %add3A_354, %add3A_357 : vector<16xf32>
      %eq3A_359 = arith.constant 3 : i32
      %eq3A_360 = vector.broadcast %eq3A_359 : i32 to vector<16xi32>
      %eq3A_361 = arith.cmpi eq, %iota3A, %eq3A_360 : vector<16xi32>
      %reduce_sum3A_362 = arith.constant true
      %reduce_sum3A_363 = vector.broadcast %reduce_sum3A_362 : i1 to vector<16xi1>
      %reduce_sum3A_364 = tpu.scan <sum>, %add3A_358 masked %reduce_sum3A_363 : vector<16xf32>, vector<16xi1> -> vector<16xf32>
      %reduce_sum3A_365 = vector.extract %reduce_sum3A_364[15] : f32 from vector<16xf32>
      %add3A_366 = vector.broadcast %reduce_sum3A_365 : f32 to vector<16xf32>
      %add3A_367 = arith.addf %select_n3A_303, %add3A_366 : vector<16xf32>
      %select_n3A_368 = arith.select %eq3A_361, %add3A_367, %select_n3A_303 : vector<16xi1>, vector<16xf32>
      %add3A_369 = arith.constant 4 : i32
      %add3A_370 = arith.addi %mul3A_107, %add3A_369 : i32
      %get3A_371 = arith.index_cast %add3A_370 : i32 to index
      %get3A_372 = arith.constant 0 : index
      %get3A_373 = tpu.vector_load %arg8[%get3A_371, %get3A_372] {strides = array<i32>} : memref<256x128xf32, #tpu.memory_space<vmem>>, vector<16xf32>,
      %mul3A_374 = arith.mulf %get3A_373, %get3A_82 : vector<16xf32>
      %add3A_375 = arith.constant 4 : i32
      %add3A_376 = arith.addi %mul3A_107, %add3A_375 : i32
      %get3A_377 = arith.index_cast %add3A_376 : i32 to index
      %get3A_378 = arith.constant 16 : index
      %get3A_379 = tpu.vector_load %arg8[%get3A_377, %get3A_378] {strides = array<i32>} : memref<256x128xf32, #tpu.memory_space<vmem>>, vector<16xf32>,
      %mul3A_380 = arith.mulf %get3A_379, %get3A_84 : vector<16xf32>
      %add3A_381 = arith.constant 4 : i32
      %add3A_382 = arith.addi %mul3A_107, %add3A_381 : i32
      %get3A_383 = arith.index_cast %add3A_382 : i32 to index
      %get3A_384 = arith.constant 32 : index
      %get3A_385 = tpu.vector_load %arg8[%get3A_383, %get3A_384] {strides = array<i32>} : memref<256x128xf32, #tpu.memory_space<vmem>>, vector<16xf32>,
      %mul3A_386 = arith.mulf %get3A_385, %get3A_86 : vector<16xf32>
      %add3A_387 = arith.constant 4 : i32
      %add3A_388 = arith.addi %mul3A_107, %add3A_387 : i32
      %get3A_389 = arith.index_cast %add3A_388 : i32 to index
      %get3A_390 = arith.constant 48 : index
      %get3A_391 = tpu.vector_load %arg8[%get3A_389, %get3A_390] {strides = array<i32>} : memref<256x128xf32, #tpu.memory_space<vmem>>, vector<16xf32>,
      %mul3A_392 = arith.mulf %get3A_391, %get3A_88 : vector<16xf32>
      %add3A_393 = arith.constant 4 : i32
      %add3A_394 = arith.addi %mul3A_107, %add3A_393 : i32
      %get3A_395 = arith.index_cast %add3A_394 : i32 to index
      %get3A_396 = arith.constant 64 : index
      %get3A_397 = tpu.vector_load %arg8[%get3A_395, %get3A_396] {strides = array<i32>} : memref<256x128xf32, #tpu.memory_space<vmem>>, vector<16xf32>,
      %mul3A_398 = arith.mulf %get3A_397, %get3A_90 : vector<16xf32>
      %add3A_399 = arith.constant 4 : i32
      %add3A_400 = arith.addi %mul3A_107, %add3A_399 : i32
      %get3A_401 = arith.index_cast %add3A_400 : i32 to index
      %get3A_402 = arith.constant 80 : index
      %get3A_403 = tpu.vector_load %arg8[%get3A_401, %get3A_402] {strides = array<i32>} : memref<256x128xf32, #tpu.memory_space<vmem>>, vector<16xf32>,
      %mul3A_404 = arith.mulf %get3A_403, %get3A_92 : vector<16xf32>
      %add3A_405 = arith.constant 4 : i32
      %add3A_406 = arith.addi %mul3A_107, %add3A_405 : i32
      %get3A_407 = arith.index_cast %add3A_406 : i32 to index
      %get3A_408 = arith.constant 96 : index
      %get3A_409 = tpu.vector_load %arg8[%get3A_407, %get3A_408] {strides = array<i32>} : memref<256x128xf32, #tpu.memory_space<vmem>>, vector<16xf32>,
      %mul3A_410 = arith.mulf %get3A_409, %get3A_94 : vector<16xf32>
      %add3A_411 = arith.constant 4 : i32
      %add3A_412 = arith.addi %mul3A_107, %add3A_411 : i32
      %get3A_413 = arith.index_cast %add3A_412 : i32 to index
      %get3A_414 = arith.constant 112 : index
      %get3A_415 = tpu.vector_load %arg8[%get3A_413, %get3A_414] {strides = array<i32>} : memref<256x128xf32, #tpu.memory_space<vmem>>, vector<16xf32>,
      %mul3A_416 = arith.mulf %get3A_415, %get3A_96 : vector<16xf32>
      %add3A_417 = arith.addf %mul3A_374, %mul3A_380 : vector<16xf32>
      %add3A_418 = arith.addf %mul3A_386, %mul3A_392 : vector<16xf32>
      %add3A_419 = arith.addf %add3A_417, %add3A_418 : vector<16xf32>
      %add3A_420 = arith.addf %mul3A_398, %mul3A_404 : vector<16xf32>
      %add3A_421 = arith.addf %mul3A_410, %mul3A_416 : vector<16xf32>
      %add3A_422 = arith.addf %add3A_420, %add3A_421 : vector<16xf32>
      %add3A_423 = arith.addf %add3A_419, %add3A_422 : vector<16xf32>
      %eq3A_424 = arith.constant 4 : i32
      %eq3A_425 = vector.broadcast %eq3A_424 : i32 to vector<16xi32>
      %eq3A_426 = arith.cmpi eq, %iota3A, %eq3A_425 : vector<16xi32>
      %reduce_sum3A_427 = arith.constant true
      %reduce_sum3A_428 = vector.broadcast %reduce_sum3A_427 : i1 to vector<16xi1>
      %reduce_sum3A_429 = tpu.scan <sum>, %add3A_423 masked %reduce_sum3A_428 : vector<16xf32>, vector<16xi1> -> vector<16xf32>
      %reduce_sum3A_430 = vector.extract %reduce_sum3A_429[15] : f32 from vector<16xf32>
      %add3A_431 = vector.broadcast %reduce_sum3A_430 : f32 to vector<16xf32>
      %add3A_432 = arith.addf %select_n3A_368, %add3A_431 : vector<16xf32>
      %select_n3A_433 = arith.select %eq3A_426, %add3A_432, %select_n3A_368 : vector<16xi1>, vector<16xf32>
      %add3A_434 = arith.constant 5 : i32
      %add3A_435 = arith.addi %mul3A_107, %add3A_434 : i32
      %get3A_436 = arith.index_cast %add3A_435 : i32 to index
      %get3A_437 = arith.constant 0 : index
      %get3A_438 = tpu.vector_load %arg8[%get3A_436, %get3A_437] {strides = array<i32>} : memref<256x128xf32, #tpu.memory_space<vmem>>, vector<16xf32>,
      %mul3A_439 = arith.mulf %get3A_438, %get3A_82 : vector<16xf32>
      %add3A_440 = arith.constant 5 : i32
      %add3A_441 = arith.addi %mul3A_107, %add3A_440 : i32
      %get3A_442 = arith.index_cast %add3A_441 : i32 to index
      %get3A_443 = arith.constant 16 : index
      %get3A_444 = tpu.vector_load %arg8[%get3A_442, %get3A_443] {strides = array<i32>} : memref<256x128xf32, #tpu.memory_space<vmem>>, vector<16xf32>,
      %mul3A_445 = arith.mulf %get3A_444, %get3A_84 : vector<16xf32>
      %add3A_446 = arith.constant 5 : i32
      %add3A_447 = arith.addi %mul3A_107, %add3A_446 : i32
      %get3A_448 = arith.index_cast %add3A_447 : i32 to index
      %get3A_449 = arith.constant 32 : index
      %get3A_450 = tpu.vector_load %arg8[%get3A_448, %get3A_449] {strides = array<i32>} : memref<256x128xf32, #tpu.memory_space<vmem>>, vector<16xf32>,
      %mul3A_451 = arith.mulf %get3A_450, %get3A_86 : vector<16xf32>
      %add3A_452 = arith.constant 5 : i32
      %add3A_453 = arith.addi %mul3A_107, %add3A_452 : i32
      %get3A_454 = arith.index_cast %add3A_453 : i32 to index
      %get3A_455 = arith.constant 48 : index
      %get3A_456 = tpu.vector_load %arg8[%get3A_454, %get3A_455] {strides = array<i32>} : memref<256x128xf32, #tpu.memory_space<vmem>>, vector<16xf32>,
      %mul3A_457 = arith.mulf %get3A_456, %get3A_88 : vector<16xf32>
      %add3A_458 = arith.constant 5 : i32
      %add3A_459 = arith.addi %mul3A_107, %add3A_458 : i32
      %get3A_460 = arith.index_cast %add3A_459 : i32 to index
      %get3A_461 = arith.constant 64 : index
      %get3A_462 = tpu.vector_load %arg8[%get3A_460, %get3A_461] {strides = array<i32>} : memref<256x128xf32, #tpu.memory_space<vmem>>, vector<16xf32>,
      %mul3A_463 = arith.mulf %get3A_462, %get3A_90 : vector<16xf32>
      %add3A_464 = arith.constant 5 : i32
      %add3A_465 = arith.addi %mul3A_107, %add3A_464 : i32
      %get3A_466 = arith.index_cast %add3A_465 : i32 to index
      %get3A_467 = arith.constant 80 : index
      %get3A_468 = tpu.vector_load %arg8[%get3A_466, %get3A_467] {strides = array<i32>} : memref<256x128xf32, #tpu.memory_space<vmem>>, vector<16xf32>,
      %mul3A_469 = arith.mulf %get3A_468, %get3A_92 : vector<16xf32>
      %add3A_470 = arith.constant 5 : i32
      %add3A_471 = arith.addi %mul3A_107, %add3A_470 : i32
      %get3A_472 = arith.index_cast %add3A_471 : i32 to index
      %get3A_473 = arith.constant 96 : index
      %get3A_474 = tpu.vector_load %arg8[%get3A_472, %get3A_473] {strides = array<i32>} : memref<256x128xf32, #tpu.memory_space<vmem>>, vector<16xf32>,
      %mul3A_475 = arith.mulf %get3A_474, %get3A_94 : vector<16xf32>
      %add3A_476 = arith.constant 5 : i32
      %add3A_477 = arith.addi %mul3A_107, %add3A_476 : i32
      %get3A_478 = arith.index_cast %add3A_477 : i32 to index
      %get3A_479 = arith.constant 112 : index
      %get3A_480 = tpu.vector_load %arg8[%get3A_478, %get3A_479] {strides = array<i32>} : memref<256x128xf32, #tpu.memory_space<vmem>>, vector<16xf32>,
      %mul3A_481 = arith.mulf %get3A_480, %get3A_96 : vector<16xf32>
      %add3A_482 = arith.addf %mul3A_439, %mul3A_445 : vector<16xf32>
      %add3A_483 = arith.addf %mul3A_451, %mul3A_457 : vector<16xf32>
      %add3A_484 = arith.addf %add3A_482, %add3A_483 : vector<16xf32>
      %add3A_485 = arith.addf %mul3A_463, %mul3A_469 : vector<16xf32>
      %add3A_486 = arith.addf %mul3A_475, %mul3A_481 : vector<16xf32>
      %add3A_487 = arith.addf %add3A_485, %add3A_486 : vector<16xf32>
      %add3A_488 = arith.addf %add3A_484, %add3A_487 : vector<16xf32>
      %eq3A_489 = arith.constant 5 : i32
      %eq3A_490 = vector.broadcast %eq3A_489 : i32 to vector<16xi32>
      %eq3A_491 = arith.cmpi eq, %iota3A, %eq3A_490 : vector<16xi32>
      %reduce_sum3A_492 = arith.constant true
      %reduce_sum3A_493 = vector.broadcast %reduce_sum3A_492 : i1 to vector<16xi1>
      %reduce_sum3A_494 = tpu.scan <sum>, %add3A_488 masked %reduce_sum3A_493 : vector<16xf32>, vector<16xi1> -> vector<16xf32>
      %reduce_sum3A_495 = vector.extract %reduce_sum3A_494[15] : f32 from vector<16xf32>
      %add3A_496 = vector.broadcast %reduce_sum3A_495 : f32 to vector<16xf32>
      %add3A_497 = arith.addf %select_n3A_433, %add3A_496 : vector<16xf32>
      %select_n3A_498 = arith.select %eq3A_491, %add3A_497, %select_n3A_433 : vector<16xi1>, vector<16xf32>
      %add3A_499 = arith.constant 6 : i32
      %add3A_500 = arith.addi %mul3A_107, %add3A_499 : i32
      %get3A_501 = arith.index_cast %add3A_500 : i32 to index
      %get3A_502 = arith.constant 0 : index
      %get3A_503 = tpu.vector_load %arg8[%get3A_501, %get3A_502] {strides = array<i32>} : memref<256x128xf32, #tpu.memory_space<vmem>>, vector<16xf32>,
      %mul3A_504 = arith.mulf %get3A_503, %get3A_82 : vector<16xf32>
      %add3A_505 = arith.constant 6 : i32
      %add3A_506 = arith.addi %mul3A_107, %add3A_505 : i32
      %get3A_507 = arith.index_cast %add3A_506 : i32 to index
      %get3A_508 = arith.constant 16 : index
      %get3A_509 = tpu.vector_load %arg8[%get3A_507, %get3A_508] {strides = array<i32>} : memref<256x128xf32, #tpu.memory_space<vmem>>, vector<16xf32>,
      %mul3A_510 = arith.mulf %get3A_509, %get3A_84 : vector<16xf32>
      %add3A_511 = arith.constant 6 : i32
      %add3A_512 = arith.addi %mul3A_107, %add3A_511 : i32
      %get3A_513 = arith.index_cast %add3A_512 : i32 to index
      %get3A_514 = arith.constant 32 : index
      %get3A_515 = tpu.vector_load %arg8[%get3A_513, %get3A_514] {strides = array<i32>} : memref<256x128xf32, #tpu.memory_space<vmem>>, vector<16xf32>,
      %mul3A_516 = arith.mulf %get3A_515, %get3A_86 : vector<16xf32>
      %add3A_517 = arith.constant 6 : i32
      %add3A_518 = arith.addi %mul3A_107, %add3A_517 : i32
      %get3A_519 = arith.index_cast %add3A_518 : i32 to index
      %get3A_520 = arith.constant 48 : index
      %get3A_521 = tpu.vector_load %arg8[%get3A_519, %get3A_520] {strides = array<i32>} : memref<256x128xf32, #tpu.memory_space<vmem>>, vector<16xf32>,
      %mul3A_522 = arith.mulf %get3A_521, %get3A_88 : vector<16xf32>
      %add3A_523 = arith.constant 6 : i32
      %add3A_524 = arith.addi %mul3A_107, %add3A_523 : i32
      %get3A_525 = arith.index_cast %add3A_524 : i32 to index
      %get3A_526 = arith.constant 64 : index
      %get3A_527 = tpu.vector_load %arg8[%get3A_525, %get3A_526] {strides = array<i32>} : memref<256x128xf32, #tpu.memory_space<vmem>>, vector<16xf32>,
      %mul3A_528 = arith.mulf %get3A_527, %get3A_90 : vector<16xf32>
      %add3A_529 = arith.constant 6 : i32
      %add3A_530 = arith.addi %mul3A_107, %add3A_529 : i32
      %get3A_531 = arith.index_cast %add3A_530 : i32 to index
      %get3A_532 = arith.constant 80 : index
      %get3A_533 = tpu.vector_load %arg8[%get3A_531, %get3A_532] {strides = array<i32>} : memref<256x128xf32, #tpu.memory_space<vmem>>, vector<16xf32>,
      %mul3A_534 = arith.mulf %get3A_533, %get3A_92 : vector<16xf32>
      %add3A_535 = arith.constant 6 : i32
      %add3A_536 = arith.addi %mul3A_107, %add3A_535 : i32
      %get3A_537 = arith.index_cast %add3A_536 : i32 to index
      %get3A_538 = arith.constant 96 : index
      %get3A_539 = tpu.vector_load %arg8[%get3A_537, %get3A_538] {strides = array<i32>} : memref<256x128xf32, #tpu.memory_space<vmem>>, vector<16xf32>,
      %mul3A_540 = arith.mulf %get3A_539, %get3A_94 : vector<16xf32>
      %add3A_541 = arith.constant 6 : i32
      %add3A_542 = arith.addi %mul3A_107, %add3A_541 : i32
      %get3A_543 = arith.index_cast %add3A_542 : i32 to index
      %get3A_544 = arith.constant 112 : index
      %get3A_545 = tpu.vector_load %arg8[%get3A_543, %get3A_544] {strides = array<i32>} : memref<256x128xf32, #tpu.memory_space<vmem>>, vector<16xf32>,
      %mul3A_546 = arith.mulf %get3A_545, %get3A_96 : vector<16xf32>
      %add3A_547 = arith.addf %mul3A_504, %mul3A_510 : vector<16xf32>
      %add3A_548 = arith.addf %mul3A_516, %mul3A_522 : vector<16xf32>
      %add3A_549 = arith.addf %add3A_547, %add3A_548 : vector<16xf32>
      %add3A_550 = arith.addf %mul3A_528, %mul3A_534 : vector<16xf32>
      %add3A_551 = arith.addf %mul3A_540, %mul3A_546 : vector<16xf32>
      %add3A_552 = arith.addf %add3A_550, %add3A_551 : vector<16xf32>
      %add3A_553 = arith.addf %add3A_549, %add3A_552 : vector<16xf32>
      %eq3A_554 = arith.constant 6 : i32
      %eq3A_555 = vector.broadcast %eq3A_554 : i32 to vector<16xi32>
      %eq3A_556 = arith.cmpi eq, %iota3A, %eq3A_555 : vector<16xi32>
      %reduce_sum3A_557 = arith.constant true
      %reduce_sum3A_558 = vector.broadcast %reduce_sum3A_557 : i1 to vector<16xi1>
      %reduce_sum3A_559 = tpu.scan <sum>, %add3A_553 masked %reduce_sum3A_558 : vector<16xf32>, vector<16xi1> -> vector<16xf32>
      %reduce_sum3A_560 = vector.extract %reduce_sum3A_559[15] : f32 from vector<16xf32>
      %add3A_561 = vector.broadcast %reduce_sum3A_560 : f32 to vector<16xf32>
      %add3A_562 = arith.addf %select_n3A_498, %add3A_561 : vector<16xf32>
      %select_n3A_563 = arith.select %eq3A_556, %add3A_562, %select_n3A_498 : vector<16xi1>, vector<16xf32>
      %add3A_564 = arith.constant 7 : i32
      %add3A_565 = arith.addi %mul3A_107, %add3A_564 : i32
      %get3A_566 = arith.index_cast %add3A_565 : i32 to index
      %get3A_567 = arith.constant 0 : index
      %get3A_568 = tpu.vector_load %arg8[%get3A_566, %get3A_567] {strides = array<i32>} : memref<256x128xf32, #tpu.memory_space<vmem>>, vector<16xf32>,
      %mul3A_569 = arith.mulf %get3A_568, %get3A_82 : vector<16xf32>
      %add3A_570 = arith.constant 7 : i32
      %add3A_571 = arith.addi %mul3A_107, %add3A_570 : i32
      %get3A_572 = arith.index_cast %add3A_571 : i32 to index
      %get3A_573 = arith.constant 16 : index
      %get3A_574 = tpu.vector_load %arg8[%get3A_572, %get3A_573] {strides = array<i32>} : memref<256x128xf32, #tpu.memory_space<vmem>>, vector<16xf32>,
      %mul3A_575 = arith.mulf %get3A_574, %get3A_84 : vector<16xf32>
      %add3A_576 = arith.constant 7 : i32
      %add3A_577 = arith.addi %mul3A_107, %add3A_576 : i32
      %get3A_578 = arith.index_cast %add3A_577 : i32 to index
      %get3A_579 = arith.constant 32 : index
      %get3A_580 = tpu.vector_load %arg8[%get3A_578, %get3A_579] {strides = array<i32>} : memref<256x128xf32, #tpu.memory_space<vmem>>, vector<16xf32>,
      %mul3A_581 = arith.mulf %get3A_580, %get3A_86 : vector<16xf32>
      %add3A_582 = arith.constant 7 : i32
      %add3A_583 = arith.addi %mul3A_107, %add3A_582 : i32
      %get3A_584 = arith.index_cast %add3A_583 : i32 to index
      %get3A_585 = arith.constant 48 : index
      %get3A_586 = tpu.vector_load %arg8[%get3A_584, %get3A_585] {strides = array<i32>} : memref<256x128xf32, #tpu.memory_space<vmem>>, vector<16xf32>,
      %mul3A_587 = arith.mulf %get3A_586, %get3A_88 : vector<16xf32>
      %add3A_588 = arith.constant 7 : i32
      %add3A_589 = arith.addi %mul3A_107, %add3A_588 : i32
      %get3A_590 = arith.index_cast %add3A_589 : i32 to index
      %get3A_591 = arith.constant 64 : index
      %get3A_592 = tpu.vector_load %arg8[%get3A_590, %get3A_591] {strides = array<i32>} : memref<256x128xf32, #tpu.memory_space<vmem>>, vector<16xf32>,
      %mul3A_593 = arith.mulf %get3A_592, %get3A_90 : vector<16xf32>
      %add3A_594 = arith.constant 7 : i32
      %add3A_595 = arith.addi %mul3A_107, %add3A_594 : i32
      %get3A_596 = arith.index_cast %add3A_595 : i32 to index
      %get3A_597 = arith.constant 80 : index
      %get3A_598 = tpu.vector_load %arg8[%get3A_596, %get3A_597] {strides = array<i32>} : memref<256x128xf32, #tpu.memory_space<vmem>>, vector<16xf32>,
      %mul3A_599 = arith.mulf %get3A_598, %get3A_92 : vector<16xf32>
      %add3A_600 = arith.constant 7 : i32
      %add3A_601 = arith.addi %mul3A_107, %add3A_600 : i32
      %get3A_602 = arith.index_cast %add3A_601 : i32 to index
      %get3A_603 = arith.constant 96 : index
      %get3A_604 = tpu.vector_load %arg8[%get3A_602, %get3A_603] {strides = array<i32>} : memref<256x128xf32, #tpu.memory_space<vmem>>, vector<16xf32>,
      %mul3A_605 = arith.mulf %get3A_604, %get3A_94 : vector<16xf32>
      %add3A_606 = arith.constant 7 : i32
      %add3A_607 = arith.addi %mul3A_107, %add3A_606 : i32
      %get3A_608 = arith.index_cast %add3A_607 : i32 to index
      %get3A_609 = arith.constant 112 : index
      %get3A_610 = tpu.vector_load %arg8[%get3A_608, %get3A_609] {strides = array<i32>} : memref<256x128xf32, #tpu.memory_space<vmem>>, vector<16xf32>,
      %mul3A_611 = arith.mulf %get3A_610, %get3A_96 : vector<16xf32>
      %add3A_612 = arith.addf %mul3A_569, %mul3A_575 : vector<16xf32>
      %add3A_613 = arith.addf %mul3A_581, %mul3A_587 : vector<16xf32>
      %add3A_614 = arith.addf %add3A_612, %add3A_613 : vector<16xf32>
      %add3A_615 = arith.addf %mul3A_593, %mul3A_599 : vector<16xf32>
      %add3A_616 = arith.addf %mul3A_605, %mul3A_611 : vector<16xf32>
      %add3A_617 = arith.addf %add3A_615, %add3A_616 : vector<16xf32>
      %add3A_618 = arith.addf %add3A_614, %add3A_617 : vector<16xf32>
      %eq3A_619 = arith.constant 7 : i32
      %eq3A_620 = vector.broadcast %eq3A_619 : i32 to vector<16xi32>
      %eq3A_621 = arith.cmpi eq, %iota3A, %eq3A_620 : vector<16xi32>
      %reduce_sum3A_622 = arith.constant true
      %reduce_sum3A_623 = vector.broadcast %reduce_sum3A_622 : i1 to vector<16xi1>
      %reduce_sum3A_624 = tpu.scan <sum>, %add3A_618 masked %reduce_sum3A_623 : vector<16xf32>, vector<16xi1> -> vector<16xf32>
      %reduce_sum3A_625 = vector.extract %reduce_sum3A_624[15] : f32 from vector<16xf32>
      %add3A_626 = vector.broadcast %reduce_sum3A_625 : f32 to vector<16xf32>
      %add3A_627 = arith.addf %select_n3A_563, %add3A_626 : vector<16xf32>
      %select_n3A_628 = arith.select %eq3A_621, %add3A_627, %select_n3A_563 : vector<16xi1>, vector<16xf32>
      %add3A_629 = arith.constant 8 : i32
      %add3A_630 = arith.addi %mul3A_107, %add3A_629 : i32
      %get3A_631 = arith.index_cast %add3A_630 : i32 to index
      %get3A_632 = arith.constant 0 : index
      %get3A_633 = tpu.vector_load %arg8[%get3A_631, %get3A_632] {strides = array<i32>} : memref<256x128xf32, #tpu.memory_space<vmem>>, vector<16xf32>,
      %mul3A_634 = arith.mulf %get3A_633, %get3A_82 : vector<16xf32>
      %add3A_635 = arith.constant 8 : i32
      %add3A_636 = arith.addi %mul3A_107, %add3A_635 : i32
      %get3A_637 = arith.index_cast %add3A_636 : i32 to index
      %get3A_638 = arith.constant 16 : index
      %get3A_639 = tpu.vector_load %arg8[%get3A_637, %get3A_638] {strides = array<i32>} : memref<256x128xf32, #tpu.memory_space<vmem>>, vector<16xf32>,
      %mul3A_640 = arith.mulf %get3A_639, %get3A_84 : vector<16xf32>
      %add3A_641 = arith.constant 8 : i32
      %add3A_642 = arith.addi %mul3A_107, %add3A_641 : i32
      %get3A_643 = arith.index_cast %add3A_642 : i32 to index
      %get3A_644 = arith.constant 32 : index
      %get3A_645 = tpu.vector_load %arg8[%get3A_643, %get3A_644] {strides = array<i32>} : memref<256x128xf32, #tpu.memory_space<vmem>>, vector<16xf32>,
      %mul3A_646 = arith.mulf %get3A_645, %get3A_86 : vector<16xf32>
      %add3A_647 = arith.constant 8 : i32
      %add3A_648 = arith.addi %mul3A_107, %add3A_647 : i32
      %get3A_649 = arith.index_cast %add3A_648 : i32 to index
      %get3A_650 = arith.constant 48 : index
      %get3A_651 = tpu.vector_load %arg8[%get3A_649, %get3A_650] {strides = array<i32>} : memref<256x128xf32, #tpu.memory_space<vmem>>, vector<16xf32>,
      %mul3A_652 = arith.mulf %get3A_651, %get3A_88 : vector<16xf32>
      %add3A_653 = arith.constant 8 : i32
      %add3A_654 = arith.addi %mul3A_107, %add3A_653 : i32
      %get3A_655 = arith.index_cast %add3A_654 : i32 to index
      %get3A_656 = arith.constant 64 : index
      %get3A_657 = tpu.vector_load %arg8[%get3A_655, %get3A_656] {strides = array<i32>} : memref<256x128xf32, #tpu.memory_space<vmem>>, vector<16xf32>,
      %mul3A_658 = arith.mulf %get3A_657, %get3A_90 : vector<16xf32>
      %add3A_659 = arith.constant 8 : i32
      %add3A_660 = arith.addi %mul3A_107, %add3A_659 : i32
      %get3A_661 = arith.index_cast %add3A_660 : i32 to index
      %get3A_662 = arith.constant 80 : index
      %get3A_663 = tpu.vector_load %arg8[%get3A_661, %get3A_662] {strides = array<i32>} : memref<256x128xf32, #tpu.memory_space<vmem>>, vector<16xf32>,
      %mul3A_664 = arith.mulf %get3A_663, %get3A_92 : vector<16xf32>
      %add3A_665 = arith.constant 8 : i32
      %add3A_666 = arith.addi %mul3A_107, %add3A_665 : i32
      %get3A_667 = arith.index_cast %add3A_666 : i32 to index
      %get3A_668 = arith.constant 96 : index
      %get3A_669 = tpu.vector_load %arg8[%get3A_667, %get3A_668] {strides = array<i32>} : memref<256x128xf32, #tpu.memory_space<vmem>>, vector<16xf32>,
      %mul3A_670 = arith.mulf %get3A_669, %get3A_94 : vector<16xf32>
      %add3A_671 = arith.constant 8 : i32
      %add3A_672 = arith.addi %mul3A_107, %add3A_671 : i32
      %get3A_673 = arith.index_cast %add3A_672 : i32 to index
      %get3A_674 = arith.constant 112 : index
      %get3A_675 = tpu.vector_load %arg8[%get3A_673, %get3A_674] {strides = array<i32>} : memref<256x128xf32, #tpu.memory_space<vmem>>, vector<16xf32>,
      %mul3A_676 = arith.mulf %get3A_675, %get3A_96 : vector<16xf32>
      %add3A_677 = arith.addf %mul3A_634, %mul3A_640 : vector<16xf32>
      %add3A_678 = arith.addf %mul3A_646, %mul3A_652 : vector<16xf32>
      %add3A_679 = arith.addf %add3A_677, %add3A_678 : vector<16xf32>
      %add3A_680 = arith.addf %mul3A_658, %mul3A_664 : vector<16xf32>
      %add3A_681 = arith.addf %mul3A_670, %mul3A_676 : vector<16xf32>
      %add3A_682 = arith.addf %add3A_680, %add3A_681 : vector<16xf32>
      %add3A_683 = arith.addf %add3A_679, %add3A_682 : vector<16xf32>
      %eq3A_684 = arith.constant 8 : i32
      %eq3A_685 = vector.broadcast %eq3A_684 : i32 to vector<16xi32>
      %eq3A_686 = arith.cmpi eq, %iota3A, %eq3A_685 : vector<16xi32>
      %reduce_sum3A_687 = arith.constant true
      %reduce_sum3A_688 = vector.broadcast %reduce_sum3A_687 : i1 to vector<16xi1>
      %reduce_sum3A_689 = tpu.scan <sum>, %add3A_683 masked %reduce_sum3A_688 : vector<16xf32>, vector<16xi1> -> vector<16xf32>
      %reduce_sum3A_690 = vector.extract %reduce_sum3A_689[15] : f32 from vector<16xf32>
      %add3A_691 = vector.broadcast %reduce_sum3A_690 : f32 to vector<16xf32>
      %add3A_692 = arith.addf %select_n3A_628, %add3A_691 : vector<16xf32>
      %select_n3A_693 = arith.select %eq3A_686, %add3A_692, %select_n3A_628 : vector<16xi1>, vector<16xf32>
      %add3A_694 = arith.constant 9 : i32
      %add3A_695 = arith.addi %mul3A_107, %add3A_694 : i32
      %get3A_696 = arith.index_cast %add3A_695 : i32 to index
      %get3A_697 = arith.constant 0 : index
      %get3A_698 = tpu.vector_load %arg8[%get3A_696, %get3A_697] {strides = array<i32>} : memref<256x128xf32, #tpu.memory_space<vmem>>, vector<16xf32>,
      %mul3A_699 = arith.mulf %get3A_698, %get3A_82 : vector<16xf32>
      %add3A_700 = arith.constant 9 : i32
      %add3A_701 = arith.addi %mul3A_107, %add3A_700 : i32
      %get3A_702 = arith.index_cast %add3A_701 : i32 to index
      %get3A_703 = arith.constant 16 : index
      %get3A_704 = tpu.vector_load %arg8[%get3A_702, %get3A_703] {strides = array<i32>} : memref<256x128xf32, #tpu.memory_space<vmem>>, vector<16xf32>,
      %mul3A_705 = arith.mulf %get3A_704, %get3A_84 : vector<16xf32>
      %add3A_706 = arith.constant 9 : i32
      %add3A_707 = arith.addi %mul3A_107, %add3A_706 : i32
      %get3A_708 = arith.index_cast %add3A_707 : i32 to index
      %get3A_709 = arith.constant 32 : index
      %get3A_710 = tpu.vector_load %arg8[%get3A_708, %get3A_709] {strides = array<i32>} : memref<256x128xf32, #tpu.memory_space<vmem>>, vector<16xf32>,
      %mul3A_711 = arith.mulf %get3A_710, %get3A_86 : vector<16xf32>
      %add3A_712 = arith.constant 9 : i32
      %add3A_713 = arith.addi %mul3A_107, %add3A_712 : i32
      %get3A_714 = arith.index_cast %add3A_713 : i32 to index
      %get3A_715 = arith.constant 48 : index
      %get3A_716 = tpu.vector_load %arg8[%get3A_714, %get3A_715] {strides = array<i32>} : memref<256x128xf32, #tpu.memory_space<vmem>>, vector<16xf32>,
      %mul3A_717 = arith.mulf %get3A_716, %get3A_88 : vector<16xf32>
      %add3A_718 = arith.constant 9 : i32
      %add3A_719 = arith.addi %mul3A_107, %add3A_718 : i32
      %get3A_720 = arith.index_cast %add3A_719 : i32 to index
      %get3A_721 = arith.constant 64 : index
      %get3A_722 = tpu.vector_load %arg8[%get3A_720, %get3A_721] {strides = array<i32>} : memref<256x128xf32, #tpu.memory_space<vmem>>, vector<16xf32>,
      %mul3A_723 = arith.mulf %get3A_722, %get3A_90 : vector<16xf32>
      %add3A_724 = arith.constant 9 : i32
      %add3A_725 = arith.addi %mul3A_107, %add3A_724 : i32
      %get3A_726 = arith.index_cast %add3A_725 : i32 to index
      %get3A_727 = arith.constant 80 : index
      %get3A_728 = tpu.vector_load %arg8[%get3A_726, %get3A_727] {strides = array<i32>} : memref<256x128xf32, #tpu.memory_space<vmem>>, vector<16xf32>,
      %mul3A_729 = arith.mulf %get3A_728, %get3A_92 : vector<16xf32>
      %add3A_730 = arith.constant 9 : i32
      %add3A_731 = arith.addi %mul3A_107, %add3A_730 : i32
      %get3A_732 = arith.index_cast %add3A_731 : i32 to index
      %get3A_733 = arith.constant 96 : index
      %get3A_734 = tpu.vector_load %arg8[%get3A_732, %get3A_733] {strides = array<i32>} : memref<256x128xf32, #tpu.memory_space<vmem>>, vector<16xf32>,
      %mul3A_735 = arith.mulf %get3A_734, %get3A_94 : vector<16xf32>
      %add3A_736 = arith.constant 9 : i32
      %add3A_737 = arith.addi %mul3A_107, %add3A_736 : i32
      %get3A_738 = arith.index_cast %add3A_737 : i32 to index
      %get3A_739 = arith.constant 112 : index
      %get3A_740 = tpu.vector_load %arg8[%get3A_738, %get3A_739] {strides = array<i32>} : memref<256x128xf32, #tpu.memory_space<vmem>>, vector<16xf32>,
      %mul3A_741 = arith.mulf %get3A_740, %get3A_96 : vector<16xf32>
      %add3A_742 = arith.addf %mul3A_699, %mul3A_705 : vector<16xf32>
      %add3A_743 = arith.addf %mul3A_711, %mul3A_717 : vector<16xf32>
      %add3A_744 = arith.addf %add3A_742, %add3A_743 : vector<16xf32>
      %add3A_745 = arith.addf %mul3A_723, %mul3A_729 : vector<16xf32>
      %add3A_746 = arith.addf %mul3A_735, %mul3A_741 : vector<16xf32>
      %add3A_747 = arith.addf %add3A_745, %add3A_746 : vector<16xf32>
      %add3A_748 = arith.addf %add3A_744, %add3A_747 : vector<16xf32>
      %eq3A_749 = arith.constant 9 : i32
      %eq3A_750 = vector.broadcast %eq3A_749 : i32 to vector<16xi32>
      %eq3A_751 = arith.cmpi eq, %iota3A, %eq3A_750 : vector<16xi32>
      %reduce_sum3A_752 = arith.constant true
      %reduce_sum3A_753 = vector.broadcast %reduce_sum3A_752 : i1 to vector<16xi1>
      %reduce_sum3A_754 = tpu.scan <sum>, %add3A_748 masked %reduce_sum3A_753 : vector<16xf32>, vector<16xi1> -> vector<16xf32>
      %reduce_sum3A_755 = vector.extract %reduce_sum3A_754[15] : f32 from vector<16xf32>
      %add3A_756 = vector.broadcast %reduce_sum3A_755 : f32 to vector<16xf32>
      %add3A_757 = arith.addf %select_n3A_693, %add3A_756 : vector<16xf32>
      %select_n3A_758 = arith.select %eq3A_751, %add3A_757, %select_n3A_693 : vector<16xi1>, vector<16xf32>
      %add3A_759 = arith.constant 10 : i32
      %add3A_760 = arith.addi %mul3A_107, %add3A_759 : i32
      %get3A_761 = arith.index_cast %add3A_760 : i32 to index
      %get3A_762 = arith.constant 0 : index
      %get3A_763 = tpu.vector_load %arg8[%get3A_761, %get3A_762] {strides = array<i32>} : memref<256x128xf32, #tpu.memory_space<vmem>>, vector<16xf32>,
      %mul3A_764 = arith.mulf %get3A_763, %get3A_82 : vector<16xf32>
      %add3A_765 = arith.constant 10 : i32
      %add3A_766 = arith.addi %mul3A_107, %add3A_765 : i32
      %get3A_767 = arith.index_cast %add3A_766 : i32 to index
      %get3A_768 = arith.constant 16 : index
      %get3A_769 = tpu.vector_load %arg8[%get3A_767, %get3A_768] {strides = array<i32>} : memref<256x128xf32, #tpu.memory_space<vmem>>, vector<16xf32>,
      %mul3A_770 = arith.mulf %get3A_769, %get3A_84 : vector<16xf32>
      %add3A_771 = arith.constant 10 : i32
      %add3A_772 = arith.addi %mul3A_107, %add3A_771 : i32
      %get3A_773 = arith.index_cast %add3A_772 : i32 to index
      %get3A_774 = arith.constant 32 : index
      %get3A_775 = tpu.vector_load %arg8[%get3A_773, %get3A_774] {strides = array<i32>} : memref<256x128xf32, #tpu.memory_space<vmem>>, vector<16xf32>,
      %mul3A_776 = arith.mulf %get3A_775, %get3A_86 : vector<16xf32>
      %add3A_777 = arith.constant 10 : i32
      %add3A_778 = arith.addi %mul3A_107, %add3A_777 : i32
      %get3A_779 = arith.index_cast %add3A_778 : i32 to index
      %get3A_780 = arith.constant 48 : index
      %get3A_781 = tpu.vector_load %arg8[%get3A_779, %get3A_780] {strides = array<i32>} : memref<256x128xf32, #tpu.memory_space<vmem>>, vector<16xf32>,
      %mul3A_782 = arith.mulf %get3A_781, %get3A_88 : vector<16xf32>
      %add3A_783 = arith.constant 10 : i32
      %add3A_784 = arith.addi %mul3A_107, %add3A_783 : i32
      %get3A_785 = arith.index_cast %add3A_784 : i32 to index
      %get3A_786 = arith.constant 64 : index
      %get3A_787 = tpu.vector_load %arg8[%get3A_785, %get3A_786] {strides = array<i32>} : memref<256x128xf32, #tpu.memory_space<vmem>>, vector<16xf32>,
      %mul3A_788 = arith.mulf %get3A_787, %get3A_90 : vector<16xf32>
      %add3A_789 = arith.constant 10 : i32
      %add3A_790 = arith.addi %mul3A_107, %add3A_789 : i32
      %get3A_791 = arith.index_cast %add3A_790 : i32 to index
      %get3A_792 = arith.constant 80 : index
      %get3A_793 = tpu.vector_load %arg8[%get3A_791, %get3A_792] {strides = array<i32>} : memref<256x128xf32, #tpu.memory_space<vmem>>, vector<16xf32>,
      %mul3A_794 = arith.mulf %get3A_793, %get3A_92 : vector<16xf32>
      %add3A_795 = arith.constant 10 : i32
      %add3A_796 = arith.addi %mul3A_107, %add3A_795 : i32
      %get3A_797 = arith.index_cast %add3A_796 : i32 to index
      %get3A_798 = arith.constant 96 : index
      %get3A_799 = tpu.vector_load %arg8[%get3A_797, %get3A_798] {strides = array<i32>} : memref<256x128xf32, #tpu.memory_space<vmem>>, vector<16xf32>,
      %mul3A_800 = arith.mulf %get3A_799, %get3A_94 : vector<16xf32>
      %add3A_801 = arith.constant 10 : i32
      %add3A_802 = arith.addi %mul3A_107, %add3A_801 : i32
      %get3A_803 = arith.index_cast %add3A_802 : i32 to index
      %get3A_804 = arith.constant 112 : index
      %get3A_805 = tpu.vector_load %arg8[%get3A_803, %get3A_804] {strides = array<i32>} : memref<256x128xf32, #tpu.memory_space<vmem>>, vector<16xf32>,
      %mul3A_806 = arith.mulf %get3A_805, %get3A_96 : vector<16xf32>
      %add3A_807 = arith.addf %mul3A_764, %mul3A_770 : vector<16xf32>
      %add3A_808 = arith.addf %mul3A_776, %mul3A_782 : vector<16xf32>
      %add3A_809 = arith.addf %add3A_807, %add3A_808 : vector<16xf32>
      %add3A_810 = arith.addf %mul3A_788, %mul3A_794 : vector<16xf32>
      %add3A_811 = arith.addf %mul3A_800, %mul3A_806 : vector<16xf32>
      %add3A_812 = arith.addf %add3A_810, %add3A_811 : vector<16xf32>
      %add3A_813 = arith.addf %add3A_809, %add3A_812 : vector<16xf32>
      %eq3A_814 = arith.constant 10 : i32
      %eq3A_815 = vector.broadcast %eq3A_814 : i32 to vector<16xi32>
      %eq3A_816 = arith.cmpi eq, %iota3A, %eq3A_815 : vector<16xi32>
      %reduce_sum3A_817 = arith.constant true
      %reduce_sum3A_818 = vector.broadcast %reduce_sum3A_817 : i1 to vector<16xi1>
      %reduce_sum3A_819 = tpu.scan <sum>, %add3A_813 masked %reduce_sum3A_818 : vector<16xf32>, vector<16xi1> -> vector<16xf32>
      %reduce_sum3A_820 = vector.extract %reduce_sum3A_819[15] : f32 from vector<16xf32>
      %add3A_821 = vector.broadcast %reduce_sum3A_820 : f32 to vector<16xf32>
      %add3A_822 = arith.addf %select_n3A_758, %add3A_821 : vector<16xf32>
      %select_n3A_823 = arith.select %eq3A_816, %add3A_822, %select_n3A_758 : vector<16xi1>, vector<16xf32>
      %add3A_824 = arith.constant 11 : i32
      %add3A_825 = arith.addi %mul3A_107, %add3A_824 : i32
      %get3A_826 = arith.index_cast %add3A_825 : i32 to index
      %get3A_827 = arith.constant 0 : index
      %get3A_828 = tpu.vector_load %arg8[%get3A_826, %get3A_827] {strides = array<i32>} : memref<256x128xf32, #tpu.memory_space<vmem>>, vector<16xf32>,
      %mul3A_829 = arith.mulf %get3A_828, %get3A_82 : vector<16xf32>
      %add3A_830 = arith.constant 11 : i32
      %add3A_831 = arith.addi %mul3A_107, %add3A_830 : i32
      %get3A_832 = arith.index_cast %add3A_831 : i32 to index
      %get3A_833 = arith.constant 16 : index
      %get3A_834 = tpu.vector_load %arg8[%get3A_832, %get3A_833] {strides = array<i32>} : memref<256x128xf32, #tpu.memory_space<vmem>>, vector<16xf32>,
      %mul3A_835 = arith.mulf %get3A_834, %get3A_84 : vector<16xf32>
      %add3A_836 = arith.constant 11 : i32
      %add3A_837 = arith.addi %mul3A_107, %add3A_836 : i32
      %get3A_838 = arith.index_cast %add3A_837 : i32 to index
      %get3A_839 = arith.constant 32 : index
      %get3A_840 = tpu.vector_load %arg8[%get3A_838, %get3A_839] {strides = array<i32>} : memref<256x128xf32, #tpu.memory_space<vmem>>, vector<16xf32>,
      %mul3A_841 = arith.mulf %get3A_840, %get3A_86 : vector<16xf32>
      %add3A_842 = arith.constant 11 : i32
      %add3A_843 = arith.addi %mul3A_107, %add3A_842 : i32
      %get3A_844 = arith.index_cast %add3A_843 : i32 to index
      %get3A_845 = arith.constant 48 : index
      %get3A_846 = tpu.vector_load %arg8[%get3A_844, %get3A_845] {strides = array<i32>} : memref<256x128xf32, #tpu.memory_space<vmem>>, vector<16xf32>,
      %mul3A_847 = arith.mulf %get3A_846, %get3A_88 : vector<16xf32>
      %add3A_848 = arith.constant 11 : i32
      %add3A_849 = arith.addi %mul3A_107, %add3A_848 : i32
      %get3A_850 = arith.index_cast %add3A_849 : i32 to index
      %get3A_851 = arith.constant 64 : index
      %get3A_852 = tpu.vector_load %arg8[%get3A_850, %get3A_851] {strides = array<i32>} : memref<256x128xf32, #tpu.memory_space<vmem>>, vector<16xf32>,
      %mul3A_853 = arith.mulf %get3A_852, %get3A_90 : vector<16xf32>
      %add3A_854 = arith.constant 11 : i32
      %add3A_855 = arith.addi %mul3A_107, %add3A_854 : i32
      %get3A_856 = arith.index_cast %add3A_855 : i32 to index
      %get3A_857 = arith.constant 80 : index
      %get3A_858 = tpu.vector_load %arg8[%get3A_856, %get3A_857] {strides = array<i32>} : memref<256x128xf32, #tpu.memory_space<vmem>>, vector<16xf32>,
      %mul3A_859 = arith.mulf %get3A_858, %get3A_92 : vector<16xf32>
      %add3A_860 = arith.constant 11 : i32
      %add3A_861 = arith.addi %mul3A_107, %add3A_860 : i32
      %get3A_862 = arith.index_cast %add3A_861 : i32 to index
      %get3A_863 = arith.constant 96 : index
      %get3A_864 = tpu.vector_load %arg8[%get3A_862, %get3A_863] {strides = array<i32>} : memref<256x128xf32, #tpu.memory_space<vmem>>, vector<16xf32>,
      %mul3A_865 = arith.mulf %get3A_864, %get3A_94 : vector<16xf32>
      %add3A_866 = arith.constant 11 : i32
      %add3A_867 = arith.addi %mul3A_107, %add3A_866 : i32
      %get3A_868 = arith.index_cast %add3A_867 : i32 to index
      %get3A_869 = arith.constant 112 : index
      %get3A_870 = tpu.vector_load %arg8[%get3A_868, %get3A_869] {strides = array<i32>} : memref<256x128xf32, #tpu.memory_space<vmem>>, vector<16xf32>,
      %mul3A_871 = arith.mulf %get3A_870, %get3A_96 : vector<16xf32>
      %add3A_872 = arith.addf %mul3A_829, %mul3A_835 : vector<16xf32>
      %add3A_873 = arith.addf %mul3A_841, %mul3A_847 : vector<16xf32>
      %add3A_874 = arith.addf %add3A_872, %add3A_873 : vector<16xf32>
      %add3A_875 = arith.addf %mul3A_853, %mul3A_859 : vector<16xf32>
      %add3A_876 = arith.addf %mul3A_865, %mul3A_871 : vector<16xf32>
      %add3A_877 = arith.addf %add3A_875, %add3A_876 : vector<16xf32>
      %add3A_878 = arith.addf %add3A_874, %add3A_877 : vector<16xf32>
      %eq3A_879 = arith.constant 11 : i32
      %eq3A_880 = vector.broadcast %eq3A_879 : i32 to vector<16xi32>
      %eq3A_881 = arith.cmpi eq, %iota3A, %eq3A_880 : vector<16xi32>
      %reduce_sum3A_882 = arith.constant true
      %reduce_sum3A_883 = vector.broadcast %reduce_sum3A_882 : i1 to vector<16xi1>
      %reduce_sum3A_884 = tpu.scan <sum>, %add3A_878 masked %reduce_sum3A_883 : vector<16xf32>, vector<16xi1> -> vector<16xf32>
      %reduce_sum3A_885 = vector.extract %reduce_sum3A_884[15] : f32 from vector<16xf32>
      %add3A_886 = vector.broadcast %reduce_sum3A_885 : f32 to vector<16xf32>
      %add3A_887 = arith.addf %select_n3A_823, %add3A_886 : vector<16xf32>
      %select_n3A_888 = arith.select %eq3A_881, %add3A_887, %select_n3A_823 : vector<16xi1>, vector<16xf32>
      %add3A_889 = arith.constant 12 : i32
      %add3A_890 = arith.addi %mul3A_107, %add3A_889 : i32
      %get3A_891 = arith.index_cast %add3A_890 : i32 to index
      %get3A_892 = arith.constant 0 : index
      %get3A_893 = tpu.vector_load %arg8[%get3A_891, %get3A_892] {strides = array<i32>} : memref<256x128xf32, #tpu.memory_space<vmem>>, vector<16xf32>,
      %mul3A_894 = arith.mulf %get3A_893, %get3A_82 : vector<16xf32>
      %add3A_895 = arith.constant 12 : i32
      %add3A_896 = arith.addi %mul3A_107, %add3A_895 : i32
      %get3A_897 = arith.index_cast %add3A_896 : i32 to index
      %get3A_898 = arith.constant 16 : index
      %get3A_899 = tpu.vector_load %arg8[%get3A_897, %get3A_898] {strides = array<i32>} : memref<256x128xf32, #tpu.memory_space<vmem>>, vector<16xf32>,
      %mul3A_900 = arith.mulf %get3A_899, %get3A_84 : vector<16xf32>
      %add3A_901 = arith.constant 12 : i32
      %add3A_902 = arith.addi %mul3A_107, %add3A_901 : i32
      %get3A_903 = arith.index_cast %add3A_902 : i32 to index
      %get3A_904 = arith.constant 32 : index
      %get3A_905 = tpu.vector_load %arg8[%get3A_903, %get3A_904] {strides = array<i32>} : memref<256x128xf32, #tpu.memory_space<vmem>>, vector<16xf32>,
      %mul3A_906 = arith.mulf %get3A_905, %get3A_86 : vector<16xf32>
      %add3A_907 = arith.constant 12 : i32
      %add3A_908 = arith.addi %mul3A_107, %add3A_907 : i32
      %get3A_909 = arith.index_cast %add3A_908 : i32 to index
      %get3A_910 = arith.constant 48 : index
      %get3A_911 = tpu.vector_load %arg8[%get3A_909, %get3A_910] {strides = array<i32>} : memref<256x128xf32, #tpu.memory_space<vmem>>, vector<16xf32>,
      %mul3A_912 = arith.mulf %get3A_911, %get3A_88 : vector<16xf32>
      %add3A_913 = arith.constant 12 : i32
      %add3A_914 = arith.addi %mul3A_107, %add3A_913 : i32
      %get3A_915 = arith.index_cast %add3A_914 : i32 to index
      %get3A_916 = arith.constant 64 : index
      %get3A_917 = tpu.vector_load %arg8[%get3A_915, %get3A_916] {strides = array<i32>} : memref<256x128xf32, #tpu.memory_space<vmem>>, vector<16xf32>,
      %mul3A_918 = arith.mulf %get3A_917, %get3A_90 : vector<16xf32>
      %add3A_919 = arith.constant 12 : i32
      %add3A_920 = arith.addi %mul3A_107, %add3A_919 : i32
      %get3A_921 = arith.index_cast %add3A_920 : i32 to index
      %get3A_922 = arith.constant 80 : index
      %get3A_923 = tpu.vector_load %arg8[%get3A_921, %get3A_922] {strides = array<i32>} : memref<256x128xf32, #tpu.memory_space<vmem>>, vector<16xf32>,
      %mul3A_924 = arith.mulf %get3A_923, %get3A_92 : vector<16xf32>
      %add3A_925 = arith.constant 12 : i32
      %add3A_926 = arith.addi %mul3A_107, %add3A_925 : i32
      %get3A_927 = arith.index_cast %add3A_926 : i32 to index
      %get3A_928 = arith.constant 96 : index
      %get3A_929 = tpu.vector_load %arg8[%get3A_927, %get3A_928] {strides = array<i32>} : memref<256x128xf32, #tpu.memory_space<vmem>>, vector<16xf32>,
      %mul3A_930 = arith.mulf %get3A_929, %get3A_94 : vector<16xf32>
      %add3A_931 = arith.constant 12 : i32
      %add3A_932 = arith.addi %mul3A_107, %add3A_931 : i32
      %get3A_933 = arith.index_cast %add3A_932 : i32 to index
      %get3A_934 = arith.constant 112 : index
      %get3A_935 = tpu.vector_load %arg8[%get3A_933, %get3A_934] {strides = array<i32>} : memref<256x128xf32, #tpu.memory_space<vmem>>, vector<16xf32>,
      %mul3A_936 = arith.mulf %get3A_935, %get3A_96 : vector<16xf32>
      %add3A_937 = arith.addf %mul3A_894, %mul3A_900 : vector<16xf32>
      %add3A_938 = arith.addf %mul3A_906, %mul3A_912 : vector<16xf32>
      %add3A_939 = arith.addf %add3A_937, %add3A_938 : vector<16xf32>
      %add3A_940 = arith.addf %mul3A_918, %mul3A_924 : vector<16xf32>
      %add3A_941 = arith.addf %mul3A_930, %mul3A_936 : vector<16xf32>
      %add3A_942 = arith.addf %add3A_940, %add3A_941 : vector<16xf32>
      %add3A_943 = arith.addf %add3A_939, %add3A_942 : vector<16xf32>
      %eq3A_944 = arith.constant 12 : i32
      %eq3A_945 = vector.broadcast %eq3A_944 : i32 to vector<16xi32>
      %eq3A_946 = arith.cmpi eq, %iota3A, %eq3A_945 : vector<16xi32>
      %reduce_sum3A_947 = arith.constant true
      %reduce_sum3A_948 = vector.broadcast %reduce_sum3A_947 : i1 to vector<16xi1>
      %reduce_sum3A_949 = tpu.scan <sum>, %add3A_943 masked %reduce_sum3A_948 : vector<16xf32>, vector<16xi1> -> vector<16xf32>
      %reduce_sum3A_950 = vector.extract %reduce_sum3A_949[15] : f32 from vector<16xf32>
      %add3A_951 = vector.broadcast %reduce_sum3A_950 : f32 to vector<16xf32>
      %add3A_952 = arith.addf %select_n3A_888, %add3A_951 : vector<16xf32>
      %select_n3A_953 = arith.select %eq3A_946, %add3A_952, %select_n3A_888 : vector<16xi1>, vector<16xf32>
      %add3A_954 = arith.constant 13 : i32
      %add3A_955 = arith.addi %mul3A_107, %add3A_954 : i32
      %get3A_956 = arith.index_cast %add3A_955 : i32 to index
      %get3A_957 = arith.constant 0 : index
      %get3A_958 = tpu.vector_load %arg8[%get3A_956, %get3A_957] {strides = array<i32>} : memref<256x128xf32, #tpu.memory_space<vmem>>, vector<16xf32>,
      %mul3A_959 = arith.mulf %get3A_958, %get3A_82 : vector<16xf32>
      %add3A_960 = arith.constant 13 : i32
      %add3A_961 = arith.addi %mul3A_107, %add3A_960 : i32
      %get3A_962 = arith.index_cast %add3A_961 : i32 to index
      %get3A_963 = arith.constant 16 : index
      %get3A_964 = tpu.vector_load %arg8[%get3A_962, %get3A_963] {strides = array<i32>} : memref<256x128xf32, #tpu.memory_space<vmem>>, vector<16xf32>,
      %mul3A_965 = arith.mulf %get3A_964, %get3A_84 : vector<16xf32>
      %add3A_966 = arith.constant 13 : i32
      %add3A_967 = arith.addi %mul3A_107, %add3A_966 : i32
      %get3A_968 = arith.index_cast %add3A_967 : i32 to index
      %get3A_969 = arith.constant 32 : index
      %get3A_970 = tpu.vector_load %arg8[%get3A_968, %get3A_969] {strides = array<i32>} : memref<256x128xf32, #tpu.memory_space<vmem>>, vector<16xf32>,
      %mul3A_971 = arith.mulf %get3A_970, %get3A_86 : vector<16xf32>
      %add3A_972 = arith.constant 13 : i32
      %add3A_973 = arith.addi %mul3A_107, %add3A_972 : i32
      %get3A_974 = arith.index_cast %add3A_973 : i32 to index
      %get3A_975 = arith.constant 48 : index
      %get3A_976 = tpu.vector_load %arg8[%get3A_974, %get3A_975] {strides = array<i32>} : memref<256x128xf32, #tpu.memory_space<vmem>>, vector<16xf32>,
      %mul3A_977 = arith.mulf %get3A_976, %get3A_88 : vector<16xf32>
      %add3A_978 = arith.constant 13 : i32
      %add3A_979 = arith.addi %mul3A_107, %add3A_978 : i32
      %get3A_980 = arith.index_cast %add3A_979 : i32 to index
      %get3A_981 = arith.constant 64 : index
      %get3A_982 = tpu.vector_load %arg8[%get3A_980, %get3A_981] {strides = array<i32>} : memref<256x128xf32, #tpu.memory_space<vmem>>, vector<16xf32>,
      %mul3A_983 = arith.mulf %get3A_982, %get3A_90 : vector<16xf32>
      %add3A_984 = arith.constant 13 : i32
      %add3A_985 = arith.addi %mul3A_107, %add3A_984 : i32
      %get3A_986 = arith.index_cast %add3A_985 : i32 to index
      %get3A_987 = arith.constant 80 : index
      %get3A_988 = tpu.vector_load %arg8[%get3A_986, %get3A_987] {strides = array<i32>} : memref<256x128xf32, #tpu.memory_space<vmem>>, vector<16xf32>,
      %mul3A_989 = arith.mulf %get3A_988, %get3A_92 : vector<16xf32>
      %add3A_990 = arith.constant 13 : i32
      %add3A_991 = arith.addi %mul3A_107, %add3A_990 : i32
      %get3A_992 = arith.index_cast %add3A_991 : i32 to index
      %get3A_993 = arith.constant 96 : index
      %get3A_994 = tpu.vector_load %arg8[%get3A_992, %get3A_993] {strides = array<i32>} : memref<256x128xf32, #tpu.memory_space<vmem>>, vector<16xf32>,
      %mul3A_995 = arith.mulf %get3A_994, %get3A_94 : vector<16xf32>
      %add3A_996 = arith.constant 13 : i32
      %add3A_997 = arith.addi %mul3A_107, %add3A_996 : i32
      %get3A_998 = arith.index_cast %add3A_997 : i32 to index
      %get3A_999 = arith.constant 112 : index
      %get3A_1000 = tpu.vector_load %arg8[%get3A_998, %get3A_999] {strides = array<i32>} : memref<256x128xf32, #tpu.memory_space<vmem>>, vector<16xf32>,
      %mul3A_1001 = arith.mulf %get3A_1000, %get3A_96 : vector<16xf32>
      %add3A_1002 = arith.addf %mul3A_959, %mul3A_965 : vector<16xf32>
      %add3A_1003 = arith.addf %mul3A_971, %mul3A_977 : vector<16xf32>
      %add3A_1004 = arith.addf %add3A_1002, %add3A_1003 : vector<16xf32>
      %add3A_1005 = arith.addf %mul3A_983, %mul3A_989 : vector<16xf32>
      %add3A_1006 = arith.addf %mul3A_995, %mul3A_1001 : vector<16xf32>
      %add3A_1007 = arith.addf %add3A_1005, %add3A_1006 : vector<16xf32>
      %add3A_1008 = arith.addf %add3A_1004, %add3A_1007 : vector<16xf32>
      %eq3A_1009 = arith.constant 13 : i32
      %eq3A_1010 = vector.broadcast %eq3A_1009 : i32 to vector<16xi32>
      %eq3A_1011 = arith.cmpi eq, %iota3A, %eq3A_1010 : vector<16xi32>
      %reduce_sum3A_1012 = arith.constant true
      %reduce_sum3A_1013 = vector.broadcast %reduce_sum3A_1012 : i1 to vector<16xi1>
      %reduce_sum3A_1014 = tpu.scan <sum>, %add3A_1008 masked %reduce_sum3A_1013 : vector<16xf32>, vector<16xi1> -> vector<16xf32>
      %reduce_sum3A_1015 = vector.extract %reduce_sum3A_1014[15] : f32 from vector<16xf32>
      %add3A_1016 = vector.broadcast %reduce_sum3A_1015 : f32 to vector<16xf32>
      %add3A_1017 = arith.addf %select_n3A_953, %add3A_1016 : vector<16xf32>
      %select_n3A_1018 = arith.select %eq3A_1011, %add3A_1017, %select_n3A_953 : vector<16xi1>, vector<16xf32>
      %add3A_1019 = arith.constant 14 : i32
      %add3A_1020 = arith.addi %mul3A_107, %add3A_1019 : i32
      %get3A_1021 = arith.index_cast %add3A_1020 : i32 to index
      %get3A_1022 = arith.constant 0 : index
      %get3A_1023 = tpu.vector_load %arg8[%get3A_1021, %get3A_1022] {strides = array<i32>} : memref<256x128xf32, #tpu.memory_space<vmem>>, vector<16xf32>,
      %mul3A_1024 = arith.mulf %get3A_1023, %get3A_82 : vector<16xf32>
      %add3A_1025 = arith.constant 14 : i32
      %add3A_1026 = arith.addi %mul3A_107, %add3A_1025 : i32
      %get3A_1027 = arith.index_cast %add3A_1026 : i32 to index
      %get3A_1028 = arith.constant 16 : index
      %get3A_1029 = tpu.vector_load %arg8[%get3A_1027, %get3A_1028] {strides = array<i32>} : memref<256x128xf32, #tpu.memory_space<vmem>>, vector<16xf32>,
      %mul3A_1030 = arith.mulf %get3A_1029, %get3A_84 : vector<16xf32>
      %add3A_1031 = arith.constant 14 : i32
      %add3A_1032 = arith.addi %mul3A_107, %add3A_1031 : i32
      %get3A_1033 = arith.index_cast %add3A_1032 : i32 to index
      %get3A_1034 = arith.constant 32 : index
      %get3A_1035 = tpu.vector_load %arg8[%get3A_1033, %get3A_1034] {strides = array<i32>} : memref<256x128xf32, #tpu.memory_space<vmem>>, vector<16xf32>,
      %mul3A_1036 = arith.mulf %get3A_1035, %get3A_86 : vector<16xf32>
      %add3A_1037 = arith.constant 14 : i32
      %add3A_1038 = arith.addi %mul3A_107, %add3A_1037 : i32
      %get3A_1039 = arith.index_cast %add3A_1038 : i32 to index
      %get3A_1040 = arith.constant 48 : index
      %get3A_1041 = tpu.vector_load %arg8[%get3A_1039, %get3A_1040] {strides = array<i32>} : memref<256x128xf32, #tpu.memory_space<vmem>>, vector<16xf32>,
      %mul3A_1042 = arith.mulf %get3A_1041, %get3A_88 : vector<16xf32>
      %add3A_1043 = arith.constant 14 : i32
      %add3A_1044 = arith.addi %mul3A_107, %add3A_1043 : i32
      %get3A_1045 = arith.index_cast %add3A_1044 : i32 to index
      %get3A_1046 = arith.constant 64 : index
      %get3A_1047 = tpu.vector_load %arg8[%get3A_1045, %get3A_1046] {strides = array<i32>} : memref<256x128xf32, #tpu.memory_space<vmem>>, vector<16xf32>,
      %mul3A_1048 = arith.mulf %get3A_1047, %get3A_90 : vector<16xf32>
      %add3A_1049 = arith.constant 14 : i32
      %add3A_1050 = arith.addi %mul3A_107, %add3A_1049 : i32
      %get3A_1051 = arith.index_cast %add3A_1050 : i32 to index
      %get3A_1052 = arith.constant 80 : index
      %get3A_1053 = tpu.vector_load %arg8[%get3A_1051, %get3A_1052] {strides = array<i32>} : memref<256x128xf32, #tpu.memory_space<vmem>>, vector<16xf32>,
      %mul3A_1054 = arith.mulf %get3A_1053, %get3A_92 : vector<16xf32>
      %add3A_1055 = arith.constant 14 : i32
      %add3A_1056 = arith.addi %mul3A_107, %add3A_1055 : i32
      %get3A_1057 = arith.index_cast %add3A_1056 : i32 to index
      %get3A_1058 = arith.constant 96 : index
      %get3A_1059 = tpu.vector_load %arg8[%get3A_1057, %get3A_1058] {strides = array<i32>} : memref<256x128xf32, #tpu.memory_space<vmem>>, vector<16xf32>,
      %mul3A_1060 = arith.mulf %get3A_1059, %get3A_94 : vector<16xf32>
      %add3A_1061 = arith.constant 14 : i32
      %add3A_1062 = arith.addi %mul3A_107, %add3A_1061 : i32
      %get3A_1063 = arith.index_cast %add3A_1062 : i32 to index
      %get3A_1064 = arith.constant 112 : index
      %get3A_1065 = tpu.vector_load %arg8[%get3A_1063, %get3A_1064] {strides = array<i32>} : memref<256x128xf32, #tpu.memory_space<vmem>>, vector<16xf32>,
      %mul3A_1066 = arith.mulf %get3A_1065, %get3A_96 : vector<16xf32>
      %add3A_1067 = arith.addf %mul3A_1024, %mul3A_1030 : vector<16xf32>
      %add3A_1068 = arith.addf %mul3A_1036, %mul3A_1042 : vector<16xf32>
      %add3A_1069 = arith.addf %add3A_1067, %add3A_1068 : vector<16xf32>
      %add3A_1070 = arith.addf %mul3A_1048, %mul3A_1054 : vector<16xf32>
      %add3A_1071 = arith.addf %mul3A_1060, %mul3A_1066 : vector<16xf32>
      %add3A_1072 = arith.addf %add3A_1070, %add3A_1071 : vector<16xf32>
      %add3A_1073 = arith.addf %add3A_1069, %add3A_1072 : vector<16xf32>
      %eq3A_1074 = arith.constant 14 : i32
      %eq3A_1075 = vector.broadcast %eq3A_1074 : i32 to vector<16xi32>
      %eq3A_1076 = arith.cmpi eq, %iota3A, %eq3A_1075 : vector<16xi32>
      %reduce_sum3A_1077 = arith.constant true
      %reduce_sum3A_1078 = vector.broadcast %reduce_sum3A_1077 : i1 to vector<16xi1>
      %reduce_sum3A_1079 = tpu.scan <sum>, %add3A_1073 masked %reduce_sum3A_1078 : vector<16xf32>, vector<16xi1> -> vector<16xf32>
      %reduce_sum3A_1080 = vector.extract %reduce_sum3A_1079[15] : f32 from vector<16xf32>
      %add3A_1081 = vector.broadcast %reduce_sum3A_1080 : f32 to vector<16xf32>
      %add3A_1082 = arith.addf %select_n3A_1018, %add3A_1081 : vector<16xf32>
      %select_n3A_1083 = arith.select %eq3A_1076, %add3A_1082, %select_n3A_1018 : vector<16xi1>, vector<16xf32>
      %add3A_1084 = arith.constant 15 : i32
      %add3A_1085 = arith.addi %mul3A_107, %add3A_1084 : i32
      %get3A_1086 = arith.index_cast %add3A_1085 : i32 to index
      %get3A_1087 = arith.constant 0 : index
      %get3A_1088 = tpu.vector_load %arg8[%get3A_1086, %get3A_1087] {strides = array<i32>} : memref<256x128xf32, #tpu.memory_space<vmem>>, vector<16xf32>,
      %mul3A_1089 = arith.mulf %get3A_1088, %get3A_82 : vector<16xf32>
      %add3A_1090 = arith.constant 15 : i32
      %add3A_1091 = arith.addi %mul3A_107, %add3A_1090 : i32
      %get3A_1092 = arith.index_cast %add3A_1091 : i32 to index
      %get3A_1093 = arith.constant 16 : index
      %get3A_1094 = tpu.vector_load %arg8[%get3A_1092, %get3A_1093] {strides = array<i32>} : memref<256x128xf32, #tpu.memory_space<vmem>>, vector<16xf32>,
      %mul3A_1095 = arith.mulf %get3A_1094, %get3A_84 : vector<16xf32>
      %add3A_1096 = arith.constant 15 : i32
      %add3A_1097 = arith.addi %mul3A_107, %add3A_1096 : i32
      %get3A_1098 = arith.index_cast %add3A_1097 : i32 to index
      %get3A_1099 = arith.constant 32 : index
      %get3A_1100 = tpu.vector_load %arg8[%get3A_1098, %get3A_1099] {strides = array<i32>} : memref<256x128xf32, #tpu.memory_space<vmem>>, vector<16xf32>,
      %mul3A_1101 = arith.mulf %get3A_1100, %get3A_86 : vector<16xf32>
      %add3A_1102 = arith.constant 15 : i32
      %add3A_1103 = arith.addi %mul3A_107, %add3A_1102 : i32
      %get3A_1104 = arith.index_cast %add3A_1103 : i32 to index
      %get3A_1105 = arith.constant 48 : index
      %get3A_1106 = tpu.vector_load %arg8[%get3A_1104, %get3A_1105] {strides = array<i32>} : memref<256x128xf32, #tpu.memory_space<vmem>>, vector<16xf32>,
      %mul3A_1107 = arith.mulf %get3A_1106, %get3A_88 : vector<16xf32>
      %add3A_1108 = arith.constant 15 : i32
      %add3A_1109 = arith.addi %mul3A_107, %add3A_1108 : i32
      %get3A_1110 = arith.index_cast %add3A_1109 : i32 to index
      %get3A_1111 = arith.constant 64 : index
      %get3A_1112 = tpu.vector_load %arg8[%get3A_1110, %get3A_1111] {strides = array<i32>} : memref<256x128xf32, #tpu.memory_space<vmem>>, vector<16xf32>,
      %mul3A_1113 = arith.mulf %get3A_1112, %get3A_90 : vector<16xf32>
      %add3A_1114 = arith.constant 15 : i32
      %add3A_1115 = arith.addi %mul3A_107, %add3A_1114 : i32
      %get3A_1116 = arith.index_cast %add3A_1115 : i32 to index
      %get3A_1117 = arith.constant 80 : index
      %get3A_1118 = tpu.vector_load %arg8[%get3A_1116, %get3A_1117] {strides = array<i32>} : memref<256x128xf32, #tpu.memory_space<vmem>>, vector<16xf32>,
      %mul3A_1119 = arith.mulf %get3A_1118, %get3A_92 : vector<16xf32>
      %add3A_1120 = arith.constant 15 : i32
      %add3A_1121 = arith.addi %mul3A_107, %add3A_1120 : i32
      %get3A_1122 = arith.index_cast %add3A_1121 : i32 to index
      %get3A_1123 = arith.constant 96 : index
      %get3A_1124 = tpu.vector_load %arg8[%get3A_1122, %get3A_1123] {strides = array<i32>} : memref<256x128xf32, #tpu.memory_space<vmem>>, vector<16xf32>,
      %mul3A_1125 = arith.mulf %get3A_1124, %get3A_94 : vector<16xf32>
      %add3A_1126 = arith.constant 15 : i32
      %add3A_1127 = arith.addi %mul3A_107, %add3A_1126 : i32
      %get3A_1128 = arith.index_cast %add3A_1127 : i32 to index
      %get3A_1129 = arith.constant 112 : index
      %get3A_1130 = tpu.vector_load %arg8[%get3A_1128, %get3A_1129] {strides = array<i32>} : memref<256x128xf32, #tpu.memory_space<vmem>>, vector<16xf32>,
      %mul3A_1131 = arith.mulf %get3A_1130, %get3A_96 : vector<16xf32>
      %add3A_1132 = arith.addf %mul3A_1089, %mul3A_1095 : vector<16xf32>
      %add3A_1133 = arith.addf %mul3A_1101, %mul3A_1107 : vector<16xf32>
      %add3A_1134 = arith.addf %add3A_1132, %add3A_1133 : vector<16xf32>
      %add3A_1135 = arith.addf %mul3A_1113, %mul3A_1119 : vector<16xf32>
      %add3A_1136 = arith.addf %mul3A_1125, %mul3A_1131 : vector<16xf32>
      %add3A_1137 = arith.addf %add3A_1135, %add3A_1136 : vector<16xf32>
      %add3A_1138 = arith.addf %add3A_1134, %add3A_1137 : vector<16xf32>
      %eq3A_1139 = arith.constant 15 : i32
      %eq3A_1140 = vector.broadcast %eq3A_1139 : i32 to vector<16xi32>
      %eq3A_1141 = arith.cmpi eq, %iota3A, %eq3A_1140 : vector<16xi32>
      %reduce_sum3A_1142 = arith.constant true
      %reduce_sum3A_1143 = vector.broadcast %reduce_sum3A_1142 : i1 to vector<16xi1>
      %reduce_sum3A_1144 = tpu.scan <sum>, %add3A_1138 masked %reduce_sum3A_1143 : vector<16xf32>, vector<16xi1> -> vector<16xf32>
      %reduce_sum3A_1145 = vector.extract %reduce_sum3A_1144[15] : f32 from vector<16xf32>
      %add3A_1146 = vector.broadcast %reduce_sum3A_1145 : f32 to vector<16xf32>
      %add3A_1147 = arith.addf %select_n3A_1083, %add3A_1146 : vector<16xf32>
      %select_n3A_1148 = arith.select %eq3A_1141, %add3A_1147, %select_n3A_1083 : vector<16xi1>, vector<16xf32>
      %add3A_1149 = arith.constant 512 : i32
      %add3A_1150 = arith.addi %add3A_1149, %mul3A_107 : i32
      %swap3A = arith.index_cast %add3A_1150 : i32 to index
      %swap3A_1151 = tpu.vector_load %arg10[%swap3A] {strides = array<i32>} : memref<768xf32, #tpu.memory_space<vmem>>, vector<16xf32>,
      tpu.vector_store %arg10[%swap3A], %select_n3A_1148 {strides = array<i32>} : memref<768xf32, #tpu.memory_space<vmem>>, vector<16xf32>,
    }
    %scan3A_102 = arith.constant 16 : i32
    %mul3A_103 = arith.constant 768 : i32
    %mul3A_104 = arith.muli %add3A, %mul3A_103 : i32
    "tpu.region"() ({
      %run_scoped3A = tpu.sem_alloc : memref<!tpu.dma_semaphore, #tpu.memory_space<semaphore_mem>>
      %dma_start3A_105 = tpu.memref_slice %arg5[%mul3A_104] : memref<24576xf32, #tpu.memory_space<hbm>> -> memref<768xf32, #tpu.memory_space<hbm>>
      %dma_start3A_106 = tpu.memref_slice %arg5[%mul3A_104] : memref<24576xf32, #tpu.memory_space<hbm>> -> memref<768xf32, #tpu.memory_space<hbm>>
      tpu.enqueue_dma source(%arg10 : memref<768xf32, #tpu.memory_space<vmem>>) target(%dma_start3A_106 : memref<768xf32, #tpu.memory_space<hbm>>) target_semaphore(%run_scoped3A : memref<!tpu.dma_semaphore, #tpu.memory_space<semaphore_mem>>)
      %dma_wait3A_107 = tpu.memref_slice %arg5[%mul3A_104] : memref<24576xf32, #tpu.memory_space<hbm>> -> memref<768xf32, #tpu.memory_space<hbm>>
      %dma_wait3A_108 = tpu.memref_slice %arg5[%mul3A_104] : memref<24576xf32, #tpu.memory_space<hbm>> -> memref<768xf32, #tpu.memory_space<hbm>>
      tpu.wait_dma2 semaphore(%run_scoped3A : memref<!tpu.dma_semaphore, #tpu.memory_space<semaphore_mem>>) src(%arg10 : memref<768xf32, #tpu.memory_space<vmem>>) dst(%dma_wait3A_108 : memref<768xf32, #tpu.memory_space<hbm>>)
      tpu.yield
    }) : () -> ()
    return
  }
}

module attributes {stable_mosaic.version = 14 : i64} {
  func.func @_head_body(%arg0: i32, %arg1: memref<1x128xf32, #tpu.memory_space<vmem>>, %arg2: memref<16384x128xf32, #tpu.memory_space<vmem>>, %arg3: memref<1x16384xf32, #tpu.memory_space<vmem>>, %arg4: memref<1x16384xf32, #tpu.memory_space<vmem>>) attributes {dimension_semantics = [#tpu.dimension_semantics<arbitrary>], iteration_bounds = array<i64: 5>, scalar_prefetch = 0 : i64, scratch_operands = 0 : i64, tpu.core_type = #tpu.core_type<tc>, window_params = [{pipeline_mode = #tpu.pipeline_mode<synchronous>, transform_indices = @transform_0, window_bounds = array<i64: 1, 128>}, {transform_indices = @transform_1, window_bounds = array<i64: 16384, 128>}, {transform_indices = @transform_2, window_bounds = array<i64: 1, 16384>}, {transform_indices = @transform_3, window_bounds = array<i64: 1, 16384>}]} {
    %get3A = arith.constant 0 : index
    %get3A_0 = arith.constant 0 : index
    %get3A_1 = vector.load %arg1[%get3A, %get3A_0] : memref<1x128xf32, #tpu.memory_space<vmem>>, vector<1x128xf32>
    %get3A_2 = arith.constant 0 : index
    %get3A_3 = arith.constant 0 : index
    %get3A_4 = vector.load %arg2[%get3A_2, %get3A_3] : memref<16384x128xf32, #tpu.memory_space<vmem>>, vector<16384x128xf32>
    %dot_general3A = arith.constant dense<0.000000e+00> : vector<1x16384xf32>
    %dot_general3A_5 = tpu.matmul %get3A_1, %get3A_4, %dot_general3A {dimension_numbers = #tpu.dot_dimension_numbers<[1], [1], [0], [0], [0, 0, 1, 0], [], []>, transpose_lhs_hint = false} : vector<1x128xf32>, vector<16384x128xf32>, vector<1x16384xf32> -> vector<1x16384xf32>
    %get3A_6 = arith.constant 0 : index
    %get3A_7 = arith.constant 0 : index
    %get3A_8 = vector.load %arg3[%get3A_6, %get3A_7] : memref<1x16384xf32, #tpu.memory_space<vmem>>, vector<1x16384xf32>
    %add3A = arith.addf %dot_general3A_5, %get3A_8 : vector<1x16384xf32>
    %swap3A = arith.constant 0 : index
    %swap3A_9 = arith.constant 0 : index
    %swap3A_10 = vector.load %arg4[%swap3A, %swap3A_9] : memref<1x16384xf32, #tpu.memory_space<vmem>>, vector<1x16384xf32>
    tpu.vector_store %arg4[%swap3A, %swap3A_9], %add3A {strides = array<i32>} : memref<1x16384xf32, #tpu.memory_space<vmem>>, vector<1x16384xf32>,
    return
  }
  func.func @transform_0(%arg0: i32) -> (i32, i32) {
    %c0_i32 = arith.constant 0 : i32
    %c0_i32_0 = arith.constant 0 : i32
    %c0_i32_1 = arith.constant 0 : i32
    return %c0_i32, %c0_i32_0 : i32, i32
  }
  func.func @transform_1(%arg0: i32) -> (i32, i32) {
    %c0_i32 = arith.constant 0 : i32
    %c0_i32_0 = arith.constant 0 : i32
    return %arg0, %c0_i32 : i32, i32
  }
  func.func @transform_2(%arg0: i32) -> (i32, i32) {
    %c0_i32 = arith.constant 0 : i32
    %c0_i32_0 = arith.constant 0 : i32
    return %c0_i32, %arg0 : i32, i32
  }
  func.func @transform_3(%arg0: i32) -> (i32, i32) {
    %c0_i32 = arith.constant 0 : i32
    %c0_i32_0 = arith.constant 0 : i32
    return %c0_i32, %arg0 : i32, i32
  }
}

module attributes {stable_mosaic.version = 14 : i64} {
  func.func @_h_body(%arg0: i32, %arg1: memref<50xi32, #tpu.memory_space<smem>>, %arg2: memref<100000x64xf32, #tpu.memory_space<hbm>>, %arg3: memref<128x3200xf32, #tpu.memory_space<vmem>>, %arg4: memref<1x128xf32, #tpu.memory_space<vmem>>, %arg5: memref<1x128xf32, #tpu.memory_space<vmem>>, %arg6: memref<50x64xf32, #tpu.memory_space<vmem>>, %arg7: memref<!tpu.dma_semaphore, #tpu.memory_space<semaphore_mem>>) attributes {dimension_semantics = [#tpu.dimension_semantics<arbitrary>], iteration_bounds = array<i64: 1>, scalar_prefetch = 1 : i64, scratch_operands = 2 : i64, tpu.core_type = #tpu.core_type<tc>, window_params = [{}, {pipeline_mode = #tpu.pipeline_mode<synchronous>, transform_indices = @transform_1, window_bounds = array<i64: 128, 3200>}, {pipeline_mode = #tpu.pipeline_mode<synchronous>, transform_indices = @transform_2, window_bounds = array<i64: 1, 128>}, {pipeline_mode = #tpu.pipeline_mode<synchronous>, transform_indices = @transform_3, window_bounds = array<i64: 1, 128>}]} {
    %get3A = arith.constant 0 : index
    %get3A_0 = memref.load %arg1[%get3A] : memref<50xi32, #tpu.memory_space<smem>>
    %dma_start3A = arith.constant 0 : i32
    %dma_start3A_1 = arith.constant 0 : i32
    %dma_start3A_2 = tpu.memref_slice %arg6[%dma_start3A, %dma_start3A_1] : memref<50x64xf32, #tpu.memory_space<vmem>> -> memref<1x64xf32, #tpu.memory_space<vmem>>
    %dma_start3A_3 = arith.constant 0 : i32
    %dma_start3A_4 = tpu.memref_slice %arg2[%get3A_0, %dma_start3A_3] : memref<100000x64xf32, #tpu.memory_space<hbm>> -> memref<1x64xf32, #tpu.memory_space<hbm>>
    tpu.enqueue_dma source(%dma_start3A_4 : memref<1x64xf32, #tpu.memory_space<hbm>>) target(%dma_start3A_2 : memref<1x64xf32, #tpu.memory_space<vmem>>) target_semaphore(%arg7 : memref<!tpu.dma_semaphore, #tpu.memory_space<semaphore_mem>>)
    %get3A_5 = arith.constant 1 : index
    %get3A_6 = memref.load %arg1[%get3A_5] : memref<50xi32, #tpu.memory_space<smem>>
    %dma_start3A_7 = arith.constant 1 : i32
    %dma_start3A_8 = arith.constant 0 : i32
    %dma_start3A_9 = tpu.memref_slice %arg6[%dma_start3A_7, %dma_start3A_8] : memref<50x64xf32, #tpu.memory_space<vmem>> -> memref<1x64xf32, #tpu.memory_space<vmem>>
    %dma_start3A_10 = arith.constant 0 : i32
    %dma_start3A_11 = tpu.memref_slice %arg2[%get3A_6, %dma_start3A_10] : memref<100000x64xf32, #tpu.memory_space<hbm>> -> memref<1x64xf32, #tpu.memory_space<hbm>>
    tpu.enqueue_dma source(%dma_start3A_11 : memref<1x64xf32, #tpu.memory_space<hbm>>) target(%dma_start3A_9 : memref<1x64xf32, #tpu.memory_space<vmem>>) target_semaphore(%arg7 : memref<!tpu.dma_semaphore, #tpu.memory_space<semaphore_mem>>)
    %get3A_12 = arith.constant 2 : index
    %get3A_13 = memref.load %arg1[%get3A_12] : memref<50xi32, #tpu.memory_space<smem>>
    %dma_start3A_14 = arith.constant 2 : i32
    %dma_start3A_15 = arith.constant 0 : i32
    %dma_start3A_16 = tpu.memref_slice %arg6[%dma_start3A_14, %dma_start3A_15] : memref<50x64xf32, #tpu.memory_space<vmem>> -> memref<1x64xf32, #tpu.memory_space<vmem>>
    %dma_start3A_17 = arith.constant 0 : i32
    %dma_start3A_18 = tpu.memref_slice %arg2[%get3A_13, %dma_start3A_17] : memref<100000x64xf32, #tpu.memory_space<hbm>> -> memref<1x64xf32, #tpu.memory_space<hbm>>
    tpu.enqueue_dma source(%dma_start3A_18 : memref<1x64xf32, #tpu.memory_space<hbm>>) target(%dma_start3A_16 : memref<1x64xf32, #tpu.memory_space<vmem>>) target_semaphore(%arg7 : memref<!tpu.dma_semaphore, #tpu.memory_space<semaphore_mem>>)
    %get3A_19 = arith.constant 3 : index
    %get3A_20 = memref.load %arg1[%get3A_19] : memref<50xi32, #tpu.memory_space<smem>>
    %dma_start3A_21 = arith.constant 3 : i32
    %dma_start3A_22 = arith.constant 0 : i32
    %dma_start3A_23 = tpu.memref_slice %arg6[%dma_start3A_21, %dma_start3A_22] : memref<50x64xf32, #tpu.memory_space<vmem>> -> memref<1x64xf32, #tpu.memory_space<vmem>>
    %dma_start3A_24 = arith.constant 0 : i32
    %dma_start3A_25 = tpu.memref_slice %arg2[%get3A_20, %dma_start3A_24] : memref<100000x64xf32, #tpu.memory_space<hbm>> -> memref<1x64xf32, #tpu.memory_space<hbm>>
    tpu.enqueue_dma source(%dma_start3A_25 : memref<1x64xf32, #tpu.memory_space<hbm>>) target(%dma_start3A_23 : memref<1x64xf32, #tpu.memory_space<vmem>>) target_semaphore(%arg7 : memref<!tpu.dma_semaphore, #tpu.memory_space<semaphore_mem>>)
    %get3A_26 = arith.constant 4 : index
    %get3A_27 = memref.load %arg1[%get3A_26] : memref<50xi32, #tpu.memory_space<smem>>
    %dma_start3A_28 = arith.constant 4 : i32
    %dma_start3A_29 = arith.constant 0 : i32
    %dma_start3A_30 = tpu.memref_slice %arg6[%dma_start3A_28, %dma_start3A_29] : memref<50x64xf32, #tpu.memory_space<vmem>> -> memref<1x64xf32, #tpu.memory_space<vmem>>
    %dma_start3A_31 = arith.constant 0 : i32
    %dma_start3A_32 = tpu.memref_slice %arg2[%get3A_27, %dma_start3A_31] : memref<100000x64xf32, #tpu.memory_space<hbm>> -> memref<1x64xf32, #tpu.memory_space<hbm>>
    tpu.enqueue_dma source(%dma_start3A_32 : memref<1x64xf32, #tpu.memory_space<hbm>>) target(%dma_start3A_30 : memref<1x64xf32, #tpu.memory_space<vmem>>) target_semaphore(%arg7 : memref<!tpu.dma_semaphore, #tpu.memory_space<semaphore_mem>>)
    %get3A_33 = arith.constant 5 : index
    %get3A_34 = memref.load %arg1[%get3A_33] : memref<50xi32, #tpu.memory_space<smem>>
    %dma_start3A_35 = arith.constant 5 : i32
    %dma_start3A_36 = arith.constant 0 : i32
    %dma_start3A_37 = tpu.memref_slice %arg6[%dma_start3A_35, %dma_start3A_36] : memref<50x64xf32, #tpu.memory_space<vmem>> -> memref<1x64xf32, #tpu.memory_space<vmem>>
    %dma_start3A_38 = arith.constant 0 : i32
    %dma_start3A_39 = tpu.memref_slice %arg2[%get3A_34, %dma_start3A_38] : memref<100000x64xf32, #tpu.memory_space<hbm>> -> memref<1x64xf32, #tpu.memory_space<hbm>>
    tpu.enqueue_dma source(%dma_start3A_39 : memref<1x64xf32, #tpu.memory_space<hbm>>) target(%dma_start3A_37 : memref<1x64xf32, #tpu.memory_space<vmem>>) target_semaphore(%arg7 : memref<!tpu.dma_semaphore, #tpu.memory_space<semaphore_mem>>)
    %get3A_40 = arith.constant 6 : index
    %get3A_41 = memref.load %arg1[%get3A_40] : memref<50xi32, #tpu.memory_space<smem>>
    %dma_start3A_42 = arith.constant 6 : i32
    %dma_start3A_43 = arith.constant 0 : i32
    %dma_start3A_44 = tpu.memref_slice %arg6[%dma_start3A_42, %dma_start3A_43] : memref<50x64xf32, #tpu.memory_space<vmem>> -> memref<1x64xf32, #tpu.memory_space<vmem>>
    %dma_start3A_45 = arith.constant 0 : i32
    %dma_start3A_46 = tpu.memref_slice %arg2[%get3A_41, %dma_start3A_45] : memref<100000x64xf32, #tpu.memory_space<hbm>> -> memref<1x64xf32, #tpu.memory_space<hbm>>
    tpu.enqueue_dma source(%dma_start3A_46 : memref<1x64xf32, #tpu.memory_space<hbm>>) target(%dma_start3A_44 : memref<1x64xf32, #tpu.memory_space<vmem>>) target_semaphore(%arg7 : memref<!tpu.dma_semaphore, #tpu.memory_space<semaphore_mem>>)
    %get3A_47 = arith.constant 7 : index
    %get3A_48 = memref.load %arg1[%get3A_47] : memref<50xi32, #tpu.memory_space<smem>>
    %dma_start3A_49 = arith.constant 7 : i32
    %dma_start3A_50 = arith.constant 0 : i32
    %dma_start3A_51 = tpu.memref_slice %arg6[%dma_start3A_49, %dma_start3A_50] : memref<50x64xf32, #tpu.memory_space<vmem>> -> memref<1x64xf32, #tpu.memory_space<vmem>>
    %dma_start3A_52 = arith.constant 0 : i32
    %dma_start3A_53 = tpu.memref_slice %arg2[%get3A_48, %dma_start3A_52] : memref<100000x64xf32, #tpu.memory_space<hbm>> -> memref<1x64xf32, #tpu.memory_space<hbm>>
    tpu.enqueue_dma source(%dma_start3A_53 : memref<1x64xf32, #tpu.memory_space<hbm>>) target(%dma_start3A_51 : memref<1x64xf32, #tpu.memory_space<vmem>>) target_semaphore(%arg7 : memref<!tpu.dma_semaphore, #tpu.memory_space<semaphore_mem>>)
    %get3A_54 = arith.constant 8 : index
    %get3A_55 = memref.load %arg1[%get3A_54] : memref<50xi32, #tpu.memory_space<smem>>
    %dma_start3A_56 = arith.constant 8 : i32
    %dma_start3A_57 = arith.constant 0 : i32
    %dma_start3A_58 = tpu.memref_slice %arg6[%dma_start3A_56, %dma_start3A_57] : memref<50x64xf32, #tpu.memory_space<vmem>> -> memref<1x64xf32, #tpu.memory_space<vmem>>
    %dma_start3A_59 = arith.constant 0 : i32
    %dma_start3A_60 = tpu.memref_slice %arg2[%get3A_55, %dma_start3A_59] : memref<100000x64xf32, #tpu.memory_space<hbm>> -> memref<1x64xf32, #tpu.memory_space<hbm>>
    tpu.enqueue_dma source(%dma_start3A_60 : memref<1x64xf32, #tpu.memory_space<hbm>>) target(%dma_start3A_58 : memref<1x64xf32, #tpu.memory_space<vmem>>) target_semaphore(%arg7 : memref<!tpu.dma_semaphore, #tpu.memory_space<semaphore_mem>>)
    %get3A_61 = arith.constant 9 : index
    %get3A_62 = memref.load %arg1[%get3A_61] : memref<50xi32, #tpu.memory_space<smem>>
    %dma_start3A_63 = arith.constant 9 : i32
    %dma_start3A_64 = arith.constant 0 : i32
    %dma_start3A_65 = tpu.memref_slice %arg6[%dma_start3A_63, %dma_start3A_64] : memref<50x64xf32, #tpu.memory_space<vmem>> -> memref<1x64xf32, #tpu.memory_space<vmem>>
    %dma_start3A_66 = arith.constant 0 : i32
    %dma_start3A_67 = tpu.memref_slice %arg2[%get3A_62, %dma_start3A_66] : memref<100000x64xf32, #tpu.memory_space<hbm>> -> memref<1x64xf32, #tpu.memory_space<hbm>>
    tpu.enqueue_dma source(%dma_start3A_67 : memref<1x64xf32, #tpu.memory_space<hbm>>) target(%dma_start3A_65 : memref<1x64xf32, #tpu.memory_space<vmem>>) target_semaphore(%arg7 : memref<!tpu.dma_semaphore, #tpu.memory_space<semaphore_mem>>)
    %get3A_68 = arith.constant 10 : index
    %get3A_69 = memref.load %arg1[%get3A_68] : memref<50xi32, #tpu.memory_space<smem>>
    %dma_start3A_70 = arith.constant 10 : i32
    %dma_start3A_71 = arith.constant 0 : i32
    %dma_start3A_72 = tpu.memref_slice %arg6[%dma_start3A_70, %dma_start3A_71] : memref<50x64xf32, #tpu.memory_space<vmem>> -> memref<1x64xf32, #tpu.memory_space<vmem>>
    %dma_start3A_73 = arith.constant 0 : i32
    %dma_start3A_74 = tpu.memref_slice %arg2[%get3A_69, %dma_start3A_73] : memref<100000x64xf32, #tpu.memory_space<hbm>> -> memref<1x64xf32, #tpu.memory_space<hbm>>
    tpu.enqueue_dma source(%dma_start3A_74 : memref<1x64xf32, #tpu.memory_space<hbm>>) target(%dma_start3A_72 : memref<1x64xf32, #tpu.memory_space<vmem>>) target_semaphore(%arg7 : memref<!tpu.dma_semaphore, #tpu.memory_space<semaphore_mem>>)
    %get3A_75 = arith.constant 11 : index
    %get3A_76 = memref.load %arg1[%get3A_75] : memref<50xi32, #tpu.memory_space<smem>>
    %dma_start3A_77 = arith.constant 11 : i32
    %dma_start3A_78 = arith.constant 0 : i32
    %dma_start3A_79 = tpu.memref_slice %arg6[%dma_start3A_77, %dma_start3A_78] : memref<50x64xf32, #tpu.memory_space<vmem>> -> memref<1x64xf32, #tpu.memory_space<vmem>>
    %dma_start3A_80 = arith.constant 0 : i32
    %dma_start3A_81 = tpu.memref_slice %arg2[%get3A_76, %dma_start3A_80] : memref<100000x64xf32, #tpu.memory_space<hbm>> -> memref<1x64xf32, #tpu.memory_space<hbm>>
    tpu.enqueue_dma source(%dma_start3A_81 : memref<1x64xf32, #tpu.memory_space<hbm>>) target(%dma_start3A_79 : memref<1x64xf32, #tpu.memory_space<vmem>>) target_semaphore(%arg7 : memref<!tpu.dma_semaphore, #tpu.memory_space<semaphore_mem>>)
    %get3A_82 = arith.constant 12 : index
    %get3A_83 = memref.load %arg1[%get3A_82] : memref<50xi32, #tpu.memory_space<smem>>
    %dma_start3A_84 = arith.constant 12 : i32
    %dma_start3A_85 = arith.constant 0 : i32
    %dma_start3A_86 = tpu.memref_slice %arg6[%dma_start3A_84, %dma_start3A_85] : memref<50x64xf32, #tpu.memory_space<vmem>> -> memref<1x64xf32, #tpu.memory_space<vmem>>
    %dma_start3A_87 = arith.constant 0 : i32
    %dma_start3A_88 = tpu.memref_slice %arg2[%get3A_83, %dma_start3A_87] : memref<100000x64xf32, #tpu.memory_space<hbm>> -> memref<1x64xf32, #tpu.memory_space<hbm>>
    tpu.enqueue_dma source(%dma_start3A_88 : memref<1x64xf32, #tpu.memory_space<hbm>>) target(%dma_start3A_86 : memref<1x64xf32, #tpu.memory_space<vmem>>) target_semaphore(%arg7 : memref<!tpu.dma_semaphore, #tpu.memory_space<semaphore_mem>>)
    %get3A_89 = arith.constant 13 : index
    %get3A_90 = memref.load %arg1[%get3A_89] : memref<50xi32, #tpu.memory_space<smem>>
    %dma_start3A_91 = arith.constant 13 : i32
    %dma_start3A_92 = arith.constant 0 : i32
    %dma_start3A_93 = tpu.memref_slice %arg6[%dma_start3A_91, %dma_start3A_92] : memref<50x64xf32, #tpu.memory_space<vmem>> -> memref<1x64xf32, #tpu.memory_space<vmem>>
    %dma_start3A_94 = arith.constant 0 : i32
    %dma_start3A_95 = tpu.memref_slice %arg2[%get3A_90, %dma_start3A_94] : memref<100000x64xf32, #tpu.memory_space<hbm>> -> memref<1x64xf32, #tpu.memory_space<hbm>>
    tpu.enqueue_dma source(%dma_start3A_95 : memref<1x64xf32, #tpu.memory_space<hbm>>) target(%dma_start3A_93 : memref<1x64xf32, #tpu.memory_space<vmem>>) target_semaphore(%arg7 : memref<!tpu.dma_semaphore, #tpu.memory_space<semaphore_mem>>)
    %get3A_96 = arith.constant 14 : index
    %get3A_97 = memref.load %arg1[%get3A_96] : memref<50xi32, #tpu.memory_space<smem>>
    %dma_start3A_98 = arith.constant 14 : i32
    %dma_start3A_99 = arith.constant 0 : i32
    %dma_start3A_100 = tpu.memref_slice %arg6[%dma_start3A_98, %dma_start3A_99] : memref<50x64xf32, #tpu.memory_space<vmem>> -> memref<1x64xf32, #tpu.memory_space<vmem>>
    %dma_start3A_101 = arith.constant 0 : i32
    %dma_start3A_102 = tpu.memref_slice %arg2[%get3A_97, %dma_start3A_101] : memref<100000x64xf32, #tpu.memory_space<hbm>> -> memref<1x64xf32, #tpu.memory_space<hbm>>
    tpu.enqueue_dma source(%dma_start3A_102 : memref<1x64xf32, #tpu.memory_space<hbm>>) target(%dma_start3A_100 : memref<1x64xf32, #tpu.memory_space<vmem>>) target_semaphore(%arg7 : memref<!tpu.dma_semaphore, #tpu.memory_space<semaphore_mem>>)
    %get3A_103 = arith.constant 15 : index
    %get3A_104 = memref.load %arg1[%get3A_103] : memref<50xi32, #tpu.memory_space<smem>>
    %dma_start3A_105 = arith.constant 15 : i32
    %dma_start3A_106 = arith.constant 0 : i32
    %dma_start3A_107 = tpu.memref_slice %arg6[%dma_start3A_105, %dma_start3A_106] : memref<50x64xf32, #tpu.memory_space<vmem>> -> memref<1x64xf32, #tpu.memory_space<vmem>>
    %dma_start3A_108 = arith.constant 0 : i32
    %dma_start3A_109 = tpu.memref_slice %arg2[%get3A_104, %dma_start3A_108] : memref<100000x64xf32, #tpu.memory_space<hbm>> -> memref<1x64xf32, #tpu.memory_space<hbm>>
    tpu.enqueue_dma source(%dma_start3A_109 : memref<1x64xf32, #tpu.memory_space<hbm>>) target(%dma_start3A_107 : memref<1x64xf32, #tpu.memory_space<vmem>>) target_semaphore(%arg7 : memref<!tpu.dma_semaphore, #tpu.memory_space<semaphore_mem>>)
    %get3A_110 = arith.constant 16 : index
    %get3A_111 = memref.load %arg1[%get3A_110] : memref<50xi32, #tpu.memory_space<smem>>
    %dma_start3A_112 = arith.constant 16 : i32
    %dma_start3A_113 = arith.constant 0 : i32
    %dma_start3A_114 = tpu.memref_slice %arg6[%dma_start3A_112, %dma_start3A_113] : memref<50x64xf32, #tpu.memory_space<vmem>> -> memref<1x64xf32, #tpu.memory_space<vmem>>
    %dma_start3A_115 = arith.constant 0 : i32
    %dma_start3A_116 = tpu.memref_slice %arg2[%get3A_111, %dma_start3A_115] : memref<100000x64xf32, #tpu.memory_space<hbm>> -> memref<1x64xf32, #tpu.memory_space<hbm>>
    tpu.enqueue_dma source(%dma_start3A_116 : memref<1x64xf32, #tpu.memory_space<hbm>>) target(%dma_start3A_114 : memref<1x64xf32, #tpu.memory_space<vmem>>) target_semaphore(%arg7 : memref<!tpu.dma_semaphore, #tpu.memory_space<semaphore_mem>>)
    %get3A_117 = arith.constant 17 : index
    %get3A_118 = memref.load %arg1[%get3A_117] : memref<50xi32, #tpu.memory_space<smem>>
    %dma_start3A_119 = arith.constant 17 : i32
    %dma_start3A_120 = arith.constant 0 : i32
    %dma_start3A_121 = tpu.memref_slice %arg6[%dma_start3A_119, %dma_start3A_120] : memref<50x64xf32, #tpu.memory_space<vmem>> -> memref<1x64xf32, #tpu.memory_space<vmem>>
    %dma_start3A_122 = arith.constant 0 : i32
    %dma_start3A_123 = tpu.memref_slice %arg2[%get3A_118, %dma_start3A_122] : memref<100000x64xf32, #tpu.memory_space<hbm>> -> memref<1x64xf32, #tpu.memory_space<hbm>>
    tpu.enqueue_dma source(%dma_start3A_123 : memref<1x64xf32, #tpu.memory_space<hbm>>) target(%dma_start3A_121 : memref<1x64xf32, #tpu.memory_space<vmem>>) target_semaphore(%arg7 : memref<!tpu.dma_semaphore, #tpu.memory_space<semaphore_mem>>)
    %get3A_124 = arith.constant 18 : index
    %get3A_125 = memref.load %arg1[%get3A_124] : memref<50xi32, #tpu.memory_space<smem>>
    %dma_start3A_126 = arith.constant 18 : i32
    %dma_start3A_127 = arith.constant 0 : i32
    %dma_start3A_128 = tpu.memref_slice %arg6[%dma_start3A_126, %dma_start3A_127] : memref<50x64xf32, #tpu.memory_space<vmem>> -> memref<1x64xf32, #tpu.memory_space<vmem>>
    %dma_start3A_129 = arith.constant 0 : i32
    %dma_start3A_130 = tpu.memref_slice %arg2[%get3A_125, %dma_start3A_129] : memref<100000x64xf32, #tpu.memory_space<hbm>> -> memref<1x64xf32, #tpu.memory_space<hbm>>
    tpu.enqueue_dma source(%dma_start3A_130 : memref<1x64xf32, #tpu.memory_space<hbm>>) target(%dma_start3A_128 : memref<1x64xf32, #tpu.memory_space<vmem>>) target_semaphore(%arg7 : memref<!tpu.dma_semaphore, #tpu.memory_space<semaphore_mem>>)
    %get3A_131 = arith.constant 19 : index
    %get3A_132 = memref.load %arg1[%get3A_131] : memref<50xi32, #tpu.memory_space<smem>>
    %dma_start3A_133 = arith.constant 19 : i32
    %dma_start3A_134 = arith.constant 0 : i32
    %dma_start3A_135 = tpu.memref_slice %arg6[%dma_start3A_133, %dma_start3A_134] : memref<50x64xf32, #tpu.memory_space<vmem>> -> memref<1x64xf32, #tpu.memory_space<vmem>>
    %dma_start3A_136 = arith.constant 0 : i32
    %dma_start3A_137 = tpu.memref_slice %arg2[%get3A_132, %dma_start3A_136] : memref<100000x64xf32, #tpu.memory_space<hbm>> -> memref<1x64xf32, #tpu.memory_space<hbm>>
    tpu.enqueue_dma source(%dma_start3A_137 : memref<1x64xf32, #tpu.memory_space<hbm>>) target(%dma_start3A_135 : memref<1x64xf32, #tpu.memory_space<vmem>>) target_semaphore(%arg7 : memref<!tpu.dma_semaphore, #tpu.memory_space<semaphore_mem>>)
    %get3A_138 = arith.constant 20 : index
    %get3A_139 = memref.load %arg1[%get3A_138] : memref<50xi32, #tpu.memory_space<smem>>
    %dma_start3A_140 = arith.constant 20 : i32
    %dma_start3A_141 = arith.constant 0 : i32
    %dma_start3A_142 = tpu.memref_slice %arg6[%dma_start3A_140, %dma_start3A_141] : memref<50x64xf32, #tpu.memory_space<vmem>> -> memref<1x64xf32, #tpu.memory_space<vmem>>
    %dma_start3A_143 = arith.constant 0 : i32
    %dma_start3A_144 = tpu.memref_slice %arg2[%get3A_139, %dma_start3A_143] : memref<100000x64xf32, #tpu.memory_space<hbm>> -> memref<1x64xf32, #tpu.memory_space<hbm>>
    tpu.enqueue_dma source(%dma_start3A_144 : memref<1x64xf32, #tpu.memory_space<hbm>>) target(%dma_start3A_142 : memref<1x64xf32, #tpu.memory_space<vmem>>) target_semaphore(%arg7 : memref<!tpu.dma_semaphore, #tpu.memory_space<semaphore_mem>>)
    %get3A_145 = arith.constant 21 : index
    %get3A_146 = memref.load %arg1[%get3A_145] : memref<50xi32, #tpu.memory_space<smem>>
    %dma_start3A_147 = arith.constant 21 : i32
    %dma_start3A_148 = arith.constant 0 : i32
    %dma_start3A_149 = tpu.memref_slice %arg6[%dma_start3A_147, %dma_start3A_148] : memref<50x64xf32, #tpu.memory_space<vmem>> -> memref<1x64xf32, #tpu.memory_space<vmem>>
    %dma_start3A_150 = arith.constant 0 : i32
    %dma_start3A_151 = tpu.memref_slice %arg2[%get3A_146, %dma_start3A_150] : memref<100000x64xf32, #tpu.memory_space<hbm>> -> memref<1x64xf32, #tpu.memory_space<hbm>>
    tpu.enqueue_dma source(%dma_start3A_151 : memref<1x64xf32, #tpu.memory_space<hbm>>) target(%dma_start3A_149 : memref<1x64xf32, #tpu.memory_space<vmem>>) target_semaphore(%arg7 : memref<!tpu.dma_semaphore, #tpu.memory_space<semaphore_mem>>)
    %get3A_152 = arith.constant 22 : index
    %get3A_153 = memref.load %arg1[%get3A_152] : memref<50xi32, #tpu.memory_space<smem>>
    %dma_start3A_154 = arith.constant 22 : i32
    %dma_start3A_155 = arith.constant 0 : i32
    %dma_start3A_156 = tpu.memref_slice %arg6[%dma_start3A_154, %dma_start3A_155] : memref<50x64xf32, #tpu.memory_space<vmem>> -> memref<1x64xf32, #tpu.memory_space<vmem>>
    %dma_start3A_157 = arith.constant 0 : i32
    %dma_start3A_158 = tpu.memref_slice %arg2[%get3A_153, %dma_start3A_157] : memref<100000x64xf32, #tpu.memory_space<hbm>> -> memref<1x64xf32, #tpu.memory_space<hbm>>
    tpu.enqueue_dma source(%dma_start3A_158 : memref<1x64xf32, #tpu.memory_space<hbm>>) target(%dma_start3A_156 : memref<1x64xf32, #tpu.memory_space<vmem>>) target_semaphore(%arg7 : memref<!tpu.dma_semaphore, #tpu.memory_space<semaphore_mem>>)
    %get3A_159 = arith.constant 23 : index
    %get3A_160 = memref.load %arg1[%get3A_159] : memref<50xi32, #tpu.memory_space<smem>>
    %dma_start3A_161 = arith.constant 23 : i32
    %dma_start3A_162 = arith.constant 0 : i32
    %dma_start3A_163 = tpu.memref_slice %arg6[%dma_start3A_161, %dma_start3A_162] : memref<50x64xf32, #tpu.memory_space<vmem>> -> memref<1x64xf32, #tpu.memory_space<vmem>>
    %dma_start3A_164 = arith.constant 0 : i32
    %dma_start3A_165 = tpu.memref_slice %arg2[%get3A_160, %dma_start3A_164] : memref<100000x64xf32, #tpu.memory_space<hbm>> -> memref<1x64xf32, #tpu.memory_space<hbm>>
    tpu.enqueue_dma source(%dma_start3A_165 : memref<1x64xf32, #tpu.memory_space<hbm>>) target(%dma_start3A_163 : memref<1x64xf32, #tpu.memory_space<vmem>>) target_semaphore(%arg7 : memref<!tpu.dma_semaphore, #tpu.memory_space<semaphore_mem>>)
    %get3A_166 = arith.constant 24 : index
    %get3A_167 = memref.load %arg1[%get3A_166] : memref<50xi32, #tpu.memory_space<smem>>
    %dma_start3A_168 = arith.constant 24 : i32
    %dma_start3A_169 = arith.constant 0 : i32
    %dma_start3A_170 = tpu.memref_slice %arg6[%dma_start3A_168, %dma_start3A_169] : memref<50x64xf32, #tpu.memory_space<vmem>> -> memref<1x64xf32, #tpu.memory_space<vmem>>
    %dma_start3A_171 = arith.constant 0 : i32
    %dma_start3A_172 = tpu.memref_slice %arg2[%get3A_167, %dma_start3A_171] : memref<100000x64xf32, #tpu.memory_space<hbm>> -> memref<1x64xf32, #tpu.memory_space<hbm>>
    tpu.enqueue_dma source(%dma_start3A_172 : memref<1x64xf32, #tpu.memory_space<hbm>>) target(%dma_start3A_170 : memref<1x64xf32, #tpu.memory_space<vmem>>) target_semaphore(%arg7 : memref<!tpu.dma_semaphore, #tpu.memory_space<semaphore_mem>>)
    %get3A_173 = arith.constant 25 : index
    %get3A_174 = memref.load %arg1[%get3A_173] : memref<50xi32, #tpu.memory_space<smem>>
    %dma_start3A_175 = arith.constant 25 : i32
    %dma_start3A_176 = arith.constant 0 : i32
    %dma_start3A_177 = tpu.memref_slice %arg6[%dma_start3A_175, %dma_start3A_176] : memref<50x64xf32, #tpu.memory_space<vmem>> -> memref<1x64xf32, #tpu.memory_space<vmem>>
    %dma_start3A_178 = arith.constant 0 : i32
    %dma_start3A_179 = tpu.memref_slice %arg2[%get3A_174, %dma_start3A_178] : memref<100000x64xf32, #tpu.memory_space<hbm>> -> memref<1x64xf32, #tpu.memory_space<hbm>>
    tpu.enqueue_dma source(%dma_start3A_179 : memref<1x64xf32, #tpu.memory_space<hbm>>) target(%dma_start3A_177 : memref<1x64xf32, #tpu.memory_space<vmem>>) target_semaphore(%arg7 : memref<!tpu.dma_semaphore, #tpu.memory_space<semaphore_mem>>)
    %get3A_180 = arith.constant 26 : index
    %get3A_181 = memref.load %arg1[%get3A_180] : memref<50xi32, #tpu.memory_space<smem>>
    %dma_start3A_182 = arith.constant 26 : i32
    %dma_start3A_183 = arith.constant 0 : i32
    %dma_start3A_184 = tpu.memref_slice %arg6[%dma_start3A_182, %dma_start3A_183] : memref<50x64xf32, #tpu.memory_space<vmem>> -> memref<1x64xf32, #tpu.memory_space<vmem>>
    %dma_start3A_185 = arith.constant 0 : i32
    %dma_start3A_186 = tpu.memref_slice %arg2[%get3A_181, %dma_start3A_185] : memref<100000x64xf32, #tpu.memory_space<hbm>> -> memref<1x64xf32, #tpu.memory_space<hbm>>
    tpu.enqueue_dma source(%dma_start3A_186 : memref<1x64xf32, #tpu.memory_space<hbm>>) target(%dma_start3A_184 : memref<1x64xf32, #tpu.memory_space<vmem>>) target_semaphore(%arg7 : memref<!tpu.dma_semaphore, #tpu.memory_space<semaphore_mem>>)
    %get3A_187 = arith.constant 27 : index
    %get3A_188 = memref.load %arg1[%get3A_187] : memref<50xi32, #tpu.memory_space<smem>>
    %dma_start3A_189 = arith.constant 27 : i32
    %dma_start3A_190 = arith.constant 0 : i32
    %dma_start3A_191 = tpu.memref_slice %arg6[%dma_start3A_189, %dma_start3A_190] : memref<50x64xf32, #tpu.memory_space<vmem>> -> memref<1x64xf32, #tpu.memory_space<vmem>>
    %dma_start3A_192 = arith.constant 0 : i32
    %dma_start3A_193 = tpu.memref_slice %arg2[%get3A_188, %dma_start3A_192] : memref<100000x64xf32, #tpu.memory_space<hbm>> -> memref<1x64xf32, #tpu.memory_space<hbm>>
    tpu.enqueue_dma source(%dma_start3A_193 : memref<1x64xf32, #tpu.memory_space<hbm>>) target(%dma_start3A_191 : memref<1x64xf32, #tpu.memory_space<vmem>>) target_semaphore(%arg7 : memref<!tpu.dma_semaphore, #tpu.memory_space<semaphore_mem>>)
    %get3A_194 = arith.constant 28 : index
    %get3A_195 = memref.load %arg1[%get3A_194] : memref<50xi32, #tpu.memory_space<smem>>
    %dma_start3A_196 = arith.constant 28 : i32
    %dma_start3A_197 = arith.constant 0 : i32
    %dma_start3A_198 = tpu.memref_slice %arg6[%dma_start3A_196, %dma_start3A_197] : memref<50x64xf32, #tpu.memory_space<vmem>> -> memref<1x64xf32, #tpu.memory_space<vmem>>
    %dma_start3A_199 = arith.constant 0 : i32
    %dma_start3A_200 = tpu.memref_slice %arg2[%get3A_195, %dma_start3A_199] : memref<100000x64xf32, #tpu.memory_space<hbm>> -> memref<1x64xf32, #tpu.memory_space<hbm>>
    tpu.enqueue_dma source(%dma_start3A_200 : memref<1x64xf32, #tpu.memory_space<hbm>>) target(%dma_start3A_198 : memref<1x64xf32, #tpu.memory_space<vmem>>) target_semaphore(%arg7 : memref<!tpu.dma_semaphore, #tpu.memory_space<semaphore_mem>>)
    %get3A_201 = arith.constant 29 : index
    %get3A_202 = memref.load %arg1[%get3A_201] : memref<50xi32, #tpu.memory_space<smem>>
    %dma_start3A_203 = arith.constant 29 : i32
    %dma_start3A_204 = arith.constant 0 : i32
    %dma_start3A_205 = tpu.memref_slice %arg6[%dma_start3A_203, %dma_start3A_204] : memref<50x64xf32, #tpu.memory_space<vmem>> -> memref<1x64xf32, #tpu.memory_space<vmem>>
    %dma_start3A_206 = arith.constant 0 : i32
    %dma_start3A_207 = tpu.memref_slice %arg2[%get3A_202, %dma_start3A_206] : memref<100000x64xf32, #tpu.memory_space<hbm>> -> memref<1x64xf32, #tpu.memory_space<hbm>>
    tpu.enqueue_dma source(%dma_start3A_207 : memref<1x64xf32, #tpu.memory_space<hbm>>) target(%dma_start3A_205 : memref<1x64xf32, #tpu.memory_space<vmem>>) target_semaphore(%arg7 : memref<!tpu.dma_semaphore, #tpu.memory_space<semaphore_mem>>)
    %get3A_208 = arith.constant 30 : index
    %get3A_209 = memref.load %arg1[%get3A_208] : memref<50xi32, #tpu.memory_space<smem>>
    %dma_start3A_210 = arith.constant 30 : i32
    %dma_start3A_211 = arith.constant 0 : i32
    %dma_start3A_212 = tpu.memref_slice %arg6[%dma_start3A_210, %dma_start3A_211] : memref<50x64xf32, #tpu.memory_space<vmem>> -> memref<1x64xf32, #tpu.memory_space<vmem>>
    %dma_start3A_213 = arith.constant 0 : i32
    %dma_start3A_214 = tpu.memref_slice %arg2[%get3A_209, %dma_start3A_213] : memref<100000x64xf32, #tpu.memory_space<hbm>> -> memref<1x64xf32, #tpu.memory_space<hbm>>
    tpu.enqueue_dma source(%dma_start3A_214 : memref<1x64xf32, #tpu.memory_space<hbm>>) target(%dma_start3A_212 : memref<1x64xf32, #tpu.memory_space<vmem>>) target_semaphore(%arg7 : memref<!tpu.dma_semaphore, #tpu.memory_space<semaphore_mem>>)
    %get3A_215 = arith.constant 31 : index
    %get3A_216 = memref.load %arg1[%get3A_215] : memref<50xi32, #tpu.memory_space<smem>>
    %dma_start3A_217 = arith.constant 31 : i32
    %dma_start3A_218 = arith.constant 0 : i32
    %dma_start3A_219 = tpu.memref_slice %arg6[%dma_start3A_217, %dma_start3A_218] : memref<50x64xf32, #tpu.memory_space<vmem>> -> memref<1x64xf32, #tpu.memory_space<vmem>>
    %dma_start3A_220 = arith.constant 0 : i32
    %dma_start3A_221 = tpu.memref_slice %arg2[%get3A_216, %dma_start3A_220] : memref<100000x64xf32, #tpu.memory_space<hbm>> -> memref<1x64xf32, #tpu.memory_space<hbm>>
    tpu.enqueue_dma source(%dma_start3A_221 : memref<1x64xf32, #tpu.memory_space<hbm>>) target(%dma_start3A_219 : memref<1x64xf32, #tpu.memory_space<vmem>>) target_semaphore(%arg7 : memref<!tpu.dma_semaphore, #tpu.memory_space<semaphore_mem>>)
    %get3A_222 = arith.constant 32 : index
    %get3A_223 = memref.load %arg1[%get3A_222] : memref<50xi32, #tpu.memory_space<smem>>
    %dma_start3A_224 = arith.constant 32 : i32
    %dma_start3A_225 = arith.constant 0 : i32
    %dma_start3A_226 = tpu.memref_slice %arg6[%dma_start3A_224, %dma_start3A_225] : memref<50x64xf32, #tpu.memory_space<vmem>> -> memref<1x64xf32, #tpu.memory_space<vmem>>
    %dma_start3A_227 = arith.constant 0 : i32
    %dma_start3A_228 = tpu.memref_slice %arg2[%get3A_223, %dma_start3A_227] : memref<100000x64xf32, #tpu.memory_space<hbm>> -> memref<1x64xf32, #tpu.memory_space<hbm>>
    tpu.enqueue_dma source(%dma_start3A_228 : memref<1x64xf32, #tpu.memory_space<hbm>>) target(%dma_start3A_226 : memref<1x64xf32, #tpu.memory_space<vmem>>) target_semaphore(%arg7 : memref<!tpu.dma_semaphore, #tpu.memory_space<semaphore_mem>>)
    %get3A_229 = arith.constant 33 : index
    %get3A_230 = memref.load %arg1[%get3A_229] : memref<50xi32, #tpu.memory_space<smem>>
    %dma_start3A_231 = arith.constant 33 : i32
    %dma_start3A_232 = arith.constant 0 : i32
    %dma_start3A_233 = tpu.memref_slice %arg6[%dma_start3A_231, %dma_start3A_232] : memref<50x64xf32, #tpu.memory_space<vmem>> -> memref<1x64xf32, #tpu.memory_space<vmem>>
    %dma_start3A_234 = arith.constant 0 : i32
    %dma_start3A_235 = tpu.memref_slice %arg2[%get3A_230, %dma_start3A_234] : memref<100000x64xf32, #tpu.memory_space<hbm>> -> memref<1x64xf32, #tpu.memory_space<hbm>>
    tpu.enqueue_dma source(%dma_start3A_235 : memref<1x64xf32, #tpu.memory_space<hbm>>) target(%dma_start3A_233 : memref<1x64xf32, #tpu.memory_space<vmem>>) target_semaphore(%arg7 : memref<!tpu.dma_semaphore, #tpu.memory_space<semaphore_mem>>)
    %get3A_236 = arith.constant 34 : index
    %get3A_237 = memref.load %arg1[%get3A_236] : memref<50xi32, #tpu.memory_space<smem>>
    %dma_start3A_238 = arith.constant 34 : i32
    %dma_start3A_239 = arith.constant 0 : i32
    %dma_start3A_240 = tpu.memref_slice %arg6[%dma_start3A_238, %dma_start3A_239] : memref<50x64xf32, #tpu.memory_space<vmem>> -> memref<1x64xf32, #tpu.memory_space<vmem>>
    %dma_start3A_241 = arith.constant 0 : i32
    %dma_start3A_242 = tpu.memref_slice %arg2[%get3A_237, %dma_start3A_241] : memref<100000x64xf32, #tpu.memory_space<hbm>> -> memref<1x64xf32, #tpu.memory_space<hbm>>
    tpu.enqueue_dma source(%dma_start3A_242 : memref<1x64xf32, #tpu.memory_space<hbm>>) target(%dma_start3A_240 : memref<1x64xf32, #tpu.memory_space<vmem>>) target_semaphore(%arg7 : memref<!tpu.dma_semaphore, #tpu.memory_space<semaphore_mem>>)
    %get3A_243 = arith.constant 35 : index
    %get3A_244 = memref.load %arg1[%get3A_243] : memref<50xi32, #tpu.memory_space<smem>>
    %dma_start3A_245 = arith.constant 35 : i32
    %dma_start3A_246 = arith.constant 0 : i32
    %dma_start3A_247 = tpu.memref_slice %arg6[%dma_start3A_245, %dma_start3A_246] : memref<50x64xf32, #tpu.memory_space<vmem>> -> memref<1x64xf32, #tpu.memory_space<vmem>>
    %dma_start3A_248 = arith.constant 0 : i32
    %dma_start3A_249 = tpu.memref_slice %arg2[%get3A_244, %dma_start3A_248] : memref<100000x64xf32, #tpu.memory_space<hbm>> -> memref<1x64xf32, #tpu.memory_space<hbm>>
    tpu.enqueue_dma source(%dma_start3A_249 : memref<1x64xf32, #tpu.memory_space<hbm>>) target(%dma_start3A_247 : memref<1x64xf32, #tpu.memory_space<vmem>>) target_semaphore(%arg7 : memref<!tpu.dma_semaphore, #tpu.memory_space<semaphore_mem>>)
    %get3A_250 = arith.constant 36 : index
    %get3A_251 = memref.load %arg1[%get3A_250] : memref<50xi32, #tpu.memory_space<smem>>
    %dma_start3A_252 = arith.constant 36 : i32
    %dma_start3A_253 = arith.constant 0 : i32
    %dma_start3A_254 = tpu.memref_slice %arg6[%dma_start3A_252, %dma_start3A_253] : memref<50x64xf32, #tpu.memory_space<vmem>> -> memref<1x64xf32, #tpu.memory_space<vmem>>
    %dma_start3A_255 = arith.constant 0 : i32
    %dma_start3A_256 = tpu.memref_slice %arg2[%get3A_251, %dma_start3A_255] : memref<100000x64xf32, #tpu.memory_space<hbm>> -> memref<1x64xf32, #tpu.memory_space<hbm>>
    tpu.enqueue_dma source(%dma_start3A_256 : memref<1x64xf32, #tpu.memory_space<hbm>>) target(%dma_start3A_254 : memref<1x64xf32, #tpu.memory_space<vmem>>) target_semaphore(%arg7 : memref<!tpu.dma_semaphore, #tpu.memory_space<semaphore_mem>>)
    %get3A_257 = arith.constant 37 : index
    %get3A_258 = memref.load %arg1[%get3A_257] : memref<50xi32, #tpu.memory_space<smem>>
    %dma_start3A_259 = arith.constant 37 : i32
    %dma_start3A_260 = arith.constant 0 : i32
    %dma_start3A_261 = tpu.memref_slice %arg6[%dma_start3A_259, %dma_start3A_260] : memref<50x64xf32, #tpu.memory_space<vmem>> -> memref<1x64xf32, #tpu.memory_space<vmem>>
    %dma_start3A_262 = arith.constant 0 : i32
    %dma_start3A_263 = tpu.memref_slice %arg2[%get3A_258, %dma_start3A_262] : memref<100000x64xf32, #tpu.memory_space<hbm>> -> memref<1x64xf32, #tpu.memory_space<hbm>>
    tpu.enqueue_dma source(%dma_start3A_263 : memref<1x64xf32, #tpu.memory_space<hbm>>) target(%dma_start3A_261 : memref<1x64xf32, #tpu.memory_space<vmem>>) target_semaphore(%arg7 : memref<!tpu.dma_semaphore, #tpu.memory_space<semaphore_mem>>)
    %get3A_264 = arith.constant 38 : index
    %get3A_265 = memref.load %arg1[%get3A_264] : memref<50xi32, #tpu.memory_space<smem>>
    %dma_start3A_266 = arith.constant 38 : i32
    %dma_start3A_267 = arith.constant 0 : i32
    %dma_start3A_268 = tpu.memref_slice %arg6[%dma_start3A_266, %dma_start3A_267] : memref<50x64xf32, #tpu.memory_space<vmem>> -> memref<1x64xf32, #tpu.memory_space<vmem>>
    %dma_start3A_269 = arith.constant 0 : i32
    %dma_start3A_270 = tpu.memref_slice %arg2[%get3A_265, %dma_start3A_269] : memref<100000x64xf32, #tpu.memory_space<hbm>> -> memref<1x64xf32, #tpu.memory_space<hbm>>
    tpu.enqueue_dma source(%dma_start3A_270 : memref<1x64xf32, #tpu.memory_space<hbm>>) target(%dma_start3A_268 : memref<1x64xf32, #tpu.memory_space<vmem>>) target_semaphore(%arg7 : memref<!tpu.dma_semaphore, #tpu.memory_space<semaphore_mem>>)
    %get3A_271 = arith.constant 39 : index
    %get3A_272 = memref.load %arg1[%get3A_271] : memref<50xi32, #tpu.memory_space<smem>>
    %dma_start3A_273 = arith.constant 39 : i32
    %dma_start3A_274 = arith.constant 0 : i32
    %dma_start3A_275 = tpu.memref_slice %arg6[%dma_start3A_273, %dma_start3A_274] : memref<50x64xf32, #tpu.memory_space<vmem>> -> memref<1x64xf32, #tpu.memory_space<vmem>>
    %dma_start3A_276 = arith.constant 0 : i32
    %dma_start3A_277 = tpu.memref_slice %arg2[%get3A_272, %dma_start3A_276] : memref<100000x64xf32, #tpu.memory_space<hbm>> -> memref<1x64xf32, #tpu.memory_space<hbm>>
    tpu.enqueue_dma source(%dma_start3A_277 : memref<1x64xf32, #tpu.memory_space<hbm>>) target(%dma_start3A_275 : memref<1x64xf32, #tpu.memory_space<vmem>>) target_semaphore(%arg7 : memref<!tpu.dma_semaphore, #tpu.memory_space<semaphore_mem>>)
    %get3A_278 = arith.constant 40 : index
    %get3A_279 = memref.load %arg1[%get3A_278] : memref<50xi32, #tpu.memory_space<smem>>
    %dma_start3A_280 = arith.constant 40 : i32
    %dma_start3A_281 = arith.constant 0 : i32
    %dma_start3A_282 = tpu.memref_slice %arg6[%dma_start3A_280, %dma_start3A_281] : memref<50x64xf32, #tpu.memory_space<vmem>> -> memref<1x64xf32, #tpu.memory_space<vmem>>
    %dma_start3A_283 = arith.constant 0 : i32
    %dma_start3A_284 = tpu.memref_slice %arg2[%get3A_279, %dma_start3A_283] : memref<100000x64xf32, #tpu.memory_space<hbm>> -> memref<1x64xf32, #tpu.memory_space<hbm>>
    tpu.enqueue_dma source(%dma_start3A_284 : memref<1x64xf32, #tpu.memory_space<hbm>>) target(%dma_start3A_282 : memref<1x64xf32, #tpu.memory_space<vmem>>) target_semaphore(%arg7 : memref<!tpu.dma_semaphore, #tpu.memory_space<semaphore_mem>>)
    %get3A_285 = arith.constant 41 : index
    %get3A_286 = memref.load %arg1[%get3A_285] : memref<50xi32, #tpu.memory_space<smem>>
    %dma_start3A_287 = arith.constant 41 : i32
    %dma_start3A_288 = arith.constant 0 : i32
    %dma_start3A_289 = tpu.memref_slice %arg6[%dma_start3A_287, %dma_start3A_288] : memref<50x64xf32, #tpu.memory_space<vmem>> -> memref<1x64xf32, #tpu.memory_space<vmem>>
    %dma_start3A_290 = arith.constant 0 : i32
    %dma_start3A_291 = tpu.memref_slice %arg2[%get3A_286, %dma_start3A_290] : memref<100000x64xf32, #tpu.memory_space<hbm>> -> memref<1x64xf32, #tpu.memory_space<hbm>>
    tpu.enqueue_dma source(%dma_start3A_291 : memref<1x64xf32, #tpu.memory_space<hbm>>) target(%dma_start3A_289 : memref<1x64xf32, #tpu.memory_space<vmem>>) target_semaphore(%arg7 : memref<!tpu.dma_semaphore, #tpu.memory_space<semaphore_mem>>)
    %get3A_292 = arith.constant 42 : index
    %get3A_293 = memref.load %arg1[%get3A_292] : memref<50xi32, #tpu.memory_space<smem>>
    %dma_start3A_294 = arith.constant 42 : i32
    %dma_start3A_295 = arith.constant 0 : i32
    %dma_start3A_296 = tpu.memref_slice %arg6[%dma_start3A_294, %dma_start3A_295] : memref<50x64xf32, #tpu.memory_space<vmem>> -> memref<1x64xf32, #tpu.memory_space<vmem>>
    %dma_start3A_297 = arith.constant 0 : i32
    %dma_start3A_298 = tpu.memref_slice %arg2[%get3A_293, %dma_start3A_297] : memref<100000x64xf32, #tpu.memory_space<hbm>> -> memref<1x64xf32, #tpu.memory_space<hbm>>
    tpu.enqueue_dma source(%dma_start3A_298 : memref<1x64xf32, #tpu.memory_space<hbm>>) target(%dma_start3A_296 : memref<1x64xf32, #tpu.memory_space<vmem>>) target_semaphore(%arg7 : memref<!tpu.dma_semaphore, #tpu.memory_space<semaphore_mem>>)
    %get3A_299 = arith.constant 43 : index
    %get3A_300 = memref.load %arg1[%get3A_299] : memref<50xi32, #tpu.memory_space<smem>>
    %dma_start3A_301 = arith.constant 43 : i32
    %dma_start3A_302 = arith.constant 0 : i32
    %dma_start3A_303 = tpu.memref_slice %arg6[%dma_start3A_301, %dma_start3A_302] : memref<50x64xf32, #tpu.memory_space<vmem>> -> memref<1x64xf32, #tpu.memory_space<vmem>>
    %dma_start3A_304 = arith.constant 0 : i32
    %dma_start3A_305 = tpu.memref_slice %arg2[%get3A_300, %dma_start3A_304] : memref<100000x64xf32, #tpu.memory_space<hbm>> -> memref<1x64xf32, #tpu.memory_space<hbm>>
    tpu.enqueue_dma source(%dma_start3A_305 : memref<1x64xf32, #tpu.memory_space<hbm>>) target(%dma_start3A_303 : memref<1x64xf32, #tpu.memory_space<vmem>>) target_semaphore(%arg7 : memref<!tpu.dma_semaphore, #tpu.memory_space<semaphore_mem>>)
    %get3A_306 = arith.constant 44 : index
    %get3A_307 = memref.load %arg1[%get3A_306] : memref<50xi32, #tpu.memory_space<smem>>
    %dma_start3A_308 = arith.constant 44 : i32
    %dma_start3A_309 = arith.constant 0 : i32
    %dma_start3A_310 = tpu.memref_slice %arg6[%dma_start3A_308, %dma_start3A_309] : memref<50x64xf32, #tpu.memory_space<vmem>> -> memref<1x64xf32, #tpu.memory_space<vmem>>
    %dma_start3A_311 = arith.constant 0 : i32
    %dma_start3A_312 = tpu.memref_slice %arg2[%get3A_307, %dma_start3A_311] : memref<100000x64xf32, #tpu.memory_space<hbm>> -> memref<1x64xf32, #tpu.memory_space<hbm>>
    tpu.enqueue_dma source(%dma_start3A_312 : memref<1x64xf32, #tpu.memory_space<hbm>>) target(%dma_start3A_310 : memref<1x64xf32, #tpu.memory_space<vmem>>) target_semaphore(%arg7 : memref<!tpu.dma_semaphore, #tpu.memory_space<semaphore_mem>>)
    %get3A_313 = arith.constant 45 : index
    %get3A_314 = memref.load %arg1[%get3A_313] : memref<50xi32, #tpu.memory_space<smem>>
    %dma_start3A_315 = arith.constant 45 : i32
    %dma_start3A_316 = arith.constant 0 : i32
    %dma_start3A_317 = tpu.memref_slice %arg6[%dma_start3A_315, %dma_start3A_316] : memref<50x64xf32, #tpu.memory_space<vmem>> -> memref<1x64xf32, #tpu.memory_space<vmem>>
    %dma_start3A_318 = arith.constant 0 : i32
    %dma_start3A_319 = tpu.memref_slice %arg2[%get3A_314, %dma_start3A_318] : memref<100000x64xf32, #tpu.memory_space<hbm>> -> memref<1x64xf32, #tpu.memory_space<hbm>>
    tpu.enqueue_dma source(%dma_start3A_319 : memref<1x64xf32, #tpu.memory_space<hbm>>) target(%dma_start3A_317 : memref<1x64xf32, #tpu.memory_space<vmem>>) target_semaphore(%arg7 : memref<!tpu.dma_semaphore, #tpu.memory_space<semaphore_mem>>)
    %get3A_320 = arith.constant 46 : index
    %get3A_321 = memref.load %arg1[%get3A_320] : memref<50xi32, #tpu.memory_space<smem>>
    %dma_start3A_322 = arith.constant 46 : i32
    %dma_start3A_323 = arith.constant 0 : i32
    %dma_start3A_324 = tpu.memref_slice %arg6[%dma_start3A_322, %dma_start3A_323] : memref<50x64xf32, #tpu.memory_space<vmem>> -> memref<1x64xf32, #tpu.memory_space<vmem>>
    %dma_start3A_325 = arith.constant 0 : i32
    %dma_start3A_326 = tpu.memref_slice %arg2[%get3A_321, %dma_start3A_325] : memref<100000x64xf32, #tpu.memory_space<hbm>> -> memref<1x64xf32, #tpu.memory_space<hbm>>
    tpu.enqueue_dma source(%dma_start3A_326 : memref<1x64xf32, #tpu.memory_space<hbm>>) target(%dma_start3A_324 : memref<1x64xf32, #tpu.memory_space<vmem>>) target_semaphore(%arg7 : memref<!tpu.dma_semaphore, #tpu.memory_space<semaphore_mem>>)
    %get3A_327 = arith.constant 47 : index
    %get3A_328 = memref.load %arg1[%get3A_327] : memref<50xi32, #tpu.memory_space<smem>>
    %dma_start3A_329 = arith.constant 47 : i32
    %dma_start3A_330 = arith.constant 0 : i32
    %dma_start3A_331 = tpu.memref_slice %arg6[%dma_start3A_329, %dma_start3A_330] : memref<50x64xf32, #tpu.memory_space<vmem>> -> memref<1x64xf32, #tpu.memory_space<vmem>>
    %dma_start3A_332 = arith.constant 0 : i32
    %dma_start3A_333 = tpu.memref_slice %arg2[%get3A_328, %dma_start3A_332] : memref<100000x64xf32, #tpu.memory_space<hbm>> -> memref<1x64xf32, #tpu.memory_space<hbm>>
    tpu.enqueue_dma source(%dma_start3A_333 : memref<1x64xf32, #tpu.memory_space<hbm>>) target(%dma_start3A_331 : memref<1x64xf32, #tpu.memory_space<vmem>>) target_semaphore(%arg7 : memref<!tpu.dma_semaphore, #tpu.memory_space<semaphore_mem>>)
    %get3A_334 = arith.constant 48 : index
    %get3A_335 = memref.load %arg1[%get3A_334] : memref<50xi32, #tpu.memory_space<smem>>
    %dma_start3A_336 = arith.constant 48 : i32
    %dma_start3A_337 = arith.constant 0 : i32
    %dma_start3A_338 = tpu.memref_slice %arg6[%dma_start3A_336, %dma_start3A_337] : memref<50x64xf32, #tpu.memory_space<vmem>> -> memref<1x64xf32, #tpu.memory_space<vmem>>
    %dma_start3A_339 = arith.constant 0 : i32
    %dma_start3A_340 = tpu.memref_slice %arg2[%get3A_335, %dma_start3A_339] : memref<100000x64xf32, #tpu.memory_space<hbm>> -> memref<1x64xf32, #tpu.memory_space<hbm>>
    tpu.enqueue_dma source(%dma_start3A_340 : memref<1x64xf32, #tpu.memory_space<hbm>>) target(%dma_start3A_338 : memref<1x64xf32, #tpu.memory_space<vmem>>) target_semaphore(%arg7 : memref<!tpu.dma_semaphore, #tpu.memory_space<semaphore_mem>>)
    %get3A_341 = arith.constant 49 : index
    %get3A_342 = memref.load %arg1[%get3A_341] : memref<50xi32, #tpu.memory_space<smem>>
    %dma_start3A_343 = arith.constant 49 : i32
    %dma_start3A_344 = arith.constant 0 : i32
    %dma_start3A_345 = tpu.memref_slice %arg6[%dma_start3A_343, %dma_start3A_344] : memref<50x64xf32, #tpu.memory_space<vmem>> -> memref<1x64xf32, #tpu.memory_space<vmem>>
    %dma_start3A_346 = arith.constant 0 : i32
    %dma_start3A_347 = tpu.memref_slice %arg2[%get3A_342, %dma_start3A_346] : memref<100000x64xf32, #tpu.memory_space<hbm>> -> memref<1x64xf32, #tpu.memory_space<hbm>>
    tpu.enqueue_dma source(%dma_start3A_347 : memref<1x64xf32, #tpu.memory_space<hbm>>) target(%dma_start3A_345 : memref<1x64xf32, #tpu.memory_space<vmem>>) target_semaphore(%arg7 : memref<!tpu.dma_semaphore, #tpu.memory_space<semaphore_mem>>)
    %get3A_348 = arith.constant 0 : index
    %get3A_349 = memref.load %arg1[%get3A_348] : memref<50xi32, #tpu.memory_space<smem>>
    %dma_wait3A = arith.constant 0 : i32
    %dma_wait3A_350 = arith.constant 0 : i32
    %dma_wait3A_351 = tpu.memref_slice %arg6[%dma_wait3A, %dma_wait3A_350] : memref<50x64xf32, #tpu.memory_space<vmem>> -> memref<1x64xf32, #tpu.memory_space<vmem>>
    %dma_wait3A_352 = arith.constant 0 : i32
    %dma_wait3A_353 = tpu.memref_slice %arg2[%get3A_349, %dma_wait3A_352] : memref<100000x64xf32, #tpu.memory_space<hbm>> -> memref<1x64xf32, #tpu.memory_space<hbm>>
    tpu.wait_dma2 semaphore(%arg7 : memref<!tpu.dma_semaphore, #tpu.memory_space<semaphore_mem>>) src(%dma_wait3A_353 : memref<1x64xf32, #tpu.memory_space<hbm>>) dst(%dma_wait3A_351 : memref<1x64xf32, #tpu.memory_space<vmem>>)
    %get3A_354 = arith.constant 1 : index
    %get3A_355 = memref.load %arg1[%get3A_354] : memref<50xi32, #tpu.memory_space<smem>>
    %dma_wait3A_356 = arith.constant 1 : i32
    %dma_wait3A_357 = arith.constant 0 : i32
    %dma_wait3A_358 = tpu.memref_slice %arg6[%dma_wait3A_356, %dma_wait3A_357] : memref<50x64xf32, #tpu.memory_space<vmem>> -> memref<1x64xf32, #tpu.memory_space<vmem>>
    %dma_wait3A_359 = arith.constant 0 : i32
    %dma_wait3A_360 = tpu.memref_slice %arg2[%get3A_355, %dma_wait3A_359] : memref<100000x64xf32, #tpu.memory_space<hbm>> -> memref<1x64xf32, #tpu.memory_space<hbm>>
    tpu.wait_dma2 semaphore(%arg7 : memref<!tpu.dma_semaphore, #tpu.memory_space<semaphore_mem>>) src(%dma_wait3A_360 : memref<1x64xf32, #tpu.memory_space<hbm>>) dst(%dma_wait3A_358 : memref<1x64xf32, #tpu.memory_space<vmem>>)
    %get3A_361 = arith.constant 2 : index
    %get3A_362 = memref.load %arg1[%get3A_361] : memref<50xi32, #tpu.memory_space<smem>>
    %dma_wait3A_363 = arith.constant 2 : i32
    %dma_wait3A_364 = arith.constant 0 : i32
    %dma_wait3A_365 = tpu.memref_slice %arg6[%dma_wait3A_363, %dma_wait3A_364] : memref<50x64xf32, #tpu.memory_space<vmem>> -> memref<1x64xf32, #tpu.memory_space<vmem>>
    %dma_wait3A_366 = arith.constant 0 : i32
    %dma_wait3A_367 = tpu.memref_slice %arg2[%get3A_362, %dma_wait3A_366] : memref<100000x64xf32, #tpu.memory_space<hbm>> -> memref<1x64xf32, #tpu.memory_space<hbm>>
    tpu.wait_dma2 semaphore(%arg7 : memref<!tpu.dma_semaphore, #tpu.memory_space<semaphore_mem>>) src(%dma_wait3A_367 : memref<1x64xf32, #tpu.memory_space<hbm>>) dst(%dma_wait3A_365 : memref<1x64xf32, #tpu.memory_space<vmem>>)
    %get3A_368 = arith.constant 3 : index
    %get3A_369 = memref.load %arg1[%get3A_368] : memref<50xi32, #tpu.memory_space<smem>>
    %dma_wait3A_370 = arith.constant 3 : i32
    %dma_wait3A_371 = arith.constant 0 : i32
    %dma_wait3A_372 = tpu.memref_slice %arg6[%dma_wait3A_370, %dma_wait3A_371] : memref<50x64xf32, #tpu.memory_space<vmem>> -> memref<1x64xf32, #tpu.memory_space<vmem>>
    %dma_wait3A_373 = arith.constant 0 : i32
    %dma_wait3A_374 = tpu.memref_slice %arg2[%get3A_369, %dma_wait3A_373] : memref<100000x64xf32, #tpu.memory_space<hbm>> -> memref<1x64xf32, #tpu.memory_space<hbm>>
    tpu.wait_dma2 semaphore(%arg7 : memref<!tpu.dma_semaphore, #tpu.memory_space<semaphore_mem>>) src(%dma_wait3A_374 : memref<1x64xf32, #tpu.memory_space<hbm>>) dst(%dma_wait3A_372 : memref<1x64xf32, #tpu.memory_space<vmem>>)
    %get3A_375 = arith.constant 4 : index
    %get3A_376 = memref.load %arg1[%get3A_375] : memref<50xi32, #tpu.memory_space<smem>>
    %dma_wait3A_377 = arith.constant 4 : i32
    %dma_wait3A_378 = arith.constant 0 : i32
    %dma_wait3A_379 = tpu.memref_slice %arg6[%dma_wait3A_377, %dma_wait3A_378] : memref<50x64xf32, #tpu.memory_space<vmem>> -> memref<1x64xf32, #tpu.memory_space<vmem>>
    %dma_wait3A_380 = arith.constant 0 : i32
    %dma_wait3A_381 = tpu.memref_slice %arg2[%get3A_376, %dma_wait3A_380] : memref<100000x64xf32, #tpu.memory_space<hbm>> -> memref<1x64xf32, #tpu.memory_space<hbm>>
    tpu.wait_dma2 semaphore(%arg7 : memref<!tpu.dma_semaphore, #tpu.memory_space<semaphore_mem>>) src(%dma_wait3A_381 : memref<1x64xf32, #tpu.memory_space<hbm>>) dst(%dma_wait3A_379 : memref<1x64xf32, #tpu.memory_space<vmem>>)
    %get3A_382 = arith.constant 5 : index
    %get3A_383 = memref.load %arg1[%get3A_382] : memref<50xi32, #tpu.memory_space<smem>>
    %dma_wait3A_384 = arith.constant 5 : i32
    %dma_wait3A_385 = arith.constant 0 : i32
    %dma_wait3A_386 = tpu.memref_slice %arg6[%dma_wait3A_384, %dma_wait3A_385] : memref<50x64xf32, #tpu.memory_space<vmem>> -> memref<1x64xf32, #tpu.memory_space<vmem>>
    %dma_wait3A_387 = arith.constant 0 : i32
    %dma_wait3A_388 = tpu.memref_slice %arg2[%get3A_383, %dma_wait3A_387] : memref<100000x64xf32, #tpu.memory_space<hbm>> -> memref<1x64xf32, #tpu.memory_space<hbm>>
    tpu.wait_dma2 semaphore(%arg7 : memref<!tpu.dma_semaphore, #tpu.memory_space<semaphore_mem>>) src(%dma_wait3A_388 : memref<1x64xf32, #tpu.memory_space<hbm>>) dst(%dma_wait3A_386 : memref<1x64xf32, #tpu.memory_space<vmem>>)
    %get3A_389 = arith.constant 6 : index
    %get3A_390 = memref.load %arg1[%get3A_389] : memref<50xi32, #tpu.memory_space<smem>>
    %dma_wait3A_391 = arith.constant 6 : i32
    %dma_wait3A_392 = arith.constant 0 : i32
    %dma_wait3A_393 = tpu.memref_slice %arg6[%dma_wait3A_391, %dma_wait3A_392] : memref<50x64xf32, #tpu.memory_space<vmem>> -> memref<1x64xf32, #tpu.memory_space<vmem>>
    %dma_wait3A_394 = arith.constant 0 : i32
    %dma_wait3A_395 = tpu.memref_slice %arg2[%get3A_390, %dma_wait3A_394] : memref<100000x64xf32, #tpu.memory_space<hbm>> -> memref<1x64xf32, #tpu.memory_space<hbm>>
    tpu.wait_dma2 semaphore(%arg7 : memref<!tpu.dma_semaphore, #tpu.memory_space<semaphore_mem>>) src(%dma_wait3A_395 : memref<1x64xf32, #tpu.memory_space<hbm>>) dst(%dma_wait3A_393 : memref<1x64xf32, #tpu.memory_space<vmem>>)
    %get3A_396 = arith.constant 7 : index
    %get3A_397 = memref.load %arg1[%get3A_396] : memref<50xi32, #tpu.memory_space<smem>>
    %dma_wait3A_398 = arith.constant 7 : i32
    %dma_wait3A_399 = arith.constant 0 : i32
    %dma_wait3A_400 = tpu.memref_slice %arg6[%dma_wait3A_398, %dma_wait3A_399] : memref<50x64xf32, #tpu.memory_space<vmem>> -> memref<1x64xf32, #tpu.memory_space<vmem>>
    %dma_wait3A_401 = arith.constant 0 : i32
    %dma_wait3A_402 = tpu.memref_slice %arg2[%get3A_397, %dma_wait3A_401] : memref<100000x64xf32, #tpu.memory_space<hbm>> -> memref<1x64xf32, #tpu.memory_space<hbm>>
    tpu.wait_dma2 semaphore(%arg7 : memref<!tpu.dma_semaphore, #tpu.memory_space<semaphore_mem>>) src(%dma_wait3A_402 : memref<1x64xf32, #tpu.memory_space<hbm>>) dst(%dma_wait3A_400 : memref<1x64xf32, #tpu.memory_space<vmem>>)
    %get3A_403 = arith.constant 8 : index
    %get3A_404 = memref.load %arg1[%get3A_403] : memref<50xi32, #tpu.memory_space<smem>>
    %dma_wait3A_405 = arith.constant 8 : i32
    %dma_wait3A_406 = arith.constant 0 : i32
    %dma_wait3A_407 = tpu.memref_slice %arg6[%dma_wait3A_405, %dma_wait3A_406] : memref<50x64xf32, #tpu.memory_space<vmem>> -> memref<1x64xf32, #tpu.memory_space<vmem>>
    %dma_wait3A_408 = arith.constant 0 : i32
    %dma_wait3A_409 = tpu.memref_slice %arg2[%get3A_404, %dma_wait3A_408] : memref<100000x64xf32, #tpu.memory_space<hbm>> -> memref<1x64xf32, #tpu.memory_space<hbm>>
    tpu.wait_dma2 semaphore(%arg7 : memref<!tpu.dma_semaphore, #tpu.memory_space<semaphore_mem>>) src(%dma_wait3A_409 : memref<1x64xf32, #tpu.memory_space<hbm>>) dst(%dma_wait3A_407 : memref<1x64xf32, #tpu.memory_space<vmem>>)
    %get3A_410 = arith.constant 9 : index
    %get3A_411 = memref.load %arg1[%get3A_410] : memref<50xi32, #tpu.memory_space<smem>>
    %dma_wait3A_412 = arith.constant 9 : i32
    %dma_wait3A_413 = arith.constant 0 : i32
    %dma_wait3A_414 = tpu.memref_slice %arg6[%dma_wait3A_412, %dma_wait3A_413] : memref<50x64xf32, #tpu.memory_space<vmem>> -> memref<1x64xf32, #tpu.memory_space<vmem>>
    %dma_wait3A_415 = arith.constant 0 : i32
    %dma_wait3A_416 = tpu.memref_slice %arg2[%get3A_411, %dma_wait3A_415] : memref<100000x64xf32, #tpu.memory_space<hbm>> -> memref<1x64xf32, #tpu.memory_space<hbm>>
    tpu.wait_dma2 semaphore(%arg7 : memref<!tpu.dma_semaphore, #tpu.memory_space<semaphore_mem>>) src(%dma_wait3A_416 : memref<1x64xf32, #tpu.memory_space<hbm>>) dst(%dma_wait3A_414 : memref<1x64xf32, #tpu.memory_space<vmem>>)
    %get3A_417 = arith.constant 10 : index
    %get3A_418 = memref.load %arg1[%get3A_417] : memref<50xi32, #tpu.memory_space<smem>>
    %dma_wait3A_419 = arith.constant 10 : i32
    %dma_wait3A_420 = arith.constant 0 : i32
    %dma_wait3A_421 = tpu.memref_slice %arg6[%dma_wait3A_419, %dma_wait3A_420] : memref<50x64xf32, #tpu.memory_space<vmem>> -> memref<1x64xf32, #tpu.memory_space<vmem>>
    %dma_wait3A_422 = arith.constant 0 : i32
    %dma_wait3A_423 = tpu.memref_slice %arg2[%get3A_418, %dma_wait3A_422] : memref<100000x64xf32, #tpu.memory_space<hbm>> -> memref<1x64xf32, #tpu.memory_space<hbm>>
    tpu.wait_dma2 semaphore(%arg7 : memref<!tpu.dma_semaphore, #tpu.memory_space<semaphore_mem>>) src(%dma_wait3A_423 : memref<1x64xf32, #tpu.memory_space<hbm>>) dst(%dma_wait3A_421 : memref<1x64xf32, #tpu.memory_space<vmem>>)
    %get3A_424 = arith.constant 11 : index
    %get3A_425 = memref.load %arg1[%get3A_424] : memref<50xi32, #tpu.memory_space<smem>>
    %dma_wait3A_426 = arith.constant 11 : i32
    %dma_wait3A_427 = arith.constant 0 : i32
    %dma_wait3A_428 = tpu.memref_slice %arg6[%dma_wait3A_426, %dma_wait3A_427] : memref<50x64xf32, #tpu.memory_space<vmem>> -> memref<1x64xf32, #tpu.memory_space<vmem>>
    %dma_wait3A_429 = arith.constant 0 : i32
    %dma_wait3A_430 = tpu.memref_slice %arg2[%get3A_425, %dma_wait3A_429] : memref<100000x64xf32, #tpu.memory_space<hbm>> -> memref<1x64xf32, #tpu.memory_space<hbm>>
    tpu.wait_dma2 semaphore(%arg7 : memref<!tpu.dma_semaphore, #tpu.memory_space<semaphore_mem>>) src(%dma_wait3A_430 : memref<1x64xf32, #tpu.memory_space<hbm>>) dst(%dma_wait3A_428 : memref<1x64xf32, #tpu.memory_space<vmem>>)
    %get3A_431 = arith.constant 12 : index
    %get3A_432 = memref.load %arg1[%get3A_431] : memref<50xi32, #tpu.memory_space<smem>>
    %dma_wait3A_433 = arith.constant 12 : i32
    %dma_wait3A_434 = arith.constant 0 : i32
    %dma_wait3A_435 = tpu.memref_slice %arg6[%dma_wait3A_433, %dma_wait3A_434] : memref<50x64xf32, #tpu.memory_space<vmem>> -> memref<1x64xf32, #tpu.memory_space<vmem>>
    %dma_wait3A_436 = arith.constant 0 : i32
    %dma_wait3A_437 = tpu.memref_slice %arg2[%get3A_432, %dma_wait3A_436] : memref<100000x64xf32, #tpu.memory_space<hbm>> -> memref<1x64xf32, #tpu.memory_space<hbm>>
    tpu.wait_dma2 semaphore(%arg7 : memref<!tpu.dma_semaphore, #tpu.memory_space<semaphore_mem>>) src(%dma_wait3A_437 : memref<1x64xf32, #tpu.memory_space<hbm>>) dst(%dma_wait3A_435 : memref<1x64xf32, #tpu.memory_space<vmem>>)
    %get3A_438 = arith.constant 13 : index
    %get3A_439 = memref.load %arg1[%get3A_438] : memref<50xi32, #tpu.memory_space<smem>>
    %dma_wait3A_440 = arith.constant 13 : i32
    %dma_wait3A_441 = arith.constant 0 : i32
    %dma_wait3A_442 = tpu.memref_slice %arg6[%dma_wait3A_440, %dma_wait3A_441] : memref<50x64xf32, #tpu.memory_space<vmem>> -> memref<1x64xf32, #tpu.memory_space<vmem>>
    %dma_wait3A_443 = arith.constant 0 : i32
    %dma_wait3A_444 = tpu.memref_slice %arg2[%get3A_439, %dma_wait3A_443] : memref<100000x64xf32, #tpu.memory_space<hbm>> -> memref<1x64xf32, #tpu.memory_space<hbm>>
    tpu.wait_dma2 semaphore(%arg7 : memref<!tpu.dma_semaphore, #tpu.memory_space<semaphore_mem>>) src(%dma_wait3A_444 : memref<1x64xf32, #tpu.memory_space<hbm>>) dst(%dma_wait3A_442 : memref<1x64xf32, #tpu.memory_space<vmem>>)
    %get3A_445 = arith.constant 14 : index
    %get3A_446 = memref.load %arg1[%get3A_445] : memref<50xi32, #tpu.memory_space<smem>>
    %dma_wait3A_447 = arith.constant 14 : i32
    %dma_wait3A_448 = arith.constant 0 : i32
    %dma_wait3A_449 = tpu.memref_slice %arg6[%dma_wait3A_447, %dma_wait3A_448] : memref<50x64xf32, #tpu.memory_space<vmem>> -> memref<1x64xf32, #tpu.memory_space<vmem>>
    %dma_wait3A_450 = arith.constant 0 : i32
    %dma_wait3A_451 = tpu.memref_slice %arg2[%get3A_446, %dma_wait3A_450] : memref<100000x64xf32, #tpu.memory_space<hbm>> -> memref<1x64xf32, #tpu.memory_space<hbm>>
    tpu.wait_dma2 semaphore(%arg7 : memref<!tpu.dma_semaphore, #tpu.memory_space<semaphore_mem>>) src(%dma_wait3A_451 : memref<1x64xf32, #tpu.memory_space<hbm>>) dst(%dma_wait3A_449 : memref<1x64xf32, #tpu.memory_space<vmem>>)
    %get3A_452 = arith.constant 15 : index
    %get3A_453 = memref.load %arg1[%get3A_452] : memref<50xi32, #tpu.memory_space<smem>>
    %dma_wait3A_454 = arith.constant 15 : i32
    %dma_wait3A_455 = arith.constant 0 : i32
    %dma_wait3A_456 = tpu.memref_slice %arg6[%dma_wait3A_454, %dma_wait3A_455] : memref<50x64xf32, #tpu.memory_space<vmem>> -> memref<1x64xf32, #tpu.memory_space<vmem>>
    %dma_wait3A_457 = arith.constant 0 : i32
    %dma_wait3A_458 = tpu.memref_slice %arg2[%get3A_453, %dma_wait3A_457] : memref<100000x64xf32, #tpu.memory_space<hbm>> -> memref<1x64xf32, #tpu.memory_space<hbm>>
    tpu.wait_dma2 semaphore(%arg7 : memref<!tpu.dma_semaphore, #tpu.memory_space<semaphore_mem>>) src(%dma_wait3A_458 : memref<1x64xf32, #tpu.memory_space<hbm>>) dst(%dma_wait3A_456 : memref<1x64xf32, #tpu.memory_space<vmem>>)
    %get3A_459 = arith.constant 16 : index
    %get3A_460 = memref.load %arg1[%get3A_459] : memref<50xi32, #tpu.memory_space<smem>>
    %dma_wait3A_461 = arith.constant 16 : i32
    %dma_wait3A_462 = arith.constant 0 : i32
    %dma_wait3A_463 = tpu.memref_slice %arg6[%dma_wait3A_461, %dma_wait3A_462] : memref<50x64xf32, #tpu.memory_space<vmem>> -> memref<1x64xf32, #tpu.memory_space<vmem>>
    %dma_wait3A_464 = arith.constant 0 : i32
    %dma_wait3A_465 = tpu.memref_slice %arg2[%get3A_460, %dma_wait3A_464] : memref<100000x64xf32, #tpu.memory_space<hbm>> -> memref<1x64xf32, #tpu.memory_space<hbm>>
    tpu.wait_dma2 semaphore(%arg7 : memref<!tpu.dma_semaphore, #tpu.memory_space<semaphore_mem>>) src(%dma_wait3A_465 : memref<1x64xf32, #tpu.memory_space<hbm>>) dst(%dma_wait3A_463 : memref<1x64xf32, #tpu.memory_space<vmem>>)
    %get3A_466 = arith.constant 17 : index
    %get3A_467 = memref.load %arg1[%get3A_466] : memref<50xi32, #tpu.memory_space<smem>>
    %dma_wait3A_468 = arith.constant 17 : i32
    %dma_wait3A_469 = arith.constant 0 : i32
    %dma_wait3A_470 = tpu.memref_slice %arg6[%dma_wait3A_468, %dma_wait3A_469] : memref<50x64xf32, #tpu.memory_space<vmem>> -> memref<1x64xf32, #tpu.memory_space<vmem>>
    %dma_wait3A_471 = arith.constant 0 : i32
    %dma_wait3A_472 = tpu.memref_slice %arg2[%get3A_467, %dma_wait3A_471] : memref<100000x64xf32, #tpu.memory_space<hbm>> -> memref<1x64xf32, #tpu.memory_space<hbm>>
    tpu.wait_dma2 semaphore(%arg7 : memref<!tpu.dma_semaphore, #tpu.memory_space<semaphore_mem>>) src(%dma_wait3A_472 : memref<1x64xf32, #tpu.memory_space<hbm>>) dst(%dma_wait3A_470 : memref<1x64xf32, #tpu.memory_space<vmem>>)
    %get3A_473 = arith.constant 18 : index
    %get3A_474 = memref.load %arg1[%get3A_473] : memref<50xi32, #tpu.memory_space<smem>>
    %dma_wait3A_475 = arith.constant 18 : i32
    %dma_wait3A_476 = arith.constant 0 : i32
    %dma_wait3A_477 = tpu.memref_slice %arg6[%dma_wait3A_475, %dma_wait3A_476] : memref<50x64xf32, #tpu.memory_space<vmem>> -> memref<1x64xf32, #tpu.memory_space<vmem>>
    %dma_wait3A_478 = arith.constant 0 : i32
    %dma_wait3A_479 = tpu.memref_slice %arg2[%get3A_474, %dma_wait3A_478] : memref<100000x64xf32, #tpu.memory_space<hbm>> -> memref<1x64xf32, #tpu.memory_space<hbm>>
    tpu.wait_dma2 semaphore(%arg7 : memref<!tpu.dma_semaphore, #tpu.memory_space<semaphore_mem>>) src(%dma_wait3A_479 : memref<1x64xf32, #tpu.memory_space<hbm>>) dst(%dma_wait3A_477 : memref<1x64xf32, #tpu.memory_space<vmem>>)
    %get3A_480 = arith.constant 19 : index
    %get3A_481 = memref.load %arg1[%get3A_480] : memref<50xi32, #tpu.memory_space<smem>>
    %dma_wait3A_482 = arith.constant 19 : i32
    %dma_wait3A_483 = arith.constant 0 : i32
    %dma_wait3A_484 = tpu.memref_slice %arg6[%dma_wait3A_482, %dma_wait3A_483] : memref<50x64xf32, #tpu.memory_space<vmem>> -> memref<1x64xf32, #tpu.memory_space<vmem>>
    %dma_wait3A_485 = arith.constant 0 : i32
    %dma_wait3A_486 = tpu.memref_slice %arg2[%get3A_481, %dma_wait3A_485] : memref<100000x64xf32, #tpu.memory_space<hbm>> -> memref<1x64xf32, #tpu.memory_space<hbm>>
    tpu.wait_dma2 semaphore(%arg7 : memref<!tpu.dma_semaphore, #tpu.memory_space<semaphore_mem>>) src(%dma_wait3A_486 : memref<1x64xf32, #tpu.memory_space<hbm>>) dst(%dma_wait3A_484 : memref<1x64xf32, #tpu.memory_space<vmem>>)
    %get3A_487 = arith.constant 20 : index
    %get3A_488 = memref.load %arg1[%get3A_487] : memref<50xi32, #tpu.memory_space<smem>>
    %dma_wait3A_489 = arith.constant 20 : i32
    %dma_wait3A_490 = arith.constant 0 : i32
    %dma_wait3A_491 = tpu.memref_slice %arg6[%dma_wait3A_489, %dma_wait3A_490] : memref<50x64xf32, #tpu.memory_space<vmem>> -> memref<1x64xf32, #tpu.memory_space<vmem>>
    %dma_wait3A_492 = arith.constant 0 : i32
    %dma_wait3A_493 = tpu.memref_slice %arg2[%get3A_488, %dma_wait3A_492] : memref<100000x64xf32, #tpu.memory_space<hbm>> -> memref<1x64xf32, #tpu.memory_space<hbm>>
    tpu.wait_dma2 semaphore(%arg7 : memref<!tpu.dma_semaphore, #tpu.memory_space<semaphore_mem>>) src(%dma_wait3A_493 : memref<1x64xf32, #tpu.memory_space<hbm>>) dst(%dma_wait3A_491 : memref<1x64xf32, #tpu.memory_space<vmem>>)
    %get3A_494 = arith.constant 21 : index
    %get3A_495 = memref.load %arg1[%get3A_494] : memref<50xi32, #tpu.memory_space<smem>>
    %dma_wait3A_496 = arith.constant 21 : i32
    %dma_wait3A_497 = arith.constant 0 : i32
    %dma_wait3A_498 = tpu.memref_slice %arg6[%dma_wait3A_496, %dma_wait3A_497] : memref<50x64xf32, #tpu.memory_space<vmem>> -> memref<1x64xf32, #tpu.memory_space<vmem>>
    %dma_wait3A_499 = arith.constant 0 : i32
    %dma_wait3A_500 = tpu.memref_slice %arg2[%get3A_495, %dma_wait3A_499] : memref<100000x64xf32, #tpu.memory_space<hbm>> -> memref<1x64xf32, #tpu.memory_space<hbm>>
    tpu.wait_dma2 semaphore(%arg7 : memref<!tpu.dma_semaphore, #tpu.memory_space<semaphore_mem>>) src(%dma_wait3A_500 : memref<1x64xf32, #tpu.memory_space<hbm>>) dst(%dma_wait3A_498 : memref<1x64xf32, #tpu.memory_space<vmem>>)
    %get3A_501 = arith.constant 22 : index
    %get3A_502 = memref.load %arg1[%get3A_501] : memref<50xi32, #tpu.memory_space<smem>>
    %dma_wait3A_503 = arith.constant 22 : i32
    %dma_wait3A_504 = arith.constant 0 : i32
    %dma_wait3A_505 = tpu.memref_slice %arg6[%dma_wait3A_503, %dma_wait3A_504] : memref<50x64xf32, #tpu.memory_space<vmem>> -> memref<1x64xf32, #tpu.memory_space<vmem>>
    %dma_wait3A_506 = arith.constant 0 : i32
    %dma_wait3A_507 = tpu.memref_slice %arg2[%get3A_502, %dma_wait3A_506] : memref<100000x64xf32, #tpu.memory_space<hbm>> -> memref<1x64xf32, #tpu.memory_space<hbm>>
    tpu.wait_dma2 semaphore(%arg7 : memref<!tpu.dma_semaphore, #tpu.memory_space<semaphore_mem>>) src(%dma_wait3A_507 : memref<1x64xf32, #tpu.memory_space<hbm>>) dst(%dma_wait3A_505 : memref<1x64xf32, #tpu.memory_space<vmem>>)
    %get3A_508 = arith.constant 23 : index
    %get3A_509 = memref.load %arg1[%get3A_508] : memref<50xi32, #tpu.memory_space<smem>>
    %dma_wait3A_510 = arith.constant 23 : i32
    %dma_wait3A_511 = arith.constant 0 : i32
    %dma_wait3A_512 = tpu.memref_slice %arg6[%dma_wait3A_510, %dma_wait3A_511] : memref<50x64xf32, #tpu.memory_space<vmem>> -> memref<1x64xf32, #tpu.memory_space<vmem>>
    %dma_wait3A_513 = arith.constant 0 : i32
    %dma_wait3A_514 = tpu.memref_slice %arg2[%get3A_509, %dma_wait3A_513] : memref<100000x64xf32, #tpu.memory_space<hbm>> -> memref<1x64xf32, #tpu.memory_space<hbm>>
    tpu.wait_dma2 semaphore(%arg7 : memref<!tpu.dma_semaphore, #tpu.memory_space<semaphore_mem>>) src(%dma_wait3A_514 : memref<1x64xf32, #tpu.memory_space<hbm>>) dst(%dma_wait3A_512 : memref<1x64xf32, #tpu.memory_space<vmem>>)
    %get3A_515 = arith.constant 24 : index
    %get3A_516 = memref.load %arg1[%get3A_515] : memref<50xi32, #tpu.memory_space<smem>>
    %dma_wait3A_517 = arith.constant 24 : i32
    %dma_wait3A_518 = arith.constant 0 : i32
    %dma_wait3A_519 = tpu.memref_slice %arg6[%dma_wait3A_517, %dma_wait3A_518] : memref<50x64xf32, #tpu.memory_space<vmem>> -> memref<1x64xf32, #tpu.memory_space<vmem>>
    %dma_wait3A_520 = arith.constant 0 : i32
    %dma_wait3A_521 = tpu.memref_slice %arg2[%get3A_516, %dma_wait3A_520] : memref<100000x64xf32, #tpu.memory_space<hbm>> -> memref<1x64xf32, #tpu.memory_space<hbm>>
    tpu.wait_dma2 semaphore(%arg7 : memref<!tpu.dma_semaphore, #tpu.memory_space<semaphore_mem>>) src(%dma_wait3A_521 : memref<1x64xf32, #tpu.memory_space<hbm>>) dst(%dma_wait3A_519 : memref<1x64xf32, #tpu.memory_space<vmem>>)
    %get3A_522 = arith.constant 25 : index
    %get3A_523 = memref.load %arg1[%get3A_522] : memref<50xi32, #tpu.memory_space<smem>>
    %dma_wait3A_524 = arith.constant 25 : i32
    %dma_wait3A_525 = arith.constant 0 : i32
    %dma_wait3A_526 = tpu.memref_slice %arg6[%dma_wait3A_524, %dma_wait3A_525] : memref<50x64xf32, #tpu.memory_space<vmem>> -> memref<1x64xf32, #tpu.memory_space<vmem>>
    %dma_wait3A_527 = arith.constant 0 : i32
    %dma_wait3A_528 = tpu.memref_slice %arg2[%get3A_523, %dma_wait3A_527] : memref<100000x64xf32, #tpu.memory_space<hbm>> -> memref<1x64xf32, #tpu.memory_space<hbm>>
    tpu.wait_dma2 semaphore(%arg7 : memref<!tpu.dma_semaphore, #tpu.memory_space<semaphore_mem>>) src(%dma_wait3A_528 : memref<1x64xf32, #tpu.memory_space<hbm>>) dst(%dma_wait3A_526 : memref<1x64xf32, #tpu.memory_space<vmem>>)
    %get3A_529 = arith.constant 26 : index
    %get3A_530 = memref.load %arg1[%get3A_529] : memref<50xi32, #tpu.memory_space<smem>>
    %dma_wait3A_531 = arith.constant 26 : i32
    %dma_wait3A_532 = arith.constant 0 : i32
    %dma_wait3A_533 = tpu.memref_slice %arg6[%dma_wait3A_531, %dma_wait3A_532] : memref<50x64xf32, #tpu.memory_space<vmem>> -> memref<1x64xf32, #tpu.memory_space<vmem>>
    %dma_wait3A_534 = arith.constant 0 : i32
    %dma_wait3A_535 = tpu.memref_slice %arg2[%get3A_530, %dma_wait3A_534] : memref<100000x64xf32, #tpu.memory_space<hbm>> -> memref<1x64xf32, #tpu.memory_space<hbm>>
    tpu.wait_dma2 semaphore(%arg7 : memref<!tpu.dma_semaphore, #tpu.memory_space<semaphore_mem>>) src(%dma_wait3A_535 : memref<1x64xf32, #tpu.memory_space<hbm>>) dst(%dma_wait3A_533 : memref<1x64xf32, #tpu.memory_space<vmem>>)
    %get3A_536 = arith.constant 27 : index
    %get3A_537 = memref.load %arg1[%get3A_536] : memref<50xi32, #tpu.memory_space<smem>>
    %dma_wait3A_538 = arith.constant 27 : i32
    %dma_wait3A_539 = arith.constant 0 : i32
    %dma_wait3A_540 = tpu.memref_slice %arg6[%dma_wait3A_538, %dma_wait3A_539] : memref<50x64xf32, #tpu.memory_space<vmem>> -> memref<1x64xf32, #tpu.memory_space<vmem>>
    %dma_wait3A_541 = arith.constant 0 : i32
    %dma_wait3A_542 = tpu.memref_slice %arg2[%get3A_537, %dma_wait3A_541] : memref<100000x64xf32, #tpu.memory_space<hbm>> -> memref<1x64xf32, #tpu.memory_space<hbm>>
    tpu.wait_dma2 semaphore(%arg7 : memref<!tpu.dma_semaphore, #tpu.memory_space<semaphore_mem>>) src(%dma_wait3A_542 : memref<1x64xf32, #tpu.memory_space<hbm>>) dst(%dma_wait3A_540 : memref<1x64xf32, #tpu.memory_space<vmem>>)
    %get3A_543 = arith.constant 28 : index
    %get3A_544 = memref.load %arg1[%get3A_543] : memref<50xi32, #tpu.memory_space<smem>>
    %dma_wait3A_545 = arith.constant 28 : i32
    %dma_wait3A_546 = arith.constant 0 : i32
    %dma_wait3A_547 = tpu.memref_slice %arg6[%dma_wait3A_545, %dma_wait3A_546] : memref<50x64xf32, #tpu.memory_space<vmem>> -> memref<1x64xf32, #tpu.memory_space<vmem>>
    %dma_wait3A_548 = arith.constant 0 : i32
    %dma_wait3A_549 = tpu.memref_slice %arg2[%get3A_544, %dma_wait3A_548] : memref<100000x64xf32, #tpu.memory_space<hbm>> -> memref<1x64xf32, #tpu.memory_space<hbm>>
    tpu.wait_dma2 semaphore(%arg7 : memref<!tpu.dma_semaphore, #tpu.memory_space<semaphore_mem>>) src(%dma_wait3A_549 : memref<1x64xf32, #tpu.memory_space<hbm>>) dst(%dma_wait3A_547 : memref<1x64xf32, #tpu.memory_space<vmem>>)
    %get3A_550 = arith.constant 29 : index
    %get3A_551 = memref.load %arg1[%get3A_550] : memref<50xi32, #tpu.memory_space<smem>>
    %dma_wait3A_552 = arith.constant 29 : i32
    %dma_wait3A_553 = arith.constant 0 : i32
    %dma_wait3A_554 = tpu.memref_slice %arg6[%dma_wait3A_552, %dma_wait3A_553] : memref<50x64xf32, #tpu.memory_space<vmem>> -> memref<1x64xf32, #tpu.memory_space<vmem>>
    %dma_wait3A_555 = arith.constant 0 : i32
    %dma_wait3A_556 = tpu.memref_slice %arg2[%get3A_551, %dma_wait3A_555] : memref<100000x64xf32, #tpu.memory_space<hbm>> -> memref<1x64xf32, #tpu.memory_space<hbm>>
    tpu.wait_dma2 semaphore(%arg7 : memref<!tpu.dma_semaphore, #tpu.memory_space<semaphore_mem>>) src(%dma_wait3A_556 : memref<1x64xf32, #tpu.memory_space<hbm>>) dst(%dma_wait3A_554 : memref<1x64xf32, #tpu.memory_space<vmem>>)
    %get3A_557 = arith.constant 30 : index
    %get3A_558 = memref.load %arg1[%get3A_557] : memref<50xi32, #tpu.memory_space<smem>>
    %dma_wait3A_559 = arith.constant 30 : i32
    %dma_wait3A_560 = arith.constant 0 : i32
    %dma_wait3A_561 = tpu.memref_slice %arg6[%dma_wait3A_559, %dma_wait3A_560] : memref<50x64xf32, #tpu.memory_space<vmem>> -> memref<1x64xf32, #tpu.memory_space<vmem>>
    %dma_wait3A_562 = arith.constant 0 : i32
    %dma_wait3A_563 = tpu.memref_slice %arg2[%get3A_558, %dma_wait3A_562] : memref<100000x64xf32, #tpu.memory_space<hbm>> -> memref<1x64xf32, #tpu.memory_space<hbm>>
    tpu.wait_dma2 semaphore(%arg7 : memref<!tpu.dma_semaphore, #tpu.memory_space<semaphore_mem>>) src(%dma_wait3A_563 : memref<1x64xf32, #tpu.memory_space<hbm>>) dst(%dma_wait3A_561 : memref<1x64xf32, #tpu.memory_space<vmem>>)
    %get3A_564 = arith.constant 31 : index
    %get3A_565 = memref.load %arg1[%get3A_564] : memref<50xi32, #tpu.memory_space<smem>>
    %dma_wait3A_566 = arith.constant 31 : i32
    %dma_wait3A_567 = arith.constant 0 : i32
    %dma_wait3A_568 = tpu.memref_slice %arg6[%dma_wait3A_566, %dma_wait3A_567] : memref<50x64xf32, #tpu.memory_space<vmem>> -> memref<1x64xf32, #tpu.memory_space<vmem>>
    %dma_wait3A_569 = arith.constant 0 : i32
    %dma_wait3A_570 = tpu.memref_slice %arg2[%get3A_565, %dma_wait3A_569] : memref<100000x64xf32, #tpu.memory_space<hbm>> -> memref<1x64xf32, #tpu.memory_space<hbm>>
    tpu.wait_dma2 semaphore(%arg7 : memref<!tpu.dma_semaphore, #tpu.memory_space<semaphore_mem>>) src(%dma_wait3A_570 : memref<1x64xf32, #tpu.memory_space<hbm>>) dst(%dma_wait3A_568 : memref<1x64xf32, #tpu.memory_space<vmem>>)
    %get3A_571 = arith.constant 32 : index
    %get3A_572 = memref.load %arg1[%get3A_571] : memref<50xi32, #tpu.memory_space<smem>>
    %dma_wait3A_573 = arith.constant 32 : i32
    %dma_wait3A_574 = arith.constant 0 : i32
    %dma_wait3A_575 = tpu.memref_slice %arg6[%dma_wait3A_573, %dma_wait3A_574] : memref<50x64xf32, #tpu.memory_space<vmem>> -> memref<1x64xf32, #tpu.memory_space<vmem>>
    %dma_wait3A_576 = arith.constant 0 : i32
    %dma_wait3A_577 = tpu.memref_slice %arg2[%get3A_572, %dma_wait3A_576] : memref<100000x64xf32, #tpu.memory_space<hbm>> -> memref<1x64xf32, #tpu.memory_space<hbm>>
    tpu.wait_dma2 semaphore(%arg7 : memref<!tpu.dma_semaphore, #tpu.memory_space<semaphore_mem>>) src(%dma_wait3A_577 : memref<1x64xf32, #tpu.memory_space<hbm>>) dst(%dma_wait3A_575 : memref<1x64xf32, #tpu.memory_space<vmem>>)
    %get3A_578 = arith.constant 33 : index
    %get3A_579 = memref.load %arg1[%get3A_578] : memref<50xi32, #tpu.memory_space<smem>>
    %dma_wait3A_580 = arith.constant 33 : i32
    %dma_wait3A_581 = arith.constant 0 : i32
    %dma_wait3A_582 = tpu.memref_slice %arg6[%dma_wait3A_580, %dma_wait3A_581] : memref<50x64xf32, #tpu.memory_space<vmem>> -> memref<1x64xf32, #tpu.memory_space<vmem>>
    %dma_wait3A_583 = arith.constant 0 : i32
    %dma_wait3A_584 = tpu.memref_slice %arg2[%get3A_579, %dma_wait3A_583] : memref<100000x64xf32, #tpu.memory_space<hbm>> -> memref<1x64xf32, #tpu.memory_space<hbm>>
    tpu.wait_dma2 semaphore(%arg7 : memref<!tpu.dma_semaphore, #tpu.memory_space<semaphore_mem>>) src(%dma_wait3A_584 : memref<1x64xf32, #tpu.memory_space<hbm>>) dst(%dma_wait3A_582 : memref<1x64xf32, #tpu.memory_space<vmem>>)
    %get3A_585 = arith.constant 34 : index
    %get3A_586 = memref.load %arg1[%get3A_585] : memref<50xi32, #tpu.memory_space<smem>>
    %dma_wait3A_587 = arith.constant 34 : i32
    %dma_wait3A_588 = arith.constant 0 : i32
    %dma_wait3A_589 = tpu.memref_slice %arg6[%dma_wait3A_587, %dma_wait3A_588] : memref<50x64xf32, #tpu.memory_space<vmem>> -> memref<1x64xf32, #tpu.memory_space<vmem>>
    %dma_wait3A_590 = arith.constant 0 : i32
    %dma_wait3A_591 = tpu.memref_slice %arg2[%get3A_586, %dma_wait3A_590] : memref<100000x64xf32, #tpu.memory_space<hbm>> -> memref<1x64xf32, #tpu.memory_space<hbm>>
    tpu.wait_dma2 semaphore(%arg7 : memref<!tpu.dma_semaphore, #tpu.memory_space<semaphore_mem>>) src(%dma_wait3A_591 : memref<1x64xf32, #tpu.memory_space<hbm>>) dst(%dma_wait3A_589 : memref<1x64xf32, #tpu.memory_space<vmem>>)
    %get3A_592 = arith.constant 35 : index
    %get3A_593 = memref.load %arg1[%get3A_592] : memref<50xi32, #tpu.memory_space<smem>>
    %dma_wait3A_594 = arith.constant 35 : i32
    %dma_wait3A_595 = arith.constant 0 : i32
    %dma_wait3A_596 = tpu.memref_slice %arg6[%dma_wait3A_594, %dma_wait3A_595] : memref<50x64xf32, #tpu.memory_space<vmem>> -> memref<1x64xf32, #tpu.memory_space<vmem>>
    %dma_wait3A_597 = arith.constant 0 : i32
    %dma_wait3A_598 = tpu.memref_slice %arg2[%get3A_593, %dma_wait3A_597] : memref<100000x64xf32, #tpu.memory_space<hbm>> -> memref<1x64xf32, #tpu.memory_space<hbm>>
    tpu.wait_dma2 semaphore(%arg7 : memref<!tpu.dma_semaphore, #tpu.memory_space<semaphore_mem>>) src(%dma_wait3A_598 : memref<1x64xf32, #tpu.memory_space<hbm>>) dst(%dma_wait3A_596 : memref<1x64xf32, #tpu.memory_space<vmem>>)
    %get3A_599 = arith.constant 36 : index
    %get3A_600 = memref.load %arg1[%get3A_599] : memref<50xi32, #tpu.memory_space<smem>>
    %dma_wait3A_601 = arith.constant 36 : i32
    %dma_wait3A_602 = arith.constant 0 : i32
    %dma_wait3A_603 = tpu.memref_slice %arg6[%dma_wait3A_601, %dma_wait3A_602] : memref<50x64xf32, #tpu.memory_space<vmem>> -> memref<1x64xf32, #tpu.memory_space<vmem>>
    %dma_wait3A_604 = arith.constant 0 : i32
    %dma_wait3A_605 = tpu.memref_slice %arg2[%get3A_600, %dma_wait3A_604] : memref<100000x64xf32, #tpu.memory_space<hbm>> -> memref<1x64xf32, #tpu.memory_space<hbm>>
    tpu.wait_dma2 semaphore(%arg7 : memref<!tpu.dma_semaphore, #tpu.memory_space<semaphore_mem>>) src(%dma_wait3A_605 : memref<1x64xf32, #tpu.memory_space<hbm>>) dst(%dma_wait3A_603 : memref<1x64xf32, #tpu.memory_space<vmem>>)
    %get3A_606 = arith.constant 37 : index
    %get3A_607 = memref.load %arg1[%get3A_606] : memref<50xi32, #tpu.memory_space<smem>>
    %dma_wait3A_608 = arith.constant 37 : i32
    %dma_wait3A_609 = arith.constant 0 : i32
    %dma_wait3A_610 = tpu.memref_slice %arg6[%dma_wait3A_608, %dma_wait3A_609] : memref<50x64xf32, #tpu.memory_space<vmem>> -> memref<1x64xf32, #tpu.memory_space<vmem>>
    %dma_wait3A_611 = arith.constant 0 : i32
    %dma_wait3A_612 = tpu.memref_slice %arg2[%get3A_607, %dma_wait3A_611] : memref<100000x64xf32, #tpu.memory_space<hbm>> -> memref<1x64xf32, #tpu.memory_space<hbm>>
    tpu.wait_dma2 semaphore(%arg7 : memref<!tpu.dma_semaphore, #tpu.memory_space<semaphore_mem>>) src(%dma_wait3A_612 : memref<1x64xf32, #tpu.memory_space<hbm>>) dst(%dma_wait3A_610 : memref<1x64xf32, #tpu.memory_space<vmem>>)
    %get3A_613 = arith.constant 38 : index
    %get3A_614 = memref.load %arg1[%get3A_613] : memref<50xi32, #tpu.memory_space<smem>>
    %dma_wait3A_615 = arith.constant 38 : i32
    %dma_wait3A_616 = arith.constant 0 : i32
    %dma_wait3A_617 = tpu.memref_slice %arg6[%dma_wait3A_615, %dma_wait3A_616] : memref<50x64xf32, #tpu.memory_space<vmem>> -> memref<1x64xf32, #tpu.memory_space<vmem>>
    %dma_wait3A_618 = arith.constant 0 : i32
    %dma_wait3A_619 = tpu.memref_slice %arg2[%get3A_614, %dma_wait3A_618] : memref<100000x64xf32, #tpu.memory_space<hbm>> -> memref<1x64xf32, #tpu.memory_space<hbm>>
    tpu.wait_dma2 semaphore(%arg7 : memref<!tpu.dma_semaphore, #tpu.memory_space<semaphore_mem>>) src(%dma_wait3A_619 : memref<1x64xf32, #tpu.memory_space<hbm>>) dst(%dma_wait3A_617 : memref<1x64xf32, #tpu.memory_space<vmem>>)
    %get3A_620 = arith.constant 39 : index
    %get3A_621 = memref.load %arg1[%get3A_620] : memref<50xi32, #tpu.memory_space<smem>>
    %dma_wait3A_622 = arith.constant 39 : i32
    %dma_wait3A_623 = arith.constant 0 : i32
    %dma_wait3A_624 = tpu.memref_slice %arg6[%dma_wait3A_622, %dma_wait3A_623] : memref<50x64xf32, #tpu.memory_space<vmem>> -> memref<1x64xf32, #tpu.memory_space<vmem>>
    %dma_wait3A_625 = arith.constant 0 : i32
    %dma_wait3A_626 = tpu.memref_slice %arg2[%get3A_621, %dma_wait3A_625] : memref<100000x64xf32, #tpu.memory_space<hbm>> -> memref<1x64xf32, #tpu.memory_space<hbm>>
    tpu.wait_dma2 semaphore(%arg7 : memref<!tpu.dma_semaphore, #tpu.memory_space<semaphore_mem>>) src(%dma_wait3A_626 : memref<1x64xf32, #tpu.memory_space<hbm>>) dst(%dma_wait3A_624 : memref<1x64xf32, #tpu.memory_space<vmem>>)
    %get3A_627 = arith.constant 40 : index
    %get3A_628 = memref.load %arg1[%get3A_627] : memref<50xi32, #tpu.memory_space<smem>>
    %dma_wait3A_629 = arith.constant 40 : i32
    %dma_wait3A_630 = arith.constant 0 : i32
    %dma_wait3A_631 = tpu.memref_slice %arg6[%dma_wait3A_629, %dma_wait3A_630] : memref<50x64xf32, #tpu.memory_space<vmem>> -> memref<1x64xf32, #tpu.memory_space<vmem>>
    %dma_wait3A_632 = arith.constant 0 : i32
    %dma_wait3A_633 = tpu.memref_slice %arg2[%get3A_628, %dma_wait3A_632] : memref<100000x64xf32, #tpu.memory_space<hbm>> -> memref<1x64xf32, #tpu.memory_space<hbm>>
    tpu.wait_dma2 semaphore(%arg7 : memref<!tpu.dma_semaphore, #tpu.memory_space<semaphore_mem>>) src(%dma_wait3A_633 : memref<1x64xf32, #tpu.memory_space<hbm>>) dst(%dma_wait3A_631 : memref<1x64xf32, #tpu.memory_space<vmem>>)
    %get3A_634 = arith.constant 41 : index
    %get3A_635 = memref.load %arg1[%get3A_634] : memref<50xi32, #tpu.memory_space<smem>>
    %dma_wait3A_636 = arith.constant 41 : i32
    %dma_wait3A_637 = arith.constant 0 : i32
    %dma_wait3A_638 = tpu.memref_slice %arg6[%dma_wait3A_636, %dma_wait3A_637] : memref<50x64xf32, #tpu.memory_space<vmem>> -> memref<1x64xf32, #tpu.memory_space<vmem>>
    %dma_wait3A_639 = arith.constant 0 : i32
    %dma_wait3A_640 = tpu.memref_slice %arg2[%get3A_635, %dma_wait3A_639] : memref<100000x64xf32, #tpu.memory_space<hbm>> -> memref<1x64xf32, #tpu.memory_space<hbm>>
    tpu.wait_dma2 semaphore(%arg7 : memref<!tpu.dma_semaphore, #tpu.memory_space<semaphore_mem>>) src(%dma_wait3A_640 : memref<1x64xf32, #tpu.memory_space<hbm>>) dst(%dma_wait3A_638 : memref<1x64xf32, #tpu.memory_space<vmem>>)
    %get3A_641 = arith.constant 42 : index
    %get3A_642 = memref.load %arg1[%get3A_641] : memref<50xi32, #tpu.memory_space<smem>>
    %dma_wait3A_643 = arith.constant 42 : i32
    %dma_wait3A_644 = arith.constant 0 : i32
    %dma_wait3A_645 = tpu.memref_slice %arg6[%dma_wait3A_643, %dma_wait3A_644] : memref<50x64xf32, #tpu.memory_space<vmem>> -> memref<1x64xf32, #tpu.memory_space<vmem>>
    %dma_wait3A_646 = arith.constant 0 : i32
    %dma_wait3A_647 = tpu.memref_slice %arg2[%get3A_642, %dma_wait3A_646] : memref<100000x64xf32, #tpu.memory_space<hbm>> -> memref<1x64xf32, #tpu.memory_space<hbm>>
    tpu.wait_dma2 semaphore(%arg7 : memref<!tpu.dma_semaphore, #tpu.memory_space<semaphore_mem>>) src(%dma_wait3A_647 : memref<1x64xf32, #tpu.memory_space<hbm>>) dst(%dma_wait3A_645 : memref<1x64xf32, #tpu.memory_space<vmem>>)
    %get3A_648 = arith.constant 43 : index
    %get3A_649 = memref.load %arg1[%get3A_648] : memref<50xi32, #tpu.memory_space<smem>>
    %dma_wait3A_650 = arith.constant 43 : i32
    %dma_wait3A_651 = arith.constant 0 : i32
    %dma_wait3A_652 = tpu.memref_slice %arg6[%dma_wait3A_650, %dma_wait3A_651] : memref<50x64xf32, #tpu.memory_space<vmem>> -> memref<1x64xf32, #tpu.memory_space<vmem>>
    %dma_wait3A_653 = arith.constant 0 : i32
    %dma_wait3A_654 = tpu.memref_slice %arg2[%get3A_649, %dma_wait3A_653] : memref<100000x64xf32, #tpu.memory_space<hbm>> -> memref<1x64xf32, #tpu.memory_space<hbm>>
    tpu.wait_dma2 semaphore(%arg7 : memref<!tpu.dma_semaphore, #tpu.memory_space<semaphore_mem>>) src(%dma_wait3A_654 : memref<1x64xf32, #tpu.memory_space<hbm>>) dst(%dma_wait3A_652 : memref<1x64xf32, #tpu.memory_space<vmem>>)
    %get3A_655 = arith.constant 44 : index
    %get3A_656 = memref.load %arg1[%get3A_655] : memref<50xi32, #tpu.memory_space<smem>>
    %dma_wait3A_657 = arith.constant 44 : i32
    %dma_wait3A_658 = arith.constant 0 : i32
    %dma_wait3A_659 = tpu.memref_slice %arg6[%dma_wait3A_657, %dma_wait3A_658] : memref<50x64xf32, #tpu.memory_space<vmem>> -> memref<1x64xf32, #tpu.memory_space<vmem>>
    %dma_wait3A_660 = arith.constant 0 : i32
    %dma_wait3A_661 = tpu.memref_slice %arg2[%get3A_656, %dma_wait3A_660] : memref<100000x64xf32, #tpu.memory_space<hbm>> -> memref<1x64xf32, #tpu.memory_space<hbm>>
    tpu.wait_dma2 semaphore(%arg7 : memref<!tpu.dma_semaphore, #tpu.memory_space<semaphore_mem>>) src(%dma_wait3A_661 : memref<1x64xf32, #tpu.memory_space<hbm>>) dst(%dma_wait3A_659 : memref<1x64xf32, #tpu.memory_space<vmem>>)
    %get3A_662 = arith.constant 45 : index
    %get3A_663 = memref.load %arg1[%get3A_662] : memref<50xi32, #tpu.memory_space<smem>>
    %dma_wait3A_664 = arith.constant 45 : i32
    %dma_wait3A_665 = arith.constant 0 : i32
    %dma_wait3A_666 = tpu.memref_slice %arg6[%dma_wait3A_664, %dma_wait3A_665] : memref<50x64xf32, #tpu.memory_space<vmem>> -> memref<1x64xf32, #tpu.memory_space<vmem>>
    %dma_wait3A_667 = arith.constant 0 : i32
    %dma_wait3A_668 = tpu.memref_slice %arg2[%get3A_663, %dma_wait3A_667] : memref<100000x64xf32, #tpu.memory_space<hbm>> -> memref<1x64xf32, #tpu.memory_space<hbm>>
    tpu.wait_dma2 semaphore(%arg7 : memref<!tpu.dma_semaphore, #tpu.memory_space<semaphore_mem>>) src(%dma_wait3A_668 : memref<1x64xf32, #tpu.memory_space<hbm>>) dst(%dma_wait3A_666 : memref<1x64xf32, #tpu.memory_space<vmem>>)
    %get3A_669 = arith.constant 46 : index
    %get3A_670 = memref.load %arg1[%get3A_669] : memref<50xi32, #tpu.memory_space<smem>>
    %dma_wait3A_671 = arith.constant 46 : i32
    %dma_wait3A_672 = arith.constant 0 : i32
    %dma_wait3A_673 = tpu.memref_slice %arg6[%dma_wait3A_671, %dma_wait3A_672] : memref<50x64xf32, #tpu.memory_space<vmem>> -> memref<1x64xf32, #tpu.memory_space<vmem>>
    %dma_wait3A_674 = arith.constant 0 : i32
    %dma_wait3A_675 = tpu.memref_slice %arg2[%get3A_670, %dma_wait3A_674] : memref<100000x64xf32, #tpu.memory_space<hbm>> -> memref<1x64xf32, #tpu.memory_space<hbm>>
    tpu.wait_dma2 semaphore(%arg7 : memref<!tpu.dma_semaphore, #tpu.memory_space<semaphore_mem>>) src(%dma_wait3A_675 : memref<1x64xf32, #tpu.memory_space<hbm>>) dst(%dma_wait3A_673 : memref<1x64xf32, #tpu.memory_space<vmem>>)
    %get3A_676 = arith.constant 47 : index
    %get3A_677 = memref.load %arg1[%get3A_676] : memref<50xi32, #tpu.memory_space<smem>>
    %dma_wait3A_678 = arith.constant 47 : i32
    %dma_wait3A_679 = arith.constant 0 : i32
    %dma_wait3A_680 = tpu.memref_slice %arg6[%dma_wait3A_678, %dma_wait3A_679] : memref<50x64xf32, #tpu.memory_space<vmem>> -> memref<1x64xf32, #tpu.memory_space<vmem>>
    %dma_wait3A_681 = arith.constant 0 : i32
    %dma_wait3A_682 = tpu.memref_slice %arg2[%get3A_677, %dma_wait3A_681] : memref<100000x64xf32, #tpu.memory_space<hbm>> -> memref<1x64xf32, #tpu.memory_space<hbm>>
    tpu.wait_dma2 semaphore(%arg7 : memref<!tpu.dma_semaphore, #tpu.memory_space<semaphore_mem>>) src(%dma_wait3A_682 : memref<1x64xf32, #tpu.memory_space<hbm>>) dst(%dma_wait3A_680 : memref<1x64xf32, #tpu.memory_space<vmem>>)
    %get3A_683 = arith.constant 48 : index
    %get3A_684 = memref.load %arg1[%get3A_683] : memref<50xi32, #tpu.memory_space<smem>>
    %dma_wait3A_685 = arith.constant 48 : i32
    %dma_wait3A_686 = arith.constant 0 : i32
    %dma_wait3A_687 = tpu.memref_slice %arg6[%dma_wait3A_685, %dma_wait3A_686] : memref<50x64xf32, #tpu.memory_space<vmem>> -> memref<1x64xf32, #tpu.memory_space<vmem>>
    %dma_wait3A_688 = arith.constant 0 : i32
    %dma_wait3A_689 = tpu.memref_slice %arg2[%get3A_684, %dma_wait3A_688] : memref<100000x64xf32, #tpu.memory_space<hbm>> -> memref<1x64xf32, #tpu.memory_space<hbm>>
    tpu.wait_dma2 semaphore(%arg7 : memref<!tpu.dma_semaphore, #tpu.memory_space<semaphore_mem>>) src(%dma_wait3A_689 : memref<1x64xf32, #tpu.memory_space<hbm>>) dst(%dma_wait3A_687 : memref<1x64xf32, #tpu.memory_space<vmem>>)
    %get3A_690 = arith.constant 49 : index
    %get3A_691 = memref.load %arg1[%get3A_690] : memref<50xi32, #tpu.memory_space<smem>>
    %dma_wait3A_692 = arith.constant 49 : i32
    %dma_wait3A_693 = arith.constant 0 : i32
    %dma_wait3A_694 = tpu.memref_slice %arg6[%dma_wait3A_692, %dma_wait3A_693] : memref<50x64xf32, #tpu.memory_space<vmem>> -> memref<1x64xf32, #tpu.memory_space<vmem>>
    %dma_wait3A_695 = arith.constant 0 : i32
    %dma_wait3A_696 = tpu.memref_slice %arg2[%get3A_691, %dma_wait3A_695] : memref<100000x64xf32, #tpu.memory_space<hbm>> -> memref<1x64xf32, #tpu.memory_space<hbm>>
    tpu.wait_dma2 semaphore(%arg7 : memref<!tpu.dma_semaphore, #tpu.memory_space<semaphore_mem>>) src(%dma_wait3A_696 : memref<1x64xf32, #tpu.memory_space<hbm>>) dst(%dma_wait3A_694 : memref<1x64xf32, #tpu.memory_space<vmem>>)
    %get3A_697 = arith.constant 0 : index
    %get3A_698 = arith.constant 0 : index
    %get3A_699 = vector.load %arg4[%get3A_697, %get3A_698] : memref<1x128xf32, #tpu.memory_space<vmem>>, vector<1x128xf32>
    %get3A_700 = arith.constant 0 : index
    %get3A_701 = arith.constant 0 : index
    %get3A_702 = vector.load %arg6[%get3A_700, %get3A_701] : memref<50x64xf32, #tpu.memory_space<vmem>>, vector<1x64xf32>
    %get3A_703 = arith.constant 0 : index
    %get3A_704 = arith.constant 0 : index
    %get3A_705 = vector.load %arg3[%get3A_703, %get3A_704] : memref<128x3200xf32, #tpu.memory_space<vmem>>, vector<128x64xf32>
    %dot_general3A = arith.constant dense<0.000000e+00> : vector<1x128xf32>
    %dot_general3A_706 = tpu.matmul %get3A_702, %get3A_705, %dot_general3A {dimension_numbers = #tpu.dot_dimension_numbers<[1], [1], [0], [0], [0, 0, 1, 0], [], []>, transpose_lhs_hint = false} : vector<1x64xf32>, vector<128x64xf32>, vector<1x128xf32> -> vector<1x128xf32>
    %add3A = arith.addf %get3A_699, %dot_general3A_706 : vector<1x128xf32>
    %get3A_707 = arith.constant 1 : index
    %get3A_708 = arith.constant 0 : index
    %get3A_709 = vector.load %arg6[%get3A_707, %get3A_708] : memref<50x64xf32, #tpu.memory_space<vmem>>, vector<1x64xf32>
    %get3A_710 = arith.constant 0 : index
    %get3A_711 = arith.constant 64 : index
    %get3A_712 = vector.load %arg3[%get3A_710, %get3A_711] : memref<128x3200xf32, #tpu.memory_space<vmem>>, vector<128x64xf32>
    %dot_general3A_713 = arith.constant dense<0.000000e+00> : vector<1x128xf32>
    %dot_general3A_714 = tpu.matmul %get3A_709, %get3A_712, %dot_general3A_713 {dimension_numbers = #tpu.dot_dimension_numbers<[1], [1], [0], [0], [0, 0, 1, 0], [], []>, transpose_lhs_hint = false} : vector<1x64xf32>, vector<128x64xf32>, vector<1x128xf32> -> vector<1x128xf32>
    %add3A_715 = arith.addf %add3A, %dot_general3A_714 : vector<1x128xf32>
    %get3A_716 = arith.constant 2 : index
    %get3A_717 = arith.constant 0 : index
    %get3A_718 = vector.load %arg6[%get3A_716, %get3A_717] : memref<50x64xf32, #tpu.memory_space<vmem>>, vector<1x64xf32>
    %get3A_719 = arith.constant 0 : index
    %get3A_720 = arith.constant 128 : index
    %get3A_721 = vector.load %arg3[%get3A_719, %get3A_720] : memref<128x3200xf32, #tpu.memory_space<vmem>>, vector<128x64xf32>
    %dot_general3A_722 = arith.constant dense<0.000000e+00> : vector<1x128xf32>
    %dot_general3A_723 = tpu.matmul %get3A_718, %get3A_721, %dot_general3A_722 {dimension_numbers = #tpu.dot_dimension_numbers<[1], [1], [0], [0], [0, 0, 1, 0], [], []>, transpose_lhs_hint = false} : vector<1x64xf32>, vector<128x64xf32>, vector<1x128xf32> -> vector<1x128xf32>
    %add3A_724 = arith.addf %add3A_715, %dot_general3A_723 : vector<1x128xf32>
    %get3A_725 = arith.constant 3 : index
    %get3A_726 = arith.constant 0 : index
    %get3A_727 = vector.load %arg6[%get3A_725, %get3A_726] : memref<50x64xf32, #tpu.memory_space<vmem>>, vector<1x64xf32>
    %get3A_728 = arith.constant 0 : index
    %get3A_729 = arith.constant 192 : index
    %get3A_730 = vector.load %arg3[%get3A_728, %get3A_729] : memref<128x3200xf32, #tpu.memory_space<vmem>>, vector<128x64xf32>
    %dot_general3A_731 = arith.constant dense<0.000000e+00> : vector<1x128xf32>
    %dot_general3A_732 = tpu.matmul %get3A_727, %get3A_730, %dot_general3A_731 {dimension_numbers = #tpu.dot_dimension_numbers<[1], [1], [0], [0], [0, 0, 1, 0], [], []>, transpose_lhs_hint = false} : vector<1x64xf32>, vector<128x64xf32>, vector<1x128xf32> -> vector<1x128xf32>
    %add3A_733 = arith.addf %add3A_724, %dot_general3A_732 : vector<1x128xf32>
    %get3A_734 = arith.constant 4 : index
    %get3A_735 = arith.constant 0 : index
    %get3A_736 = vector.load %arg6[%get3A_734, %get3A_735] : memref<50x64xf32, #tpu.memory_space<vmem>>, vector<1x64xf32>
    %get3A_737 = arith.constant 0 : index
    %get3A_738 = arith.constant 256 : index
    %get3A_739 = vector.load %arg3[%get3A_737, %get3A_738] : memref<128x3200xf32, #tpu.memory_space<vmem>>, vector<128x64xf32>
    %dot_general3A_740 = arith.constant dense<0.000000e+00> : vector<1x128xf32>
    %dot_general3A_741 = tpu.matmul %get3A_736, %get3A_739, %dot_general3A_740 {dimension_numbers = #tpu.dot_dimension_numbers<[1], [1], [0], [0], [0, 0, 1, 0], [], []>, transpose_lhs_hint = false} : vector<1x64xf32>, vector<128x64xf32>, vector<1x128xf32> -> vector<1x128xf32>
    %add3A_742 = arith.addf %add3A_733, %dot_general3A_741 : vector<1x128xf32>
    %get3A_743 = arith.constant 5 : index
    %get3A_744 = arith.constant 0 : index
    %get3A_745 = vector.load %arg6[%get3A_743, %get3A_744] : memref<50x64xf32, #tpu.memory_space<vmem>>, vector<1x64xf32>
    %get3A_746 = arith.constant 0 : index
    %get3A_747 = arith.constant 320 : index
    %get3A_748 = vector.load %arg3[%get3A_746, %get3A_747] : memref<128x3200xf32, #tpu.memory_space<vmem>>, vector<128x64xf32>
    %dot_general3A_749 = arith.constant dense<0.000000e+00> : vector<1x128xf32>
    %dot_general3A_750 = tpu.matmul %get3A_745, %get3A_748, %dot_general3A_749 {dimension_numbers = #tpu.dot_dimension_numbers<[1], [1], [0], [0], [0, 0, 1, 0], [], []>, transpose_lhs_hint = false} : vector<1x64xf32>, vector<128x64xf32>, vector<1x128xf32> -> vector<1x128xf32>
    %add3A_751 = arith.addf %add3A_742, %dot_general3A_750 : vector<1x128xf32>
    %get3A_752 = arith.constant 6 : index
    %get3A_753 = arith.constant 0 : index
    %get3A_754 = vector.load %arg6[%get3A_752, %get3A_753] : memref<50x64xf32, #tpu.memory_space<vmem>>, vector<1x64xf32>
    %get3A_755 = arith.constant 0 : index
    %get3A_756 = arith.constant 384 : index
    %get3A_757 = vector.load %arg3[%get3A_755, %get3A_756] : memref<128x3200xf32, #tpu.memory_space<vmem>>, vector<128x64xf32>
    %dot_general3A_758 = arith.constant dense<0.000000e+00> : vector<1x128xf32>
    %dot_general3A_759 = tpu.matmul %get3A_754, %get3A_757, %dot_general3A_758 {dimension_numbers = #tpu.dot_dimension_numbers<[1], [1], [0], [0], [0, 0, 1, 0], [], []>, transpose_lhs_hint = false} : vector<1x64xf32>, vector<128x64xf32>, vector<1x128xf32> -> vector<1x128xf32>
    %add3A_760 = arith.addf %add3A_751, %dot_general3A_759 : vector<1x128xf32>
    %get3A_761 = arith.constant 7 : index
    %get3A_762 = arith.constant 0 : index
    %get3A_763 = vector.load %arg6[%get3A_761, %get3A_762] : memref<50x64xf32, #tpu.memory_space<vmem>>, vector<1x64xf32>
    %get3A_764 = arith.constant 0 : index
    %get3A_765 = arith.constant 448 : index
    %get3A_766 = vector.load %arg3[%get3A_764, %get3A_765] : memref<128x3200xf32, #tpu.memory_space<vmem>>, vector<128x64xf32>
    %dot_general3A_767 = arith.constant dense<0.000000e+00> : vector<1x128xf32>
    %dot_general3A_768 = tpu.matmul %get3A_763, %get3A_766, %dot_general3A_767 {dimension_numbers = #tpu.dot_dimension_numbers<[1], [1], [0], [0], [0, 0, 1, 0], [], []>, transpose_lhs_hint = false} : vector<1x64xf32>, vector<128x64xf32>, vector<1x128xf32> -> vector<1x128xf32>
    %add3A_769 = arith.addf %add3A_760, %dot_general3A_768 : vector<1x128xf32>
    %get3A_770 = arith.constant 8 : index
    %get3A_771 = arith.constant 0 : index
    %get3A_772 = vector.load %arg6[%get3A_770, %get3A_771] : memref<50x64xf32, #tpu.memory_space<vmem>>, vector<1x64xf32>
    %get3A_773 = arith.constant 0 : index
    %get3A_774 = arith.constant 512 : index
    %get3A_775 = vector.load %arg3[%get3A_773, %get3A_774] : memref<128x3200xf32, #tpu.memory_space<vmem>>, vector<128x64xf32>
    %dot_general3A_776 = arith.constant dense<0.000000e+00> : vector<1x128xf32>
    %dot_general3A_777 = tpu.matmul %get3A_772, %get3A_775, %dot_general3A_776 {dimension_numbers = #tpu.dot_dimension_numbers<[1], [1], [0], [0], [0, 0, 1, 0], [], []>, transpose_lhs_hint = false} : vector<1x64xf32>, vector<128x64xf32>, vector<1x128xf32> -> vector<1x128xf32>
    %add3A_778 = arith.addf %add3A_769, %dot_general3A_777 : vector<1x128xf32>
    %get3A_779 = arith.constant 9 : index
    %get3A_780 = arith.constant 0 : index
    %get3A_781 = vector.load %arg6[%get3A_779, %get3A_780] : memref<50x64xf32, #tpu.memory_space<vmem>>, vector<1x64xf32>
    %get3A_782 = arith.constant 0 : index
    %get3A_783 = arith.constant 576 : index
    %get3A_784 = vector.load %arg3[%get3A_782, %get3A_783] : memref<128x3200xf32, #tpu.memory_space<vmem>>, vector<128x64xf32>
    %dot_general3A_785 = arith.constant dense<0.000000e+00> : vector<1x128xf32>
    %dot_general3A_786 = tpu.matmul %get3A_781, %get3A_784, %dot_general3A_785 {dimension_numbers = #tpu.dot_dimension_numbers<[1], [1], [0], [0], [0, 0, 1, 0], [], []>, transpose_lhs_hint = false} : vector<1x64xf32>, vector<128x64xf32>, vector<1x128xf32> -> vector<1x128xf32>
    %add3A_787 = arith.addf %add3A_778, %dot_general3A_786 : vector<1x128xf32>
    %get3A_788 = arith.constant 10 : index
    %get3A_789 = arith.constant 0 : index
    %get3A_790 = vector.load %arg6[%get3A_788, %get3A_789] : memref<50x64xf32, #tpu.memory_space<vmem>>, vector<1x64xf32>
    %get3A_791 = arith.constant 0 : index
    %get3A_792 = arith.constant 640 : index
    %get3A_793 = vector.load %arg3[%get3A_791, %get3A_792] : memref<128x3200xf32, #tpu.memory_space<vmem>>, vector<128x64xf32>
    %dot_general3A_794 = arith.constant dense<0.000000e+00> : vector<1x128xf32>
    %dot_general3A_795 = tpu.matmul %get3A_790, %get3A_793, %dot_general3A_794 {dimension_numbers = #tpu.dot_dimension_numbers<[1], [1], [0], [0], [0, 0, 1, 0], [], []>, transpose_lhs_hint = false} : vector<1x64xf32>, vector<128x64xf32>, vector<1x128xf32> -> vector<1x128xf32>
    %add3A_796 = arith.addf %add3A_787, %dot_general3A_795 : vector<1x128xf32>
    %get3A_797 = arith.constant 11 : index
    %get3A_798 = arith.constant 0 : index
    %get3A_799 = vector.load %arg6[%get3A_797, %get3A_798] : memref<50x64xf32, #tpu.memory_space<vmem>>, vector<1x64xf32>
    %get3A_800 = arith.constant 0 : index
    %get3A_801 = arith.constant 704 : index
    %get3A_802 = vector.load %arg3[%get3A_800, %get3A_801] : memref<128x3200xf32, #tpu.memory_space<vmem>>, vector<128x64xf32>
    %dot_general3A_803 = arith.constant dense<0.000000e+00> : vector<1x128xf32>
    %dot_general3A_804 = tpu.matmul %get3A_799, %get3A_802, %dot_general3A_803 {dimension_numbers = #tpu.dot_dimension_numbers<[1], [1], [0], [0], [0, 0, 1, 0], [], []>, transpose_lhs_hint = false} : vector<1x64xf32>, vector<128x64xf32>, vector<1x128xf32> -> vector<1x128xf32>
    %add3A_805 = arith.addf %add3A_796, %dot_general3A_804 : vector<1x128xf32>
    %get3A_806 = arith.constant 12 : index
    %get3A_807 = arith.constant 0 : index
    %get3A_808 = vector.load %arg6[%get3A_806, %get3A_807] : memref<50x64xf32, #tpu.memory_space<vmem>>, vector<1x64xf32>
    %get3A_809 = arith.constant 0 : index
    %get3A_810 = arith.constant 768 : index
    %get3A_811 = vector.load %arg3[%get3A_809, %get3A_810] : memref<128x3200xf32, #tpu.memory_space<vmem>>, vector<128x64xf32>
    %dot_general3A_812 = arith.constant dense<0.000000e+00> : vector<1x128xf32>
    %dot_general3A_813 = tpu.matmul %get3A_808, %get3A_811, %dot_general3A_812 {dimension_numbers = #tpu.dot_dimension_numbers<[1], [1], [0], [0], [0, 0, 1, 0], [], []>, transpose_lhs_hint = false} : vector<1x64xf32>, vector<128x64xf32>, vector<1x128xf32> -> vector<1x128xf32>
    %add3A_814 = arith.addf %add3A_805, %dot_general3A_813 : vector<1x128xf32>
    %get3A_815 = arith.constant 13 : index
    %get3A_816 = arith.constant 0 : index
    %get3A_817 = vector.load %arg6[%get3A_815, %get3A_816] : memref<50x64xf32, #tpu.memory_space<vmem>>, vector<1x64xf32>
    %get3A_818 = arith.constant 0 : index
    %get3A_819 = arith.constant 832 : index
    %get3A_820 = vector.load %arg3[%get3A_818, %get3A_819] : memref<128x3200xf32, #tpu.memory_space<vmem>>, vector<128x64xf32>
    %dot_general3A_821 = arith.constant dense<0.000000e+00> : vector<1x128xf32>
    %dot_general3A_822 = tpu.matmul %get3A_817, %get3A_820, %dot_general3A_821 {dimension_numbers = #tpu.dot_dimension_numbers<[1], [1], [0], [0], [0, 0, 1, 0], [], []>, transpose_lhs_hint = false} : vector<1x64xf32>, vector<128x64xf32>, vector<1x128xf32> -> vector<1x128xf32>
    %add3A_823 = arith.addf %add3A_814, %dot_general3A_822 : vector<1x128xf32>
    %get3A_824 = arith.constant 14 : index
    %get3A_825 = arith.constant 0 : index
    %get3A_826 = vector.load %arg6[%get3A_824, %get3A_825] : memref<50x64xf32, #tpu.memory_space<vmem>>, vector<1x64xf32>
    %get3A_827 = arith.constant 0 : index
    %get3A_828 = arith.constant 896 : index
    %get3A_829 = vector.load %arg3[%get3A_827, %get3A_828] : memref<128x3200xf32, #tpu.memory_space<vmem>>, vector<128x64xf32>
    %dot_general3A_830 = arith.constant dense<0.000000e+00> : vector<1x128xf32>
    %dot_general3A_831 = tpu.matmul %get3A_826, %get3A_829, %dot_general3A_830 {dimension_numbers = #tpu.dot_dimension_numbers<[1], [1], [0], [0], [0, 0, 1, 0], [], []>, transpose_lhs_hint = false} : vector<1x64xf32>, vector<128x64xf32>, vector<1x128xf32> -> vector<1x128xf32>
    %add3A_832 = arith.addf %add3A_823, %dot_general3A_831 : vector<1x128xf32>
    %get3A_833 = arith.constant 15 : index
    %get3A_834 = arith.constant 0 : index
    %get3A_835 = vector.load %arg6[%get3A_833, %get3A_834] : memref<50x64xf32, #tpu.memory_space<vmem>>, vector<1x64xf32>
    %get3A_836 = arith.constant 0 : index
    %get3A_837 = arith.constant 960 : index
    %get3A_838 = vector.load %arg3[%get3A_836, %get3A_837] : memref<128x3200xf32, #tpu.memory_space<vmem>>, vector<128x64xf32>
    %dot_general3A_839 = arith.constant dense<0.000000e+00> : vector<1x128xf32>
    %dot_general3A_840 = tpu.matmul %get3A_835, %get3A_838, %dot_general3A_839 {dimension_numbers = #tpu.dot_dimension_numbers<[1], [1], [0], [0], [0, 0, 1, 0], [], []>, transpose_lhs_hint = false} : vector<1x64xf32>, vector<128x64xf32>, vector<1x128xf32> -> vector<1x128xf32>
    %add3A_841 = arith.addf %add3A_832, %dot_general3A_840 : vector<1x128xf32>
    %get3A_842 = arith.constant 16 : index
    %get3A_843 = arith.constant 0 : index
    %get3A_844 = vector.load %arg6[%get3A_842, %get3A_843] : memref<50x64xf32, #tpu.memory_space<vmem>>, vector<1x64xf32>
    %get3A_845 = arith.constant 0 : index
    %get3A_846 = arith.constant 1024 : index
    %get3A_847 = vector.load %arg3[%get3A_845, %get3A_846] : memref<128x3200xf32, #tpu.memory_space<vmem>>, vector<128x64xf32>
    %dot_general3A_848 = arith.constant dense<0.000000e+00> : vector<1x128xf32>
    %dot_general3A_849 = tpu.matmul %get3A_844, %get3A_847, %dot_general3A_848 {dimension_numbers = #tpu.dot_dimension_numbers<[1], [1], [0], [0], [0, 0, 1, 0], [], []>, transpose_lhs_hint = false} : vector<1x64xf32>, vector<128x64xf32>, vector<1x128xf32> -> vector<1x128xf32>
    %add3A_850 = arith.addf %add3A_841, %dot_general3A_849 : vector<1x128xf32>
    %get3A_851 = arith.constant 17 : index
    %get3A_852 = arith.constant 0 : index
    %get3A_853 = vector.load %arg6[%get3A_851, %get3A_852] : memref<50x64xf32, #tpu.memory_space<vmem>>, vector<1x64xf32>
    %get3A_854 = arith.constant 0 : index
    %get3A_855 = arith.constant 1088 : index
    %get3A_856 = vector.load %arg3[%get3A_854, %get3A_855] : memref<128x3200xf32, #tpu.memory_space<vmem>>, vector<128x64xf32>
    %dot_general3A_857 = arith.constant dense<0.000000e+00> : vector<1x128xf32>
    %dot_general3A_858 = tpu.matmul %get3A_853, %get3A_856, %dot_general3A_857 {dimension_numbers = #tpu.dot_dimension_numbers<[1], [1], [0], [0], [0, 0, 1, 0], [], []>, transpose_lhs_hint = false} : vector<1x64xf32>, vector<128x64xf32>, vector<1x128xf32> -> vector<1x128xf32>
    %add3A_859 = arith.addf %add3A_850, %dot_general3A_858 : vector<1x128xf32>
    %get3A_860 = arith.constant 18 : index
    %get3A_861 = arith.constant 0 : index
    %get3A_862 = vector.load %arg6[%get3A_860, %get3A_861] : memref<50x64xf32, #tpu.memory_space<vmem>>, vector<1x64xf32>
    %get3A_863 = arith.constant 0 : index
    %get3A_864 = arith.constant 1152 : index
    %get3A_865 = vector.load %arg3[%get3A_863, %get3A_864] : memref<128x3200xf32, #tpu.memory_space<vmem>>, vector<128x64xf32>
    %dot_general3A_866 = arith.constant dense<0.000000e+00> : vector<1x128xf32>
    %dot_general3A_867 = tpu.matmul %get3A_862, %get3A_865, %dot_general3A_866 {dimension_numbers = #tpu.dot_dimension_numbers<[1], [1], [0], [0], [0, 0, 1, 0], [], []>, transpose_lhs_hint = false} : vector<1x64xf32>, vector<128x64xf32>, vector<1x128xf32> -> vector<1x128xf32>
    %add3A_868 = arith.addf %add3A_859, %dot_general3A_867 : vector<1x128xf32>
    %get3A_869 = arith.constant 19 : index
    %get3A_870 = arith.constant 0 : index
    %get3A_871 = vector.load %arg6[%get3A_869, %get3A_870] : memref<50x64xf32, #tpu.memory_space<vmem>>, vector<1x64xf32>
    %get3A_872 = arith.constant 0 : index
    %get3A_873 = arith.constant 1216 : index
    %get3A_874 = vector.load %arg3[%get3A_872, %get3A_873] : memref<128x3200xf32, #tpu.memory_space<vmem>>, vector<128x64xf32>
    %dot_general3A_875 = arith.constant dense<0.000000e+00> : vector<1x128xf32>
    %dot_general3A_876 = tpu.matmul %get3A_871, %get3A_874, %dot_general3A_875 {dimension_numbers = #tpu.dot_dimension_numbers<[1], [1], [0], [0], [0, 0, 1, 0], [], []>, transpose_lhs_hint = false} : vector<1x64xf32>, vector<128x64xf32>, vector<1x128xf32> -> vector<1x128xf32>
    %add3A_877 = arith.addf %add3A_868, %dot_general3A_876 : vector<1x128xf32>
    %get3A_878 = arith.constant 20 : index
    %get3A_879 = arith.constant 0 : index
    %get3A_880 = vector.load %arg6[%get3A_878, %get3A_879] : memref<50x64xf32, #tpu.memory_space<vmem>>, vector<1x64xf32>
    %get3A_881 = arith.constant 0 : index
    %get3A_882 = arith.constant 1280 : index
    %get3A_883 = vector.load %arg3[%get3A_881, %get3A_882] : memref<128x3200xf32, #tpu.memory_space<vmem>>, vector<128x64xf32>
    %dot_general3A_884 = arith.constant dense<0.000000e+00> : vector<1x128xf32>
    %dot_general3A_885 = tpu.matmul %get3A_880, %get3A_883, %dot_general3A_884 {dimension_numbers = #tpu.dot_dimension_numbers<[1], [1], [0], [0], [0, 0, 1, 0], [], []>, transpose_lhs_hint = false} : vector<1x64xf32>, vector<128x64xf32>, vector<1x128xf32> -> vector<1x128xf32>
    %add3A_886 = arith.addf %add3A_877, %dot_general3A_885 : vector<1x128xf32>
    %get3A_887 = arith.constant 21 : index
    %get3A_888 = arith.constant 0 : index
    %get3A_889 = vector.load %arg6[%get3A_887, %get3A_888] : memref<50x64xf32, #tpu.memory_space<vmem>>, vector<1x64xf32>
    %get3A_890 = arith.constant 0 : index
    %get3A_891 = arith.constant 1344 : index
    %get3A_892 = vector.load %arg3[%get3A_890, %get3A_891] : memref<128x3200xf32, #tpu.memory_space<vmem>>, vector<128x64xf32>
    %dot_general3A_893 = arith.constant dense<0.000000e+00> : vector<1x128xf32>
    %dot_general3A_894 = tpu.matmul %get3A_889, %get3A_892, %dot_general3A_893 {dimension_numbers = #tpu.dot_dimension_numbers<[1], [1], [0], [0], [0, 0, 1, 0], [], []>, transpose_lhs_hint = false} : vector<1x64xf32>, vector<128x64xf32>, vector<1x128xf32> -> vector<1x128xf32>
    %add3A_895 = arith.addf %add3A_886, %dot_general3A_894 : vector<1x128xf32>
    %get3A_896 = arith.constant 22 : index
    %get3A_897 = arith.constant 0 : index
    %get3A_898 = vector.load %arg6[%get3A_896, %get3A_897] : memref<50x64xf32, #tpu.memory_space<vmem>>, vector<1x64xf32>
    %get3A_899 = arith.constant 0 : index
    %get3A_900 = arith.constant 1408 : index
    %get3A_901 = vector.load %arg3[%get3A_899, %get3A_900] : memref<128x3200xf32, #tpu.memory_space<vmem>>, vector<128x64xf32>
    %dot_general3A_902 = arith.constant dense<0.000000e+00> : vector<1x128xf32>
    %dot_general3A_903 = tpu.matmul %get3A_898, %get3A_901, %dot_general3A_902 {dimension_numbers = #tpu.dot_dimension_numbers<[1], [1], [0], [0], [0, 0, 1, 0], [], []>, transpose_lhs_hint = false} : vector<1x64xf32>, vector<128x64xf32>, vector<1x128xf32> -> vector<1x128xf32>
    %add3A_904 = arith.addf %add3A_895, %dot_general3A_903 : vector<1x128xf32>
    %get3A_905 = arith.constant 23 : index
    %get3A_906 = arith.constant 0 : index
    %get3A_907 = vector.load %arg6[%get3A_905, %get3A_906] : memref<50x64xf32, #tpu.memory_space<vmem>>, vector<1x64xf32>
    %get3A_908 = arith.constant 0 : index
    %get3A_909 = arith.constant 1472 : index
    %get3A_910 = vector.load %arg3[%get3A_908, %get3A_909] : memref<128x3200xf32, #tpu.memory_space<vmem>>, vector<128x64xf32>
    %dot_general3A_911 = arith.constant dense<0.000000e+00> : vector<1x128xf32>
    %dot_general3A_912 = tpu.matmul %get3A_907, %get3A_910, %dot_general3A_911 {dimension_numbers = #tpu.dot_dimension_numbers<[1], [1], [0], [0], [0, 0, 1, 0], [], []>, transpose_lhs_hint = false} : vector<1x64xf32>, vector<128x64xf32>, vector<1x128xf32> -> vector<1x128xf32>
    %add3A_913 = arith.addf %add3A_904, %dot_general3A_912 : vector<1x128xf32>
    %get3A_914 = arith.constant 24 : index
    %get3A_915 = arith.constant 0 : index
    %get3A_916 = vector.load %arg6[%get3A_914, %get3A_915] : memref<50x64xf32, #tpu.memory_space<vmem>>, vector<1x64xf32>
    %get3A_917 = arith.constant 0 : index
    %get3A_918 = arith.constant 1536 : index
    %get3A_919 = vector.load %arg3[%get3A_917, %get3A_918] : memref<128x3200xf32, #tpu.memory_space<vmem>>, vector<128x64xf32>
    %dot_general3A_920 = arith.constant dense<0.000000e+00> : vector<1x128xf32>
    %dot_general3A_921 = tpu.matmul %get3A_916, %get3A_919, %dot_general3A_920 {dimension_numbers = #tpu.dot_dimension_numbers<[1], [1], [0], [0], [0, 0, 1, 0], [], []>, transpose_lhs_hint = false} : vector<1x64xf32>, vector<128x64xf32>, vector<1x128xf32> -> vector<1x128xf32>
    %add3A_922 = arith.addf %add3A_913, %dot_general3A_921 : vector<1x128xf32>
    %get3A_923 = arith.constant 25 : index
    %get3A_924 = arith.constant 0 : index
    %get3A_925 = vector.load %arg6[%get3A_923, %get3A_924] : memref<50x64xf32, #tpu.memory_space<vmem>>, vector<1x64xf32>
    %get3A_926 = arith.constant 0 : index
    %get3A_927 = arith.constant 1600 : index
    %get3A_928 = vector.load %arg3[%get3A_926, %get3A_927] : memref<128x3200xf32, #tpu.memory_space<vmem>>, vector<128x64xf32>
    %dot_general3A_929 = arith.constant dense<0.000000e+00> : vector<1x128xf32>
    %dot_general3A_930 = tpu.matmul %get3A_925, %get3A_928, %dot_general3A_929 {dimension_numbers = #tpu.dot_dimension_numbers<[1], [1], [0], [0], [0, 0, 1, 0], [], []>, transpose_lhs_hint = false} : vector<1x64xf32>, vector<128x64xf32>, vector<1x128xf32> -> vector<1x128xf32>
    %add3A_931 = arith.addf %add3A_922, %dot_general3A_930 : vector<1x128xf32>
    %get3A_932 = arith.constant 26 : index
    %get3A_933 = arith.constant 0 : index
    %get3A_934 = vector.load %arg6[%get3A_932, %get3A_933] : memref<50x64xf32, #tpu.memory_space<vmem>>, vector<1x64xf32>
    %get3A_935 = arith.constant 0 : index
    %get3A_936 = arith.constant 1664 : index
    %get3A_937 = vector.load %arg3[%get3A_935, %get3A_936] : memref<128x3200xf32, #tpu.memory_space<vmem>>, vector<128x64xf32>
    %dot_general3A_938 = arith.constant dense<0.000000e+00> : vector<1x128xf32>
    %dot_general3A_939 = tpu.matmul %get3A_934, %get3A_937, %dot_general3A_938 {dimension_numbers = #tpu.dot_dimension_numbers<[1], [1], [0], [0], [0, 0, 1, 0], [], []>, transpose_lhs_hint = false} : vector<1x64xf32>, vector<128x64xf32>, vector<1x128xf32> -> vector<1x128xf32>
    %add3A_940 = arith.addf %add3A_931, %dot_general3A_939 : vector<1x128xf32>
    %get3A_941 = arith.constant 27 : index
    %get3A_942 = arith.constant 0 : index
    %get3A_943 = vector.load %arg6[%get3A_941, %get3A_942] : memref<50x64xf32, #tpu.memory_space<vmem>>, vector<1x64xf32>
    %get3A_944 = arith.constant 0 : index
    %get3A_945 = arith.constant 1728 : index
    %get3A_946 = vector.load %arg3[%get3A_944, %get3A_945] : memref<128x3200xf32, #tpu.memory_space<vmem>>, vector<128x64xf32>
    %dot_general3A_947 = arith.constant dense<0.000000e+00> : vector<1x128xf32>
    %dot_general3A_948 = tpu.matmul %get3A_943, %get3A_946, %dot_general3A_947 {dimension_numbers = #tpu.dot_dimension_numbers<[1], [1], [0], [0], [0, 0, 1, 0], [], []>, transpose_lhs_hint = false} : vector<1x64xf32>, vector<128x64xf32>, vector<1x128xf32> -> vector<1x128xf32>
    %add3A_949 = arith.addf %add3A_940, %dot_general3A_948 : vector<1x128xf32>
    %get3A_950 = arith.constant 28 : index
    %get3A_951 = arith.constant 0 : index
    %get3A_952 = vector.load %arg6[%get3A_950, %get3A_951] : memref<50x64xf32, #tpu.memory_space<vmem>>, vector<1x64xf32>
    %get3A_953 = arith.constant 0 : index
    %get3A_954 = arith.constant 1792 : index
    %get3A_955 = vector.load %arg3[%get3A_953, %get3A_954] : memref<128x3200xf32, #tpu.memory_space<vmem>>, vector<128x64xf32>
    %dot_general3A_956 = arith.constant dense<0.000000e+00> : vector<1x128xf32>
    %dot_general3A_957 = tpu.matmul %get3A_952, %get3A_955, %dot_general3A_956 {dimension_numbers = #tpu.dot_dimension_numbers<[1], [1], [0], [0], [0, 0, 1, 0], [], []>, transpose_lhs_hint = false} : vector<1x64xf32>, vector<128x64xf32>, vector<1x128xf32> -> vector<1x128xf32>
    %add3A_958 = arith.addf %add3A_949, %dot_general3A_957 : vector<1x128xf32>
    %get3A_959 = arith.constant 29 : index
    %get3A_960 = arith.constant 0 : index
    %get3A_961 = vector.load %arg6[%get3A_959, %get3A_960] : memref<50x64xf32, #tpu.memory_space<vmem>>, vector<1x64xf32>
    %get3A_962 = arith.constant 0 : index
    %get3A_963 = arith.constant 1856 : index
    %get3A_964 = vector.load %arg3[%get3A_962, %get3A_963] : memref<128x3200xf32, #tpu.memory_space<vmem>>, vector<128x64xf32>
    %dot_general3A_965 = arith.constant dense<0.000000e+00> : vector<1x128xf32>
    %dot_general3A_966 = tpu.matmul %get3A_961, %get3A_964, %dot_general3A_965 {dimension_numbers = #tpu.dot_dimension_numbers<[1], [1], [0], [0], [0, 0, 1, 0], [], []>, transpose_lhs_hint = false} : vector<1x64xf32>, vector<128x64xf32>, vector<1x128xf32> -> vector<1x128xf32>
    %add3A_967 = arith.addf %add3A_958, %dot_general3A_966 : vector<1x128xf32>
    %get3A_968 = arith.constant 30 : index
    %get3A_969 = arith.constant 0 : index
    %get3A_970 = vector.load %arg6[%get3A_968, %get3A_969] : memref<50x64xf32, #tpu.memory_space<vmem>>, vector<1x64xf32>
    %get3A_971 = arith.constant 0 : index
    %get3A_972 = arith.constant 1920 : index
    %get3A_973 = vector.load %arg3[%get3A_971, %get3A_972] : memref<128x3200xf32, #tpu.memory_space<vmem>>, vector<128x64xf32>
    %dot_general3A_974 = arith.constant dense<0.000000e+00> : vector<1x128xf32>
    %dot_general3A_975 = tpu.matmul %get3A_970, %get3A_973, %dot_general3A_974 {dimension_numbers = #tpu.dot_dimension_numbers<[1], [1], [0], [0], [0, 0, 1, 0], [], []>, transpose_lhs_hint = false} : vector<1x64xf32>, vector<128x64xf32>, vector<1x128xf32> -> vector<1x128xf32>
    %add3A_976 = arith.addf %add3A_967, %dot_general3A_975 : vector<1x128xf32>
    %get3A_977 = arith.constant 31 : index
    %get3A_978 = arith.constant 0 : index
    %get3A_979 = vector.load %arg6[%get3A_977, %get3A_978] : memref<50x64xf32, #tpu.memory_space<vmem>>, vector<1x64xf32>
    %get3A_980 = arith.constant 0 : index
    %get3A_981 = arith.constant 1984 : index
    %get3A_982 = vector.load %arg3[%get3A_980, %get3A_981] : memref<128x3200xf32, #tpu.memory_space<vmem>>, vector<128x64xf32>
    %dot_general3A_983 = arith.constant dense<0.000000e+00> : vector<1x128xf32>
    %dot_general3A_984 = tpu.matmul %get3A_979, %get3A_982, %dot_general3A_983 {dimension_numbers = #tpu.dot_dimension_numbers<[1], [1], [0], [0], [0, 0, 1, 0], [], []>, transpose_lhs_hint = false} : vector<1x64xf32>, vector<128x64xf32>, vector<1x128xf32> -> vector<1x128xf32>
    %add3A_985 = arith.addf %add3A_976, %dot_general3A_984 : vector<1x128xf32>
    %get3A_986 = arith.constant 32 : index
    %get3A_987 = arith.constant 0 : index
    %get3A_988 = vector.load %arg6[%get3A_986, %get3A_987] : memref<50x64xf32, #tpu.memory_space<vmem>>, vector<1x64xf32>
    %get3A_989 = arith.constant 0 : index
    %get3A_990 = arith.constant 2048 : index
    %get3A_991 = vector.load %arg3[%get3A_989, %get3A_990] : memref<128x3200xf32, #tpu.memory_space<vmem>>, vector<128x64xf32>
    %dot_general3A_992 = arith.constant dense<0.000000e+00> : vector<1x128xf32>
    %dot_general3A_993 = tpu.matmul %get3A_988, %get3A_991, %dot_general3A_992 {dimension_numbers = #tpu.dot_dimension_numbers<[1], [1], [0], [0], [0, 0, 1, 0], [], []>, transpose_lhs_hint = false} : vector<1x64xf32>, vector<128x64xf32>, vector<1x128xf32> -> vector<1x128xf32>
    %add3A_994 = arith.addf %add3A_985, %dot_general3A_993 : vector<1x128xf32>
    %get3A_995 = arith.constant 33 : index
    %get3A_996 = arith.constant 0 : index
    %get3A_997 = vector.load %arg6[%get3A_995, %get3A_996] : memref<50x64xf32, #tpu.memory_space<vmem>>, vector<1x64xf32>
    %get3A_998 = arith.constant 0 : index
    %get3A_999 = arith.constant 2112 : index
    %get3A_1000 = vector.load %arg3[%get3A_998, %get3A_999] : memref<128x3200xf32, #tpu.memory_space<vmem>>, vector<128x64xf32>
    %dot_general3A_1001 = arith.constant dense<0.000000e+00> : vector<1x128xf32>
    %dot_general3A_1002 = tpu.matmul %get3A_997, %get3A_1000, %dot_general3A_1001 {dimension_numbers = #tpu.dot_dimension_numbers<[1], [1], [0], [0], [0, 0, 1, 0], [], []>, transpose_lhs_hint = false} : vector<1x64xf32>, vector<128x64xf32>, vector<1x128xf32> -> vector<1x128xf32>
    %add3A_1003 = arith.addf %add3A_994, %dot_general3A_1002 : vector<1x128xf32>
    %get3A_1004 = arith.constant 34 : index
    %get3A_1005 = arith.constant 0 : index
    %get3A_1006 = vector.load %arg6[%get3A_1004, %get3A_1005] : memref<50x64xf32, #tpu.memory_space<vmem>>, vector<1x64xf32>
    %get3A_1007 = arith.constant 0 : index
    %get3A_1008 = arith.constant 2176 : index
    %get3A_1009 = vector.load %arg3[%get3A_1007, %get3A_1008] : memref<128x3200xf32, #tpu.memory_space<vmem>>, vector<128x64xf32>
    %dot_general3A_1010 = arith.constant dense<0.000000e+00> : vector<1x128xf32>
    %dot_general3A_1011 = tpu.matmul %get3A_1006, %get3A_1009, %dot_general3A_1010 {dimension_numbers = #tpu.dot_dimension_numbers<[1], [1], [0], [0], [0, 0, 1, 0], [], []>, transpose_lhs_hint = false} : vector<1x64xf32>, vector<128x64xf32>, vector<1x128xf32> -> vector<1x128xf32>
    %add3A_1012 = arith.addf %add3A_1003, %dot_general3A_1011 : vector<1x128xf32>
    %get3A_1013 = arith.constant 35 : index
    %get3A_1014 = arith.constant 0 : index
    %get3A_1015 = vector.load %arg6[%get3A_1013, %get3A_1014] : memref<50x64xf32, #tpu.memory_space<vmem>>, vector<1x64xf32>
    %get3A_1016 = arith.constant 0 : index
    %get3A_1017 = arith.constant 2240 : index
    %get3A_1018 = vector.load %arg3[%get3A_1016, %get3A_1017] : memref<128x3200xf32, #tpu.memory_space<vmem>>, vector<128x64xf32>
    %dot_general3A_1019 = arith.constant dense<0.000000e+00> : vector<1x128xf32>
    %dot_general3A_1020 = tpu.matmul %get3A_1015, %get3A_1018, %dot_general3A_1019 {dimension_numbers = #tpu.dot_dimension_numbers<[1], [1], [0], [0], [0, 0, 1, 0], [], []>, transpose_lhs_hint = false} : vector<1x64xf32>, vector<128x64xf32>, vector<1x128xf32> -> vector<1x128xf32>
    %add3A_1021 = arith.addf %add3A_1012, %dot_general3A_1020 : vector<1x128xf32>
    %get3A_1022 = arith.constant 36 : index
    %get3A_1023 = arith.constant 0 : index
    %get3A_1024 = vector.load %arg6[%get3A_1022, %get3A_1023] : memref<50x64xf32, #tpu.memory_space<vmem>>, vector<1x64xf32>
    %get3A_1025 = arith.constant 0 : index
    %get3A_1026 = arith.constant 2304 : index
    %get3A_1027 = vector.load %arg3[%get3A_1025, %get3A_1026] : memref<128x3200xf32, #tpu.memory_space<vmem>>, vector<128x64xf32>
    %dot_general3A_1028 = arith.constant dense<0.000000e+00> : vector<1x128xf32>
    %dot_general3A_1029 = tpu.matmul %get3A_1024, %get3A_1027, %dot_general3A_1028 {dimension_numbers = #tpu.dot_dimension_numbers<[1], [1], [0], [0], [0, 0, 1, 0], [], []>, transpose_lhs_hint = false} : vector<1x64xf32>, vector<128x64xf32>, vector<1x128xf32> -> vector<1x128xf32>
    %add3A_1030 = arith.addf %add3A_1021, %dot_general3A_1029 : vector<1x128xf32>
    %get3A_1031 = arith.constant 37 : index
    %get3A_1032 = arith.constant 0 : index
    %get3A_1033 = vector.load %arg6[%get3A_1031, %get3A_1032] : memref<50x64xf32, #tpu.memory_space<vmem>>, vector<1x64xf32>
    %get3A_1034 = arith.constant 0 : index
    %get3A_1035 = arith.constant 2368 : index
    %get3A_1036 = vector.load %arg3[%get3A_1034, %get3A_1035] : memref<128x3200xf32, #tpu.memory_space<vmem>>, vector<128x64xf32>
    %dot_general3A_1037 = arith.constant dense<0.000000e+00> : vector<1x128xf32>
    %dot_general3A_1038 = tpu.matmul %get3A_1033, %get3A_1036, %dot_general3A_1037 {dimension_numbers = #tpu.dot_dimension_numbers<[1], [1], [0], [0], [0, 0, 1, 0], [], []>, transpose_lhs_hint = false} : vector<1x64xf32>, vector<128x64xf32>, vector<1x128xf32> -> vector<1x128xf32>
    %add3A_1039 = arith.addf %add3A_1030, %dot_general3A_1038 : vector<1x128xf32>
    %get3A_1040 = arith.constant 38 : index
    %get3A_1041 = arith.constant 0 : index
    %get3A_1042 = vector.load %arg6[%get3A_1040, %get3A_1041] : memref<50x64xf32, #tpu.memory_space<vmem>>, vector<1x64xf32>
    %get3A_1043 = arith.constant 0 : index
    %get3A_1044 = arith.constant 2432 : index
    %get3A_1045 = vector.load %arg3[%get3A_1043, %get3A_1044] : memref<128x3200xf32, #tpu.memory_space<vmem>>, vector<128x64xf32>
    %dot_general3A_1046 = arith.constant dense<0.000000e+00> : vector<1x128xf32>
    %dot_general3A_1047 = tpu.matmul %get3A_1042, %get3A_1045, %dot_general3A_1046 {dimension_numbers = #tpu.dot_dimension_numbers<[1], [1], [0], [0], [0, 0, 1, 0], [], []>, transpose_lhs_hint = false} : vector<1x64xf32>, vector<128x64xf32>, vector<1x128xf32> -> vector<1x128xf32>
    %add3A_1048 = arith.addf %add3A_1039, %dot_general3A_1047 : vector<1x128xf32>
    %get3A_1049 = arith.constant 39 : index
    %get3A_1050 = arith.constant 0 : index
    %get3A_1051 = vector.load %arg6[%get3A_1049, %get3A_1050] : memref<50x64xf32, #tpu.memory_space<vmem>>, vector<1x64xf32>
    %get3A_1052 = arith.constant 0 : index
    %get3A_1053 = arith.constant 2496 : index
    %get3A_1054 = vector.load %arg3[%get3A_1052, %get3A_1053] : memref<128x3200xf32, #tpu.memory_space<vmem>>, vector<128x64xf32>
    %dot_general3A_1055 = arith.constant dense<0.000000e+00> : vector<1x128xf32>
    %dot_general3A_1056 = tpu.matmul %get3A_1051, %get3A_1054, %dot_general3A_1055 {dimension_numbers = #tpu.dot_dimension_numbers<[1], [1], [0], [0], [0, 0, 1, 0], [], []>, transpose_lhs_hint = false} : vector<1x64xf32>, vector<128x64xf32>, vector<1x128xf32> -> vector<1x128xf32>
    %add3A_1057 = arith.addf %add3A_1048, %dot_general3A_1056 : vector<1x128xf32>
    %get3A_1058 = arith.constant 40 : index
    %get3A_1059 = arith.constant 0 : index
    %get3A_1060 = vector.load %arg6[%get3A_1058, %get3A_1059] : memref<50x64xf32, #tpu.memory_space<vmem>>, vector<1x64xf32>
    %get3A_1061 = arith.constant 0 : index
    %get3A_1062 = arith.constant 2560 : index
    %get3A_1063 = vector.load %arg3[%get3A_1061, %get3A_1062] : memref<128x3200xf32, #tpu.memory_space<vmem>>, vector<128x64xf32>
    %dot_general3A_1064 = arith.constant dense<0.000000e+00> : vector<1x128xf32>
    %dot_general3A_1065 = tpu.matmul %get3A_1060, %get3A_1063, %dot_general3A_1064 {dimension_numbers = #tpu.dot_dimension_numbers<[1], [1], [0], [0], [0, 0, 1, 0], [], []>, transpose_lhs_hint = false} : vector<1x64xf32>, vector<128x64xf32>, vector<1x128xf32> -> vector<1x128xf32>
    %add3A_1066 = arith.addf %add3A_1057, %dot_general3A_1065 : vector<1x128xf32>
    %get3A_1067 = arith.constant 41 : index
    %get3A_1068 = arith.constant 0 : index
    %get3A_1069 = vector.load %arg6[%get3A_1067, %get3A_1068] : memref<50x64xf32, #tpu.memory_space<vmem>>, vector<1x64xf32>
    %get3A_1070 = arith.constant 0 : index
    %get3A_1071 = arith.constant 2624 : index
    %get3A_1072 = vector.load %arg3[%get3A_1070, %get3A_1071] : memref<128x3200xf32, #tpu.memory_space<vmem>>, vector<128x64xf32>
    %dot_general3A_1073 = arith.constant dense<0.000000e+00> : vector<1x128xf32>
    %dot_general3A_1074 = tpu.matmul %get3A_1069, %get3A_1072, %dot_general3A_1073 {dimension_numbers = #tpu.dot_dimension_numbers<[1], [1], [0], [0], [0, 0, 1, 0], [], []>, transpose_lhs_hint = false} : vector<1x64xf32>, vector<128x64xf32>, vector<1x128xf32> -> vector<1x128xf32>
    %add3A_1075 = arith.addf %add3A_1066, %dot_general3A_1074 : vector<1x128xf32>
    %get3A_1076 = arith.constant 42 : index
    %get3A_1077 = arith.constant 0 : index
    %get3A_1078 = vector.load %arg6[%get3A_1076, %get3A_1077] : memref<50x64xf32, #tpu.memory_space<vmem>>, vector<1x64xf32>
    %get3A_1079 = arith.constant 0 : index
    %get3A_1080 = arith.constant 2688 : index
    %get3A_1081 = vector.load %arg3[%get3A_1079, %get3A_1080] : memref<128x3200xf32, #tpu.memory_space<vmem>>, vector<128x64xf32>
    %dot_general3A_1082 = arith.constant dense<0.000000e+00> : vector<1x128xf32>
    %dot_general3A_1083 = tpu.matmul %get3A_1078, %get3A_1081, %dot_general3A_1082 {dimension_numbers = #tpu.dot_dimension_numbers<[1], [1], [0], [0], [0, 0, 1, 0], [], []>, transpose_lhs_hint = false} : vector<1x64xf32>, vector<128x64xf32>, vector<1x128xf32> -> vector<1x128xf32>
    %add3A_1084 = arith.addf %add3A_1075, %dot_general3A_1083 : vector<1x128xf32>
    %get3A_1085 = arith.constant 43 : index
    %get3A_1086 = arith.constant 0 : index
    %get3A_1087 = vector.load %arg6[%get3A_1085, %get3A_1086] : memref<50x64xf32, #tpu.memory_space<vmem>>, vector<1x64xf32>
    %get3A_1088 = arith.constant 0 : index
    %get3A_1089 = arith.constant 2752 : index
    %get3A_1090 = vector.load %arg3[%get3A_1088, %get3A_1089] : memref<128x3200xf32, #tpu.memory_space<vmem>>, vector<128x64xf32>
    %dot_general3A_1091 = arith.constant dense<0.000000e+00> : vector<1x128xf32>
    %dot_general3A_1092 = tpu.matmul %get3A_1087, %get3A_1090, %dot_general3A_1091 {dimension_numbers = #tpu.dot_dimension_numbers<[1], [1], [0], [0], [0, 0, 1, 0], [], []>, transpose_lhs_hint = false} : vector<1x64xf32>, vector<128x64xf32>, vector<1x128xf32> -> vector<1x128xf32>
    %add3A_1093 = arith.addf %add3A_1084, %dot_general3A_1092 : vector<1x128xf32>
    %get3A_1094 = arith.constant 44 : index
    %get3A_1095 = arith.constant 0 : index
    %get3A_1096 = vector.load %arg6[%get3A_1094, %get3A_1095] : memref<50x64xf32, #tpu.memory_space<vmem>>, vector<1x64xf32>
    %get3A_1097 = arith.constant 0 : index
    %get3A_1098 = arith.constant 2816 : index
    %get3A_1099 = vector.load %arg3[%get3A_1097, %get3A_1098] : memref<128x3200xf32, #tpu.memory_space<vmem>>, vector<128x64xf32>
    %dot_general3A_1100 = arith.constant dense<0.000000e+00> : vector<1x128xf32>
    %dot_general3A_1101 = tpu.matmul %get3A_1096, %get3A_1099, %dot_general3A_1100 {dimension_numbers = #tpu.dot_dimension_numbers<[1], [1], [0], [0], [0, 0, 1, 0], [], []>, transpose_lhs_hint = false} : vector<1x64xf32>, vector<128x64xf32>, vector<1x128xf32> -> vector<1x128xf32>
    %add3A_1102 = arith.addf %add3A_1093, %dot_general3A_1101 : vector<1x128xf32>
    %get3A_1103 = arith.constant 45 : index
    %get3A_1104 = arith.constant 0 : index
    %get3A_1105 = vector.load %arg6[%get3A_1103, %get3A_1104] : memref<50x64xf32, #tpu.memory_space<vmem>>, vector<1x64xf32>
    %get3A_1106 = arith.constant 0 : index
    %get3A_1107 = arith.constant 2880 : index
    %get3A_1108 = vector.load %arg3[%get3A_1106, %get3A_1107] : memref<128x3200xf32, #tpu.memory_space<vmem>>, vector<128x64xf32>
    %dot_general3A_1109 = arith.constant dense<0.000000e+00> : vector<1x128xf32>
    %dot_general3A_1110 = tpu.matmul %get3A_1105, %get3A_1108, %dot_general3A_1109 {dimension_numbers = #tpu.dot_dimension_numbers<[1], [1], [0], [0], [0, 0, 1, 0], [], []>, transpose_lhs_hint = false} : vector<1x64xf32>, vector<128x64xf32>, vector<1x128xf32> -> vector<1x128xf32>
    %add3A_1111 = arith.addf %add3A_1102, %dot_general3A_1110 : vector<1x128xf32>
    %get3A_1112 = arith.constant 46 : index
    %get3A_1113 = arith.constant 0 : index
    %get3A_1114 = vector.load %arg6[%get3A_1112, %get3A_1113] : memref<50x64xf32, #tpu.memory_space<vmem>>, vector<1x64xf32>
    %get3A_1115 = arith.constant 0 : index
    %get3A_1116 = arith.constant 2944 : index
    %get3A_1117 = vector.load %arg3[%get3A_1115, %get3A_1116] : memref<128x3200xf32, #tpu.memory_space<vmem>>, vector<128x64xf32>
    %dot_general3A_1118 = arith.constant dense<0.000000e+00> : vector<1x128xf32>
    %dot_general3A_1119 = tpu.matmul %get3A_1114, %get3A_1117, %dot_general3A_1118 {dimension_numbers = #tpu.dot_dimension_numbers<[1], [1], [0], [0], [0, 0, 1, 0], [], []>, transpose_lhs_hint = false} : vector<1x64xf32>, vector<128x64xf32>, vector<1x128xf32> -> vector<1x128xf32>
    %add3A_1120 = arith.addf %add3A_1111, %dot_general3A_1119 : vector<1x128xf32>
    %get3A_1121 = arith.constant 47 : index
    %get3A_1122 = arith.constant 0 : index
    %get3A_1123 = vector.load %arg6[%get3A_1121, %get3A_1122] : memref<50x64xf32, #tpu.memory_space<vmem>>, vector<1x64xf32>
    %get3A_1124 = arith.constant 0 : index
    %get3A_1125 = arith.constant 3008 : index
    %get3A_1126 = vector.load %arg3[%get3A_1124, %get3A_1125] : memref<128x3200xf32, #tpu.memory_space<vmem>>, vector<128x64xf32>
    %dot_general3A_1127 = arith.constant dense<0.000000e+00> : vector<1x128xf32>
    %dot_general3A_1128 = tpu.matmul %get3A_1123, %get3A_1126, %dot_general3A_1127 {dimension_numbers = #tpu.dot_dimension_numbers<[1], [1], [0], [0], [0, 0, 1, 0], [], []>, transpose_lhs_hint = false} : vector<1x64xf32>, vector<128x64xf32>, vector<1x128xf32> -> vector<1x128xf32>
    %add3A_1129 = arith.addf %add3A_1120, %dot_general3A_1128 : vector<1x128xf32>
    %get3A_1130 = arith.constant 48 : index
    %get3A_1131 = arith.constant 0 : index
    %get3A_1132 = vector.load %arg6[%get3A_1130, %get3A_1131] : memref<50x64xf32, #tpu.memory_space<vmem>>, vector<1x64xf32>
    %get3A_1133 = arith.constant 0 : index
    %get3A_1134 = arith.constant 3072 : index
    %get3A_1135 = vector.load %arg3[%get3A_1133, %get3A_1134] : memref<128x3200xf32, #tpu.memory_space<vmem>>, vector<128x64xf32>
    %dot_general3A_1136 = arith.constant dense<0.000000e+00> : vector<1x128xf32>
    %dot_general3A_1137 = tpu.matmul %get3A_1132, %get3A_1135, %dot_general3A_1136 {dimension_numbers = #tpu.dot_dimension_numbers<[1], [1], [0], [0], [0, 0, 1, 0], [], []>, transpose_lhs_hint = false} : vector<1x64xf32>, vector<128x64xf32>, vector<1x128xf32> -> vector<1x128xf32>
    %add3A_1138 = arith.addf %add3A_1129, %dot_general3A_1137 : vector<1x128xf32>
    %get3A_1139 = arith.constant 49 : index
    %get3A_1140 = arith.constant 0 : index
    %get3A_1141 = vector.load %arg6[%get3A_1139, %get3A_1140] : memref<50x64xf32, #tpu.memory_space<vmem>>, vector<1x64xf32>
    %get3A_1142 = arith.constant 0 : index
    %get3A_1143 = arith.constant 3136 : index
    %get3A_1144 = vector.load %arg3[%get3A_1142, %get3A_1143] : memref<128x3200xf32, #tpu.memory_space<vmem>>, vector<128x64xf32>
    %dot_general3A_1145 = arith.constant dense<0.000000e+00> : vector<1x128xf32>
    %dot_general3A_1146 = tpu.matmul %get3A_1141, %get3A_1144, %dot_general3A_1145 {dimension_numbers = #tpu.dot_dimension_numbers<[1], [1], [0], [0], [0, 0, 1, 0], [], []>, transpose_lhs_hint = false} : vector<1x64xf32>, vector<128x64xf32>, vector<1x128xf32> -> vector<1x128xf32>
    %add3A_1147 = arith.addf %add3A_1138, %dot_general3A_1146 : vector<1x128xf32>
    %max3A = arith.constant 0.000000e+00 : f32
    %max3A_1148 = vector.broadcast %max3A : f32 to vector<1x128xf32>
    %max3A_1149 = arith.maximumf %add3A_1147, %max3A_1148 : vector<1x128xf32>
    %swap3A = arith.constant 0 : index
    %swap3A_1150 = arith.constant 0 : index
    %swap3A_1151 = vector.load %arg5[%swap3A, %swap3A_1150] : memref<1x128xf32, #tpu.memory_space<vmem>>, vector<1x128xf32>
    tpu.vector_store %arg5[%swap3A, %swap3A_1150], %max3A_1149 {strides = array<i32>} : memref<1x128xf32, #tpu.memory_space<vmem>>, vector<1x128xf32>,
    return
  }
  func.func @transform_1(%arg0: i32, %arg1: memref<50xi32, #tpu.memory_space<smem>>) -> (i32, i32) {
    %c0_i32 = arith.constant 0 : i32
    %c0_i32_0 = arith.constant 0 : i32
    %c0_i32_1 = arith.constant 0 : i32
    return %c0_i32, %c0_i32_0 : i32, i32
  }
  func.func @transform_2(%arg0: i32, %arg1: memref<50xi32, #tpu.memory_space<smem>>) -> (i32, i32) {
    %c0_i32 = arith.constant 0 : i32
    %c0_i32_0 = arith.constant 0 : i32
    %c0_i32_1 = arith.constant 0 : i32
    return %c0_i32, %c0_i32_0 : i32, i32
  }
  func.func @transform_3(%arg0: i32, %arg1: memref<50xi32, #tpu.memory_space<smem>>) -> (i32, i32) {
    %c0_i32 = arith.constant 0 : i32
    %c0_i32_0 = arith.constant 0 : i32
    %c0_i32_1 = arith.constant 0 : i32
    return %c0_i32, %c0_i32_0 : i32, i32
  }
}

</mosaic_0001>

<sc_bundles>
// kernel: kernel.5.cloned.1.call-start
scs
__scs_entry_jumppad:
0x0: {  	(pc) =	sbr.rel $0x88, $3  }
0x1: {  	(tag) =	ssettag $0x0;
	lr =	simm.s32 $0x1  }
0x2: {  	[smem:$0x3F9B] =	sst lr;
	_ =	strace $0xD0000000  }
0x3: {  	_ = 	snop  }
0x4: {  	_ = 	snop  }
0x5: {  	_ = 	snop  }
0x6: {  	_ = 	snop  }
0x7: {  	_ = 	snop  }
__scs_overlays_trampoline_lowered:
0x8: {  	[smem:$0x3FAA] =	sst s0  }
0x9: {  	[smem:$0x3FAB] =	sst s1  }
0xa: {  	[smem:$0x3FAC] =	sst s2  }
0xb: {  	[smem:$0x3FAD] =	sst s3  }
0xc: {  	[smem:$0x3FAE] =	sst s4  }
0xd: {  	[smem:$0x3FAF] =	sst s5  }
0xe: {  	[smem:$0x3FB0] =	sst s6  }
0xf: {  	[smem:$0x3FB1] =	sst s7  }
0x10: {  	[smem:$0x3FB2] =	sst s8  }
0x11: {  	[smem:$0x3FB3] =	sst s9;
	s0 =	simm.s32 @!p0 $0x0  }
0x12: {  	s1 =	sld [smem:$0x3F99];
	s0 =	simm.s32 @p0 $0x1  }
0x13: {  	[smem:$0x3FB4] =	sst s0;
	s0 =	simm.s32 @!p1 $0x0  }
0x14: {  	s2 =	sld [smem:$0x3F98];
	s0 =	simm.s32 @p1 $0x1  }
0x15: {  	[smem:$0x3FB5] =	sst s0;
	s0 =	simm.s32 @!p2 $0x0  }
0x16: {  	s3 =	sld [smem:$0x3FDB];
	s0 =	simm.s32 @p2 $0x1  }
0x17: {  	s4 =	simm.s32 $0x1BF5;
	[smem:$0x3FB7] =	sst s0  }
0x18: {  	s0 =	sld [smem:$0x3F9A];
	_ =	swait.ge [sflag:s4], $0x0  }
0x19: {  	s7 =	sld [smem:$0x3F9B]  }
0x1a: {  	s8 =	sadd.s32 $0xFFFFE003, lr  }
0x1b: {  	s9 =	sadd.s32 $0xFFFFFEF7, lr;
	s5 =	simm.s32 $0xFFFFFFFF;
	p2 =	slt.u32 s8, $0xFFFFF086  }
0x1c: {  	p1 =	slt.u32 s9, $0xF7A;
	s5 =	simm.s32 @!p2 $0x0  }
0x1d: {  	s5 =	simm.s32 @p1 $0x1;
	p0 =	seq.s32 s7, s2  }
0x1e: {  	s7 =	smul.u32 @!p0 $0xF7A, s2;
	p2 =	seq.s32 @!p0 s5, $0x0  }
0x1f: {  	s9 =	smul.u32 $0xF7A, s1;
	s8 =	simm.s32 @!p0 $0x1BF5;
	p2 =	por !p2, p0  }
0x20: {  	[sflag:s8] =	ssyncset.s32 @!p0 $0xFFFFF086;
	s6 =	sadd.s32 @!p0 s3, s7;
	s7 =	simm.s32 @!p0 $0x108  }
0x21: {  	s3 =	sadd.s32 s3, s9;
	s6 =	sadd.s32 @!p0 $0x88, s6;
	s7 =	simm.s32 @p2 $0x1082  }
0x22: {  	[simem:s7], [sflag:s8] =	dma.local @!p0 [hbm:s6], $0xF7A  }
0x23: {  	s9 =	sor.u32 $0xD0000000, s2;
	s6 =	simm.s32 $0x108;
	_ =	swait.ge @!p0 [sflag:s8], $0x0  }
0x24: {  	s3 =	sadd.s32 $0x88, s3;
	s6 =	simm.s32 @!p1 $0x1082;
	[sflag:s4] =	ssyncset.s32 $0xFFFFF086  }
0x25: {  	[simem:s6], [sflag:s4] =	dma.local [hbm:s3], $0xF7A  }
0x26: {  	[smem:$0x3F9B] =	sst s1;
	(tag) =	ssettag s2;
	_ =	strace s9  }
0x27: {  	s1 =	sld [smem:$0x3FAB]  }
0x28: {  	s2 =	sld [smem:$0x3FAC]  }
0x29: {  	s4 =	sld [smem:$0x3FAE]  }
0x2a: {  	p0 =	seq.s32 s5, $0x0;
	s5 =	sld [smem:$0x3FAF]  }
0x2b: {  	s6 =	sld [smem:$0x3FB0]  }
0x2c: {  	s7 =	sld [smem:$0x3FB1]  }
0x2d: {  	s3 =	simm.s32 $0x108;
	s8 =	sld [smem:$0x3FB2]  }
0x2e: {  	s3 =	simm.s32 @!p0 $0x1082;
	s9 =	sld [smem:$0x3FB3]  }
0x2f: {  	lr =	sadd.s32 s0, s3;
	s0 =	sld [smem:$0x3FAA]  }
0x30: {  	s3 =	sld [smem:$0x3FAD]  }
0x31: {  	[smem:$0x3FB6] =	sst s10  }
0x32: {  	s10 =	sld [smem:$0x3FB4];
	_ =	sdelay $0x3  }
0x33: {  	p0 =	seq.s32 s10, $0x1;
	s10 =	sld [smem:$0x3FB6];
	_ =	sdelay $0x3  }
0x34: {  	[smem:$0x3FB6] =	sst s10  }
0x35: {  	s10 =	sld [smem:$0x3FB5];
	_ =	sdelay $0x3  }
0x36: {  	p1 =	seq.s32 s10, $0x1;
	s10 =	sld [smem:$0x3FB6];
	_ =	sdelay $0x3  }
0x37: {  	[smem:$0x3FB6] =	sst s10  }
0x38: {  	s10 =	sld [smem:$0x3FB7]  }
0x39: {  	_ = 	snop;
	(pc) =	sbr.ind lr, $3  }
0x3a: {  	_ = 	snop  }
0x3b: {  	_ = 	snop  }
0x3c: {  	p2 =	seq.s32 s10, $0x1;
	s10 =	sld [smem:$0x3FB6]  }
0x3d: {  	_ =	shalt  }
0x3e: {  	_ =	shalt  }
0x3f: {  	_ =	shalt  }
0x40: {  	_ =	shalt  }
0x41: {  	_ =	shalt  }
0x42: {  	_ =	shalt  }
0x43: {  	_ =	shalt  }
0x44: {  	_ =	shalt  }
0x45: {  	_ =	shalt  }
0x46: {  	_ =	shalt  }
0x47: {  	_ =	shalt  }
0x48: {  	_ =	shalt  }
0x49: {  	_ =	shalt  }
0x4a: {  	_ =	shalt  }
0x4b: {  	_ =	shalt  }
0x4c: {  	_ =	shalt  }
0x4d: {  	_ =	shalt  }
0x4e: {  	_ =	shalt  }
0x4f: {  	_ =	shalt  }
0x50: {  	_ =	shalt  }
0x51: {  	_ =	shalt  }
0x52: {  	_ =	shalt  }
0x53: {  	_ =	shalt  }
0x54: {  	_ =	shalt  }
0x55: {  	_ =	shalt  }
0x56: {  	_ =	shalt  }
0x57: {  	_ =	shalt  }
0x58: {  	_ =	shalt  }
0x59: {  	_ =	shalt  }
0x5a: {  	_ =	shalt  }
0x5b: {  	_ =	shalt  }
0x5c: {  	_ =	shalt  }
0x5d: {  	_ =	shalt  }
0x5e: {  	_ =	shalt  }
0x5f: {  	_ =	shalt  }
0x60: {  	_ =	shalt  }
0x61: {  	_ =	shalt  }
0x62: {  	_ =	shalt  }
0x63: {  	_ =	shalt  }
0x64: {  	_ =	shalt  }
0x65: {  	_ =	shalt  }
0x66: {  	_ =	shalt  }
0x67: {  	_ =	shalt  }
0x68: {  	_ =	shalt  }
0x69: {  	_ =	shalt  }
0x6a: {  	_ =	shalt  }
0x6b: {  	_ =	shalt  }
0x6c: {  	_ =	shalt  }
0x6d: {  	_ =	shalt  }
0x6e: {  	_ =	shalt  }
0x6f: {  	_ =	shalt  }
0x70: {  	_ =	shalt  }
0x71: {  	_ =	shalt  }
0x72: {  	_ =	shalt  }
0x73: {  	_ =	shalt  }
0x74: {  	_ =	shalt  }
0x75: {  	_ =	shalt  }
0x76: {  	_ =	shalt  }
0x77: {  	_ =	shalt  }
0x78: {  	_ =	shalt  }
0x79: {  	_ =	shalt  }
0x7a: {  	_ =	shalt  }
0x7b: {  	_ =	shalt  }
0x7c: {  	_ =	shalt  }
0x7d: {  	_ =	shalt  }
0x7e: {  	_ =	shalt  }
0x7f: {  	_ =	shalt  }
0x80: {  	_ =	shalt  }
0x81: {  	_ =	shalt  }
0x82: {  	_ =	shalt  }
0x83: {  	_ =	shalt  }
0x84: {  	_ =	shalt  }
0x85: {  	_ =	shalt  }
0x86: {  	_ =	shalt  }
0x87: {  	_ =	shalt  }
.Lfunc_end0:
.L_simem_size_0:
called_computation_lowered:
.L_overlay_start_0:
0x88: {  	s2 =	sld [smem:$0x3FD9]  }
0x89: {  	s3 =	sld [smem:$0x3FFE];
	_ =	sdelay $0x1  }
0x8a: {  	s1 =	srdreg.scid  }
0x8b: {  	s0 =	sand.u32 $0x1, s1  }
0x8c: {  	s17 =	sshll.u32 s0, $0xA;
	s2 =	sadd.s32 s3, s2  }
0x8d: {  	s2 =	sadd.s32 s2, s17  }
0x8e: {  	[smem:$0x3FC2] =	sst s2  }
0x8f: {  	_ = 	snop  }
0x90: {  	s2 =	sld [smem:$0x3FC5]  }
0x91: {  	s18 =	sld [smem:$0x3FC4]  }
0x92: {  	s4 =	sld [smem:$0x3FD0];
	(tm) =	ssettm $0x1  }
0x93: {  	s5 =	sld [smem:$0x3FFB];
	_ =	sdelay $0x3  }
0x94: {  	_ =	strace s5  }
0x95: {  	s5 =	sld [smem:$0x3FFC];
	_ =	sdelay $0x3  }
0x96: {  	_ =	strace s5  }
0x97: {  	s5 =	sld [smem:$0x3FFD];
	_ =	sdelay $0x3  }
0x98: {  	_ =	strace s5  }
0x99: {  	_ =	strace $0x8FFFFFFF  }
0x9a: {  	s19 =	sld [smem:$0x3FDB];
	_ =	sdelay $0x1  }
0x9b: {  	s6 =	simm.s32 $_scs_section_size  }
0x9c: {  	s7 =	simm.s32 $_size__tile_overlayer_lowered;
	s8 =	simm.s32 $_tile_overlayer_lowered  }
0x9d: {  	s22 =	simm.s32 $0x1BFF;
	s21 =	sshll.u32 s8, $0x1;
	s5 =	sadd.s32 s6, s19  }
0x9e: {  	s9 =	simm.s32 $0x0;
	s20 =	sshll.u32 s7, $0x1;
	s7 =	sadd.s32 s21, s5  }
0x9f: {  	[timem:s9], [sflag:s22] =	dma.local [hbm:s7], s20  }
0xa0: {  	_ =	swait.ge [sflag:s22], s20  }
0xa1: {  	s6 =	ssub.s32 $0x0, s20;
	[sflag:s22] =	ssyncset.done $0x0  }
0xa2: {  	[sflag:s22] =	ssyncadd.s32 s6;
	_ =	sdelay $0x1  }
0xa3: {  	s23 =	simm.s32 $0x1B8B  }
0xa4: {  	_ =	swait.ge [sflag:s23], $0x1  }
0xa5: {  	[sflag:s23] =	ssyncset.done $0x0  }
0xa6: {  	s25 =	simm.s32 $0x1B8E;
	s24 =	sld [smem:$0x3FFE];
	[sflag:s23] =	ssyncadd.s32 $0xFFFFFFFF  }
0xa7: {  	s26 =	simm.s32 $execute0_lowered;
	[smem:$0x3FD2] =	sst s25  }
0xa8: {  	s7 =	sshll.u32 s26, $0x1;
	_ =	strace $0x80000046;
	[dreg:$0x1] =	wrdreg $0xFFFFFFFF  }
0xa9: {  	s28 =	simm.s32 $_size_execute0_lowered;
	s5 =	sadd.s32 s5, s7;
	[dreg:$0x0] =	wrdreg $0x0  }
0xaa: {  	s7 =	sshll.u32 s28, $0x1;
	[dreg:$0x2] =	wrdreg s5  }
0xab: {  	[dreg:$0x3] =	wrdreg s7  }
0xac: {  	[dreg:$0x4] =	wrdreg $0xC0  }
0xad: {  	_ =	task [dreg:s9], $0x5FFFF  }
0xae: {  	[dreg:$0x1] =	wrdreg $0xFFFFFFFF  }
0xaf: {  	[dreg:$0x0] =	wrdreg $0x60  }
0xb0: {  	[dreg:$0x2] =	wrdreg s2  }
0xb1: {  	[dreg:$0x3] =	wrdreg s18  }
0xb2: {  	[dreg:$0x4] =	wrdreg s4  }
0xb3: {  	[dreg:$0x5] =	wrdreg s24  }
0xb4: {  	[dreg:$0x6] =	wrdreg $0x9  }
0xb5: {  	_ =	task.clear_ibuf [dreg:s9], $0x7FFFF;
	_ =	strace $0x90000046  }
0xb6: {  	s29 =	simm.s32 $0x9;
	_ =	strace $0x80000048  }
0xb7: {  	_ =	swait.ge [sflag:s29], $0x1  }
0xb8: {  	[sflag:s29] =	ssyncadd.s32 $0xFFFFFFFF  }
0xb9: {  	_ =	strace $0x90000048  }
0xba: {  	_ =	sfence  }
0xbb: {  	s30 =	sld [smem:$0x0];
	_ =	sdelay $0x2  }
0xbc: {  	s31 =	sshll.u32 s1, $0xD;
	s1 =	sshrl.u32 s1, $0x2  }
0xbd: {  	s3 =	sand.u32 $0x4000, s31;
	s1 =	sadd.s32 s1, s30  }
0xbe: {  	s0 =	sor.u32 s3, s0;
	s1 =	sshll.u32 s1, $0x11  }
0xbf: {  	s0 =	sor.u32 s1, s0  }
0xc0: {  	s0 =	sadd.s32 $0x8F2B, s0  }
0xc1: {  	[sflag:s0] =	ssyncadd.remote.s32 $0x1  }
0xc2: {  	_ =	sfence.sel $0xFFFF  }
0xc3: {  	[dreg:$0x0] =	wrdreg $0xFFFFFFFF;
	(pc) =	sbr.abs _section_cstart, $3  }
0xc4: {  	[dreg:$0x1] =	wrdreg $0xFFFFFFFF  }
0xc5: {  	_ =	task.clear_ibuf [dreg:s9], $0x2FFFF;
	_ =	strace $0x9FFFFFFF  }
0xc6: {  	(tm) =	ssettm $0x7FFFFFFF  }
0xc7: {  	_ =	shalt  }
tec
execute0_lowered:
.L_overlay_start_1:
0x0: {  	(tag) =	ssettag $0x1  }
0x1: {  	s6 =	rddreg [dreg:$0x0]  }
0x2: {  	s4 =	rddreg [dreg:$0x1]  }
0x3: {  	s1 =	srdreg.scid;
	s2 =	rddreg [dreg:$0x2]  }
0x4: {  	s0 =	stileid.u32;
	s8 =	rddreg [dreg:$0x3]  }
0x5: {  	s3 =	simm.s32 $0x0;
	s11 =	simm.s32 $0x80;
	s12 =	simm.s32 $0x380  }
0x6: {  	s13 =	simm.s32 $0x8380;
	s5 =	sand.u32 $0x1, s1;
	s29 =	sshll.u32 s0, $0x1  }
0x7: {  	s14 =	simm.s32 $0x1;
	s15 =	simm.s32 $0x2;
	s7 =	sor.u32 s5, s29  }
0x8: {  	vm0 =	vmmov $0x1;
	s16 =	simm.s32 $0x10380;
	s17 =	simm.s32 $0x0;
	s9 =	smul.u32 $0x300, s7  }
0x9: {  	vm1 =	vcmask $0x30C;
	vm2 =	vcmask $0xF0C;
	vm3 =	vcmask $0x714;
	[smem:$0x7FF] =	sst s3;
	s5 =	ssub.s32 $0x2, s5;
	s7 =	smul.u32 $0x18000, s7  }
0xa: {  	vm4 =	vcmask $0xF18;
	vm5 =	vcmask $0x131C;
	vm6 =	vcmask $0x1F1C;
	s1 =	rddreg [dreg:$0x4];
	_ =	strace $0x80000047;
	s30 =	sshrl.u32 s5, $0x1  }
0xb: {  	vm7 =	vcmask $0x1724;
	vm8 =	vcmask $0x1F28;
	vm9 =	vcmask $0x232C;
	s10 =	sshrl.u32 s9, $0x3;
	s9 =	sadd.s32 $0x126A0, s9;
	s7 =	sshrl.u32 s7, $0x3  }
0xc: {  	vm10 =	vcmask $0x2F2C;
	vm11 =	vcmask $0x2734;
	vm12 =	vcmask $0x2F38;
	s8 =	sadd.s32 s10, s8;
	s10 =	ssub.s32 s5, s30;
	s31 =	sshrl.u32 s9, $0x3  }
0xd: {  	vm13 =	vcmask $0x333C;
	vm14 =	vmmov $0x3fff;
	vm15 =	vmmov $0x7fff;
	s7 =	sadd.s32 s6, s7;
	s9 =	sshll.u32 s9, $0x4;
	s4 =	sadd.s32 s4, s31  }
0xe: {  	vm2 =	vmor vm3, vm2;
	vm3 =	vcmask $0xB14;
	vm6 =	vmor vm7, vm6;
	s5 =	sadd.s32 $0x127A00, s7;
	s6 =	sadd.s32 s6, s9;
	s7 =	sadd.s32 $0x128A00, s7  }
0xf: {  	vm7 =	vcmask $0x1B24;
	vm10 =	vmor vm11, vm10;
	vm11 =	vcmask $0x2B34;
	s8 =	sadd.s32 $0x1000, s8;
	s9 =	smax.u32 s10, $0x1;
	s10 =	simm.s32 $0x3  }
.LBB2_1:
0x10: {  	[tilespmem:s3], [sflag:$0x3] =	stream.linear.gather [hbm4b:s2+s3], $0x80, $0x38;
	[tilespmem:$0x10680] =	vst v63  }
0x11: {  	_ =	swait.ge [sflag:s10], $0x80  }
0x12: {  	[sflag:s10] =	ssyncset.done $0x0  }
0x13: {  	[sflag:s10] =	ssyncadd.s32 $0xFFFFFF80  }
0x14: {  	[tilespmem:s11], [sflag:$0x3] =	stream.linear.gather [hbm4b:s4+s3], $0x300, $0x38;
	[tilespmem:$0x10680] =	vst v63  }
0x15: {  	_ =	swait.ge [sflag:s10], $0x300  }
0x16: {  	[sflag:s10] =	ssyncset.done $0x0  }
0x17: {  	[sflag:s10] =	ssyncadd.s32 $0xFFFFFD00  }
0x18: {  	[tilespmem:s12], [sflag:$0x1] =	stream.linear.gather [hbm4b:s6+s3], $0x8000, $0x38;
	[tilespmem:$0x10680] =	vst v63  }
0x19: {  	_ = 	snop  }
0x1a: {  	[tilespmem:s13], [sflag:$0x2] =	stream.linear.gather [hbm4b:s5+s3], $0x8000, $0x38;
	[tilespmem:$0x10680] =	vst v63  }
0x1b: {  	_ =	swait.ge [sflag:s14], $0x8000  }
0x1c: {  	[sflag:s14] =	ssyncset.done $0x0  }
0x1d: {  	[sflag:s14] =	ssyncadd.s32 $0xFFFF8000  }
0x1e: {  	v0 =	vld [tilespmem:$0x0]  }
0x1f: {  	v1 =	vld [tilespmem:$0x10]  }
0x20: {  	v2 =	vld [tilespmem:$0x20]  }
0x21: {  	v3 =	vld [tilespmem:$0x30]  }
0x22: {  	v4 =	vld [tilespmem:$0x40]  }
0x23: {  	v5 =	vld [tilespmem:$0x50]  }
0x24: {  	v6 =	vld [tilespmem:$0x60]  }
0x25: {  	s18 =	simm.s32 $0x780;
	s19 =	simm.s32 $0x0;
	v7 =	vld [tilespmem:$0x70]  }
.LBB2_2:
0x26: {  	v9 =	vld [tilespmem:s18+$0xFFFFFC00]  }
0x27: {  	v10 =	vld [tilespmem:s18+$0xFFFFFC10]  }
0x28: {  	v11 =	vld [tilespmem:s18+$0xFFFFFC20]  }
0x29: {  	v12 =	vld [tilespmem:s18+$0xFFFFFC30]  }
0x2a: {  	v13 =	vld [tilespmem:s18+$0xFFFFFC40]  }
0x2b: {  	v14 =	vld [tilespmem:s18+$0xFFFFFC50]  }
0x2c: {  	v15 =	vld [tilespmem:s18+$0xFFFFFC60]  }
0x2d: {  	v16 =	vld [tilespmem:s18+$0xFFFFFC70]  }
0x2e: {  	v17 =	vld [tilespmem:s18+$0xFFFFFC80]  }
0x2f: {  	v18 =	vld [tilespmem:s18+$0xFFFFFC90]  }
0x30: {  	v19 =	vld [tilespmem:s18+$0xFFFFFCA0]  }
0x31: {  	v20 =	vld [tilespmem:s18+$0xFFFFFCB0]  }
0x32: {  	v21 =	vld [tilespmem:s18+$0xFFFFFCC0]  }
0x33: {  	v22 =	vld [tilespmem:s18+$0xFFFFFCD0]  }
0x34: {  	v23 =	vld [tilespmem:s18+$0xFFFFFCE0]  }
0x35: {  	v24 =	vld [tilespmem:s18+$0xFFFFFCF0]  }
0x36: {  	v25 =	vld [tilespmem:s18+$0xFFFFFD00]  }
0x37: {  	v26 =	vld [tilespmem:s18+$0xFFFFFD10]  }
0x38: {  	v27 =	vld [tilespmem:s18+$0xFFFFFD20]  }
0x39: {  	v28 =	vld [tilespmem:s18+$0xFFFFFD30]  }
0x3a: {  	v29 =	vld [tilespmem:s18+$0xFFFFFD40]  }
0x3b: {  	v30 =	vld [tilespmem:s18+$0xFFFFFD50]  }
0x3c: {  	v31 =	vld [tilespmem:s18+$0xFFFFFD60]  }
0x3d: {  	v32 =	vld [tilespmem:s18+$0xFFFFFD70]  }
0x3e: {  	v33 =	vld [tilespmem:s18+$0xFFFFFD80]  }
0x3f: {  	v34 =	vld [tilespmem:s18+$0xFFFFFD90]  }
0x40: {  	v35 =	vld [tilespmem:s18+$0xFFFFFDA0]  }
0x41: {  	v36 =	vld [tilespmem:s18+$0xFFFFFDB0]  }
0x42: {  	v37 =	vld [tilespmem:s18+$0xFFFFFDC0]  }
0x43: {  	v38 =	vld [tilespmem:s18+$0xFFFFFDD0]  }
0x44: {  	v39 =	vld [tilespmem:s18+$0xFFFFFDE0]  }
0x45: {  	v40 =	vld [tilespmem:s18+$0xFFFFFDF0]  }
0x46: {  	v41 =	vld [tilespmem:s18+$0xFFFFFE00]  }
0x47: {  	v42 =	vld [tilespmem:s18+$0xFFFFFE10]  }
0x48: {  	v43 =	vld [tilespmem:s18+$0xFFFFFE20]  }
0x49: {  	v44 =	vld [tilespmem:s18+$0xFFFFFE30]  }
0x4a: {  	v45 =	vld [tilespmem:s18+$0xFFFFFE40]  }
0x4b: {  	v46 =	vld [tilespmem:s18+$0xFFFFFE50]  }
0x4c: {  	v47 =	vld [tilespmem:s18+$0xFFFFFE60]  }
0x4d: {  	v48 =	vld [tilespmem:s18+$0xFFFFFE70]  }
0x4e: {  	v49 =	vld [tilespmem:s18+$0xFFFFFE80]  }
0x4f: {  	v50 =	vld [tilespmem:s18+$0xFFFFFE90]  }
0x50: {  	v51 =	vld [tilespmem:s18+$0xFFFFFEA0]  }
0x51: {  	v52 =	vld [tilespmem:s18+$0xFFFFFEB0]  }
0x52: {  	v53 =	vld [tilespmem:s18+$0xFFFFFEC0]  }
0x53: {  	v54 =	vld [tilespmem:s18+$0xFFFFFED0]  }
0x54: {  	s20 =	sshra.s32 s19, $0x2;
	v55 =	vld [tilespmem:s18+$0xFFFFFEE0]  }
0x55: {  	v8 =	vld [tilespmem:s20+$0x80];
	v11 =	vmul.f32 v11, v2  }
0x56: {  	v12 =	vmul.f32 v12, v3;
	v56 =	vmul.f32 v17, v0;
	v17 =	vld [tilespmem:s18+$0xFFFFFF30]  }
0x57: {  	v13 =	vmul.f32 v13, v4;
	v58 =	vmul.f32 v19, v2;
	v19 =	vld [tilespmem:s18+$0xFFFFFF40]  }
0x58: {  	v14 =	vmul.f32 v14, v5;
	v57 =	vmul.f32 v18, v1;
	v18 =	vld [tilespmem:s18+$0xFFFFFF60]  }
0x59: {  	v15 =	vmul.f32 v15, v6;
	v16 =	vmul.f32 v16, v7;
	v60 =	vadd.f32 v12, v11;
	v12 =	vld [tilespmem:s18+$0xFFFFFEF0]  }
0x5a: {  	v61 =	vadd.f32 v14, v13;
	v14 =	vld [tilespmem:s18+$0xFFFFFF00]  }
0x5b: {  	v9 =	vmul.f32 v9, v0;
	v10 =	vmul.f32 v10, v1;
	v62 =	vadd.f32 v16, v15;
	v15 =	vld [tilespmem:s18+$0xFFFFFF10]  }
0x5c: {  	v13 =	vld [tilespmem:s18+$0xFFFFFF20]  }
0x5d: {  	v59 =	vmul.f32 v20, v3;
	v9 =	vadd.f32 v10, v9;
	v16 =	vld [tilespmem:s18+$0xFFFFFF50]  }
0x5e: {  	v11 =	vadd.f32 v57, v56;
	v56 =	vmul.f32 v25, v0;
	v57 =	vmul.f32 v26, v1;
	v25 =	vld [tilespmem:s18+$0xFFFFFF70]  }
0x5f: {  	v10 =	vadd.f32 v59, v58;
	v58 =	vmul.f32 v27, v2;
	v59 =	vmul.f32 v28, v3;
	v27 =	vld [tilespmem:s18+$0xFFFFFF80]  }
0x60: {  	v26 =	vld [tilespmem:s18+$0xFFFFFFC0];
	v9 =	vadd.f32 v60, v9;
	v63 =	vadd.f32 v62, v61;
	v60 =	vmul.f32 v21, v4  }
0x61: {  	v61 =	vmul.f32 v22, v5;
	v21 =	vadd.f32 v57, v56;
	v56 =	vmul.f32 v33, v0;
	v33 =	vld [tilespmem:s18+$0xFFFFFFE0]  }
0x62: {  	v62 =	vmul.f32 v23, v6;
	v23 =	vadd.f32 v59, v58;
	v58 =	vmul.f32 v35, v2;
	v35 =	vld [tilespmem:s18+$0xFFFFFFF0]  }
0x63: {  	v20 =	vadd.f32 v61, v60;
	v60 =	vmul.f32 v29, v4;
	v29 =	vld [tilespmem:s18+$0xFFFFFF90]  }
0x64: {  	v57 =	vmul.f32 v34, v1;
	v9 =	vadd.f32 v63, v9;
	v63 =	vmul.f32 v24, v7;
	v24 =	vld [tilespmem:s18+$0xFFFFFFB0]  }
0x65: {  	v59 =	vmul.f32 v36, v3;
	v61 =	vmul.f32 v30, v5;
	v30 =	vld [tilespmem:s18+$0xFFFFFFD0]  }
0x66: {  	v21 =	vadd.f32 v23, v21;
	v23 =	vadd.f32 v57, v56;
	v56 =	vmul.f32 v41, v0;
	v41 =	vld [tilespmem:s18+$0x20]  }
0x67: {  	v10 =	vadd.f32 v10, v11;
	v19 =	vmul.f32 v19, v4;
	v57 =	vmul.f32 v42, v1;
	v42 =	vld [tilespmem:s18+$0xC0]  }
0x68: {  	v14 =	vmul.f32 v14, v0;
	v22 =	vadd.f32 v63, v62;
	v62 =	vmul.f32 v31, v6;
	v31 =	vld [tilespmem:s18+$0xFFFFFFA0]  }
0x69: {  	v15 =	vmul.f32 v15, v1;
	v11 =	vadd.f32 v61, v60;
	v60 =	vmul.f32 v37, v4;
	v37 =	vld [tilespmem:s18+$0x0]  }
0x6a: {  	v16 =	vmul.f32 v16, v5;
	v61 =	vmul.f32 v38, v5;
	v38 =	vld [tilespmem:s18+$0x50]  }
0x6b: {  	v17 =	vmul.f32 v17, v3;
	v63 =	vmul.f32 v32, v7;
	v14 =	vadd.f32 v15, v14;
	v15 =	vld [tilespmem:s18+$0x110]  }
0x6c: {  	v18 =	vmul.f32 v18, v6;
	v12 =	vmul.f32 v12, v7;
	v16 =	vadd.f32 v16, v19;
	v19 =	vld [tilespmem:s18+$0x130]  }
0x6d: {  	v20 =	vadd.f32 v22, v20;
	v22 =	vadd.f32 v63, v62;
	v62 =	vmul.f32 v39, v6;
	v39 =	vld [tilespmem:s18+$0x10]  }
0x6e: {  	v13 =	vmul.f32 v13, v2;
	v63 =	vmul.f32 v40, v7;
	v40 =	vld [tilespmem:s18+$0x60]  }
0x6f: {  	v11 =	vadd.f32 v22, v11;
	v22 =	vadd.f32 v59, v58;
	v58 =	vmul.f32 v43, v2;
	v43 =	vld [tilespmem:s18+$0x30]  }
0x70: {  	v20 =	vadd.f32 v20, v10;
	v10 =	vadd.f32 v61, v60;
	v60 =	vmul.f32 v45, v4;
	v45 =	vld [tilespmem:s18+$0x40]  }
0x71: {  	v25 =	vmul.f32 v25, v7;
	v28 =	vadd.f32 v57, v56;
	v59 =	vmul.f32 v44, v3;
	v44 =	vld [tilespmem:s18+$0xA0]  }
0x72: {  	v57 =	vmul.f32 v49, v0;
	v61 =	vmul.f32 v46, v5;
	v22 =	vadd.f32 v22, v23;
	v23 =	vld [tilespmem:s18+$0x70]  }
0x73: {  	v21 =	vadd.f32 v11, v21;
	v11 =	vadd.f32 v63, v62;
	v62 =	vmul.f32 v47, v6;
	v47 =	vld [tilespmem:s18+$0xD0]  }
0x74: {  	v32 =	vadd.f32 v59, v58;
	v58 =	vmul.f32 v50, v1;
	v50 =	vadd.f32 v25, v18;
	v18 =	vld [tilespmem:s18+$0x120]  }
0x75: {  	v13 =	vadd.f32 v17, v13;
	v24 =	vmul.f32 v24, v3;
	v59 =	vmul.f32 v51, v2;
	v25 =	vld [tilespmem:s18+$0x140]  }
0x76: {  	v34 =	vadd.f32 v61, v60;
	v60 =	vmul.f32 v52, v3;
	v52 =	vmul.f32 v27, v0;
	v27 =	vld [tilespmem:s18+$0x150]  }
0x77: {  	v61 =	vmul.f32 v53, v4;
	v53 =	vmul.f32 v29, v1;
	v29 =	vld [tilespmem:s18+$0x1C0]  }
0x78: {  	(xrf2) =	vadd.scan.msk.f32 $0xffff, v9;
	v63 =	vmul.f32 v48, v7;
	v51 =	vadd.f32 v13, v14;
	v48 =	vadd.f32 v32, v28;
	v32 =	vld [tilespmem:s18+$0x80]  }
0x79: {  	(xrf2) =	vadd.scan.msk.f32 $0xffff, v20;
	v15 =	vmul.f32 v15, v1;
	v28 =	vadd.f32 v60, v59;
	v60 =	vmul.f32 v39, v1;
	v39 =	vld [tilespmem:s18+$0x1A0]  }
0x7a: {  	v19 =	vmul.f32 v19, v3;
	v36 =	vadd.f32 v63, v62;
	v62 =	vmul.f32 v54, v5;
	(xrf2) =	vadd.scan.msk.f32 $0xffff, v21;
	v21 =	vld [tilespmem:s18+$0x1E0]  }
0x7b: {  	v10 =	vadd.f32 v11, v10;
	v63 =	vmul.f32 v55, v6;
	v54 =	vmul.f32 v31, v2;
	v31 =	vld [tilespmem:s18+$0x1F0]  }
0x7c: {  	v16 =	vadd.f32 v50, v16;
	v13 =	vadd.f32 v53, v52;
	v53 =	vmul.f32 v44, v2;
	v44 =	vld [tilespmem:s18+$0x2A0]  }
0x7d: {  	v55 =	vmul.f32 v26, v4;
	v56 =	vadd.f32 v36, v34;
	v22 =	vadd.f32 v10, v22;
	v36 =	vld [tilespmem:s18+$0x90]  }
0x7e: {  	v59 =	vmul.f32 v37, v0;
	v10 =	vadd.f32 v58, v57;
	v34 =	vld [tilespmem:s18+$0xB0];
	v46 =	vadd.f32 v62, v61  }
0x7f: {  	v12 =	vadd.f32 v12, v63;
	v57 =	vmul.f32 v33, v6;
	v58 =	vmul.f32 v35, v7;
	v33 =	vld [tilespmem:s18+$0x170]  }
0x80: {  	v9 =	vadd.f32 v16, v51;
	v61 =	vmul.f32 v41, v2;
	v62 =	vmul.f32 v43, v3;
	v35 =	vld [tilespmem:s18+$0x180]  }
0x81: {  	v17 =	vadd.f32 v24, v54;
	v63 =	vmul.f32 v45, v4;
	v43 =	vmul.f32 v38, v5;
	v38 =	vld [tilespmem:s18+$0x190]  }
0x82: {  	v45 =	vmul.f32 v40, v6;
	v14 =	vadd.f32 v60, v59;
	v24 =	vld [tilespmem:s18+$0x1B0];
	v23 =	vmul.f32 v23, v7  }
0x83: {  	v59 =	vld [tilespmem:s18+$0x230];
	v18 =	vmul.f32 v18, v2;
	v25 =	vmul.f32 v25, v4;
	v11 =	vadd.f32 v56, v48  }
0x84: {  	v40 =	vld [tilespmem:s18+$0x270];
	v27 =	vmul.f32 v27, v5;
	v10 =	vadd.f32 v28, v10;
	v12 =	vadd.f32 v12, v46  }
0x85: {  	v49, _, _ =	vpop (xrf2);
	v48 =	vld [tilespmem:s18+$0xE0];
	v56 =	vmul.f32 v30, v5;
	v16 =	vadd.f32 v58, v57;
	v20 =	vadd.f32 v62, v61  }
0x86: {  	v28 =	vld [tilespmem:s18+$0xF0];
	v26 =	vadd.f32 v43, v63;
	v13 =	vadd.f32 v17, v13;
	v17 =	vbroadcast v49, $0xF  }
0x87: {  	v46 =	vld [tilespmem:s18+$0x100];
	v23 =	vadd.f32 v23, v45;
	v51 =	vmul.f32 v32, v0;
	v10 =	vadd.f32 v12, v10  }
0x88: {  	v30 =	vld [tilespmem:s18+$0x160];
	v12 =	vadd.f32 v56, v55;
	v55 =	vmul.f32 v42, v4;
	v56 =	vmul.f32 v47, v5  }
0x89: {  	v61 =	vld [tilespmem:s18+$0x240];
	v18 =	vadd.f32 v19, v18;
	v52 =	vmul.f32 v36, v1;
	v54 =	vmul.f32 v34, v3  }
0x8a: {  	v43 =	vld [tilespmem:s18+$0x290];
	v63 =	vadd.f32 v27, v25;
	v33 =	vmul.f32 v33, v7;
	v45 =	vmul.f32 v35, v0  }
0x8b: {  	v49 =	vld [tilespmem:s18+$0x2C0];
	v14 =	vadd.f32 v20, v14;
	v24 =	vmul.f32 v24, v3;
	v59 =	vmul.f32 v59, v3  }
0x8c: {  	v32 =	vld [tilespmem:s18+$0x200];
	v17 =	vadd.f32 v17, v8;
	v57, _, _ =	vpop (xrf2);
	v58 =	vmul.f32 v48, v6;
	v28 =	vmul.f32 v28, v7  }
0x8d: {  	v19 =	vld [tilespmem:s18+$0x280];
	v50 =	vadd.f32 v23, v26;
	v37 =	vbroadcast v57, $0xF;
	v60 =	vmul.f32 v46, v0  }
0x8e: {  	v20 =	vld [tilespmem:s18+$0x220];
	v12 =	vadd.f32 v16, v12;
	v30 =	vmul.f32 v30, v6;
	v46 =	vmul.f32 v38, v1  }
0x8f: {  	v47 =	vld [tilespmem:s18+$0x2B0];
	v23 =	vadd.f32 v52, v51;
	v48 =	vmul.f32 v39, v2;
	v52 =	vmul.f32 v21, v6  }
0x90: {  	v26 =	vld [tilespmem:s18+$0x210];
	v34 =	vadd.f32 v56, v55;
	v61 =	vmul.f32 v61, v4;
	v39 =	vmul.f32 v40, v7  }
0x91: {  	v16 =	vld [tilespmem:s18+$0x1D0];
	v41 =	vmul.f32 v43, v1;
	v13 =	vadd.f32 v12, v13;
	v12 =	vadd.f32 v50, v14  }
0x92: {  	(xrf2) =	vadd.scan.msk.f32 $0xffff, v22;
	v55 =	vld [tilespmem:s18+$0x2F0];
	v14 =	vadd.f32 v54, v53;
	v50 =	vmul.f32 v29, v4;
	v53 =	vmul.f32 v31, v7  }
0x93: {  	v51 =	vld [tilespmem:s18+$0x2D0];
	v62, _, _ =	vpop (xrf2);
	v56 =	vmul.f32 v32, v0;
	v19 =	vmul.f32 v19, v0;
	v28 =	vadd.f32 v28, v58  }
0x94: {  	v57 =	vld [tilespmem:s18+$0x300];
	v15 =	vadd.f32 v15, v60;
	v37 =	vadd.f32 v37, v8;
	v22 =	vbroadcast v62, $0xF  }
0x95: {  	v40 =	vld [tilespmem:s18+$0x340];
	v8 =	vsel vm0, v17, v8;
	v42 =	vadd.f32 v33, v30;
	v25 =	vadd.f32 v46, v45  }
0x96: {  	(xrf2) =	vadd.scan.msk.f32 $0xffff, v11;
	v54 =	vld [tilespmem:s18+$0x2E0];
	v24 =	vadd.f32 v24, v48;
	v20 =	vmul.f32 v20, v2;
	v14 =	vadd.f32 v14, v23  }
0x97: {  	v60 =	vld [tilespmem:s18+$0x310];
	v43 =	vmul.f32 v47, v3;
	v11 =	vadd.f32 v53, v52;
	v19 =	vadd.f32 v41, v19  }
0x98: {  	v62 =	vld [tilespmem:s18+$0x320];
	v45 =	vmul.f32 v49, v4;
	v28 =	vadd.f32 v28, v34;
	v22 =	vadd.f32 v22, v8  }
0x99: {  	v46 =	vld [tilespmem:s18+$0x370];
	v26 =	vmul.f32 v26, v1;
	v15 =	vadd.f32 v18, v15;
	v17 =	vadd.f32 v42, v63  }
0x9a: {  	v48 =	vld [tilespmem:s18+$0x380];
	v16 =	vmul.f32 v16, v5;
	v8 =	vsel vm1, v8, v37;
	v24 =	vadd.f32 v24, v25  }
0x9b: {  	v23 =	vld [tilespmem:s18+$0x250];
	v20 =	vadd.f32 v59, v20;
	v18 =	vmul.f32 v44, v2;
	v21 =	vadd.f32 v26, v56  }
0x9c: {  	v52 =	vld [tilespmem:s18+$0x3A0];
	v58, _, _ =	vpop (xrf2);
	v29 =	vmul.f32 v51, v5;
	v56 =	vmul.f32 v57, v0;
	v14 =	vadd.f32 v28, v14  }
0x9d: {  	v34 =	vld [tilespmem:s18+$0x260];
	v15 =	vadd.f32 v17, v15;
	v16 =	vadd.f32 v16, v50;
	v31 =	vbroadcast v58, $0xF  }
0x9e: {  	v42 =	vld [tilespmem:s18+$0x350];
	v30 =	vmul.f32 v54, v6;
	v17 =	vmul.f32 v55, v7;
	v18 =	vadd.f32 v43, v18  }
0x9f: {  	v44 =	vld [tilespmem:s18+$0x360];
	v20 =	vadd.f32 v20, v21;
	v57 =	vmul.f32 v60, v1;
	v60 =	vmul.f32 v62, v2  }
0xa0: {  	v63 =	vld [tilespmem:s18+$0x330];
	v47, _, _ =	vpop (xrf2);
	v26 =	vadd.f32 v29, v45;
	v33 =	vmul.f32 v46, v7;
	v21 =	vmul.f32 v48, v0  }
0xa1: {  	(xrf2) =	vadd.scan.msk.f32 $0xffff, v10;
	v50 =	vld [tilespmem:s18+$0x390];
	v11 =	vadd.f32 v11, v16;
	v23 =	vmul.f32 v23, v5;
	v49 =	vbroadcast v47, $0xF  }
0xa2: {  	v54 =	vld [tilespmem:s18+$0x3C0];
	v51 =	vadd.f32 v31, v8;
	v17 =	vadd.f32 v17, v30;
	v36 =	vmul.f32 v52, v2  }
0xa3: {  	v58 =	vld [tilespmem:s18+$0x3D0];
	v18 =	vadd.f32 v18, v19;
	v38 =	vmul.f32 v34, v6;
	v27 =	vmul.f32 v42, v5  }
0xa4: {  	(xrf2) =	vadd.scan.msk.f32 $0xffff, v9;
	v28 =	vld [tilespmem:s18+$0x3F0];
	v32 =	vmul.f32 v44, v6;
	v11 =	vadd.f32 v11, v24;
	v16 =	vadd.f32 v23, v61  }
0xa5: {  	(xrf2) =	vadd.scan.msk.f32 $0xffff, v13;
	v62 =	vld [tilespmem:s18+$0x3E0];
	v23 =	vadd.f32 v49, v8;
	v8 =	vsel vm2, v8, v22;
	v17 =	vadd.f32 v17, v26  }
0xa6: {  	v53 =	vld [tilespmem:s18+$0x3B0];
	v61 =	vmul.f32 v63, v3;
	v63 =	vmul.f32 v40, v4;
	v24 =	vadd.f32 v39, v38  }
0xa7: {  	(xrf2) =	vadd.scan.msk.f32 $0xffff, v12;
	v35 =	vmul.f32 v50, v1;
	v37 =	vmul.f32 v54, v4;
	v59 =	vadd.f32 v17, v18  }
0xa8: {  	(xrf2) =	vadd.scan.msk.f32 $0xffff, v14;
	v38 =	vmul.f32 v58, v5;
	v31 =	vadd.f32 v61, v60;
	v16 =	vadd.f32 v24, v16  }
0xa9: {  	v42 =	vmul.f32 v28, v7;
	v34 =	vadd.f32 v27, v63;
	v17 =	vadd.f32 v33, v32  }
0xaa: {  	(xrf2) =	vadd.scan.msk.f32 $0xffff, v15;
	v41 =	vmul.f32 v62, v6;
	v55 =	vadd.f32 v16, v20;
	v16 =	vadd.f32 v57, v56  }
0xab: {  	v40, _, _ =	vpop (xrf2);
	(xrf2) =	vadd.scan.msk.f32 $0xffff, v11;
	v24 =	vmul.f32 v53, v3;
	v43 =	vadd.f32 v35, v21;
	v44 =	vadd.f32 v38, v37  }
0xac: {  	v14 =	vbroadcast v40, $0xF;
	v39 =	vadd.f32 v17, v34;
	v12 =	vadd.f32 v31, v16  }
0xad: {  	v8 =	vsel vm3, v8, v51;
	v45 =	vadd.f32 v42, v41;
	v18 =	vadd.f32 v24, v36;
	(xrf2) =	vadd.scan.msk.f32 $0xffff, v55  }
0xae: {  	v46, _, _ =	vpop (xrf2);
	v47 =	vadd.f32 v14, v8;
	(xrf2) =	vadd.scan.msk.f32 $0xffff, v59;
	v11 =	vadd.f32 v39, v12  }
0xaf: {  	v48 =	vbroadcast v46, $0xF;
	v49, _, _ =	vpop (xrf2);
	v9 =	vadd.f32 v45, v44;
	v50 =	vadd.f32 v18, v43  }
0xb0: {  	v8 =	vsel vm4, v8, v23;
	v51 =	vbroadcast v49, $0xF;
	(xrf2) =	vadd.scan.msk.f32 $0xffff, v11  }
0xb1: {  	v52, _, _ =	vpop (xrf2);
	v13 =	vsel vm5, v8, v47;
	v8 =	vadd.f32 v48, v8;
	v9 =	vadd.f32 v9, v50  }
0xb2: {  	v10 =	vadd.f32 v51, v13;
	v53, _, _ =	vpop (xrf2);
	v11 =	vbroadcast v52, $0xF  }
0xb3: {  	v8 =	vsel vm6, v13, v8;
	v12 =	vbroadcast v53, $0xF;
	(xrf2) =	vadd.scan.msk.f32 $0xffff, v9  }
0xb4: {  	v8 =	vsel vm7, v8, v10;
	v54, _, _ =	vpop (xrf2);
	v55 =	vadd.f32 v11, v13  }
0xb5: {  	v12 =	vadd.f32 v12, v8;
	v56, _, _ =	vpop (xrf2);
	v9 =	vbroadcast v54, $0xF  }
0xb6: {  	v57 =	vbroadcast v56, $0xF;
	v8 =	vsel vm8, v8, v55  }
0xb7: {  	v12 =	vsel vm9, v8, v12;
	v8 =	vadd.f32 v9, v8;
	v58, _, _ =	vpop (xrf2)  }
0xb8: {  	v10 =	vadd.f32 v57, v12;
	v59, _, _ =	vpop (xrf2);
	v11 =	vbroadcast v58, $0xF  }
0xb9: {  	v8 =	vsel vm10, v12, v8;
	v9 =	vbroadcast v59, $0xF  }
0xba: {  	v8 =	vsel vm11, v8, v10;
	v61 =	vadd.f32 v11, v12;
	v60, _, _ =	vpop (xrf2)  }
0xbb: {  	v9 =	vadd.f32 v9, v8;
	v62 =	vbroadcast v60, $0xF  }
0xbc: {  	p0 =	sne.s32 s19, $0x3C0;
	v8 =	vsel vm12, v8, v61  }
.Ltmp0:
0xbd: {  	v63, _, _ =	vpop (xrf2);
	v9 =	vsel vm13, v8, v9;
	v8 =	vadd.f32 v62, v8;
	(pc) =	sbr.rel @p0 .LBB2_2-.Ltmp0, $4  }
0xbe: {  	v10 =	vadd.f32 v63, v9  }
0xbf: {  	v8 =	vsel vm14, v9, v8  }
0xc0: {  	v8 =	vsel vm15, v8, v10  }
0xc1: {  	s19 =	sadd.s32 $0x40, s19;
	s18 =	sadd.s32 $0x800, s18;
	[tilespmem:s20+$0x10380] =	vst v8  }
0xc2: {  	s18 =	simm.s32 $0x0  }
0xc3: {  	[tilespmem:s12], [sflag:$0x1] =	stream.linear.gather [hbm4b:s7+s18], $0x8000, $0x38;
	[tilespmem:$0x10680] =	vst v63  }
0xc4: {  	_ =	swait.ge [sflag:s15], $0x8000  }
0xc5: {  	[sflag:s15] =	ssyncset.done $0x0  }
0xc6: {  	[sflag:s15] =	ssyncadd.s32 $0xFFFF8000  }
0xc7: {  	v0 =	vld [tilespmem:$0x0]  }
0xc8: {  	v1 =	vld [tilespmem:$0x10]  }
0xc9: {  	v2 =	vld [tilespmem:$0x20]  }
0xca: {  	v3 =	vld [tilespmem:$0x30]  }
0xcb: {  	v4 =	vld [tilespmem:$0x40]  }
0xcc: {  	v5 =	vld [tilespmem:$0x50]  }
0xcd: {  	v6 =	vld [tilespmem:$0x60]  }
0xce: {  	s19 =	simm.s32 $0x8780;
	v7 =	vld [tilespmem:$0x70]  }
.LBB2_4:
0xcf: {  	v9 =	vld [tilespmem:s19+$0xFFFFFC00]  }
0xd0: {  	v10 =	vld [tilespmem:s19+$0xFFFFFC10]  }
0xd1: {  	v11 =	vld [tilespmem:s19+$0xFFFFFC20]  }
0xd2: {  	v12 =	vld [tilespmem:s19+$0xFFFFFC30]  }
0xd3: {  	v13 =	vld [tilespmem:s19+$0xFFFFFC40]  }
0xd4: {  	v14 =	vld [tilespmem:s19+$0xFFFFFC50]  }
0xd5: {  	v15 =	vld [tilespmem:s19+$0xFFFFFC60]  }
0xd6: {  	v16 =	vld [tilespmem:s19+$0xFFFFFC70]  }
0xd7: {  	v17 =	vld [tilespmem:s19+$0xFFFFFC80]  }
0xd8: {  	v18 =	vld [tilespmem:s19+$0xFFFFFC90]  }
0xd9: {  	v19 =	vld [tilespmem:s19+$0xFFFFFCA0]  }
0xda: {  	v20 =	vld [tilespmem:s19+$0xFFFFFCB0]  }
0xdb: {  	v21 =	vld [tilespmem:s19+$0xFFFFFCC0]  }
0xdc: {  	v22 =	vld [tilespmem:s19+$0xFFFFFCD0]  }
0xdd: {  	v23 =	vld [tilespmem:s19+$0xFFFFFCE0]  }
0xde: {  	v24 =	vld [tilespmem:s19+$0xFFFFFCF0]  }
0xdf: {  	v25 =	vld [tilespmem:s19+$0xFFFFFD00]  }
0xe0: {  	v26 =	vld [tilespmem:s19+$0xFFFFFD10]  }
0xe1: {  	v27 =	vld [tilespmem:s19+$0xFFFFFD20]  }
0xe2: {  	v28 =	vld [tilespmem:s19+$0xFFFFFD30]  }
0xe3: {  	v29 =	vld [tilespmem:s19+$0xFFFFFD40]  }
0xe4: {  	v30 =	vld [tilespmem:s19+$0xFFFFFD50]  }
0xe5: {  	v31 =	vld [tilespmem:s19+$0xFFFFFD60]  }
0xe6: {  	v32 =	vld [tilespmem:s19+$0xFFFFFD70]  }
0xe7: {  	v33 =	vld [tilespmem:s19+$0xFFFFFD80]  }
0xe8: {  	v34 =	vld [tilespmem:s19+$0xFFFFFD90]  }
0xe9: {  	v35 =	vld [tilespmem:s19+$0xFFFFFDA0]  }
0xea: {  	v36 =	vld [tilespmem:s19+$0xFFFFFDB0]  }
0xeb: {  	v37 =	vld [tilespmem:s19+$0xFFFFFDC0]  }
0xec: {  	v38 =	vld [tilespmem:s19+$0xFFFFFDD0]  }
0xed: {  	v39 =	vld [tilespmem:s19+$0xFFFFFDE0]  }
0xee: {  	v40 =	vld [tilespmem:s19+$0xFFFFFDF0]  }
0xef: {  	v41 =	vld [tilespmem:s19+$0xFFFFFE00]  }
0xf0: {  	v42 =	vld [tilespmem:s19+$0xFFFFFE10]  }
0xf1: {  	v43 =	vld [tilespmem:s19+$0xFFFFFE20]  }
0xf2: {  	v44 =	vld [tilespmem:s19+$0xFFFFFE30]  }
0xf3: {  	v45 =	vld [tilespmem:s19+$0xFFFFFE40]  }
0xf4: {  	v46 =	vld [tilespmem:s19+$0xFFFFFE50]  }
0xf5: {  	v47 =	vld [tilespmem:s19+$0xFFFFFE60]  }
0xf6: {  	v48 =	vld [tilespmem:s19+$0xFFFFFE70]  }
0xf7: {  	v49 =	vld [tilespmem:s19+$0xFFFFFE80]  }
0xf8: {  	v50 =	vld [tilespmem:s19+$0xFFFFFE90]  }
0xf9: {  	v51 =	vld [tilespmem:s19+$0xFFFFFEA0]  }
0xfa: {  	v52 =	vld [tilespmem:s19+$0xFFFFFEB0]  }
0xfb: {  	v53 =	vld [tilespmem:s19+$0xFFFFFEC0]  }
0xfc: {  	v54 =	vld [tilespmem:s19+$0xFFFFFED0]  }
0xfd: {  	s20 =	sshra.s32 s18, $0x2;
	v55 =	vld [tilespmem:s19+$0xFFFFFEE0]  }
0xfe: {  	v8 =	vld [tilespmem:s20+$0x180];
	v11 =	vmul.f32 v11, v2  }
0xff: {  	v12 =	vmul.f32 v12, v3;
	v56 =	vmul.f32 v17, v0;
	v17 =	vld [tilespmem:s19+$0xFFFFFF30]  }
0x100: {  	v13 =	vmul.f32 v13, v4;
	v58 =	vmul.f32 v19, v2;
	v19 =	vld [tilespmem:s19+$0xFFFFFF40]  }
0x101: {  	v14 =	vmul.f32 v14, v5;
	v57 =	vmul.f32 v18, v1;
	v18 =	vld [tilespmem:s19+$0xFFFFFF60]  }
0x102: {  	v15 =	vmul.f32 v15, v6;
	v16 =	vmul.f32 v16, v7;
	v60 =	vadd.f32 v12, v11;
	v12 =	vld [tilespmem:s19+$0xFFFFFEF0]  }
0x103: {  	v61 =	vadd.f32 v14, v13;
	v14 =	vld [tilespmem:s19+$0xFFFFFF00]  }
0x104: {  	v9 =	vmul.f32 v9, v0;
	v10 =	vmul.f32 v10, v1;
	v62 =	vadd.f32 v16, v15;
	v15 =	vld [tilespmem:s19+$0xFFFFFF10]  }
0x105: {  	v13 =	vld [tilespmem:s19+$0xFFFFFF20]  }
0x106: {  	v59 =	vmul.f32 v20, v3;
	v9 =	vadd.f32 v10, v9;
	v16 =	vld [tilespmem:s19+$0xFFFFFF50]  }
0x107: {  	v11 =	vadd.f32 v57, v56;
	v56 =	vmul.f32 v25, v0;
	v57 =	vmul.f32 v26, v1;
	v25 =	vld [tilespmem:s19+$0xFFFFFF70]  }
0x108: {  	v10 =	vadd.f32 v59, v58;
	v58 =	vmul.f32 v27, v2;
	v59 =	vmul.f32 v28, v3;
	v27 =	vld [tilespmem:s19+$0xFFFFFF80]  }
0x109: {  	v26 =	vld [tilespmem:s19+$0xFFFFFFC0];
	v9 =	vadd.f32 v60, v9;
	v63 =	vadd.f32 v62, v61;
	v60 =	vmul.f32 v21, v4  }
0x10a: {  	v61 =	vmul.f32 v22, v5;
	v21 =	vadd.f32 v57, v56;
	v56 =	vmul.f32 v33, v0;
	v33 =	vld [tilespmem:s19+$0xFFFFFFE0]  }
0x10b: {  	v62 =	vmul.f32 v23, v6;
	v23 =	vadd.f32 v59, v58;
	v58 =	vmul.f32 v35, v2;
	v35 =	vld [tilespmem:s19+$0xFFFFFFF0]  }
0x10c: {  	v20 =	vadd.f32 v61, v60;
	v60 =	vmul.f32 v29, v4;
	v29 =	vld [tilespmem:s19+$0xFFFFFF90]  }
0x10d: {  	v57 =	vmul.f32 v34, v1;
	v9 =	vadd.f32 v63, v9;
	v63 =	vmul.f32 v24, v7;
	v24 =	vld [tilespmem:s19+$0xFFFFFFB0]  }
0x10e: {  	v59 =	vmul.f32 v36, v3;
	v61 =	vmul.f32 v30, v5;
	v30 =	vld [tilespmem:s19+$0xFFFFFFD0]  }
0x10f: {  	v21 =	vadd.f32 v23, v21;
	v23 =	vadd.f32 v57, v56;
	v56 =	vmul.f32 v41, v0;
	v41 =	vld [tilespmem:s19+$0x20]  }
0x110: {  	v10 =	vadd.f32 v10, v11;
	v19 =	vmul.f32 v19, v4;
	v57 =	vmul.f32 v42, v1;
	v42 =	vld [tilespmem:s19+$0xC0]  }
0x111: {  	v14 =	vmul.f32 v14, v0;
	v22 =	vadd.f32 v63, v62;
	v62 =	vmul.f32 v31, v6;
	v31 =	vld [tilespmem:s19+$0xFFFFFFA0]  }
0x112: {  	v15 =	vmul.f32 v15, v1;
	v11 =	vadd.f32 v61, v60;
	v60 =	vmul.f32 v37, v4;
	v37 =	vld [tilespmem:s19+$0x0]  }
0x113: {  	v16 =	vmul.f32 v16, v5;
	v61 =	vmul.f32 v38, v5;
	v38 =	vld [tilespmem:s19+$0x50]  }
0x114: {  	v17 =	vmul.f32 v17, v3;
	v63 =	vmul.f32 v32, v7;
	v14 =	vadd.f32 v15, v14;
	v15 =	vld [tilespmem:s19+$0x110]  }
0x115: {  	v18 =	vmul.f32 v18, v6;
	v12 =	vmul.f32 v12, v7;
	v16 =	vadd.f32 v16, v19;
	v19 =	vld [tilespmem:s19+$0x130]  }
0x116: {  	v20 =	vadd.f32 v22, v20;
	v22 =	vadd.f32 v63, v62;
	v62 =	vmul.f32 v39, v6;
	v39 =	vld [tilespmem:s19+$0x10]  }
0x117: {  	v13 =	vmul.f32 v13, v2;
	v63 =	vmul.f32 v40, v7;
	v40 =	vld [tilespmem:s19+$0x60]  }
0x118: {  	v11 =	vadd.f32 v22, v11;
	v22 =	vadd.f32 v59, v58;
	v58 =	vmul.f32 v43, v2;
	v43 =	vld [tilespmem:s19+$0x30]  }
0x119: {  	v20 =	vadd.f32 v20, v10;
	v10 =	vadd.f32 v61, v60;
	v60 =	vmul.f32 v45, v4;
	v45 =	vld [tilespmem:s19+$0x40]  }
0x11a: {  	v25 =	vmul.f32 v25, v7;
	v28 =	vadd.f32 v57, v56;
	v59 =	vmul.f32 v44, v3;
	v44 =	vld [tilespmem:s19+$0xA0]  }
0x11b: {  	v57 =	vmul.f32 v49, v0;
	v61 =	vmul.f32 v46, v5;
	v22 =	vadd.f32 v22, v23;
	v23 =	vld [tilespmem:s19+$0x70]  }
0x11c: {  	v21 =	vadd.f32 v11, v21;
	v11 =	vadd.f32 v63, v62;
	v62 =	vmul.f32 v47, v6;
	v47 =	vld [tilespmem:s19+$0xD0]  }
0x11d: {  	v32 =	vadd.f32 v59, v58;
	v58 =	vmul.f32 v50, v1;
	v50 =	vadd.f32 v25, v18;
	v18 =	vld [tilespmem:s19+$0x120]  }
0x11e: {  	v13 =	vadd.f32 v17, v13;
	v24 =	vmul.f32 v24, v3;
	v59 =	vmul.f32 v51, v2;
	v25 =	vld [tilespmem:s19+$0x140]  }
0x11f: {  	v34 =	vadd.f32 v61, v60;
	v60 =	vmul.f32 v52, v3;
	v52 =	vmul.f32 v27, v0;
	v27 =	vld [tilespmem:s19+$0x150]  }
0x120: {  	v61 =	vmul.f32 v53, v4;
	v53 =	vmul.f32 v29, v1;
	v29 =	vld [tilespmem:s19+$0x1C0]  }
0x121: {  	(xrf2) =	vadd.scan.msk.f32 $0xffff, v9;
	v63 =	vmul.f32 v48, v7;
	v51 =	vadd.f32 v13, v14;
	v48 =	vadd.f32 v32, v28;
	v32 =	vld [tilespmem:s19+$0x80]  }
0x122: {  	(xrf2) =	vadd.scan.msk.f32 $0xffff, v20;
	v15 =	vmul.f32 v15, v1;
	v28 =	vadd.f32 v60, v59;
	v60 =	vmul.f32 v39, v1;
	v39 =	vld [tilespmem:s19+$0x1A0]  }
0x123: {  	v19 =	vmul.f32 v19, v3;
	v36 =	vadd.f32 v63, v62;
	v62 =	vmul.f32 v54, v5;
	(xrf2) =	vadd.scan.msk.f32 $0xffff, v21;
	v21 =	vld [tilespmem:s19+$0x1E0]  }
0x124: {  	v10 =	vadd.f32 v11, v10;
	v63 =	vmul.f32 v55, v6;
	v54 =	vmul.f32 v31, v2;
	v31 =	vld [tilespmem:s19+$0x1F0]  }
0x125: {  	v16 =	vadd.f32 v50, v16;
	v13 =	vadd.f32 v53, v52;
	v53 =	vmul.f32 v44, v2;
	v44 =	vld [tilespmem:s19+$0x2A0]  }
0x126: {  	v55 =	vmul.f32 v26, v4;
	v56 =	vadd.f32 v36, v34;
	v22 =	vadd.f32 v10, v22;
	v36 =	vld [tilespmem:s19+$0x90]  }
0x127: {  	v59 =	vmul.f32 v37, v0;
	v10 =	vadd.f32 v58, v57;
	v34 =	vld [tilespmem:s19+$0xB0];
	v46 =	vadd.f32 v62, v61  }
0x128: {  	v12 =	vadd.f32 v12, v63;
	v57 =	vmul.f32 v33, v6;
	v58 =	vmul.f32 v35, v7;
	v33 =	vld [tilespmem:s19+$0x170]  }
0x129: {  	v9 =	vadd.f32 v16, v51;
	v61 =	vmul.f32 v41, v2;
	v62 =	vmul.f32 v43, v3;
	v35 =	vld [tilespmem:s19+$0x180]  }
0x12a: {  	v17 =	vadd.f32 v24, v54;
	v63 =	vmul.f32 v45, v4;
	v43 =	vmul.f32 v38, v5;
	v38 =	vld [tilespmem:s19+$0x190]  }
0x12b: {  	v45 =	vmul.f32 v40, v6;
	v14 =	vadd.f32 v60, v59;
	v24 =	vld [tilespmem:s19+$0x1B0];
	v23 =	vmul.f32 v23, v7  }
0x12c: {  	v59 =	vld [tilespmem:s19+$0x230];
	v18 =	vmul.f32 v18, v2;
	v25 =	vmul.f32 v25, v4;
	v11 =	vadd.f32 v56, v48  }
0x12d: {  	v40 =	vld [tilespmem:s19+$0x270];
	v27 =	vmul.f32 v27, v5;
	v10 =	vadd.f32 v28, v10;
	v12 =	vadd.f32 v12, v46  }
0x12e: {  	v49, _, _ =	vpop (xrf2);
	v48 =	vld [tilespmem:s19+$0xE0];
	v56 =	vmul.f32 v30, v5;
	v16 =	vadd.f32 v58, v57;
	v20 =	vadd.f32 v62, v61  }
0x12f: {  	v28 =	vld [tilespmem:s19+$0xF0];
	v26 =	vadd.f32 v43, v63;
	v13 =	vadd.f32 v17, v13;
	v17 =	vbroadcast v49, $0xF  }
0x130: {  	v46 =	vld [tilespmem:s19+$0x100];
	v23 =	vadd.f32 v23, v45;
	v51 =	vmul.f32 v32, v0;
	v10 =	vadd.f32 v12, v10  }
0x131: {  	v30 =	vld [tilespmem:s19+$0x160];
	v12 =	vadd.f32 v56, v55;
	v55 =	vmul.f32 v42, v4;
	v56 =	vmul.f32 v47, v5  }
0x132: {  	v61 =	vld [tilespmem:s19+$0x240];
	v18 =	vadd.f32 v19, v18;
	v52 =	vmul.f32 v36, v1;
	v54 =	vmul.f32 v34, v3  }
0x133: {  	v43 =	vld [tilespmem:s19+$0x290];
	v63 =	vadd.f32 v27, v25;
	v33 =	vmul.f32 v33, v7;
	v45 =	vmul.f32 v35, v0  }
0x134: {  	v49 =	vld [tilespmem:s19+$0x2C0];
	v14 =	vadd.f32 v20, v14;
	v24 =	vmul.f32 v24, v3;
	v59 =	vmul.f32 v59, v3  }
0x135: {  	v32 =	vld [tilespmem:s19+$0x200];
	v17 =	vadd.f32 v17, v8;
	v57, _, _ =	vpop (xrf2);
	v58 =	vmul.f32 v48, v6;
	v28 =	vmul.f32 v28, v7  }
0x136: {  	v19 =	vld [tilespmem:s19+$0x280];
	v50 =	vadd.f32 v23, v26;
	v37 =	vbroadcast v57, $0xF;
	v60 =	vmul.f32 v46, v0  }
0x137: {  	v20 =	vld [tilespmem:s19+$0x220];
	v12 =	vadd.f32 v16, v12;
	v30 =	vmul.f32 v30, v6;
	v46 =	vmul.f32 v38, v1  }
0x138: {  	v47 =	vld [tilespmem:s19+$0x2B0];
	v23 =	vadd.f32 v52, v51;
	v48 =	vmul.f32 v39, v2;
	v52 =	vmul.f32 v21, v6  }
0x139: {  	v26 =	vld [tilespmem:s19+$0x210];
	v34 =	vadd.f32 v56, v55;
	v61 =	vmul.f32 v61, v4;
	v39 =	vmul.f32 v40, v7  }
0x13a: {  	v16 =	vld [tilespmem:s19+$0x1D0];
	v41 =	vmul.f32 v43, v1;
	v13 =	vadd.f32 v12, v13;
	v12 =	vadd.f32 v50, v14  }
0x13b: {  	(xrf2) =	vadd.scan.msk.f32 $0xffff, v22;
	v55 =	vld [tilespmem:s19+$0x2F0];
	v14 =	vadd.f32 v54, v53;
	v50 =	vmul.f32 v29, v4;
	v53 =	vmul.f32 v31, v7  }
0x13c: {  	v51 =	vld [tilespmem:s19+$0x2D0];
	v62, _, _ =	vpop (xrf2);
	v56 =	vmul.f32 v32, v0;
	v19 =	vmul.f32 v19, v0;
	v28 =	vadd.f32 v28, v58  }
0x13d: {  	v57 =	vld [tilespmem:s19+$0x300];
	v15 =	vadd.f32 v15, v60;
	v37 =	vadd.f32 v37, v8;
	v22 =	vbroadcast v62, $0xF  }
0x13e: {  	v40 =	vld [tilespmem:s19+$0x340];
	v8 =	vsel vm0, v17, v8;
	v42 =	vadd.f32 v33, v30;
	v25 =	vadd.f32 v46, v45  }
0x13f: {  	(xrf2) =	vadd.scan.msk.f32 $0xffff, v11;
	v54 =	vld [tilespmem:s19+$0x2E0];
	v24 =	vadd.f32 v24, v48;
	v20 =	vmul.f32 v20, v2;
	v14 =	vadd.f32 v14, v23  }
0x140: {  	v60 =	vld [tilespmem:s19+$0x310];
	v43 =	vmul.f32 v47, v3;
	v11 =	vadd.f32 v53, v52;
	v19 =	vadd.f32 v41, v19  }
0x141: {  	v62 =	vld [tilespmem:s19+$0x320];
	v45 =	vmul.f32 v49, v4;
	v28 =	vadd.f32 v28, v34;
	v22 =	vadd.f32 v22, v8  }
0x142: {  	v46 =	vld [tilespmem:s19+$0x370];
	v26 =	vmul.f32 v26, v1;
	v15 =	vadd.f32 v18, v15;
	v17 =	vadd.f32 v42, v63  }
0x143: {  	v48 =	vld [tilespmem:s19+$0x380];
	v16 =	vmul.f32 v16, v5;
	v8 =	vsel vm1, v8, v37;
	v24 =	vadd.f32 v24, v25  }
0x144: {  	v23 =	vld [tilespmem:s19+$0x250];
	v20 =	vadd.f32 v59, v20;
	v18 =	vmul.f32 v44, v2;
	v21 =	vadd.f32 v26, v56  }
0x145: {  	v52 =	vld [tilespmem:s19+$0x3A0];
	v58, _, _ =	vpop (xrf2);
	v29 =	vmul.f32 v51, v5;
	v56 =	vmul.f32 v57, v0;
	v14 =	vadd.f32 v28, v14  }
0x146: {  	v34 =	vld [tilespmem:s19+$0x260];
	v15 =	vadd.f32 v17, v15;
	v16 =	vadd.f32 v16, v50;
	v31 =	vbroadcast v58, $0xF  }
0x147: {  	v42 =	vld [tilespmem:s19+$0x350];
	v30 =	vmul.f32 v54, v6;
	v17 =	vmul.f32 v55, v7;
	v18 =	vadd.f32 v43, v18  }
0x148: {  	v44 =	vld [tilespmem:s19+$0x360];
	v20 =	vadd.f32 v20, v21;
	v57 =	vmul.f32 v60, v1;
	v60 =	vmul.f32 v62, v2  }
0x149: {  	v63 =	vld [tilespmem:s19+$0x330];
	v47, _, _ =	vpop (xrf2);
	v26 =	vadd.f32 v29, v45;
	v33 =	vmul.f32 v46, v7;
	v21 =	vmul.f32 v48, v0  }
0x14a: {  	(xrf2) =	vadd.scan.msk.f32 $0xffff, v10;
	v50 =	vld [tilespmem:s19+$0x390];
	v11 =	vadd.f32 v11, v16;
	v23 =	vmul.f32 v23, v5;
	v49 =	vbroadcast v47, $0xF  }
0x14b: {  	v54 =	vld [tilespmem:s19+$0x3C0];
	v51 =	vadd.f32 v31, v8;
	v17 =	vadd.f32 v17, v30;
	v36 =	vmul.f32 v52, v2  }
0x14c: {  	v58 =	vld [tilespmem:s19+$0x3D0];
	v18 =	vadd.f32 v18, v19;
	v38 =	vmul.f32 v34, v6;
	v27 =	vmul.f32 v42, v5  }
0x14d: {  	(xrf2) =	vadd.scan.msk.f32 $0xffff, v9;
	v28 =	vld [tilespmem:s19+$0x3F0];
	v32 =	vmul.f32 v44, v6;
	v11 =	vadd.f32 v11, v24;
	v16 =	vadd.f32 v23, v61  }
0x14e: {  	(xrf2) =	vadd.scan.msk.f32 $0xffff, v13;
	v62 =	vld [tilespmem:s19+$0x3E0];
	v23 =	vadd.f32 v49, v8;
	v8 =	vsel vm2, v8, v22;
	v17 =	vadd.f32 v17, v26  }
0x14f: {  	v53 =	vld [tilespmem:s19+$0x3B0];
	v61 =	vmul.f32 v63, v3;
	v63 =	vmul.f32 v40, v4;
	v24 =	vadd.f32 v39, v38  }
0x150: {  	(xrf2) =	vadd.scan.msk.f32 $0xffff, v12;
	v35 =	vmul.f32 v50, v1;
	v37 =	vmul.f32 v54, v4;
	v59 =	vadd.f32 v17, v18  }
0x151: {  	(xrf2) =	vadd.scan.msk.f32 $0xffff, v14;
	v38 =	vmul.f32 v58, v5;
	v31 =	vadd.f32 v61, v60;
	v16 =	vadd.f32 v24, v16  }
0x152: {  	v42 =	vmul.f32 v28, v7;
	v34 =	vadd.f32 v27, v63;
	v17 =	vadd.f32 v33, v32  }
0x153: {  	(xrf2) =	vadd.scan.msk.f32 $0xffff, v15;
	v41 =	vmul.f32 v62, v6;
	v55 =	vadd.f32 v16, v20;
	v16 =	vadd.f32 v57, v56  }
0x154: {  	v40, _, _ =	vpop (xrf2);
	(xrf2) =	vadd.scan.msk.f32 $0xffff, v11;
	v24 =	vmul.f32 v53, v3;
	v43 =	vadd.f32 v35, v21;
	v44 =	vadd.f32 v38, v37  }
0x155: {  	v14 =	vbroadcast v40, $0xF;
	v39 =	vadd.f32 v17, v34;
	v12 =	vadd.f32 v31, v16  }
0x156: {  	v8 =	vsel vm3, v8, v51;
	v45 =	vadd.f32 v42, v41;
	v18 =	vadd.f32 v24, v36;
	(xrf2) =	vadd.scan.msk.f32 $0xffff, v55  }
0x157: {  	v46, _, _ =	vpop (xrf2);
	v47 =	vadd.f32 v14, v8;
	(xrf2) =	vadd.scan.msk.f32 $0xffff, v59;
	v11 =	vadd.f32 v39, v12  }
0x158: {  	v48 =	vbroadcast v46, $0xF;
	v49, _, _ =	vpop (xrf2);
	v9 =	vadd.f32 v45, v44;
	v50 =	vadd.f32 v18, v43  }
0x159: {  	v8 =	vsel vm4, v8, v23;
	v51 =	vbroadcast v49, $0xF;
	(xrf2) =	vadd.scan.msk.f32 $0xffff, v11  }
0x15a: {  	v52, _, _ =	vpop (xrf2);
	v13 =	vsel vm5, v8, v47;
	v8 =	vadd.f32 v48, v8;
	v9 =	vadd.f32 v9, v50  }
0x15b: {  	v10 =	vadd.f32 v51, v13;
	v53, _, _ =	vpop (xrf2);
	v11 =	vbroadcast v52, $0xF  }
0x15c: {  	v8 =	vsel vm6, v13, v8;
	v12 =	vbroadcast v53, $0xF;
	(xrf2) =	vadd.scan.msk.f32 $0xffff, v9  }
0x15d: {  	v8 =	vsel vm7, v8, v10;
	v54, _, _ =	vpop (xrf2);
	v55 =	vadd.f32 v11, v13  }
0x15e: {  	v12 =	vadd.f32 v12, v8;
	v56, _, _ =	vpop (xrf2);
	v9 =	vbroadcast v54, $0xF  }
0x15f: {  	v57 =	vbroadcast v56, $0xF;
	v8 =	vsel vm8, v8, v55  }
0x160: {  	v12 =	vsel vm9, v8, v12;
	v8 =	vadd.f32 v9, v8;
	v58, _, _ =	vpop (xrf2)  }
0x161: {  	v10 =	vadd.f32 v57, v12;
	v59, _, _ =	vpop (xrf2);
	v11 =	vbroadcast v58, $0xF  }
0x162: {  	v8 =	vsel vm10, v12, v8;
	v9 =	vbroadcast v59, $0xF  }
0x163: {  	v8 =	vsel vm11, v8, v10;
	v61 =	vadd.f32 v11, v12;
	v60, _, _ =	vpop (xrf2)  }
0x164: {  	v9 =	vadd.f32 v9, v8;
	v62 =	vbroadcast v60, $0xF  }
0x165: {  	p0 =	sne.s32 s18, $0x3C0;
	v8 =	vsel vm12, v8, v61  }
.Ltmp1:
0x166: {  	v63, _, _ =	vpop (xrf2);
	v9 =	vsel vm13, v8, v9;
	v8 =	vadd.f32 v62, v8;
	(pc) =	sbr.rel @p0 .LBB2_4-.Ltmp1, $4  }
0x167: {  	v10 =	vadd.f32 v63, v9  }
0x168: {  	v8 =	vsel vm14, v9, v8  }
0x169: {  	v8 =	vsel vm15, v8, v10  }
0x16a: {  	s18 =	sadd.s32 $0x40, s18;
	s19 =	sadd.s32 $0x800, s19;
	[tilespmem:s20+$0x10480] =	vst v8  }
0x16b: {  	_ =	swait.ge [sflag:s14], $0x8000  }
0x16c: {  	[sflag:s14] =	ssyncset.done $0x0  }
0x16d: {  	[sflag:s14] =	ssyncadd.s32 $0xFFFF8000  }
0x16e: {  	v0 =	vld [tilespmem:$0x0]  }
0x16f: {  	v1 =	vld [tilespmem:$0x10]  }
0x170: {  	v2 =	vld [tilespmem:$0x20]  }
0x171: {  	v3 =	vld [tilespmem:$0x30]  }
0x172: {  	v4 =	vld [tilespmem:$0x40]  }
0x173: {  	v5 =	vld [tilespmem:$0x50]  }
0x174: {  	v6 =	vld [tilespmem:$0x60]  }
0x175: {  	s18 =	simm.s32 $0x0;
	s19 =	simm.s32 $0x780;
	v7 =	vld [tilespmem:$0x70]  }
.LBB2_6:
0x176: {  	v9 =	vld [tilespmem:s19+$0xFFFFFC00]  }
0x177: {  	v10 =	vld [tilespmem:s19+$0xFFFFFC10]  }
0x178: {  	v11 =	vld [tilespmem:s19+$0xFFFFFC20]  }
0x179: {  	v12 =	vld [tilespmem:s19+$0xFFFFFC30]  }
0x17a: {  	v13 =	vld [tilespmem:s19+$0xFFFFFC40]  }
0x17b: {  	v14 =	vld [tilespmem:s19+$0xFFFFFC50]  }
0x17c: {  	v15 =	vld [tilespmem:s19+$0xFFFFFC60]  }
0x17d: {  	v16 =	vld [tilespmem:s19+$0xFFFFFC70]  }
0x17e: {  	v17 =	vld [tilespmem:s19+$0xFFFFFC80]  }
0x17f: {  	v18 =	vld [tilespmem:s19+$0xFFFFFC90]  }
0x180: {  	v19 =	vld [tilespmem:s19+$0xFFFFFCA0]  }
0x181: {  	v20 =	vld [tilespmem:s19+$0xFFFFFCB0]  }
0x182: {  	v21 =	vld [tilespmem:s19+$0xFFFFFCC0]  }
0x183: {  	v22 =	vld [tilespmem:s19+$0xFFFFFCD0]  }
0x184: {  	v23 =	vld [tilespmem:s19+$0xFFFFFCE0]  }
0x185: {  	v24 =	vld [tilespmem:s19+$0xFFFFFCF0]  }
0x186: {  	v25 =	vld [tilespmem:s19+$0xFFFFFD00]  }
0x187: {  	v26 =	vld [tilespmem:s19+$0xFFFFFD10]  }
0x188: {  	v27 =	vld [tilespmem:s19+$0xFFFFFD20]  }
0x189: {  	v28 =	vld [tilespmem:s19+$0xFFFFFD30]  }
0x18a: {  	v29 =	vld [tilespmem:s19+$0xFFFFFD40]  }
0x18b: {  	v30 =	vld [tilespmem:s19+$0xFFFFFD50]  }
0x18c: {  	v31 =	vld [tilespmem:s19+$0xFFFFFD60]  }
0x18d: {  	v32 =	vld [tilespmem:s19+$0xFFFFFD70]  }
0x18e: {  	v33 =	vld [tilespmem:s19+$0xFFFFFD80]  }
0x18f: {  	v34 =	vld [tilespmem:s19+$0xFFFFFD90]  }
0x190: {  	v35 =	vld [tilespmem:s19+$0xFFFFFDA0]  }
0x191: {  	v36 =	vld [tilespmem:s19+$0xFFFFFDB0]  }
0x192: {  	v37 =	vld [tilespmem:s19+$0xFFFFFDC0]  }
0x193: {  	v38 =	vld [tilespmem:s19+$0xFFFFFDD0]  }
0x194: {  	v39 =	vld [tilespmem:s19+$0xFFFFFDE0]  }
0x195: {  	v40 =	vld [tilespmem:s19+$0xFFFFFDF0]  }
0x196: {  	v41 =	vld [tilespmem:s19+$0xFFFFFE00]  }
0x197: {  	v42 =	vld [tilespmem:s19+$0xFFFFFE10]  }
0x198: {  	v43 =	vld [tilespmem:s19+$0xFFFFFE20]  }
0x199: {  	v44 =	vld [tilespmem:s19+$0xFFFFFE30]  }
0x19a: {  	v45 =	vld [tilespmem:s19+$0xFFFFFE40]  }
0x19b: {  	v46 =	vld [tilespmem:s19+$0xFFFFFE50]  }
0x19c: {  	v47 =	vld [tilespmem:s19+$0xFFFFFE60]  }
0x19d: {  	v48 =	vld [tilespmem:s19+$0xFFFFFE70]  }
0x19e: {  	v49 =	vld [tilespmem:s19+$0xFFFFFE80]  }
0x19f: {  	v50 =	vld [tilespmem:s19+$0xFFFFFE90]  }
0x1a0: {  	v51 =	vld [tilespmem:s19+$0xFFFFFEA0]  }
0x1a1: {  	v52 =	vld [tilespmem:s19+$0xFFFFFEB0]  }
0x1a2: {  	v53 =	vld [tilespmem:s19+$0xFFFFFEC0]  }
0x1a3: {  	v54 =	vld [tilespmem:s19+$0xFFFFFED0]  }
0x1a4: {  	s20 =	sshra.s32 s18, $0x2;
	v55 =	vld [tilespmem:s19+$0xFFFFFEE0]  }
0x1a5: {  	v8 =	vld [tilespmem:s20+$0x280];
	v11 =	vmul.f32 v11, v2  }
0x1a6: {  	v12 =	vmul.f32 v12, v3;
	v56 =	vmul.f32 v17, v0;
	v17 =	vld [tilespmem:s19+$0xFFFFFF30]  }
0x1a7: {  	v13 =	vmul.f32 v13, v4;
	v58 =	vmul.f32 v19, v2;
	v19 =	vld [tilespmem:s19+$0xFFFFFF40]  }
0x1a8: {  	v14 =	vmul.f32 v14, v5;
	v57 =	vmul.f32 v18, v1;
	v18 =	vld [tilespmem:s19+$0xFFFFFF60]  }
0x1a9: {  	v15 =	vmul.f32 v15, v6;
	v16 =	vmul.f32 v16, v7;
	v60 =	vadd.f32 v12, v11;
	v12 =	vld [tilespmem:s19+$0xFFFFFEF0]  }
0x1aa: {  	v61 =	vadd.f32 v14, v13;
	v14 =	vld [tilespmem:s19+$0xFFFFFF00]  }
0x1ab: {  	v9 =	vmul.f32 v9, v0;
	v10 =	vmul.f32 v10, v1;
	v62 =	vadd.f32 v16, v15;
	v15 =	vld [tilespmem:s19+$0xFFFFFF10]  }
0x1ac: {  	v13 =	vld [tilespmem:s19+$0xFFFFFF20]  }
0x1ad: {  	v59 =	vmul.f32 v20, v3;
	v9 =	vadd.f32 v10, v9;
	v16 =	vld [tilespmem:s19+$0xFFFFFF50]  }
0x1ae: {  	v11 =	vadd.f32 v57, v56;
	v56 =	vmul.f32 v25, v0;
	v57 =	vmul.f32 v26, v1;
	v25 =	vld [tilespmem:s19+$0xFFFFFF70]  }
0x1af: {  	v10 =	vadd.f32 v59, v58;
	v58 =	vmul.f32 v27, v2;
	v59 =	vmul.f32 v28, v3;
	v27 =	vld [tilespmem:s19+$0xFFFFFF80]  }
0x1b0: {  	v26 =	vld [tilespmem:s19+$0xFFFFFFC0];
	v9 =	vadd.f32 v60, v9;
	v63 =	vadd.f32 v62, v61;
	v60 =	vmul.f32 v21, v4  }
0x1b1: {  	v61 =	vmul.f32 v22, v5;
	v21 =	vadd.f32 v57, v56;
	v56 =	vmul.f32 v33, v0;
	v33 =	vld [tilespmem:s19+$0xFFFFFFE0]  }
0x1b2: {  	v62 =	vmul.f32 v23, v6;
	v23 =	vadd.f32 v59, v58;
	v58 =	vmul.f32 v35, v2;
	v35 =	vld [tilespmem:s19+$0xFFFFFFF0]  }
0x1b3: {  	v20 =	vadd.f32 v61, v60;
	v60 =	vmul.f32 v29, v4;
	v29 =	vld [tilespmem:s19+$0xFFFFFF90]  }
0x1b4: {  	v57 =	vmul.f32 v34, v1;
	v9 =	vadd.f32 v63, v9;
	v63 =	vmul.f32 v24, v7;
	v24 =	vld [tilespmem:s19+$0xFFFFFFB0]  }
0x1b5: {  	v59 =	vmul.f32 v36, v3;
	v61 =	vmul.f32 v30, v5;
	v30 =	vld [tilespmem:s19+$0xFFFFFFD0]  }
0x1b6: {  	v21 =	vadd.f32 v23, v21;
	v23 =	vadd.f32 v57, v56;
	v56 =	vmul.f32 v41, v0;
	v41 =	vld [tilespmem:s19+$0x20]  }
0x1b7: {  	v10 =	vadd.f32 v10, v11;
	v19 =	vmul.f32 v19, v4;
	v57 =	vmul.f32 v42, v1;
	v42 =	vld [tilespmem:s19+$0xC0]  }
0x1b8: {  	v14 =	vmul.f32 v14, v0;
	v22 =	vadd.f32 v63, v62;
	v62 =	vmul.f32 v31, v6;
	v31 =	vld [tilespmem:s19+$0xFFFFFFA0]  }
0x1b9: {  	v15 =	vmul.f32 v15, v1;
	v11 =	vadd.f32 v61, v60;
	v60 =	vmul.f32 v37, v4;
	v37 =	vld [tilespmem:s19+$0x0]  }
0x1ba: {  	v16 =	vmul.f32 v16, v5;
	v61 =	vmul.f32 v38, v5;
	v38 =	vld [tilespmem:s19+$0x50]  }
0x1bb: {  	v17 =	vmul.f32 v17, v3;
	v63 =	vmul.f32 v32, v7;
	v14 =	vadd.f32 v15, v14;
	v15 =	vld [tilespmem:s19+$0x110]  }
0x1bc: {  	v18 =	vmul.f32 v18, v6;
	v12 =	vmul.f32 v12, v7;
	v16 =	vadd.f32 v16, v19;
	v19 =	vld [tilespmem:s19+$0x130]  }
0x1bd: {  	v20 =	vadd.f32 v22, v20;
	v22 =	vadd.f32 v63, v62;
	v62 =	vmul.f32 v39, v6;
	v39 =	vld [tilespmem:s19+$0x10]  }
0x1be: {  	v13 =	vmul.f32 v13, v2;
	v63 =	vmul.f32 v40, v7;
	v40 =	vld [tilespmem:s19+$0x60]  }
0x1bf: {  	v11 =	vadd.f32 v22, v11;
	v22 =	vadd.f32 v59, v58;
	v58 =	vmul.f32 v43, v2;
	v43 =	vld [tilespmem:s19+$0x30]  }
0x1c0: {  	v20 =	vadd.f32 v20, v10;
	v10 =	vadd.f32 v61, v60;
	v60 =	vmul.f32 v45, v4;
	v45 =	vld [tilespmem:s19+$0x40]  }
0x1c1: {  	v25 =	vmul.f32 v25, v7;
	v28 =	vadd.f32 v57, v56;
	v59 =	vmul.f32 v44, v3;
	v44 =	vld [tilespmem:s19+$0xA0]  }
0x1c2: {  	v57 =	vmul.f32 v49, v0;
	v61 =	vmul.f32 v46, v5;
	v22 =	vadd.f32 v22, v23;
	v23 =	vld [tilespmem:s19+$0x70]  }
0x1c3: {  	v21 =	vadd.f32 v11, v21;
	v11 =	vadd.f32 v63, v62;
	v62 =	vmul.f32 v47, v6;
	v47 =	vld [tilespmem:s19+$0xD0]  }
0x1c4: {  	v32 =	vadd.f32 v59, v58;
	v58 =	vmul.f32 v50, v1;
	v50 =	vadd.f32 v25, v18;
	v18 =	vld [tilespmem:s19+$0x120]  }
0x1c5: {  	v13 =	vadd.f32 v17, v13;
	v24 =	vmul.f32 v24, v3;
	v59 =	vmul.f32 v51, v2;
	v25 =	vld [tilespmem:s19+$0x140]  }
0x1c6: {  	v34 =	vadd.f32 v61, v60;
	v60 =	vmul.f32 v52, v3;
	v52 =	vmul.f32 v27, v0;
	v27 =	vld [tilespmem:s19+$0x150]  }
0x1c7: {  	v61 =	vmul.f32 v53, v4;
	v53 =	vmul.f32 v29, v1;
	v29 =	vld [tilespmem:s19+$0x1C0]  }
0x1c8: {  	(xrf2) =	vadd.scan.msk.f32 $0xffff, v9;
	v63 =	vmul.f32 v48, v7;
	v51 =	vadd.f32 v13, v14;
	v48 =	vadd.f32 v32, v28;
	v32 =	vld [tilespmem:s19+$0x80]  }
0x1c9: {  	(xrf2) =	vadd.scan.msk.f32 $0xffff, v20;
	v15 =	vmul.f32 v15, v1;
	v28 =	vadd.f32 v60, v59;
	v60 =	vmul.f32 v39, v1;
	v39 =	vld [tilespmem:s19+$0x1A0]  }
0x1ca: {  	v19 =	vmul.f32 v19, v3;
	v36 =	vadd.f32 v63, v62;
	v62 =	vmul.f32 v54, v5;
	(xrf2) =	vadd.scan.msk.f32 $0xffff, v21;
	v21 =	vld [tilespmem:s19+$0x1E0]  }
0x1cb: {  	v10 =	vadd.f32 v11, v10;
	v63 =	vmul.f32 v55, v6;
	v54 =	vmul.f32 v31, v2;
	v31 =	vld [tilespmem:s19+$0x1F0]  }
0x1cc: {  	v16 =	vadd.f32 v50, v16;
	v13 =	vadd.f32 v53, v52;
	v53 =	vmul.f32 v44, v2;
	v44 =	vld [tilespmem:s19+$0x2A0]  }
0x1cd: {  	v55 =	vmul.f32 v26, v4;
	v56 =	vadd.f32 v36, v34;
	v22 =	vadd.f32 v10, v22;
	v36 =	vld [tilespmem:s19+$0x90]  }
0x1ce: {  	v59 =	vmul.f32 v37, v0;
	v10 =	vadd.f32 v58, v57;
	v34 =	vld [tilespmem:s19+$0xB0];
	v46 =	vadd.f32 v62, v61  }
0x1cf: {  	v12 =	vadd.f32 v12, v63;
	v57 =	vmul.f32 v33, v6;
	v58 =	vmul.f32 v35, v7;
	v33 =	vld [tilespmem:s19+$0x170]  }
0x1d0: {  	v9 =	vadd.f32 v16, v51;
	v61 =	vmul.f32 v41, v2;
	v62 =	vmul.f32 v43, v3;
	v35 =	vld [tilespmem:s19+$0x180]  }
0x1d1: {  	v17 =	vadd.f32 v24, v54;
	v63 =	vmul.f32 v45, v4;
	v43 =	vmul.f32 v38, v5;
	v38 =	vld [tilespmem:s19+$0x190]  }
0x1d2: {  	v45 =	vmul.f32 v40, v6;
	v14 =	vadd.f32 v60, v59;
	v24 =	vld [tilespmem:s19+$0x1B0];
	v23 =	vmul.f32 v23, v7  }
0x1d3: {  	v59 =	vld [tilespmem:s19+$0x230];
	v18 =	vmul.f32 v18, v2;
	v25 =	vmul.f32 v25, v4;
	v11 =	vadd.f32 v56, v48  }
0x1d4: {  	v40 =	vld [tilespmem:s19+$0x270];
	v27 =	vmul.f32 v27, v5;
	v10 =	vadd.f32 v28, v10;
	v12 =	vadd.f32 v12, v46  }
0x1d5: {  	v49, _, _ =	vpop (xrf2);
	v48 =	vld [tilespmem:s19+$0xE0];
	v56 =	vmul.f32 v30, v5;
	v16 =	vadd.f32 v58, v57;
	v20 =	vadd.f32 v62, v61  }
0x1d6: {  	v28 =	vld [tilespmem:s19+$0xF0];
	v26 =	vadd.f32 v43, v63;
	v13 =	vadd.f32 v17, v13;
	v17 =	vbroadcast v49, $0xF  }
0x1d7: {  	v46 =	vld [tilespmem:s19+$0x100];
	v23 =	vadd.f32 v23, v45;
	v51 =	vmul.f32 v32, v0;
	v10 =	vadd.f32 v12, v10  }
0x1d8: {  	v30 =	vld [tilespmem:s19+$0x160];
	v12 =	vadd.f32 v56, v55;
	v55 =	vmul.f32 v42, v4;
	v56 =	vmul.f32 v47, v5  }
0x1d9: {  	v61 =	vld [tilespmem:s19+$0x240];
	v18 =	vadd.f32 v19, v18;
	v52 =	vmul.f32 v36, v1;
	v54 =	vmul.f32 v34, v3  }
0x1da: {  	v43 =	vld [tilespmem:s19+$0x290];
	v63 =	vadd.f32 v27, v25;
	v33 =	vmul.f32 v33, v7;
	v45 =	vmul.f32 v35, v0  }
0x1db: {  	v49 =	vld [tilespmem:s19+$0x2C0];
	v14 =	vadd.f32 v20, v14;
	v24 =	vmul.f32 v24, v3;
	v59 =	vmul.f32 v59, v3  }
0x1dc: {  	v32 =	vld [tilespmem:s19+$0x200];
	v17 =	vadd.f32 v17, v8;
	v57, _, _ =	vpop (xrf2);
	v58 =	vmul.f32 v48, v6;
	v28 =	vmul.f32 v28, v7  }
0x1dd: {  	v19 =	vld [tilespmem:s19+$0x280];
	v50 =	vadd.f32 v23, v26;
	v37 =	vbroadcast v57, $0xF;
	v60 =	vmul.f32 v46, v0  }
0x1de: {  	v20 =	vld [tilespmem:s19+$0x220];
	v12 =	vadd.f32 v16, v12;
	v30 =	vmul.f32 v30, v6;
	v46 =	vmul.f32 v38, v1  }
0x1df: {  	v47 =	vld [tilespmem:s19+$0x2B0];
	v23 =	vadd.f32 v52, v51;
	v48 =	vmul.f32 v39, v2;
	v52 =	vmul.f32 v21, v6  }
0x1e0: {  	v26 =	vld [tilespmem:s19+$0x210];
	v34 =	vadd.f32 v56, v55;
	v61 =	vmul.f32 v61, v4;
	v39 =	vmul.f32 v40, v7  }
0x1e1: {  	v16 =	vld [tilespmem:s19+$0x1D0];
	v41 =	vmul.f32 v43, v1;
	v13 =	vadd.f32 v12, v13;
	v12 =	vadd.f32 v50, v14  }
0x1e2: {  	(xrf2) =	vadd.scan.msk.f32 $0xffff, v22;
	v55 =	vld [tilespmem:s19+$0x2F0];
	v14 =	vadd.f32 v54, v53;
	v50 =	vmul.f32 v29, v4;
	v53 =	vmul.f32 v31, v7  }
0x1e3: {  	v51 =	vld [tilespmem:s19+$0x2D0];
	v62, _, _ =	vpop (xrf2);
	v56 =	vmul.f32 v32, v0;
	v19 =	vmul.f32 v19, v0;
	v28 =	vadd.f32 v28, v58  }
0x1e4: {  	v57 =	vld [tilespmem:s19+$0x300];
	v15 =	vadd.f32 v15, v60;
	v37 =	vadd.f32 v37, v8;
	v22 =	vbroadcast v62, $0xF  }
0x1e5: {  	v40 =	vld [tilespmem:s19+$0x340];
	v8 =	vsel vm0, v17, v8;
	v42 =	vadd.f32 v33, v30;
	v25 =	vadd.f32 v46, v45  }
0x1e6: {  	(xrf2) =	vadd.scan.msk.f32 $0xffff, v11;
	v54 =	vld [tilespmem:s19+$0x2E0];
	v24 =	vadd.f32 v24, v48;
	v20 =	vmul.f32 v20, v2;
	v14 =	vadd.f32 v14, v23  }
0x1e7: {  	v60 =	vld [tilespmem:s19+$0x310];
	v43 =	vmul.f32 v47, v3;
	v11 =	vadd.f32 v53, v52;
	v19 =	vadd.f32 v41, v19  }
0x1e8: {  	v62 =	vld [tilespmem:s19+$0x320];
	v45 =	vmul.f32 v49, v4;
	v28 =	vadd.f32 v28, v34;
	v22 =	vadd.f32 v22, v8  }
0x1e9: {  	v46 =	vld [tilespmem:s19+$0x370];
	v26 =	vmul.f32 v26, v1;
	v15 =	vadd.f32 v18, v15;
	v17 =	vadd.f32 v42, v63  }
0x1ea: {  	v48 =	vld [tilespmem:s19+$0x380];
	v16 =	vmul.f32 v16, v5;
	v8 =	vsel vm1, v8, v37;
	v24 =	vadd.f32 v24, v25  }
0x1eb: {  	v23 =	vld [tilespmem:s19+$0x250];
	v20 =	vadd.f32 v59, v20;
	v18 =	vmul.f32 v44, v2;
	v21 =	vadd.f32 v26, v56  }
0x1ec: {  	v52 =	vld [tilespmem:s19+$0x3A0];
	v58, _, _ =	vpop (xrf2);
	v29 =	vmul.f32 v51, v5;
	v56 =	vmul.f32 v57, v0;
	v14 =	vadd.f32 v28, v14  }
0x1ed: {  	v34 =	vld [tilespmem:s19+$0x260];
	v15 =	vadd.f32 v17, v15;
	v16 =	vadd.f32 v16, v50;
	v31 =	vbroadcast v58, $0xF  }
0x1ee: {  	v42 =	vld [tilespmem:s19+$0x350];
	v30 =	vmul.f32 v54, v6;
	v17 =	vmul.f32 v55, v7;
	v18 =	vadd.f32 v43, v18  }
0x1ef: {  	v44 =	vld [tilespmem:s19+$0x360];
	v20 =	vadd.f32 v20, v21;
	v57 =	vmul.f32 v60, v1;
	v60 =	vmul.f32 v62, v2  }
0x1f0: {  	v63 =	vld [tilespmem:s19+$0x330];
	v47, _, _ =	vpop (xrf2);
	v26 =	vadd.f32 v29, v45;
	v33 =	vmul.f32 v46, v7;
	v21 =	vmul.f32 v48, v0  }
0x1f1: {  	(xrf2) =	vadd.scan.msk.f32 $0xffff, v10;
	v50 =	vld [tilespmem:s19+$0x390];
	v11 =	vadd.f32 v11, v16;
	v23 =	vmul.f32 v23, v5;
	v49 =	vbroadcast v47, $0xF  }
0x1f2: {  	v54 =	vld [tilespmem:s19+$0x3C0];
	v51 =	vadd.f32 v31, v8;
	v17 =	vadd.f32 v17, v30;
	v36 =	vmul.f32 v52, v2  }
0x1f3: {  	v58 =	vld [tilespmem:s19+$0x3D0];
	v18 =	vadd.f32 v18, v19;
	v38 =	vmul.f32 v34, v6;
	v27 =	vmul.f32 v42, v5  }
0x1f4: {  	(xrf2) =	vadd.scan.msk.f32 $0xffff, v9;
	v28 =	vld [tilespmem:s19+$0x3F0];
	v32 =	vmul.f32 v44, v6;
	v11 =	vadd.f32 v11, v24;
	v16 =	vadd.f32 v23, v61  }
0x1f5: {  	(xrf2) =	vadd.scan.msk.f32 $0xffff, v13;
	v62 =	vld [tilespmem:s19+$0x3E0];
	v23 =	vadd.f32 v49, v8;
	v8 =	vsel vm2, v8, v22;
	v17 =	vadd.f32 v17, v26  }
0x1f6: {  	v53 =	vld [tilespmem:s19+$0x3B0];
	v61 =	vmul.f32 v63, v3;
	v63 =	vmul.f32 v40, v4;
	v24 =	vadd.f32 v39, v38  }
0x1f7: {  	(xrf2) =	vadd.scan.msk.f32 $0xffff, v12;
	v35 =	vmul.f32 v50, v1;
	v37 =	vmul.f32 v54, v4;
	v59 =	vadd.f32 v17, v18  }
0x1f8: {  	(xrf2) =	vadd.scan.msk.f32 $0xffff, v14;
	v38 =	vmul.f32 v58, v5;
	v31 =	vadd.f32 v61, v60;
	v16 =	vadd.f32 v24, v16  }
0x1f9: {  	v42 =	vmul.f32 v28, v7;
	v34 =	vadd.f32 v27, v63;
	v17 =	vadd.f32 v33, v32  }
0x1fa: {  	(xrf2) =	vadd.scan.msk.f32 $0xffff, v15;
	v41 =	vmul.f32 v62, v6;
	v55 =	vadd.f32 v16, v20;
	v16 =	vadd.f32 v57, v56  }
0x1fb: {  	v40, _, _ =	vpop (xrf2);
	(xrf2) =	vadd.scan.msk.f32 $0xffff, v11;
	v24 =	vmul.f32 v53, v3;
	v43 =	vadd.f32 v35, v21;
	v44 =	vadd.f32 v38, v37  }
0x1fc: {  	v14 =	vbroadcast v40, $0xF;
	v39 =	vadd.f32 v17, v34;
	v12 =	vadd.f32 v31, v16  }
0x1fd: {  	v8 =	vsel vm3, v8, v51;
	v45 =	vadd.f32 v42, v41;
	v18 =	vadd.f32 v24, v36;
	(xrf2) =	vadd.scan.msk.f32 $0xffff, v55  }
0x1fe: {  	v46, _, _ =	vpop (xrf2);
	v47 =	vadd.f32 v14, v8;
	(xrf2) =	vadd.scan.msk.f32 $0xffff, v59;
	v11 =	vadd.f32 v39, v12  }
0x1ff: {  	v48 =	vbroadcast v46, $0xF;
	v49, _, _ =	vpop (xrf2);
	v9 =	vadd.f32 v45, v44;
	v50 =	vadd.f32 v18, v43  }
0x200: {  	v8 =	vsel vm4, v8, v23;
	v51 =	vbroadcast v49, $0xF;
	(xrf2) =	vadd.scan.msk.f32 $0xffff, v11  }
0x201: {  	v52, _, _ =	vpop (xrf2);
	v13 =	vsel vm5, v8, v47;
	v8 =	vadd.f32 v48, v8;
	v9 =	vadd.f32 v9, v50  }
0x202: {  	v10 =	vadd.f32 v51, v13;
	v53, _, _ =	vpop (xrf2);
	v11 =	vbroadcast v52, $0xF  }
0x203: {  	v8 =	vsel vm6, v13, v8;
	v12 =	vbroadcast v53, $0xF;
	(xrf2) =	vadd.scan.msk.f32 $0xffff, v9  }
0x204: {  	v8 =	vsel vm7, v8, v10;
	v54, _, _ =	vpop (xrf2);
	v55 =	vadd.f32 v11, v13  }
0x205: {  	v12 =	vadd.f32 v12, v8;
	v56, _, _ =	vpop (xrf2);
	v9 =	vbroadcast v54, $0xF  }
0x206: {  	v57 =	vbroadcast v56, $0xF;
	v8 =	vsel vm8, v8, v55  }
0x207: {  	v12 =	vsel vm9, v8, v12;
	v8 =	vadd.f32 v9, v8;
	v58, _, _ =	vpop (xrf2)  }
0x208: {  	v10 =	vadd.f32 v57, v12;
	v59, _, _ =	vpop (xrf2);
	v11 =	vbroadcast v58, $0xF  }
0x209: {  	v8 =	vsel vm10, v12, v8;
	v9 =	vbroadcast v59, $0xF  }
0x20a: {  	v8 =	vsel vm11, v8, v10;
	v61 =	vadd.f32 v11, v12;
	v60, _, _ =	vpop (xrf2)  }
0x20b: {  	v9 =	vadd.f32 v9, v8;
	v62 =	vbroadcast v60, $0xF  }
0x20c: {  	p0 =	sne.s32 s18, $0x3C0;
	v8 =	vsel vm12, v8, v61  }
.Ltmp2:
0x20d: {  	v63, _, _ =	vpop (xrf2);
	v9 =	vsel vm13, v8, v9;
	v8 =	vadd.f32 v62, v8;
	(pc) =	sbr.rel @p0 .LBB2_6-.Ltmp2, $4  }
0x20e: {  	v10 =	vadd.f32 v63, v9  }
0x20f: {  	v8 =	vsel vm14, v9, v8  }
0x210: {  	v8 =	vsel vm15, v8, v10  }
0x211: {  	s18 =	sadd.s32 $0x40, s18;
	s19 =	sadd.s32 $0x800, s19;
	[tilespmem:s20+$0x10580] =	vst v8  }
0x212: {  	s17 =	sadd.s32 $0x1, s17  }
0x213: {  	p0 =	sne.s32 s17, s9  }
.Ltmp3:
0x214: {  	_ = 	snop;
	(pc) =	sbr.rel @p0 .LBB2_1-.Ltmp3, $4  }
0x215: {  	[hbm4b:s8+s3] =	stream.linear.scatter [tilespmem:s16], [sflag:$0x3], $0x300, $0x38;
	[tilespmem:$0x10680] =	vst v63  }
0x216: {  	_ =	swait.ge [sflag:s10], $0x300  }
0x217: {  	[sflag:s10] =	ssyncset.done $0x0  }
0x218: {  	[sflag:s10] =	ssyncadd.s32 $0xFFFFFD00  }
0x219: {  	_ =	sfence.sel $0x180000  }
0x21a: {  	[bflag:$0x0] =	sbarrier.arrive $0xFFFF  }
0x21b: {  	p0 =	sne.s32 s0, $0x0;
	_ =	strace $0x90000047  }
0x21c: {  	s0 =	sadd.s32 @!p0 $0x100000, s1;
	[bflag:$0x2] =	sbarrier.arrive $0xFFFF  }
0x21d: {  	[sflag:s0] =	ssyncadd.tile.s32 @!p0 $0x1;
	_ =	shalt  }
.Lfunc_end2:
_tile_overlayer_lowered:
.L_overlay_start_2:
0x21e: {  	(tag) =	ssettag $0x2  }
0x21f: {  	s0 =	rddreg [dreg:$0x0];
	s2 =	stileid.u32  }
0x220: {  	s1 =	rddreg [dreg:$0x1];
	p0 =	sne.s32 s2, $0x0  }
0x221: {  	s3 =	rddreg [dreg:$0x2];
	[bflag:$0x3] =	sbarrier.arrive $0xFFFF;
	s2 =	simm.s32 @!p0 $0x1C03  }
0x222: {  	[timem:s3], [sflag:s2] =	dma.local @!p0 [hbm:s0], s1  }
0x223: {  	s0 =	simm.s32 @!p0 $0x3  }
0x224: {  	_ =	swait.ge @!p0 [sflag:s0], s1  }
0x225: {  	s1 =	ssub.s32 @!p0 $0x0, s1;
	[sflag:s0] =	ssyncset.done @!p0 $0x0  }
0x226: {  	[sflag:s0] =	ssyncadd.s32 @!p0 s1  }
0x227: {  	[bflag:$0x3] =	sbarrier.arrive $0xFFFF  }
0x228: {  	_ =	shalt  }

</sc_bundles>
